<compile_context>
chip_gen: v7x
topology: tpu7x:2x2x1
jax: 0.10.2.dev20260603
libtpu: 0.0.44.dev20260713+nightly
codegen_flags: <defaults>
</compile_context>

<pallas_src>
import functools

import jax
import jax.numpy as jnp
from jax import lax
from jax.experimental import pallas as pl
from jax.experimental.pallas import tpu as pltpu
from jax.experimental.pallas import tpu_sc as plsc

_K = 8192
_A = 1024
_DIM = 256
_J = 1024

_NC, _NS, _L = 2, 16, 16
_NW = _NC * _NS
_ROWS = 1024
_RPW = _ROWS // _NW

@functools.cache
def _get_sc_counts():
    mesh = plsc.VectorSubcoreMesh(core_axis_name="c", subcore_axis_name="s",
                                  num_cores=_NC, num_subcores=_NS)

    nbuf = 4

    @functools.partial(
        pl.kernel,
        out_type=[jax.ShapeDtypeStruct((_ROWS, _K), jnp.float32),
                  jax.ShapeDtypeStruct((_ROWS, _K), jnp.float32)],
        mesh=mesh,
        scratch_types=[
            pltpu.VMEM((2 * _RPW, _J), jnp.int32),
            [pltpu.VMEM((_K,), jnp.float32) for _ in range(nbuf)],
            [pltpu.SemaphoreType.DMA for _ in range(nbuf)],
        ],
        compiler_params=pltpu.CompilerParams(needs_layout_passes=False),
    )
    def _sc_counts(z1_hbm, z2_hbm, o1_hbm, o2_hbm, idx_all, cnts, sems):
        wid = lax.axis_index("s") * _NC + lax.axis_index("c")
        base = wid * _RPW
        zero16 = jnp.zeros((_L,), jnp.float32)
        one16 = jnp.ones((_L,), jnp.float32)
        mone16 = -one16

        pltpu.sync_copy(z1_hbm.at[pl.ds(base, _RPW)],
                        idx_all.at[pl.ds(0, _RPW)])
        pltpu.sync_copy(z2_hbm.at[pl.ds(base, _RPW)],
                        idx_all.at[pl.ds(_RPW, _RPW)])

        def _zero(i, c):
            for b in range(nbuf):
                cnts[b][pl.ds(i * _L, _L)] = zero16
            return c

        lax.fori_loop(0, _K // _L, _zero, 0)

        unroll = 8

        def _apply(rl, cref, val16):
            def body(j, c):
                for u in range(unroll):
                    ii = idx_all[rl, pl.ds((j * unroll + u) * _L, _L)]
                    plsc.addupdate_scatter(cref, [ii], val16)
                return c

            lax.fori_loop(0, _J // _L // unroll, body, 0)

        def _phase(out_hbm, roff, cleanup):
            def _group(g, c):
                for b in range(nbuf):
                    rl = g * nbuf + b

                    @pl.when(g > 0)
                    def _():
                        pltpu.make_async_copy(
                            cnts[b], out_hbm.at[base + rl - nbuf],
                            sems[b]).wait()
                        _apply(roff + rl - nbuf, cnts[b], mone16)

                    _apply(roff + rl, cnts[b], one16)
                    pltpu.async_copy(cnts[b], out_hbm.at[base + rl], sems[b])
                return c

            lax.fori_loop(0, _RPW // nbuf, _group, 0)
            for b in range(nbuf):
                rl = _RPW - nbuf + b
                pltpu.make_async_copy(
                    cnts[b], out_hbm.at[base + rl], sems[b]).wait()
                if cleanup:
                    _apply(roff + rl, cnts[b], mone16)

        _phase(o1_hbm, 0, True)
        _phase(o2_hbm, _RPW, False)

    return _sc_counts


_BB = 128


def _tc_body(ct_ref, ctp_ref, emb_ref, w1t_ref, b1_ref, w2t_ref, b2_ref,
             cbt_ref, cb_ref, idx_ref, q_ref):
    hp = lax.Precision.HIGHEST
    dp = lax.Precision.DEFAULT
    inv = 1.0 / float(_J)
    emb = emb_ref[...]
    ehi = emb.astype(jnp.bfloat16)
    elo = (emb - ehi.astype(jnp.float32)).astype(jnp.bfloat16)
    ct16 = ct_ref[...].astype(jnp.bfloat16)
    ctp16 = ctp_ref[...].astype(jnp.bfloat16)
    f32 = jnp.float32
    et = (jnp.dot(ct16, ehi, preferred_element_type=f32)
          + jnp.dot(ct16, elo, preferred_element_type=f32)) * inv
    etp = (jnp.dot(ctp16, ehi, preferred_element_type=f32)
           + jnp.dot(ctp16, elo, preferred_element_type=f32)) * inv
    cc = jnp.concatenate([et, etp], axis=1)
    h = jnp.dot(cc, w1t_ref[...], precision=dp) + b1_ref[...]
    h = 0.5 * h * (1.0 + lax.erf(h * (2.0 ** -0.5)))
    e = jnp.dot(h, w2t_ref[...], precision=dp) + b2_ref[...]
    ecb = jnp.dot(e, cbt_ref[...], precision=dp)
    e2 = jnp.sum(e * e, axis=1, keepdims=True)
    cbt = cbt_ref[...]
    cb2 = jnp.sum(cbt * cbt, axis=0, keepdims=True)
    d2 = e2 - 2.0 * ecb + cb2
    m = jnp.min(d2, axis=1, keepdims=True)
    kio = lax.broadcasted_iota(jnp.int32, (_BB, _A), 1)
    cand = jnp.where(d2 <= m, kio, _A)
    idx2 = jnp.min(cand, axis=1, keepdims=True)
    idx_ref[...] = idx2
    onehot = (kio == idx2).astype(jnp.float32)
    q_ref[...] = jnp.dot(onehot, cb_ref[...], precision=hp)


def _tc_call(counts_t, counts_tp, emb, w1t, b1, w2t, b2, cbt, cb):
    nblk = _A // _BB
    return pl.pallas_call(
        _tc_body,
        grid=(nblk,),
        in_specs=[
            pl.BlockSpec((_BB, _K), lambda i: (i, 0)),
            pl.BlockSpec((_BB, _K), lambda i: (i, 0)),
            pl.BlockSpec((_K, _DIM), lambda i: (0, 0)),
            pl.BlockSpec((2 * _DIM, _DIM), lambda i: (0, 0)),
            pl.BlockSpec((1, _DIM), lambda i: (0, 0)),
            pl.BlockSpec((_DIM, _DIM), lambda i: (0, 0)),
            pl.BlockSpec((1, _DIM), lambda i: (0, 0)),
            pl.BlockSpec((_DIM, _A), lambda i: (0, 0)),
            pl.BlockSpec((_A, _DIM), lambda i: (0, 0)),
        ],
        out_specs=[
            pl.BlockSpec((_BB, 1), lambda i: (i, 0)),
            pl.BlockSpec((_BB, _DIM), lambda i: (i, 0)),
        ],
        out_shape=[
            jax.ShapeDtypeStruct((_A, 1), jnp.int32),
            jax.ShapeDtypeStruct((_A, _DIM), jnp.float32),
        ],
    )(counts_t, counts_tp, emb, w1t, b1, w2t, b2, cbt, cb)


def kernel(z_t, z_tp1, embed_w, W1, b1, W2, b2, codebook):
    B = z_t.shape[0]
    counts_t, counts_tp = _get_sc_counts()(
        z_t.reshape(B, -1).astype(jnp.int32),
        z_tp1.reshape(B, -1).astype(jnp.int32))
    idx2, q = _tc_call(counts_t, counts_tp, embed_w, W1.T, b1.reshape(1, -1),
                       W2.T, b2.reshape(1, -1), codebook.T, codebook)
    return (idx2.reshape(B), q)

# --- scband reference (transcript-rebuilt; emitter-appended) ---
"""Pipeline reference for scband-inverse-dynamics-40664750359099 (READ-ONLY COPY).

The authoritative reference and input builder live on the scoring server;
editing this copy changes nothing except your own understanding.
"""

import jax, jax.numpy as jnp
import numpy as np

K = 8192
A = 1024
DIM = 256
B, H, W = 1024, 32, 32


def setup_inputs(seed: int = 0) -> dict:
    key = jax.random.key(seed)
    ks = jax.random.split(key, 9)
    z_t = jax.random.randint(ks[0], (B, H, W), 0, K, dtype=jnp.int64) if jax.config.jax_enable_x64 else jax.random.randint(ks[0], (B, H, W), 0, K, dtype=jnp.int32)
    z_tp1 = jax.random.randint(ks[1], (B, H, W), 0, K, dtype=z_t.dtype)
    embed_w = jax.random.normal(ks[2], (K, DIM), dtype=jnp.float32) * 0.02
    # torch nn.Linear default init: U(-1/sqrt(in), 1/sqrt(in))
    lim1 = 1.0 / np.sqrt(2 * DIM)
    W1 = jax.random.uniform(ks[3], (DIM, 2 * DIM), dtype=jnp.float32, minval=-lim1, maxval=lim1)
    b1 = jax.random.uniform(ks[4], (DIM,), dtype=jnp.float32, minval=-lim1, maxval=lim1)
    lim2 = 1.0 / np.sqrt(DIM)
    W2 = jax.random.uniform(ks[5], (DIM, DIM), dtype=jnp.float32, minval=-lim2, maxval=lim2)
    b2 = jax.random.uniform(ks[6], (DIM,), dtype=jnp.float32, minval=-lim2, maxval=lim2)
    codebook = jax.random.normal(ks[7], (A, DIM), dtype=jnp.float32) * 0.02
    return {"z_t": z_t, "z_tp1": z_tp1, "embed_w": embed_w, "W1": W1, "b1": b1, "W2": W2, "b2": b2, "codebook": codebook}


def reference(z_t, z_tp1, embed_w, W1, b1, W2, b2, codebook):
    Bb = z_t.shape[0]
    e_t = jnp.take(embed_w, z_t.reshape(Bb, -1), axis=0).mean(axis=1)
    e_tp1 = jnp.take(embed_w, z_tp1.reshape(Bb, -1), axis=0).mean(axis=1)
    h = jnp.concatenate([e_t, e_tp1], axis=-1)
    h = jax.nn.gelu(h @ W1.T + b1, approximate=False)
    e = h @ W2.T + b2
    d2 = jnp.sum(e * e, axis=1, keepdims=True) - 2.0 * (e @ codebook.T) + jnp.sum(codebook * codebook, axis=1)[None, :]
    idx = jnp.argmin(jax.lax.stop_gradient(d2), axis=1)
    q = jnp.take(codebook, idx, axis=0)
    return (idx, q)

if __name__ == "__main__":
    import jax
    _d = setup_inputs()
    print(jax.jit(kernel)(*tuple(_d.values())))

</pallas_src>

<mosaic_0001>
#map = affine_map<(d0, d1) -> (0, 0)>
module attributes {stable_mosaic.version = 14 : i64} {
  func.func @_sc_counts(%arg0: i32, %arg1: i32, %arg2: memref<1024x1024xi32, #tpu.memory_space<hbm>>, %arg3: memref<1024x1024xi32, #tpu.memory_space<hbm>>, %arg4: memref<1024x8192xf32, #tpu.memory_space<hbm>>, %arg5: memref<1024x8192xf32, #tpu.memory_space<hbm>>, %arg6: memref<64x1024xi32, #tpu.memory_space<vmem>>, %arg7: memref<8192xf32, #tpu.memory_space<vmem>>, %arg8: memref<8192xf32, #tpu.memory_space<vmem>>, %arg9: memref<8192xf32, #tpu.memory_space<vmem>>, %arg10: memref<8192xf32, #tpu.memory_space<vmem>>, %arg11: memref<!tpu.dma_semaphore, #tpu.memory_space<semaphore_mem>>, %arg12: memref<!tpu.dma_semaphore, #tpu.memory_space<semaphore_mem>>, %arg13: memref<!tpu.dma_semaphore, #tpu.memory_space<semaphore_mem>>, %arg14: memref<!tpu.dma_semaphore, #tpu.memory_space<semaphore_mem>>) attributes {dimension_semantics = [#tpu.dimension_semantics<core_parallel>, #tpu.dimension_semantics<subcore_parallel>], iteration_bounds = array<i64: 2, 16>, scalar_prefetch = 0 : i64, scratch_operands = 9 : i64, tpu.core_type = #tpu.core_type<sc_vector_subcore>, window_params = [{transform_indices = #map}, {transform_indices = #map}, {transform_indices = #map}, {transform_indices = #map}]} {
    %mul3A = arith.constant 2 : i32
    %mul3A_0 = arith.muli %arg1, %mul3A : i32
    %add3A = arith.addi %mul3A_0, %arg0 : i32
    %mul3A_1 = arith.constant 32 : i32
    %mul3A_2 = arith.muli %add3A, %mul3A_1 : i32
    %broadcast_in_dim3A = arith.constant 0.000000e+00 : f32
    %broadcast_in_dim3A_3 = vector.broadcast %broadcast_in_dim3A : f32 to vector<16xf32>
    %broadcast_in_dim3A_4 = arith.constant 1.000000e+00 : f32
    %broadcast_in_dim3A_5 = vector.broadcast %broadcast_in_dim3A_4 : f32 to vector<16xf32>
    %neg3A = arith.constant 0.000000e+00 : f32
    %neg3A_6 = vector.broadcast %neg3A : f32 to vector<16xf32>
    %neg3A_7 = arith.subf %neg3A_6, %broadcast_in_dim3A_5 : vector<16xf32>
    "tpu.region"() ({
      %run_scoped3A = tpu.sem_alloc : memref<!tpu.dma_semaphore, #tpu.memory_space<semaphore_mem>>
      %dma_start3A = arith.constant 0 : i32
      %dma_start3A_112 = arith.constant 0 : i32
      %dma_start3A_113 = tpu.memref_slice %arg6[%dma_start3A, %dma_start3A_112] : memref<64x1024xi32, #tpu.memory_space<vmem>> -> memref<32x1024xi32, #tpu.memory_space<vmem>>
      %dma_start3A_114 = arith.constant 0 : i32
      %dma_start3A_115 = tpu.memref_slice %arg2[%mul3A_2, %dma_start3A_114] : memref<1024x1024xi32, #tpu.memory_space<hbm>> -> memref<32x1024xi32, #tpu.memory_space<hbm>>
      %dma_start3A_116 = arith.constant 0 : i32
      %dma_start3A_117 = arith.constant 0 : i32
      %dma_start3A_118 = tpu.memref_slice %arg6[%dma_start3A_116, %dma_start3A_117] : memref<64x1024xi32, #tpu.memory_space<vmem>> -> memref<32x1024xi32, #tpu.memory_space<vmem>>
      %dma_start3A_119 = arith.constant 0 : i32
      %dma_start3A_120 = tpu.memref_slice %arg2[%mul3A_2, %dma_start3A_119] : memref<1024x1024xi32, #tpu.memory_space<hbm>> -> memref<32x1024xi32, #tpu.memory_space<hbm>>
      tpu.enqueue_dma source(%dma_start3A_120 : memref<32x1024xi32, #tpu.memory_space<hbm>>) target(%dma_start3A_118 : memref<32x1024xi32, #tpu.memory_space<vmem>>) target_semaphore(%run_scoped3A : memref<!tpu.dma_semaphore, #tpu.memory_space<semaphore_mem>>)
      %dma_wait3A_121 = arith.constant 0 : i32
      %dma_wait3A_122 = arith.constant 0 : i32
      %dma_wait3A_123 = tpu.memref_slice %arg6[%dma_wait3A_121, %dma_wait3A_122] : memref<64x1024xi32, #tpu.memory_space<vmem>> -> memref<32x1024xi32, #tpu.memory_space<vmem>>
      %dma_wait3A_124 = arith.constant 0 : i32
      %dma_wait3A_125 = tpu.memref_slice %arg2[%mul3A_2, %dma_wait3A_124] : memref<1024x1024xi32, #tpu.memory_space<hbm>> -> memref<32x1024xi32, #tpu.memory_space<hbm>>
      %dma_wait3A_126 = arith.constant 0 : i32
      %dma_wait3A_127 = arith.constant 0 : i32
      %dma_wait3A_128 = tpu.memref_slice %arg6[%dma_wait3A_126, %dma_wait3A_127] : memref<64x1024xi32, #tpu.memory_space<vmem>> -> memref<32x1024xi32, #tpu.memory_space<vmem>>
      %dma_wait3A_129 = arith.constant 0 : i32
      %dma_wait3A_130 = tpu.memref_slice %arg2[%mul3A_2, %dma_wait3A_129] : memref<1024x1024xi32, #tpu.memory_space<hbm>> -> memref<32x1024xi32, #tpu.memory_space<hbm>>
      tpu.wait_dma2 semaphore(%run_scoped3A : memref<!tpu.dma_semaphore, #tpu.memory_space<semaphore_mem>>) src(%dma_wait3A_130 : memref<32x1024xi32, #tpu.memory_space<hbm>>) dst(%dma_wait3A_128 : memref<32x1024xi32, #tpu.memory_space<vmem>>)
      tpu.yield
    }) : () -> ()
    "tpu.region"() ({
      %run_scoped3A = tpu.sem_alloc : memref<!tpu.dma_semaphore, #tpu.memory_space<semaphore_mem>>
      %dma_start3A = arith.constant 32 : i32
      %dma_start3A_112 = arith.constant 0 : i32
      %dma_start3A_113 = tpu.memref_slice %arg6[%dma_start3A, %dma_start3A_112] : memref<64x1024xi32, #tpu.memory_space<vmem>> -> memref<32x1024xi32, #tpu.memory_space<vmem>>
      %dma_start3A_114 = arith.constant 0 : i32
      %dma_start3A_115 = tpu.memref_slice %arg3[%mul3A_2, %dma_start3A_114] : memref<1024x1024xi32, #tpu.memory_space<hbm>> -> memref<32x1024xi32, #tpu.memory_space<hbm>>
      %dma_start3A_116 = arith.constant 32 : i32
      %dma_start3A_117 = arith.constant 0 : i32
      %dma_start3A_118 = tpu.memref_slice %arg6[%dma_start3A_116, %dma_start3A_117] : memref<64x1024xi32, #tpu.memory_space<vmem>> -> memref<32x1024xi32, #tpu.memory_space<vmem>>
      %dma_start3A_119 = arith.constant 0 : i32
      %dma_start3A_120 = tpu.memref_slice %arg3[%mul3A_2, %dma_start3A_119] : memref<1024x1024xi32, #tpu.memory_space<hbm>> -> memref<32x1024xi32, #tpu.memory_space<hbm>>
      tpu.enqueue_dma source(%dma_start3A_120 : memref<32x1024xi32, #tpu.memory_space<hbm>>) target(%dma_start3A_118 : memref<32x1024xi32, #tpu.memory_space<vmem>>) target_semaphore(%run_scoped3A : memref<!tpu.dma_semaphore, #tpu.memory_space<semaphore_mem>>)
      %dma_wait3A_121 = arith.constant 32 : i32
      %dma_wait3A_122 = arith.constant 0 : i32
      %dma_wait3A_123 = tpu.memref_slice %arg6[%dma_wait3A_121, %dma_wait3A_122] : memref<64x1024xi32, #tpu.memory_space<vmem>> -> memref<32x1024xi32, #tpu.memory_space<vmem>>
      %dma_wait3A_124 = arith.constant 0 : i32
      %dma_wait3A_125 = tpu.memref_slice %arg3[%mul3A_2, %dma_wait3A_124] : memref<1024x1024xi32, #tpu.memory_space<hbm>> -> memref<32x1024xi32, #tpu.memory_space<hbm>>
      %dma_wait3A_126 = arith.constant 32 : i32
      %dma_wait3A_127 = arith.constant 0 : i32
      %dma_wait3A_128 = tpu.memref_slice %arg6[%dma_wait3A_126, %dma_wait3A_127] : memref<64x1024xi32, #tpu.memory_space<vmem>> -> memref<32x1024xi32, #tpu.memory_space<vmem>>
      %dma_wait3A_129 = arith.constant 0 : i32
      %dma_wait3A_130 = tpu.memref_slice %arg3[%mul3A_2, %dma_wait3A_129] : memref<1024x1024xi32, #tpu.memory_space<hbm>> -> memref<32x1024xi32, #tpu.memory_space<hbm>>
      tpu.wait_dma2 semaphore(%run_scoped3A : memref<!tpu.dma_semaphore, #tpu.memory_space<semaphore_mem>>) src(%dma_wait3A_130 : memref<32x1024xi32, #tpu.memory_space<hbm>>) dst(%dma_wait3A_128 : memref<32x1024xi32, #tpu.memory_space<vmem>>)
      tpu.yield
    }) : () -> ()
    %scan3A = arith.constant 0 : i32
    %scan3A_8 = arith.constant 0 : i32
    %scan3A_9 = arith.constant 512 : i32
    %scan3A_10 = arith.addi %scan3A_8, %scan3A_9 : i32
    %scan3A_11 = arith.constant 1 : i32
    scf.for %scan3A_112 = %scan3A_8 to %scan3A_10 step %scan3A_11  : i32 {
      %mul3A_113 = arith.constant 16 : i32
      %mul3A_114 = arith.muli %scan3A_112, %mul3A_113 : i32
      %swap3A = arith.index_cast %mul3A_114 : i32 to index
      %swap3A_115 = tpu.vector_load %arg7[%swap3A] {strides = array<i32>} : memref<8192xf32, #tpu.memory_space<vmem>>, vector<16xf32>,
      tpu.vector_store %arg7[%swap3A], %broadcast_in_dim3A_3 {strides = array<i32>} : memref<8192xf32, #tpu.memory_space<vmem>>, vector<16xf32>,
      %mul3A_116 = arith.constant 16 : i32
      %mul3A_117 = arith.muli %scan3A_112, %mul3A_116 : i32
      %swap3A_118 = arith.index_cast %mul3A_117 : i32 to index
      %swap3A_119 = tpu.vector_load %arg8[%swap3A_118] {strides = array<i32>} : memref<8192xf32, #tpu.memory_space<vmem>>, vector<16xf32>,
      tpu.vector_store %arg8[%swap3A_118], %broadcast_in_dim3A_3 {strides = array<i32>} : memref<8192xf32, #tpu.memory_space<vmem>>, vector<16xf32>,
      %mul3A_120 = arith.constant 16 : i32
      %mul3A_121 = arith.muli %scan3A_112, %mul3A_120 : i32
      %swap3A_122 = arith.index_cast %mul3A_121 : i32 to index
      %swap3A_123 = tpu.vector_load %arg9[%swap3A_122] {strides = array<i32>} : memref<8192xf32, #tpu.memory_space<vmem>>, vector<16xf32>,
      tpu.vector_store %arg9[%swap3A_122], %broadcast_in_dim3A_3 {strides = array<i32>} : memref<8192xf32, #tpu.memory_space<vmem>>, vector<16xf32>,
      %mul3A_124 = arith.constant 16 : i32
      %mul3A_125 = arith.muli %scan3A_112, %mul3A_124 : i32
      %swap3A_126 = arith.index_cast %mul3A_125 : i32 to index
      %swap3A_127 = tpu.vector_load %arg10[%swap3A_126] {strides = array<i32>} : memref<8192xf32, #tpu.memory_space<vmem>>, vector<16xf32>,
      tpu.vector_store %arg10[%swap3A_126], %broadcast_in_dim3A_3 {strides = array<i32>} : memref<8192xf32, #tpu.memory_space<vmem>>, vector<16xf32>,
    }
    %scan3A_12 = arith.constant 512 : i32
    %scan3A_13 = arith.constant 0 : i32
    %scan3A_14 = arith.constant 0 : i32
    %scan3A_15 = arith.constant 8 : i32
    %scan3A_16 = arith.addi %scan3A_14, %scan3A_15 : i32
    %scan3A_17 = arith.constant 1 : i32
    scf.for %scan3A_112 = %scan3A_14 to %scan3A_16 step %scan3A_17  : i32 {
      %mul3A_113 = arith.constant 4 : i32
      %mul3A_114 = arith.muli %scan3A_112, %mul3A_113 : i32
      %add3A_115 = arith.constant 0 : i32
      %add3A_116 = arith.addi %mul3A_114, %add3A_115 : i32
      %gt3A = arith.constant 0 : i32
      %gt3A_117 = arith.cmpi sgt, %scan3A_112, %gt3A : i32
      %convert_element_type3A = arith.extui %gt3A_117 : i1 to i32
      %cond3A = arith.constant 0 : i32
      %cond3A_118 = arith.cmpi ne, %convert_element_type3A, %cond3A : i32
      scf.if %cond3A_118 {
        %add3A_205 = arith.addi %mul3A_2, %add3A_116 : i32
        %sub3A = arith.constant 4 : i32
        %sub3A_206 = arith.subi %add3A_205, %sub3A : i32
        %dma_wait3A_207 = arith.constant 0 : i32
        %dma_wait3A_208 = tpu.memref_slice %arg4[%sub3A_206, %dma_wait3A_207] : memref<1024x8192xf32, #tpu.memory_space<hbm>> -> memref<1x8192xf32, #tpu.memory_space<hbm>>
        %dma_wait3A_209 = tpu.memref_squeeze %dma_wait3A_208 : memref<1x8192xf32, #tpu.memory_space<hbm>> -> memref<8192xf32, #tpu.memory_space<hbm>>
        %dma_wait3A_210 = arith.constant 0 : i32
        %dma_wait3A_211 = tpu.memref_slice %arg4[%sub3A_206, %dma_wait3A_210] : memref<1024x8192xf32, #tpu.memory_space<hbm>> -> memref<1x8192xf32, #tpu.memory_space<hbm>>
        %dma_wait3A_212 = tpu.memref_squeeze %dma_wait3A_211 : memref<1x8192xf32, #tpu.memory_space<hbm>> -> memref<8192xf32, #tpu.memory_space<hbm>>
        tpu.wait_dma2 semaphore(%arg11 : memref<!tpu.dma_semaphore, #tpu.memory_space<semaphore_mem>>) src(%arg7 : memref<8192xf32, #tpu.memory_space<vmem>>) dst(%dma_wait3A_212 : memref<8192xf32, #tpu.memory_space<hbm>>)
        %add3A_213 = arith.constant 0 : i32
        %add3A_214 = arith.addi %add3A_213, %add3A_116 : i32
        %sub3A_215 = arith.constant 4 : i32
        %sub3A_216 = arith.subi %add3A_214, %sub3A_215 : i32
        %scan3A_217 = arith.constant 0 : i32
        %scan3A_218 = arith.constant 0 : i32
        %scan3A_219 = arith.constant 8 : i32
        %scan3A_220 = arith.addi %scan3A_218, %scan3A_219 : i32
        %scan3A_221 = arith.constant 1 : i32
        scf.for %scan3A_223 = %scan3A_218 to %scan3A_220 step %scan3A_221  : i32 {
          %mul3A_224 = arith.constant 8 : i32
          %mul3A_225 = arith.muli %scan3A_223, %mul3A_224 : i32
          %add3A_226 = arith.constant 0 : i32
          %add3A_227 = arith.addi %mul3A_225, %add3A_226 : i32
          %mul3A_228 = arith.constant 16 : i32
          %mul3A_229 = arith.muli %add3A_227, %mul3A_228 : i32
          %get3A = arith.index_cast %sub3A_216 : i32 to index
          %get3A_230 = arith.index_cast %mul3A_229 : i32 to index
          %get3A_231 = tpu.vector_load %arg6[%get3A, %get3A_230] {strides = array<i32>} : memref<64x1024xi32, #tpu.memory_space<vmem>>, vector<16xi32>,
          tpu.vector_store_idx %arg7[%get3A_231], %neg3A_7 {add = true} : memref<8192xf32, #tpu.memory_space<vmem>>[vector<16xi32>], vector<16xf32>,
          %mul3A_232 = arith.constant 8 : i32
          %mul3A_233 = arith.muli %scan3A_223, %mul3A_232 : i32
          %add3A_234 = arith.constant 1 : i32
          %add3A_235 = arith.addi %mul3A_233, %add3A_234 : i32
          %mul3A_236 = arith.constant 16 : i32
          %mul3A_237 = arith.muli %add3A_235, %mul3A_236 : i32
          %get3A_238 = arith.index_cast %sub3A_216 : i32 to index
          %get3A_239 = arith.index_cast %mul3A_237 : i32 to index
          %get3A_240 = tpu.vector_load %arg6[%get3A_238, %get3A_239] {strides = array<i32>} : memref<64x1024xi32, #tpu.memory_space<vmem>>, vector<16xi32>,
          tpu.vector_store_idx %arg7[%get3A_240], %neg3A_7 {add = true} : memref<8192xf32, #tpu.memory_space<vmem>>[vector<16xi32>], vector<16xf32>,
          %mul3A_241 = arith.constant 8 : i32
          %mul3A_242 = arith.muli %scan3A_223, %mul3A_241 : i32
          %add3A_243 = arith.constant 2 : i32
          %add3A_244 = arith.addi %mul3A_242, %add3A_243 : i32
          %mul3A_245 = arith.constant 16 : i32
          %mul3A_246 = arith.muli %add3A_244, %mul3A_245 : i32
          %get3A_247 = arith.index_cast %sub3A_216 : i32 to index
          %get3A_248 = arith.index_cast %mul3A_246 : i32 to index
          %get3A_249 = tpu.vector_load %arg6[%get3A_247, %get3A_248] {strides = array<i32>} : memref<64x1024xi32, #tpu.memory_space<vmem>>, vector<16xi32>,
          tpu.vector_store_idx %arg7[%get3A_249], %neg3A_7 {add = true} : memref<8192xf32, #tpu.memory_space<vmem>>[vector<16xi32>], vector<16xf32>,
          %mul3A_250 = arith.constant 8 : i32
          %mul3A_251 = arith.muli %scan3A_223, %mul3A_250 : i32
          %add3A_252 = arith.constant 3 : i32
          %add3A_253 = arith.addi %mul3A_251, %add3A_252 : i32
          %mul3A_254 = arith.constant 16 : i32
          %mul3A_255 = arith.muli %add3A_253, %mul3A_254 : i32
          %get3A_256 = arith.index_cast %sub3A_216 : i32 to index
          %get3A_257 = arith.index_cast %mul3A_255 : i32 to index
          %get3A_258 = tpu.vector_load %arg6[%get3A_256, %get3A_257] {strides = array<i32>} : memref<64x1024xi32, #tpu.memory_space<vmem>>, vector<16xi32>,
          tpu.vector_store_idx %arg7[%get3A_258], %neg3A_7 {add = true} : memref<8192xf32, #tpu.memory_space<vmem>>[vector<16xi32>], vector<16xf32>,
          %mul3A_259 = arith.constant 8 : i32
          %mul3A_260 = arith.muli %scan3A_223, %mul3A_259 : i32
          %add3A_261 = arith.constant 4 : i32
          %add3A_262 = arith.addi %mul3A_260, %add3A_261 : i32
          %mul3A_263 = arith.constant 16 : i32
          %mul3A_264 = arith.muli %add3A_262, %mul3A_263 : i32
          %get3A_265 = arith.index_cast %sub3A_216 : i32 to index
          %get3A_266 = arith.index_cast %mul3A_264 : i32 to index
          %get3A_267 = tpu.vector_load %arg6[%get3A_265, %get3A_266] {strides = array<i32>} : memref<64x1024xi32, #tpu.memory_space<vmem>>, vector<16xi32>,
          tpu.vector_store_idx %arg7[%get3A_267], %neg3A_7 {add = true} : memref<8192xf32, #tpu.memory_space<vmem>>[vector<16xi32>], vector<16xf32>,
          %mul3A_268 = arith.constant 8 : i32
          %mul3A_269 = arith.muli %scan3A_223, %mul3A_268 : i32
          %add3A_270 = arith.constant 5 : i32
          %add3A_271 = arith.addi %mul3A_269, %add3A_270 : i32
          %mul3A_272 = arith.constant 16 : i32
          %mul3A_273 = arith.muli %add3A_271, %mul3A_272 : i32
          %get3A_274 = arith.index_cast %sub3A_216 : i32 to index
          %get3A_275 = arith.index_cast %mul3A_273 : i32 to index
          %get3A_276 = tpu.vector_load %arg6[%get3A_274, %get3A_275] {strides = array<i32>} : memref<64x1024xi32, #tpu.memory_space<vmem>>, vector<16xi32>,
          tpu.vector_store_idx %arg7[%get3A_276], %neg3A_7 {add = true} : memref<8192xf32, #tpu.memory_space<vmem>>[vector<16xi32>], vector<16xf32>,
          %mul3A_277 = arith.constant 8 : i32
          %mul3A_278 = arith.muli %scan3A_223, %mul3A_277 : i32
          %add3A_279 = arith.constant 6 : i32
          %add3A_280 = arith.addi %mul3A_278, %add3A_279 : i32
          %mul3A_281 = arith.constant 16 : i32
          %mul3A_282 = arith.muli %add3A_280, %mul3A_281 : i32
          %get3A_283 = arith.index_cast %sub3A_216 : i32 to index
          %get3A_284 = arith.index_cast %mul3A_282 : i32 to index
          %get3A_285 = tpu.vector_load %arg6[%get3A_283, %get3A_284] {strides = array<i32>} : memref<64x1024xi32, #tpu.memory_space<vmem>>, vector<16xi32>,
          tpu.vector_store_idx %arg7[%get3A_285], %neg3A_7 {add = true} : memref<8192xf32, #tpu.memory_space<vmem>>[vector<16xi32>], vector<16xf32>,
          %mul3A_286 = arith.constant 8 : i32
          %mul3A_287 = arith.muli %scan3A_223, %mul3A_286 : i32
          %add3A_288 = arith.constant 7 : i32
          %add3A_289 = arith.addi %mul3A_287, %add3A_288 : i32
          %mul3A_290 = arith.constant 16 : i32
          %mul3A_291 = arith.muli %add3A_289, %mul3A_290 : i32
          %get3A_292 = arith.index_cast %sub3A_216 : i32 to index
          %get3A_293 = arith.index_cast %mul3A_291 : i32 to index
          %get3A_294 = tpu.vector_load %arg6[%get3A_292, %get3A_293] {strides = array<i32>} : memref<64x1024xi32, #tpu.memory_space<vmem>>, vector<16xi32>,
          tpu.vector_store_idx %arg7[%get3A_294], %neg3A_7 {add = true} : memref<8192xf32, #tpu.memory_space<vmem>>[vector<16xi32>], vector<16xf32>,
        }
        %scan3A_222 = arith.constant 8 : i32
      } else {
      }
      %add3A_119 = arith.constant 0 : i32
      %add3A_120 = arith.addi %add3A_119, %add3A_116 : i32
      %scan3A_121 = arith.constant 0 : i32
      %scan3A_122 = arith.constant 0 : i32
      %scan3A_123 = arith.constant 8 : i32
      %scan3A_124 = arith.addi %scan3A_122, %scan3A_123 : i32
      %scan3A_125 = arith.constant 1 : i32
      scf.for %scan3A_205 = %scan3A_122 to %scan3A_124 step %scan3A_125  : i32 {
        %mul3A_206 = arith.constant 8 : i32
        %mul3A_207 = arith.muli %scan3A_205, %mul3A_206 : i32
        %add3A_208 = arith.constant 0 : i32
        %add3A_209 = arith.addi %mul3A_207, %add3A_208 : i32
        %mul3A_210 = arith.constant 16 : i32
        %mul3A_211 = arith.muli %add3A_209, %mul3A_210 : i32
        %get3A = arith.index_cast %add3A_120 : i32 to index
        %get3A_212 = arith.index_cast %mul3A_211 : i32 to index
        %get3A_213 = tpu.vector_load %arg6[%get3A, %get3A_212] {strides = array<i32>} : memref<64x1024xi32, #tpu.memory_space<vmem>>, vector<16xi32>,
        tpu.vector_store_idx %arg7[%get3A_213], %broadcast_in_dim3A_5 {add = true} : memref<8192xf32, #tpu.memory_space<vmem>>[vector<16xi32>], vector<16xf32>,
        %mul3A_214 = arith.constant 8 : i32
        %mul3A_215 = arith.muli %scan3A_205, %mul3A_214 : i32
        %add3A_216 = arith.constant 1 : i32
        %add3A_217 = arith.addi %mul3A_215, %add3A_216 : i32
        %mul3A_218 = arith.constant 16 : i32
        %mul3A_219 = arith.muli %add3A_217, %mul3A_218 : i32
        %get3A_220 = arith.index_cast %add3A_120 : i32 to index
        %get3A_221 = arith.index_cast %mul3A_219 : i32 to index
        %get3A_222 = tpu.vector_load %arg6[%get3A_220, %get3A_221] {strides = array<i32>} : memref<64x1024xi32, #tpu.memory_space<vmem>>, vector<16xi32>,
        tpu.vector_store_idx %arg7[%get3A_222], %broadcast_in_dim3A_5 {add = true} : memref<8192xf32, #tpu.memory_space<vmem>>[vector<16xi32>], vector<16xf32>,
        %mul3A_223 = arith.constant 8 : i32
        %mul3A_224 = arith.muli %scan3A_205, %mul3A_223 : i32
        %add3A_225 = arith.constant 2 : i32
        %add3A_226 = arith.addi %mul3A_224, %add3A_225 : i32
        %mul3A_227 = arith.constant 16 : i32
        %mul3A_228 = arith.muli %add3A_226, %mul3A_227 : i32
        %get3A_229 = arith.index_cast %add3A_120 : i32 to index
        %get3A_230 = arith.index_cast %mul3A_228 : i32 to index
        %get3A_231 = tpu.vector_load %arg6[%get3A_229, %get3A_230] {strides = array<i32>} : memref<64x1024xi32, #tpu.memory_space<vmem>>, vector<16xi32>,
        tpu.vector_store_idx %arg7[%get3A_231], %broadcast_in_dim3A_5 {add = true} : memref<8192xf32, #tpu.memory_space<vmem>>[vector<16xi32>], vector<16xf32>,
        %mul3A_232 = arith.constant 8 : i32
        %mul3A_233 = arith.muli %scan3A_205, %mul3A_232 : i32
        %add3A_234 = arith.constant 3 : i32
        %add3A_235 = arith.addi %mul3A_233, %add3A_234 : i32
        %mul3A_236 = arith.constant 16 : i32
        %mul3A_237 = arith.muli %add3A_235, %mul3A_236 : i32
        %get3A_238 = arith.index_cast %add3A_120 : i32 to index
        %get3A_239 = arith.index_cast %mul3A_237 : i32 to index
        %get3A_240 = tpu.vector_load %arg6[%get3A_238, %get3A_239] {strides = array<i32>} : memref<64x1024xi32, #tpu.memory_space<vmem>>, vector<16xi32>,
        tpu.vector_store_idx %arg7[%get3A_240], %broadcast_in_dim3A_5 {add = true} : memref<8192xf32, #tpu.memory_space<vmem>>[vector<16xi32>], vector<16xf32>,
        %mul3A_241 = arith.constant 8 : i32
        %mul3A_242 = arith.muli %scan3A_205, %mul3A_241 : i32
        %add3A_243 = arith.constant 4 : i32
        %add3A_244 = arith.addi %mul3A_242, %add3A_243 : i32
        %mul3A_245 = arith.constant 16 : i32
        %mul3A_246 = arith.muli %add3A_244, %mul3A_245 : i32
        %get3A_247 = arith.index_cast %add3A_120 : i32 to index
        %get3A_248 = arith.index_cast %mul3A_246 : i32 to index
        %get3A_249 = tpu.vector_load %arg6[%get3A_247, %get3A_248] {strides = array<i32>} : memref<64x1024xi32, #tpu.memory_space<vmem>>, vector<16xi32>,
        tpu.vector_store_idx %arg7[%get3A_249], %broadcast_in_dim3A_5 {add = true} : memref<8192xf32, #tpu.memory_space<vmem>>[vector<16xi32>], vector<16xf32>,
        %mul3A_250 = arith.constant 8 : i32
        %mul3A_251 = arith.muli %scan3A_205, %mul3A_250 : i32
        %add3A_252 = arith.constant 5 : i32
        %add3A_253 = arith.addi %mul3A_251, %add3A_252 : i32
        %mul3A_254 = arith.constant 16 : i32
        %mul3A_255 = arith.muli %add3A_253, %mul3A_254 : i32
        %get3A_256 = arith.index_cast %add3A_120 : i32 to index
        %get3A_257 = arith.index_cast %mul3A_255 : i32 to index
        %get3A_258 = tpu.vector_load %arg6[%get3A_256, %get3A_257] {strides = array<i32>} : memref<64x1024xi32, #tpu.memory_space<vmem>>, vector<16xi32>,
        tpu.vector_store_idx %arg7[%get3A_258], %broadcast_in_dim3A_5 {add = true} : memref<8192xf32, #tpu.memory_space<vmem>>[vector<16xi32>], vector<16xf32>,
        %mul3A_259 = arith.constant 8 : i32
        %mul3A_260 = arith.muli %scan3A_205, %mul3A_259 : i32
        %add3A_261 = arith.constant 6 : i32
        %add3A_262 = arith.addi %mul3A_260, %add3A_261 : i32
        %mul3A_263 = arith.constant 16 : i32
        %mul3A_264 = arith.muli %add3A_262, %mul3A_263 : i32
        %get3A_265 = arith.index_cast %add3A_120 : i32 to index
        %get3A_266 = arith.index_cast %mul3A_264 : i32 to index
        %get3A_267 = tpu.vector_load %arg6[%get3A_265, %get3A_266] {strides = array<i32>} : memref<64x1024xi32, #tpu.memory_space<vmem>>, vector<16xi32>,
        tpu.vector_store_idx %arg7[%get3A_267], %broadcast_in_dim3A_5 {add = true} : memref<8192xf32, #tpu.memory_space<vmem>>[vector<16xi32>], vector<16xf32>,
        %mul3A_268 = arith.constant 8 : i32
        %mul3A_269 = arith.muli %scan3A_205, %mul3A_268 : i32
        %add3A_270 = arith.constant 7 : i32
        %add3A_271 = arith.addi %mul3A_269, %add3A_270 : i32
        %mul3A_272 = arith.constant 16 : i32
        %mul3A_273 = arith.muli %add3A_271, %mul3A_272 : i32
        %get3A_274 = arith.index_cast %add3A_120 : i32 to index
        %get3A_275 = arith.index_cast %mul3A_273 : i32 to index
        %get3A_276 = tpu.vector_load %arg6[%get3A_274, %get3A_275] {strides = array<i32>} : memref<64x1024xi32, #tpu.memory_space<vmem>>, vector<16xi32>,
        tpu.vector_store_idx %arg7[%get3A_276], %broadcast_in_dim3A_5 {add = true} : memref<8192xf32, #tpu.memory_space<vmem>>[vector<16xi32>], vector<16xf32>,
      }
      %scan3A_126 = arith.constant 8 : i32
      %add3A_127 = arith.addi %mul3A_2, %add3A_116 : i32
      %dma_start3A = arith.constant 0 : i32
      %dma_start3A_128 = tpu.memref_slice %arg4[%add3A_127, %dma_start3A] : memref<1024x8192xf32, #tpu.memory_space<hbm>> -> memref<1x8192xf32, #tpu.memory_space<hbm>>
      %dma_start3A_129 = tpu.memref_squeeze %dma_start3A_128 : memref<1x8192xf32, #tpu.memory_space<hbm>> -> memref<8192xf32, #tpu.memory_space<hbm>>
      %dma_start3A_130 = arith.constant 0 : i32
      %dma_start3A_131 = tpu.memref_slice %arg4[%add3A_127, %dma_start3A_130] : memref<1024x8192xf32, #tpu.memory_space<hbm>> -> memref<1x8192xf32, #tpu.memory_space<hbm>>
      %dma_start3A_132 = tpu.memref_squeeze %dma_start3A_131 : memref<1x8192xf32, #tpu.memory_space<hbm>> -> memref<8192xf32, #tpu.memory_space<hbm>>
      tpu.enqueue_dma source(%arg7 : memref<8192xf32, #tpu.memory_space<vmem>>) target(%dma_start3A_132 : memref<8192xf32, #tpu.memory_space<hbm>>) target_semaphore(%arg11 : memref<!tpu.dma_semaphore, #tpu.memory_space<semaphore_mem>>)
      %mul3A_133 = arith.constant 4 : i32
      %mul3A_134 = arith.muli %scan3A_112, %mul3A_133 : i32
      %add3A_135 = arith.constant 1 : i32
      %add3A_136 = arith.addi %mul3A_134, %add3A_135 : i32
      %gt3A_137 = arith.constant 0 : i32
      %gt3A_138 = arith.cmpi sgt, %scan3A_112, %gt3A_137 : i32
      %convert_element_type3A_139 = arith.extui %gt3A_138 : i1 to i32
      %cond3A_140 = arith.constant 0 : i32
      %cond3A_141 = arith.cmpi ne, %convert_element_type3A_139, %cond3A_140 : i32
      scf.if %cond3A_141 {
        %add3A_205 = arith.addi %mul3A_2, %add3A_136 : i32
        %sub3A = arith.constant 4 : i32
        %sub3A_206 = arith.subi %add3A_205, %sub3A : i32
        %dma_wait3A_207 = arith.constant 0 : i32
        %dma_wait3A_208 = tpu.memref_slice %arg4[%sub3A_206, %dma_wait3A_207] : memref<1024x8192xf32, #tpu.memory_space<hbm>> -> memref<1x8192xf32, #tpu.memory_space<hbm>>
        %dma_wait3A_209 = tpu.memref_squeeze %dma_wait3A_208 : memref<1x8192xf32, #tpu.memory_space<hbm>> -> memref<8192xf32, #tpu.memory_space<hbm>>
        %dma_wait3A_210 = arith.constant 0 : i32
        %dma_wait3A_211 = tpu.memref_slice %arg4[%sub3A_206, %dma_wait3A_210] : memref<1024x8192xf32, #tpu.memory_space<hbm>> -> memref<1x8192xf32, #tpu.memory_space<hbm>>
        %dma_wait3A_212 = tpu.memref_squeeze %dma_wait3A_211 : memref<1x8192xf32, #tpu.memory_space<hbm>> -> memref<8192xf32, #tpu.memory_space<hbm>>
        tpu.wait_dma2 semaphore(%arg12 : memref<!tpu.dma_semaphore, #tpu.memory_space<semaphore_mem>>) src(%arg8 : memref<8192xf32, #tpu.memory_space<vmem>>) dst(%dma_wait3A_212 : memref<8192xf32, #tpu.memory_space<hbm>>)
        %add3A_213 = arith.constant 0 : i32
        %add3A_214 = arith.addi %add3A_213, %add3A_136 : i32
        %sub3A_215 = arith.constant 4 : i32
        %sub3A_216 = arith.subi %add3A_214, %sub3A_215 : i32
        %scan3A_217 = arith.constant 0 : i32
        %scan3A_218 = arith.constant 0 : i32
        %scan3A_219 = arith.constant 8 : i32
        %scan3A_220 = arith.addi %scan3A_218, %scan3A_219 : i32
        %scan3A_221 = arith.constant 1 : i32
        scf.for %scan3A_223 = %scan3A_218 to %scan3A_220 step %scan3A_221  : i32 {
          %mul3A_224 = arith.constant 8 : i32
          %mul3A_225 = arith.muli %scan3A_223, %mul3A_224 : i32
          %add3A_226 = arith.constant 0 : i32
          %add3A_227 = arith.addi %mul3A_225, %add3A_226 : i32
          %mul3A_228 = arith.constant 16 : i32
          %mul3A_229 = arith.muli %add3A_227, %mul3A_228 : i32
          %get3A = arith.index_cast %sub3A_216 : i32 to index
          %get3A_230 = arith.index_cast %mul3A_229 : i32 to index
          %get3A_231 = tpu.vector_load %arg6[%get3A, %get3A_230] {strides = array<i32>} : memref<64x1024xi32, #tpu.memory_space<vmem>>, vector<16xi32>,
          tpu.vector_store_idx %arg8[%get3A_231], %neg3A_7 {add = true} : memref<8192xf32, #tpu.memory_space<vmem>>[vector<16xi32>], vector<16xf32>,
          %mul3A_232 = arith.constant 8 : i32
          %mul3A_233 = arith.muli %scan3A_223, %mul3A_232 : i32
          %add3A_234 = arith.constant 1 : i32
          %add3A_235 = arith.addi %mul3A_233, %add3A_234 : i32
          %mul3A_236 = arith.constant 16 : i32
          %mul3A_237 = arith.muli %add3A_235, %mul3A_236 : i32
          %get3A_238 = arith.index_cast %sub3A_216 : i32 to index
          %get3A_239 = arith.index_cast %mul3A_237 : i32 to index
          %get3A_240 = tpu.vector_load %arg6[%get3A_238, %get3A_239] {strides = array<i32>} : memref<64x1024xi32, #tpu.memory_space<vmem>>, vector<16xi32>,
          tpu.vector_store_idx %arg8[%get3A_240], %neg3A_7 {add = true} : memref<8192xf32, #tpu.memory_space<vmem>>[vector<16xi32>], vector<16xf32>,
          %mul3A_241 = arith.constant 8 : i32
          %mul3A_242 = arith.muli %scan3A_223, %mul3A_241 : i32
          %add3A_243 = arith.constant 2 : i32
          %add3A_244 = arith.addi %mul3A_242, %add3A_243 : i32
          %mul3A_245 = arith.constant 16 : i32
          %mul3A_246 = arith.muli %add3A_244, %mul3A_245 : i32
          %get3A_247 = arith.index_cast %sub3A_216 : i32 to index
          %get3A_248 = arith.index_cast %mul3A_246 : i32 to index
          %get3A_249 = tpu.vector_load %arg6[%get3A_247, %get3A_248] {strides = array<i32>} : memref<64x1024xi32, #tpu.memory_space<vmem>>, vector<16xi32>,
          tpu.vector_store_idx %arg8[%get3A_249], %neg3A_7 {add = true} : memref<8192xf32, #tpu.memory_space<vmem>>[vector<16xi32>], vector<16xf32>,
          %mul3A_250 = arith.constant 8 : i32
          %mul3A_251 = arith.muli %scan3A_223, %mul3A_250 : i32
          %add3A_252 = arith.constant 3 : i32
          %add3A_253 = arith.addi %mul3A_251, %add3A_252 : i32
          %mul3A_254 = arith.constant 16 : i32
          %mul3A_255 = arith.muli %add3A_253, %mul3A_254 : i32
          %get3A_256 = arith.index_cast %sub3A_216 : i32 to index
          %get3A_257 = arith.index_cast %mul3A_255 : i32 to index
          %get3A_258 = tpu.vector_load %arg6[%get3A_256, %get3A_257] {strides = array<i32>} : memref<64x1024xi32, #tpu.memory_space<vmem>>, vector<16xi32>,
          tpu.vector_store_idx %arg8[%get3A_258], %neg3A_7 {add = true} : memref<8192xf32, #tpu.memory_space<vmem>>[vector<16xi32>], vector<16xf32>,
          %mul3A_259 = arith.constant 8 : i32
          %mul3A_260 = arith.muli %scan3A_223, %mul3A_259 : i32
          %add3A_261 = arith.constant 4 : i32
          %add3A_262 = arith.addi %mul3A_260, %add3A_261 : i32
          %mul3A_263 = arith.constant 16 : i32
          %mul3A_264 = arith.muli %add3A_262, %mul3A_263 : i32
          %get3A_265 = arith.index_cast %sub3A_216 : i32 to index
          %get3A_266 = arith.index_cast %mul3A_264 : i32 to index
          %get3A_267 = tpu.vector_load %arg6[%get3A_265, %get3A_266] {strides = array<i32>} : memref<64x1024xi32, #tpu.memory_space<vmem>>, vector<16xi32>,
          tpu.vector_store_idx %arg8[%get3A_267], %neg3A_7 {add = true} : memref<8192xf32, #tpu.memory_space<vmem>>[vector<16xi32>], vector<16xf32>,
          %mul3A_268 = arith.constant 8 : i32
          %mul3A_269 = arith.muli %scan3A_223, %mul3A_268 : i32
          %add3A_270 = arith.constant 5 : i32
          %add3A_271 = arith.addi %mul3A_269, %add3A_270 : i32
          %mul3A_272 = arith.constant 16 : i32
          %mul3A_273 = arith.muli %add3A_271, %mul3A_272 : i32
          %get3A_274 = arith.index_cast %sub3A_216 : i32 to index
          %get3A_275 = arith.index_cast %mul3A_273 : i32 to index
          %get3A_276 = tpu.vector_load %arg6[%get3A_274, %get3A_275] {strides = array<i32>} : memref<64x1024xi32, #tpu.memory_space<vmem>>, vector<16xi32>,
          tpu.vector_store_idx %arg8[%get3A_276], %neg3A_7 {add = true} : memref<8192xf32, #tpu.memory_space<vmem>>[vector<16xi32>], vector<16xf32>,
          %mul3A_277 = arith.constant 8 : i32
          %mul3A_278 = arith.muli %scan3A_223, %mul3A_277 : i32
          %add3A_279 = arith.constant 6 : i32
          %add3A_280 = arith.addi %mul3A_278, %add3A_279 : i32
          %mul3A_281 = arith.constant 16 : i32
          %mul3A_282 = arith.muli %add3A_280, %mul3A_281 : i32
          %get3A_283 = arith.index_cast %sub3A_216 : i32 to index
          %get3A_284 = arith.index_cast %mul3A_282 : i32 to index
          %get3A_285 = tpu.vector_load %arg6[%get3A_283, %get3A_284] {strides = array<i32>} : memref<64x1024xi32, #tpu.memory_space<vmem>>, vector<16xi32>,
          tpu.vector_store_idx %arg8[%get3A_285], %neg3A_7 {add = true} : memref<8192xf32, #tpu.memory_space<vmem>>[vector<16xi32>], vector<16xf32>,
          %mul3A_286 = arith.constant 8 : i32
          %mul3A_287 = arith.muli %scan3A_223, %mul3A_286 : i32
          %add3A_288 = arith.constant 7 : i32
          %add3A_289 = arith.addi %mul3A_287, %add3A_288 : i32
          %mul3A_290 = arith.constant 16 : i32
          %mul3A_291 = arith.muli %add3A_289, %mul3A_290 : i32
          %get3A_292 = arith.index_cast %sub3A_216 : i32 to index
          %get3A_293 = arith.index_cast %mul3A_291 : i32 to index
          %get3A_294 = tpu.vector_load %arg6[%get3A_292, %get3A_293] {strides = array<i32>} : memref<64x1024xi32, #tpu.memory_space<vmem>>, vector<16xi32>,
          tpu.vector_store_idx %arg8[%get3A_294], %neg3A_7 {add = true} : memref<8192xf32, #tpu.memory_space<vmem>>[vector<16xi32>], vector<16xf32>,
        }
        %scan3A_222 = arith.constant 8 : i32
      } else {
      }
      %add3A_142 = arith.constant 0 : i32
      %add3A_143 = arith.addi %add3A_142, %add3A_136 : i32
      %scan3A_144 = arith.constant 0 : i32
      %scan3A_145 = arith.constant 0 : i32
      %scan3A_146 = arith.constant 8 : i32
      %scan3A_147 = arith.addi %scan3A_145, %scan3A_146 : i32
      %scan3A_148 = arith.constant 1 : i32
      scf.for %scan3A_205 = %scan3A_145 to %scan3A_147 step %scan3A_148  : i32 {
        %mul3A_206 = arith.constant 8 : i32
        %mul3A_207 = arith.muli %scan3A_205, %mul3A_206 : i32
        %add3A_208 = arith.constant 0 : i32
        %add3A_209 = arith.addi %mul3A_207, %add3A_208 : i32
        %mul3A_210 = arith.constant 16 : i32
        %mul3A_211 = arith.muli %add3A_209, %mul3A_210 : i32
        %get3A = arith.index_cast %add3A_143 : i32 to index
        %get3A_212 = arith.index_cast %mul3A_211 : i32 to index
        %get3A_213 = tpu.vector_load %arg6[%get3A, %get3A_212] {strides = array<i32>} : memref<64x1024xi32, #tpu.memory_space<vmem>>, vector<16xi32>,
        tpu.vector_store_idx %arg8[%get3A_213], %broadcast_in_dim3A_5 {add = true} : memref<8192xf32, #tpu.memory_space<vmem>>[vector<16xi32>], vector<16xf32>,
        %mul3A_214 = arith.constant 8 : i32
        %mul3A_215 = arith.muli %scan3A_205, %mul3A_214 : i32
        %add3A_216 = arith.constant 1 : i32
        %add3A_217 = arith.addi %mul3A_215, %add3A_216 : i32
        %mul3A_218 = arith.constant 16 : i32
        %mul3A_219 = arith.muli %add3A_217, %mul3A_218 : i32
        %get3A_220 = arith.index_cast %add3A_143 : i32 to index
        %get3A_221 = arith.index_cast %mul3A_219 : i32 to index
        %get3A_222 = tpu.vector_load %arg6[%get3A_220, %get3A_221] {strides = array<i32>} : memref<64x1024xi32, #tpu.memory_space<vmem>>, vector<16xi32>,
        tpu.vector_store_idx %arg8[%get3A_222], %broadcast_in_dim3A_5 {add = true} : memref<8192xf32, #tpu.memory_space<vmem>>[vector<16xi32>], vector<16xf32>,
        %mul3A_223 = arith.constant 8 : i32
        %mul3A_224 = arith.muli %scan3A_205, %mul3A_223 : i32
        %add3A_225 = arith.constant 2 : i32
        %add3A_226 = arith.addi %mul3A_224, %add3A_225 : i32
        %mul3A_227 = arith.constant 16 : i32
        %mul3A_228 = arith.muli %add3A_226, %mul3A_227 : i32
        %get3A_229 = arith.index_cast %add3A_143 : i32 to index
        %get3A_230 = arith.index_cast %mul3A_228 : i32 to index
        %get3A_231 = tpu.vector_load %arg6[%get3A_229, %get3A_230] {strides = array<i32>} : memref<64x1024xi32, #tpu.memory_space<vmem>>, vector<16xi32>,
        tpu.vector_store_idx %arg8[%get3A_231], %broadcast_in_dim3A_5 {add = true} : memref<8192xf32, #tpu.memory_space<vmem>>[vector<16xi32>], vector<16xf32>,
        %mul3A_232 = arith.constant 8 : i32
        %mul3A_233 = arith.muli %scan3A_205, %mul3A_232 : i32
        %add3A_234 = arith.constant 3 : i32
        %add3A_235 = arith.addi %mul3A_233, %add3A_234 : i32
        %mul3A_236 = arith.constant 16 : i32
        %mul3A_237 = arith.muli %add3A_235, %mul3A_236 : i32
        %get3A_238 = arith.index_cast %add3A_143 : i32 to index
        %get3A_239 = arith.index_cast %mul3A_237 : i32 to index
        %get3A_240 = tpu.vector_load %arg6[%get3A_238, %get3A_239] {strides = array<i32>} : memref<64x1024xi32, #tpu.memory_space<vmem>>, vector<16xi32>,
        tpu.vector_store_idx %arg8[%get3A_240], %broadcast_in_dim3A_5 {add = true} : memref<8192xf32, #tpu.memory_space<vmem>>[vector<16xi32>], vector<16xf32>,
        %mul3A_241 = arith.constant 8 : i32
        %mul3A_242 = arith.muli %scan3A_205, %mul3A_241 : i32
        %add3A_243 = arith.constant 4 : i32
        %add3A_244 = arith.addi %mul3A_242, %add3A_243 : i32
        %mul3A_245 = arith.constant 16 : i32
        %mul3A_246 = arith.muli %add3A_244, %mul3A_245 : i32
        %get3A_247 = arith.index_cast %add3A_143 : i32 to index
        %get3A_248 = arith.index_cast %mul3A_246 : i32 to index
        %get3A_249 = tpu.vector_load %arg6[%get3A_247, %get3A_248] {strides = array<i32>} : memref<64x1024xi32, #tpu.memory_space<vmem>>, vector<16xi32>,
        tpu.vector_store_idx %arg8[%get3A_249], %broadcast_in_dim3A_5 {add = true} : memref<8192xf32, #tpu.memory_space<vmem>>[vector<16xi32>], vector<16xf32>,
        %mul3A_250 = arith.constant 8 : i32
        %mul3A_251 = arith.muli %scan3A_205, %mul3A_250 : i32
        %add3A_252 = arith.constant 5 : i32
        %add3A_253 = arith.addi %mul3A_251, %add3A_252 : i32
        %mul3A_254 = arith.constant 16 : i32
        %mul3A_255 = arith.muli %add3A_253, %mul3A_254 : i32
        %get3A_256 = arith.index_cast %add3A_143 : i32 to index
        %get3A_257 = arith.index_cast %mul3A_255 : i32 to index
        %get3A_258 = tpu.vector_load %arg6[%get3A_256, %get3A_257] {strides = array<i32>} : memref<64x1024xi32, #tpu.memory_space<vmem>>, vector<16xi32>,
        tpu.vector_store_idx %arg8[%get3A_258], %broadcast_in_dim3A_5 {add = true} : memref<8192xf32, #tpu.memory_space<vmem>>[vector<16xi32>], vector<16xf32>,
        %mul3A_259 = arith.constant 8 : i32
        %mul3A_260 = arith.muli %scan3A_205, %mul3A_259 : i32
        %add3A_261 = arith.constant 6 : i32
        %add3A_262 = arith.addi %mul3A_260, %add3A_261 : i32
        %mul3A_263 = arith.constant 16 : i32
        %mul3A_264 = arith.muli %add3A_262, %mul3A_263 : i32
        %get3A_265 = arith.index_cast %add3A_143 : i32 to index
        %get3A_266 = arith.index_cast %mul3A_264 : i32 to index
        %get3A_267 = tpu.vector_load %arg6[%get3A_265, %get3A_266] {strides = array<i32>} : memref<64x1024xi32, #tpu.memory_space<vmem>>, vector<16xi32>,
        tpu.vector_store_idx %arg8[%get3A_267], %broadcast_in_dim3A_5 {add = true} : memref<8192xf32, #tpu.memory_space<vmem>>[vector<16xi32>], vector<16xf32>,
        %mul3A_268 = arith.constant 8 : i32
        %mul3A_269 = arith.muli %scan3A_205, %mul3A_268 : i32
        %add3A_270 = arith.constant 7 : i32
        %add3A_271 = arith.addi %mul3A_269, %add3A_270 : i32
        %mul3A_272 = arith.constant 16 : i32
        %mul3A_273 = arith.muli %add3A_271, %mul3A_272 : i32
        %get3A_274 = arith.index_cast %add3A_143 : i32 to index
        %get3A_275 = arith.index_cast %mul3A_273 : i32 to index
        %get3A_276 = tpu.vector_load %arg6[%get3A_274, %get3A_275] {strides = array<i32>} : memref<64x1024xi32, #tpu.memory_space<vmem>>, vector<16xi32>,
        tpu.vector_store_idx %arg8[%get3A_276], %broadcast_in_dim3A_5 {add = true} : memref<8192xf32, #tpu.memory_space<vmem>>[vector<16xi32>], vector<16xf32>,
      }
      %scan3A_149 = arith.constant 8 : i32
      %add3A_150 = arith.addi %mul3A_2, %add3A_136 : i32
      %dma_start3A_151 = arith.constant 0 : i32
      %dma_start3A_152 = tpu.memref_slice %arg4[%add3A_150, %dma_start3A_151] : memref<1024x8192xf32, #tpu.memory_space<hbm>> -> memref<1x8192xf32, #tpu.memory_space<hbm>>
      %dma_start3A_153 = tpu.memref_squeeze %dma_start3A_152 : memref<1x8192xf32, #tpu.memory_space<hbm>> -> memref<8192xf32, #tpu.memory_space<hbm>>
      %dma_start3A_154 = arith.constant 0 : i32
      %dma_start3A_155 = tpu.memref_slice %arg4[%add3A_150, %dma_start3A_154] : memref<1024x8192xf32, #tpu.memory_space<hbm>> -> memref<1x8192xf32, #tpu.memory_space<hbm>>
      %dma_start3A_156 = tpu.memref_squeeze %dma_start3A_155 : memref<1x8192xf32, #tpu.memory_space<hbm>> -> memref<8192xf32, #tpu.memory_space<hbm>>
      tpu.enqueue_dma source(%arg8 : memref<8192xf32, #tpu.memory_space<vmem>>) target(%dma_start3A_156 : memref<8192xf32, #tpu.memory_space<hbm>>) target_semaphore(%arg12 : memref<!tpu.dma_semaphore, #tpu.memory_space<semaphore_mem>>)
      %mul3A_157 = arith.constant 4 : i32
      %mul3A_158 = arith.muli %scan3A_112, %mul3A_157 : i32
      %add3A_159 = arith.constant 2 : i32
      %add3A_160 = arith.addi %mul3A_158, %add3A_159 : i32
      %gt3A_161 = arith.constant 0 : i32
      %gt3A_162 = arith.cmpi sgt, %scan3A_112, %gt3A_161 : i32
      %convert_element_type3A_163 = arith.extui %gt3A_162 : i1 to i32
      %cond3A_164 = arith.constant 0 : i32
      %cond3A_165 = arith.cmpi ne, %convert_element_type3A_163, %cond3A_164 : i32
      scf.if %cond3A_165 {
        %add3A_205 = arith.addi %mul3A_2, %add3A_160 : i32
        %sub3A = arith.constant 4 : i32
        %sub3A_206 = arith.subi %add3A_205, %sub3A : i32
        %dma_wait3A_207 = arith.constant 0 : i32
        %dma_wait3A_208 = tpu.memref_slice %arg4[%sub3A_206, %dma_wait3A_207] : memref<1024x8192xf32, #tpu.memory_space<hbm>> -> memref<1x8192xf32, #tpu.memory_space<hbm>>
        %dma_wait3A_209 = tpu.memref_squeeze %dma_wait3A_208 : memref<1x8192xf32, #tpu.memory_space<hbm>> -> memref<8192xf32, #tpu.memory_space<hbm>>
        %dma_wait3A_210 = arith.constant 0 : i32
        %dma_wait3A_211 = tpu.memref_slice %arg4[%sub3A_206, %dma_wait3A_210] : memref<1024x8192xf32, #tpu.memory_space<hbm>> -> memref<1x8192xf32, #tpu.memory_space<hbm>>
        %dma_wait3A_212 = tpu.memref_squeeze %dma_wait3A_211 : memref<1x8192xf32, #tpu.memory_space<hbm>> -> memref<8192xf32, #tpu.memory_space<hbm>>
        tpu.wait_dma2 semaphore(%arg13 : memref<!tpu.dma_semaphore, #tpu.memory_space<semaphore_mem>>) src(%arg9 : memref<8192xf32, #tpu.memory_space<vmem>>) dst(%dma_wait3A_212 : memref<8192xf32, #tpu.memory_space<hbm>>)
        %add3A_213 = arith.constant 0 : i32
        %add3A_214 = arith.addi %add3A_213, %add3A_160 : i32
        %sub3A_215 = arith.constant 4 : i32
        %sub3A_216 = arith.subi %add3A_214, %sub3A_215 : i32
        %scan3A_217 = arith.constant 0 : i32
        %scan3A_218 = arith.constant 0 : i32
        %scan3A_219 = arith.constant 8 : i32
        %scan3A_220 = arith.addi %scan3A_218, %scan3A_219 : i32
        %scan3A_221 = arith.constant 1 : i32
        scf.for %scan3A_223 = %scan3A_218 to %scan3A_220 step %scan3A_221  : i32 {
          %mul3A_224 = arith.constant 8 : i32
          %mul3A_225 = arith.muli %scan3A_223, %mul3A_224 : i32
          %add3A_226 = arith.constant 0 : i32
          %add3A_227 = arith.addi %mul3A_225, %add3A_226 : i32
          %mul3A_228 = arith.constant 16 : i32
          %mul3A_229 = arith.muli %add3A_227, %mul3A_228 : i32
          %get3A = arith.index_cast %sub3A_216 : i32 to index
          %get3A_230 = arith.index_cast %mul3A_229 : i32 to index
          %get3A_231 = tpu.vector_load %arg6[%get3A, %get3A_230] {strides = array<i32>} : memref<64x1024xi32, #tpu.memory_space<vmem>>, vector<16xi32>,
          tpu.vector_store_idx %arg9[%get3A_231], %neg3A_7 {add = true} : memref<8192xf32, #tpu.memory_space<vmem>>[vector<16xi32>], vector<16xf32>,
          %mul3A_232 = arith.constant 8 : i32
          %mul3A_233 = arith.muli %scan3A_223, %mul3A_232 : i32
          %add3A_234 = arith.constant 1 : i32
          %add3A_235 = arith.addi %mul3A_233, %add3A_234 : i32
          %mul3A_236 = arith.constant 16 : i32
          %mul3A_237 = arith.muli %add3A_235, %mul3A_236 : i32
          %get3A_238 = arith.index_cast %sub3A_216 : i32 to index
          %get3A_239 = arith.index_cast %mul3A_237 : i32 to index
          %get3A_240 = tpu.vector_load %arg6[%get3A_238, %get3A_239] {strides = array<i32>} : memref<64x1024xi32, #tpu.memory_space<vmem>>, vector<16xi32>,
          tpu.vector_store_idx %arg9[%get3A_240], %neg3A_7 {add = true} : memref<8192xf32, #tpu.memory_space<vmem>>[vector<16xi32>], vector<16xf32>,
          %mul3A_241 = arith.constant 8 : i32
          %mul3A_242 = arith.muli %scan3A_223, %mul3A_241 : i32
          %add3A_243 = arith.constant 2 : i32
          %add3A_244 = arith.addi %mul3A_242, %add3A_243 : i32
          %mul3A_245 = arith.constant 16 : i32
          %mul3A_246 = arith.muli %add3A_244, %mul3A_245 : i32
          %get3A_247 = arith.index_cast %sub3A_216 : i32 to index
          %get3A_248 = arith.index_cast %mul3A_246 : i32 to index
          %get3A_249 = tpu.vector_load %arg6[%get3A_247, %get3A_248] {strides = array<i32>} : memref<64x1024xi32, #tpu.memory_space<vmem>>, vector<16xi32>,
          tpu.vector_store_idx %arg9[%get3A_249], %neg3A_7 {add = true} : memref<8192xf32, #tpu.memory_space<vmem>>[vector<16xi32>], vector<16xf32>,
          %mul3A_250 = arith.constant 8 : i32
          %mul3A_251 = arith.muli %scan3A_223, %mul3A_250 : i32
          %add3A_252 = arith.constant 3 : i32
          %add3A_253 = arith.addi %mul3A_251, %add3A_252 : i32
          %mul3A_254 = arith.constant 16 : i32
          %mul3A_255 = arith.muli %add3A_253, %mul3A_254 : i32
          %get3A_256 = arith.index_cast %sub3A_216 : i32 to index
          %get3A_257 = arith.index_cast %mul3A_255 : i32 to index
          %get3A_258 = tpu.vector_load %arg6[%get3A_256, %get3A_257] {strides = array<i32>} : memref<64x1024xi32, #tpu.memory_space<vmem>>, vector<16xi32>,
          tpu.vector_store_idx %arg9[%get3A_258], %neg3A_7 {add = true} : memref<8192xf32, #tpu.memory_space<vmem>>[vector<16xi32>], vector<16xf32>,
          %mul3A_259 = arith.constant 8 : i32
          %mul3A_260 = arith.muli %scan3A_223, %mul3A_259 : i32
          %add3A_261 = arith.constant 4 : i32
          %add3A_262 = arith.addi %mul3A_260, %add3A_261 : i32
          %mul3A_263 = arith.constant 16 : i32
          %mul3A_264 = arith.muli %add3A_262, %mul3A_263 : i32
          %get3A_265 = arith.index_cast %sub3A_216 : i32 to index
          %get3A_266 = arith.index_cast %mul3A_264 : i32 to index
          %get3A_267 = tpu.vector_load %arg6[%get3A_265, %get3A_266] {strides = array<i32>} : memref<64x1024xi32, #tpu.memory_space<vmem>>, vector<16xi32>,
          tpu.vector_store_idx %arg9[%get3A_267], %neg3A_7 {add = true} : memref<8192xf32, #tpu.memory_space<vmem>>[vector<16xi32>], vector<16xf32>,
          %mul3A_268 = arith.constant 8 : i32
          %mul3A_269 = arith.muli %scan3A_223, %mul3A_268 : i32
          %add3A_270 = arith.constant 5 : i32
          %add3A_271 = arith.addi %mul3A_269, %add3A_270 : i32
          %mul3A_272 = arith.constant 16 : i32
          %mul3A_273 = arith.muli %add3A_271, %mul3A_272 : i32
          %get3A_274 = arith.index_cast %sub3A_216 : i32 to index
          %get3A_275 = arith.index_cast %mul3A_273 : i32 to index
          %get3A_276 = tpu.vector_load %arg6[%get3A_274, %get3A_275] {strides = array<i32>} : memref<64x1024xi32, #tpu.memory_space<vmem>>, vector<16xi32>,
          tpu.vector_store_idx %arg9[%get3A_276], %neg3A_7 {add = true} : memref<8192xf32, #tpu.memory_space<vmem>>[vector<16xi32>], vector<16xf32>,
          %mul3A_277 = arith.constant 8 : i32
          %mul3A_278 = arith.muli %scan3A_223, %mul3A_277 : i32
          %add3A_279 = arith.constant 6 : i32
          %add3A_280 = arith.addi %mul3A_278, %add3A_279 : i32
          %mul3A_281 = arith.constant 16 : i32
          %mul3A_282 = arith.muli %add3A_280, %mul3A_281 : i32
          %get3A_283 = arith.index_cast %sub3A_216 : i32 to index
          %get3A_284 = arith.index_cast %mul3A_282 : i32 to index
          %get3A_285 = tpu.vector_load %arg6[%get3A_283, %get3A_284] {strides = array<i32>} : memref<64x1024xi32, #tpu.memory_space<vmem>>, vector<16xi32>,
          tpu.vector_store_idx %arg9[%get3A_285], %neg3A_7 {add = true} : memref<8192xf32, #tpu.memory_space<vmem>>[vector<16xi32>], vector<16xf32>,
          %mul3A_286 = arith.constant 8 : i32
          %mul3A_287 = arith.muli %scan3A_223, %mul3A_286 : i32
          %add3A_288 = arith.constant 7 : i32
          %add3A_289 = arith.addi %mul3A_287, %add3A_288 : i32
          %mul3A_290 = arith.constant 16 : i32
          %mul3A_291 = arith.muli %add3A_289, %mul3A_290 : i32
          %get3A_292 = arith.index_cast %sub3A_216 : i32 to index
          %get3A_293 = arith.index_cast %mul3A_291 : i32 to index
          %get3A_294 = tpu.vector_load %arg6[%get3A_292, %get3A_293] {strides = array<i32>} : memref<64x1024xi32, #tpu.memory_space<vmem>>, vector<16xi32>,
          tpu.vector_store_idx %arg9[%get3A_294], %neg3A_7 {add = true} : memref<8192xf32, #tpu.memory_space<vmem>>[vector<16xi32>], vector<16xf32>,
        }
        %scan3A_222 = arith.constant 8 : i32
      } else {
      }
      %add3A_166 = arith.constant 0 : i32
      %add3A_167 = arith.addi %add3A_166, %add3A_160 : i32
      %scan3A_168 = arith.constant 0 : i32
      %scan3A_169 = arith.constant 0 : i32
      %scan3A_170 = arith.constant 8 : i32
      %scan3A_171 = arith.addi %scan3A_169, %scan3A_170 : i32
      %scan3A_172 = arith.constant 1 : i32
      scf.for %scan3A_205 = %scan3A_169 to %scan3A_171 step %scan3A_172  : i32 {
        %mul3A_206 = arith.constant 8 : i32
        %mul3A_207 = arith.muli %scan3A_205, %mul3A_206 : i32
        %add3A_208 = arith.constant 0 : i32
        %add3A_209 = arith.addi %mul3A_207, %add3A_208 : i32
        %mul3A_210 = arith.constant 16 : i32
        %mul3A_211 = arith.muli %add3A_209, %mul3A_210 : i32
        %get3A = arith.index_cast %add3A_167 : i32 to index
        %get3A_212 = arith.index_cast %mul3A_211 : i32 to index
        %get3A_213 = tpu.vector_load %arg6[%get3A, %get3A_212] {strides = array<i32>} : memref<64x1024xi32, #tpu.memory_space<vmem>>, vector<16xi32>,
        tpu.vector_store_idx %arg9[%get3A_213], %broadcast_in_dim3A_5 {add = true} : memref<8192xf32, #tpu.memory_space<vmem>>[vector<16xi32>], vector<16xf32>,
        %mul3A_214 = arith.constant 8 : i32
        %mul3A_215 = arith.muli %scan3A_205, %mul3A_214 : i32
        %add3A_216 = arith.constant 1 : i32
        %add3A_217 = arith.addi %mul3A_215, %add3A_216 : i32
        %mul3A_218 = arith.constant 16 : i32
        %mul3A_219 = arith.muli %add3A_217, %mul3A_218 : i32
        %get3A_220 = arith.index_cast %add3A_167 : i32 to index
        %get3A_221 = arith.index_cast %mul3A_219 : i32 to index
        %get3A_222 = tpu.vector_load %arg6[%get3A_220, %get3A_221] {strides = array<i32>} : memref<64x1024xi32, #tpu.memory_space<vmem>>, vector<16xi32>,
        tpu.vector_store_idx %arg9[%get3A_222], %broadcast_in_dim3A_5 {add = true} : memref<8192xf32, #tpu.memory_space<vmem>>[vector<16xi32>], vector<16xf32>,
        %mul3A_223 = arith.constant 8 : i32
        %mul3A_224 = arith.muli %scan3A_205, %mul3A_223 : i32
        %add3A_225 = arith.constant 2 : i32
        %add3A_226 = arith.addi %mul3A_224, %add3A_225 : i32
        %mul3A_227 = arith.constant 16 : i32
        %mul3A_228 = arith.muli %add3A_226, %mul3A_227 : i32
        %get3A_229 = arith.index_cast %add3A_167 : i32 to index
        %get3A_230 = arith.index_cast %mul3A_228 : i32 to index
        %get3A_231 = tpu.vector_load %arg6[%get3A_229, %get3A_230] {strides = array<i32>} : memref<64x1024xi32, #tpu.memory_space<vmem>>, vector<16xi32>,
        tpu.vector_store_idx %arg9[%get3A_231], %broadcast_in_dim3A_5 {add = true} : memref<8192xf32, #tpu.memory_space<vmem>>[vector<16xi32>], vector<16xf32>,
        %mul3A_232 = arith.constant 8 : i32
        %mul3A_233 = arith.muli %scan3A_205, %mul3A_232 : i32
        %add3A_234 = arith.constant 3 : i32
        %add3A_235 = arith.addi %mul3A_233, %add3A_234 : i32
        %mul3A_236 = arith.constant 16 : i32
        %mul3A_237 = arith.muli %add3A_235, %mul3A_236 : i32
        %get3A_238 = arith.index_cast %add3A_167 : i32 to index
        %get3A_239 = arith.index_cast %mul3A_237 : i32 to index
        %get3A_240 = tpu.vector_load %arg6[%get3A_238, %get3A_239] {strides = array<i32>} : memref<64x1024xi32, #tpu.memory_space<vmem>>, vector<16xi32>,
        tpu.vector_store_idx %arg9[%get3A_240], %broadcast_in_dim3A_5 {add = true} : memref<8192xf32, #tpu.memory_space<vmem>>[vector<16xi32>], vector<16xf32>,
        %mul3A_241 = arith.constant 8 : i32
        %mul3A_242 = arith.muli %scan3A_205, %mul3A_241 : i32
        %add3A_243 = arith.constant 4 : i32
        %add3A_244 = arith.addi %mul3A_242, %add3A_243 : i32
        %mul3A_245 = arith.constant 16 : i32
        %mul3A_246 = arith.muli %add3A_244, %mul3A_245 : i32
        %get3A_247 = arith.index_cast %add3A_167 : i32 to index
        %get3A_248 = arith.index_cast %mul3A_246 : i32 to index
        %get3A_249 = tpu.vector_load %arg6[%get3A_247, %get3A_248] {strides = array<i32>} : memref<64x1024xi32, #tpu.memory_space<vmem>>, vector<16xi32>,
        tpu.vector_store_idx %arg9[%get3A_249], %broadcast_in_dim3A_5 {add = true} : memref<8192xf32, #tpu.memory_space<vmem>>[vector<16xi32>], vector<16xf32>,
        %mul3A_250 = arith.constant 8 : i32
        %mul3A_251 = arith.muli %scan3A_205, %mul3A_250 : i32
        %add3A_252 = arith.constant 5 : i32
        %add3A_253 = arith.addi %mul3A_251, %add3A_252 : i32
        %mul3A_254 = arith.constant 16 : i32
        %mul3A_255 = arith.muli %add3A_253, %mul3A_254 : i32
        %get3A_256 = arith.index_cast %add3A_167 : i32 to index
        %get3A_257 = arith.index_cast %mul3A_255 : i32 to index
        %get3A_258 = tpu.vector_load %arg6[%get3A_256, %get3A_257] {strides = array<i32>} : memref<64x1024xi32, #tpu.memory_space<vmem>>, vector<16xi32>,
        tpu.vector_store_idx %arg9[%get3A_258], %broadcast_in_dim3A_5 {add = true} : memref<8192xf32, #tpu.memory_space<vmem>>[vector<16xi32>], vector<16xf32>,
        %mul3A_259 = arith.constant 8 : i32
        %mul3A_260 = arith.muli %scan3A_205, %mul3A_259 : i32
        %add3A_261 = arith.constant 6 : i32
        %add3A_262 = arith.addi %mul3A_260, %add3A_261 : i32
        %mul3A_263 = arith.constant 16 : i32
        %mul3A_264 = arith.muli %add3A_262, %mul3A_263 : i32
        %get3A_265 = arith.index_cast %add3A_167 : i32 to index
        %get3A_266 = arith.index_cast %mul3A_264 : i32 to index
        %get3A_267 = tpu.vector_load %arg6[%get3A_265, %get3A_266] {strides = array<i32>} : memref<64x1024xi32, #tpu.memory_space<vmem>>, vector<16xi32>,
        tpu.vector_store_idx %arg9[%get3A_267], %broadcast_in_dim3A_5 {add = true} : memref<8192xf32, #tpu.memory_space<vmem>>[vector<16xi32>], vector<16xf32>,
        %mul3A_268 = arith.constant 8 : i32
        %mul3A_269 = arith.muli %scan3A_205, %mul3A_268 : i32
        %add3A_270 = arith.constant 7 : i32
        %add3A_271 = arith.addi %mul3A_269, %add3A_270 : i32
        %mul3A_272 = arith.constant 16 : i32
        %mul3A_273 = arith.muli %add3A_271, %mul3A_272 : i32
        %get3A_274 = arith.index_cast %add3A_167 : i32 to index
        %get3A_275 = arith.index_cast %mul3A_273 : i32 to index
        %get3A_276 = tpu.vector_load %arg6[%get3A_274, %get3A_275] {strides = array<i32>} : memref<64x1024xi32, #tpu.memory_space<vmem>>, vector<16xi32>,
        tpu.vector_store_idx %arg9[%get3A_276], %broadcast_in_dim3A_5 {add = true} : memref<8192xf32, #tpu.memory_space<vmem>>[vector<16xi32>], vector<16xf32>,
      }
      %scan3A_173 = arith.constant 8 : i32
      %add3A_174 = arith.addi %mul3A_2, %add3A_160 : i32
      %dma_start3A_175 = arith.constant 0 : i32
      %dma_start3A_176 = tpu.memref_slice %arg4[%add3A_174, %dma_start3A_175] : memref<1024x8192xf32, #tpu.memory_space<hbm>> -> memref<1x8192xf32, #tpu.memory_space<hbm>>
      %dma_start3A_177 = tpu.memref_squeeze %dma_start3A_176 : memref<1x8192xf32, #tpu.memory_space<hbm>> -> memref<8192xf32, #tpu.memory_space<hbm>>
      %dma_start3A_178 = arith.constant 0 : i32
      %dma_start3A_179 = tpu.memref_slice %arg4[%add3A_174, %dma_start3A_178] : memref<1024x8192xf32, #tpu.memory_space<hbm>> -> memref<1x8192xf32, #tpu.memory_space<hbm>>
      %dma_start3A_180 = tpu.memref_squeeze %dma_start3A_179 : memref<1x8192xf32, #tpu.memory_space<hbm>> -> memref<8192xf32, #tpu.memory_space<hbm>>
      tpu.enqueue_dma source(%arg9 : memref<8192xf32, #tpu.memory_space<vmem>>) target(%dma_start3A_180 : memref<8192xf32, #tpu.memory_space<hbm>>) target_semaphore(%arg13 : memref<!tpu.dma_semaphore, #tpu.memory_space<semaphore_mem>>)
      %mul3A_181 = arith.constant 4 : i32
      %mul3A_182 = arith.muli %scan3A_112, %mul3A_181 : i32
      %add3A_183 = arith.constant 3 : i32
      %add3A_184 = arith.addi %mul3A_182, %add3A_183 : i32
      %gt3A_185 = arith.constant 0 : i32
      %gt3A_186 = arith.cmpi sgt, %scan3A_112, %gt3A_185 : i32
      %convert_element_type3A_187 = arith.extui %gt3A_186 : i1 to i32
      %cond3A_188 = arith.constant 0 : i32
      %cond3A_189 = arith.cmpi ne, %convert_element_type3A_187, %cond3A_188 : i32
      scf.if %cond3A_189 {
        %add3A_205 = arith.addi %mul3A_2, %add3A_184 : i32
        %sub3A = arith.constant 4 : i32
        %sub3A_206 = arith.subi %add3A_205, %sub3A : i32
        %dma_wait3A_207 = arith.constant 0 : i32
        %dma_wait3A_208 = tpu.memref_slice %arg4[%sub3A_206, %dma_wait3A_207] : memref<1024x8192xf32, #tpu.memory_space<hbm>> -> memref<1x8192xf32, #tpu.memory_space<hbm>>
        %dma_wait3A_209 = tpu.memref_squeeze %dma_wait3A_208 : memref<1x8192xf32, #tpu.memory_space<hbm>> -> memref<8192xf32, #tpu.memory_space<hbm>>
        %dma_wait3A_210 = arith.constant 0 : i32
        %dma_wait3A_211 = tpu.memref_slice %arg4[%sub3A_206, %dma_wait3A_210] : memref<1024x8192xf32, #tpu.memory_space<hbm>> -> memref<1x8192xf32, #tpu.memory_space<hbm>>
        %dma_wait3A_212 = tpu.memref_squeeze %dma_wait3A_211 : memref<1x8192xf32, #tpu.memory_space<hbm>> -> memref<8192xf32, #tpu.memory_space<hbm>>
        tpu.wait_dma2 semaphore(%arg14 : memref<!tpu.dma_semaphore, #tpu.memory_space<semaphore_mem>>) src(%arg10 : memref<8192xf32, #tpu.memory_space<vmem>>) dst(%dma_wait3A_212 : memref<8192xf32, #tpu.memory_space<hbm>>)
        %add3A_213 = arith.constant 0 : i32
        %add3A_214 = arith.addi %add3A_213, %add3A_184 : i32
        %sub3A_215 = arith.constant 4 : i32
        %sub3A_216 = arith.subi %add3A_214, %sub3A_215 : i32
        %scan3A_217 = arith.constant 0 : i32
        %scan3A_218 = arith.constant 0 : i32
        %scan3A_219 = arith.constant 8 : i32
        %scan3A_220 = arith.addi %scan3A_218, %scan3A_219 : i32
        %scan3A_221 = arith.constant 1 : i32
        scf.for %scan3A_223 = %scan3A_218 to %scan3A_220 step %scan3A_221  : i32 {
          %mul3A_224 = arith.constant 8 : i32
          %mul3A_225 = arith.muli %scan3A_223, %mul3A_224 : i32
          %add3A_226 = arith.constant 0 : i32
          %add3A_227 = arith.addi %mul3A_225, %add3A_226 : i32
          %mul3A_228 = arith.constant 16 : i32
          %mul3A_229 = arith.muli %add3A_227, %mul3A_228 : i32
          %get3A = arith.index_cast %sub3A_216 : i32 to index
          %get3A_230 = arith.index_cast %mul3A_229 : i32 to index
          %get3A_231 = tpu.vector_load %arg6[%get3A, %get3A_230] {strides = array<i32>} : memref<64x1024xi32, #tpu.memory_space<vmem>>, vector<16xi32>,
          tpu.vector_store_idx %arg10[%get3A_231], %neg3A_7 {add = true} : memref<8192xf32, #tpu.memory_space<vmem>>[vector<16xi32>], vector<16xf32>,
          %mul3A_232 = arith.constant 8 : i32
          %mul3A_233 = arith.muli %scan3A_223, %mul3A_232 : i32
          %add3A_234 = arith.constant 1 : i32
          %add3A_235 = arith.addi %mul3A_233, %add3A_234 : i32
          %mul3A_236 = arith.constant 16 : i32
          %mul3A_237 = arith.muli %add3A_235, %mul3A_236 : i32
          %get3A_238 = arith.index_cast %sub3A_216 : i32 to index
          %get3A_239 = arith.index_cast %mul3A_237 : i32 to index
          %get3A_240 = tpu.vector_load %arg6[%get3A_238, %get3A_239] {strides = array<i32>} : memref<64x1024xi32, #tpu.memory_space<vmem>>, vector<16xi32>,
          tpu.vector_store_idx %arg10[%get3A_240], %neg3A_7 {add = true} : memref<8192xf32, #tpu.memory_space<vmem>>[vector<16xi32>], vector<16xf32>,
          %mul3A_241 = arith.constant 8 : i32
          %mul3A_242 = arith.muli %scan3A_223, %mul3A_241 : i32
          %add3A_243 = arith.constant 2 : i32
          %add3A_244 = arith.addi %mul3A_242, %add3A_243 : i32
          %mul3A_245 = arith.constant 16 : i32
          %mul3A_246 = arith.muli %add3A_244, %mul3A_245 : i32
          %get3A_247 = arith.index_cast %sub3A_216 : i32 to index
          %get3A_248 = arith.index_cast %mul3A_246 : i32 to index
          %get3A_249 = tpu.vector_load %arg6[%get3A_247, %get3A_248] {strides = array<i32>} : memref<64x1024xi32, #tpu.memory_space<vmem>>, vector<16xi32>,
          tpu.vector_store_idx %arg10[%get3A_249], %neg3A_7 {add = true} : memref<8192xf32, #tpu.memory_space<vmem>>[vector<16xi32>], vector<16xf32>,
          %mul3A_250 = arith.constant 8 : i32
          %mul3A_251 = arith.muli %scan3A_223, %mul3A_250 : i32
          %add3A_252 = arith.constant 3 : i32
          %add3A_253 = arith.addi %mul3A_251, %add3A_252 : i32
          %mul3A_254 = arith.constant 16 : i32
          %mul3A_255 = arith.muli %add3A_253, %mul3A_254 : i32
          %get3A_256 = arith.index_cast %sub3A_216 : i32 to index
          %get3A_257 = arith.index_cast %mul3A_255 : i32 to index
          %get3A_258 = tpu.vector_load %arg6[%get3A_256, %get3A_257] {strides = array<i32>} : memref<64x1024xi32, #tpu.memory_space<vmem>>, vector<16xi32>,
          tpu.vector_store_idx %arg10[%get3A_258], %neg3A_7 {add = true} : memref<8192xf32, #tpu.memory_space<vmem>>[vector<16xi32>], vector<16xf32>,
          %mul3A_259 = arith.constant 8 : i32
          %mul3A_260 = arith.muli %scan3A_223, %mul3A_259 : i32
          %add3A_261 = arith.constant 4 : i32
          %add3A_262 = arith.addi %mul3A_260, %add3A_261 : i32
          %mul3A_263 = arith.constant 16 : i32
          %mul3A_264 = arith.muli %add3A_262, %mul3A_263 : i32
          %get3A_265 = arith.index_cast %sub3A_216 : i32 to index
          %get3A_266 = arith.index_cast %mul3A_264 : i32 to index
          %get3A_267 = tpu.vector_load %arg6[%get3A_265, %get3A_266] {strides = array<i32>} : memref<64x1024xi32, #tpu.memory_space<vmem>>, vector<16xi32>,
          tpu.vector_store_idx %arg10[%get3A_267], %neg3A_7 {add = true} : memref<8192xf32, #tpu.memory_space<vmem>>[vector<16xi32>], vector<16xf32>,
          %mul3A_268 = arith.constant 8 : i32
          %mul3A_269 = arith.muli %scan3A_223, %mul3A_268 : i32
          %add3A_270 = arith.constant 5 : i32
          %add3A_271 = arith.addi %mul3A_269, %add3A_270 : i32
          %mul3A_272 = arith.constant 16 : i32
          %mul3A_273 = arith.muli %add3A_271, %mul3A_272 : i32
          %get3A_274 = arith.index_cast %sub3A_216 : i32 to index
          %get3A_275 = arith.index_cast %mul3A_273 : i32 to index
          %get3A_276 = tpu.vector_load %arg6[%get3A_274, %get3A_275] {strides = array<i32>} : memref<64x1024xi32, #tpu.memory_space<vmem>>, vector<16xi32>,
          tpu.vector_store_idx %arg10[%get3A_276], %neg3A_7 {add = true} : memref<8192xf32, #tpu.memory_space<vmem>>[vector<16xi32>], vector<16xf32>,
          %mul3A_277 = arith.constant 8 : i32
          %mul3A_278 = arith.muli %scan3A_223, %mul3A_277 : i32
          %add3A_279 = arith.constant 6 : i32
          %add3A_280 = arith.addi %mul3A_278, %add3A_279 : i32
          %mul3A_281 = arith.constant 16 : i32
          %mul3A_282 = arith.muli %add3A_280, %mul3A_281 : i32
          %get3A_283 = arith.index_cast %sub3A_216 : i32 to index
          %get3A_284 = arith.index_cast %mul3A_282 : i32 to index
          %get3A_285 = tpu.vector_load %arg6[%get3A_283, %get3A_284] {strides = array<i32>} : memref<64x1024xi32, #tpu.memory_space<vmem>>, vector<16xi32>,
          tpu.vector_store_idx %arg10[%get3A_285], %neg3A_7 {add = true} : memref<8192xf32, #tpu.memory_space<vmem>>[vector<16xi32>], vector<16xf32>,
          %mul3A_286 = arith.constant 8 : i32
          %mul3A_287 = arith.muli %scan3A_223, %mul3A_286 : i32
          %add3A_288 = arith.constant 7 : i32
          %add3A_289 = arith.addi %mul3A_287, %add3A_288 : i32
          %mul3A_290 = arith.constant 16 : i32
          %mul3A_291 = arith.muli %add3A_289, %mul3A_290 : i32
          %get3A_292 = arith.index_cast %sub3A_216 : i32 to index
          %get3A_293 = arith.index_cast %mul3A_291 : i32 to index
          %get3A_294 = tpu.vector_load %arg6[%get3A_292, %get3A_293] {strides = array<i32>} : memref<64x1024xi32, #tpu.memory_space<vmem>>, vector<16xi32>,
          tpu.vector_store_idx %arg10[%get3A_294], %neg3A_7 {add = true} : memref<8192xf32, #tpu.memory_space<vmem>>[vector<16xi32>], vector<16xf32>,
        }
        %scan3A_222 = arith.constant 8 : i32
      } else {
      }
      %add3A_190 = arith.constant 0 : i32
      %add3A_191 = arith.addi %add3A_190, %add3A_184 : i32
      %scan3A_192 = arith.constant 0 : i32
      %scan3A_193 = arith.constant 0 : i32
      %scan3A_194 = arith.constant 8 : i32
      %scan3A_195 = arith.addi %scan3A_193, %scan3A_194 : i32
      %scan3A_196 = arith.constant 1 : i32
      scf.for %scan3A_205 = %scan3A_193 to %scan3A_195 step %scan3A_196  : i32 {
        %mul3A_206 = arith.constant 8 : i32
        %mul3A_207 = arith.muli %scan3A_205, %mul3A_206 : i32
        %add3A_208 = arith.constant 0 : i32
        %add3A_209 = arith.addi %mul3A_207, %add3A_208 : i32
        %mul3A_210 = arith.constant 16 : i32
        %mul3A_211 = arith.muli %add3A_209, %mul3A_210 : i32
        %get3A = arith.index_cast %add3A_191 : i32 to index
        %get3A_212 = arith.index_cast %mul3A_211 : i32 to index
        %get3A_213 = tpu.vector_load %arg6[%get3A, %get3A_212] {strides = array<i32>} : memref<64x1024xi32, #tpu.memory_space<vmem>>, vector<16xi32>,
        tpu.vector_store_idx %arg10[%get3A_213], %broadcast_in_dim3A_5 {add = true} : memref<8192xf32, #tpu.memory_space<vmem>>[vector<16xi32>], vector<16xf32>,
        %mul3A_214 = arith.constant 8 : i32
        %mul3A_215 = arith.muli %scan3A_205, %mul3A_214 : i32
        %add3A_216 = arith.constant 1 : i32
        %add3A_217 = arith.addi %mul3A_215, %add3A_216 : i32
        %mul3A_218 = arith.constant 16 : i32
        %mul3A_219 = arith.muli %add3A_217, %mul3A_218 : i32
        %get3A_220 = arith.index_cast %add3A_191 : i32 to index
        %get3A_221 = arith.index_cast %mul3A_219 : i32 to index
        %get3A_222 = tpu.vector_load %arg6[%get3A_220, %get3A_221] {strides = array<i32>} : memref<64x1024xi32, #tpu.memory_space<vmem>>, vector<16xi32>,
        tpu.vector_store_idx %arg10[%get3A_222], %broadcast_in_dim3A_5 {add = true} : memref<8192xf32, #tpu.memory_space<vmem>>[vector<16xi32>], vector<16xf32>,
        %mul3A_223 = arith.constant 8 : i32
        %mul3A_224 = arith.muli %scan3A_205, %mul3A_223 : i32
        %add3A_225 = arith.constant 2 : i32
        %add3A_226 = arith.addi %mul3A_224, %add3A_225 : i32
        %mul3A_227 = arith.constant 16 : i32
        %mul3A_228 = arith.muli %add3A_226, %mul3A_227 : i32
        %get3A_229 = arith.index_cast %add3A_191 : i32 to index
        %get3A_230 = arith.index_cast %mul3A_228 : i32 to index
        %get3A_231 = tpu.vector_load %arg6[%get3A_229, %get3A_230] {strides = array<i32>} : memref<64x1024xi32, #tpu.memory_space<vmem>>, vector<16xi32>,
        tpu.vector_store_idx %arg10[%get3A_231], %broadcast_in_dim3A_5 {add = true} : memref<8192xf32, #tpu.memory_space<vmem>>[vector<16xi32>], vector<16xf32>,
        %mul3A_232 = arith.constant 8 : i32
        %mul3A_233 = arith.muli %scan3A_205, %mul3A_232 : i32
        %add3A_234 = arith.constant 3 : i32
        %add3A_235 = arith.addi %mul3A_233, %add3A_234 : i32
        %mul3A_236 = arith.constant 16 : i32
        %mul3A_237 = arith.muli %add3A_235, %mul3A_236 : i32
        %get3A_238 = arith.index_cast %add3A_191 : i32 to index
        %get3A_239 = arith.index_cast %mul3A_237 : i32 to index
        %get3A_240 = tpu.vector_load %arg6[%get3A_238, %get3A_239] {strides = array<i32>} : memref<64x1024xi32, #tpu.memory_space<vmem>>, vector<16xi32>,
        tpu.vector_store_idx %arg10[%get3A_240], %broadcast_in_dim3A_5 {add = true} : memref<8192xf32, #tpu.memory_space<vmem>>[vector<16xi32>], vector<16xf32>,
        %mul3A_241 = arith.constant 8 : i32
        %mul3A_242 = arith.muli %scan3A_205, %mul3A_241 : i32
        %add3A_243 = arith.constant 4 : i32
        %add3A_244 = arith.addi %mul3A_242, %add3A_243 : i32
        %mul3A_245 = arith.constant 16 : i32
        %mul3A_246 = arith.muli %add3A_244, %mul3A_245 : i32
        %get3A_247 = arith.index_cast %add3A_191 : i32 to index
        %get3A_248 = arith.index_cast %mul3A_246 : i32 to index
        %get3A_249 = tpu.vector_load %arg6[%get3A_247, %get3A_248] {strides = array<i32>} : memref<64x1024xi32, #tpu.memory_space<vmem>>, vector<16xi32>,
        tpu.vector_store_idx %arg10[%get3A_249], %broadcast_in_dim3A_5 {add = true} : memref<8192xf32, #tpu.memory_space<vmem>>[vector<16xi32>], vector<16xf32>,
        %mul3A_250 = arith.constant 8 : i32
        %mul3A_251 = arith.muli %scan3A_205, %mul3A_250 : i32
        %add3A_252 = arith.constant 5 : i32
        %add3A_253 = arith.addi %mul3A_251, %add3A_252 : i32
        %mul3A_254 = arith.constant 16 : i32
        %mul3A_255 = arith.muli %add3A_253, %mul3A_254 : i32
        %get3A_256 = arith.index_cast %add3A_191 : i32 to index
        %get3A_257 = arith.index_cast %mul3A_255 : i32 to index
        %get3A_258 = tpu.vector_load %arg6[%get3A_256, %get3A_257] {strides = array<i32>} : memref<64x1024xi32, #tpu.memory_space<vmem>>, vector<16xi32>,
        tpu.vector_store_idx %arg10[%get3A_258], %broadcast_in_dim3A_5 {add = true} : memref<8192xf32, #tpu.memory_space<vmem>>[vector<16xi32>], vector<16xf32>,
        %mul3A_259 = arith.constant 8 : i32
        %mul3A_260 = arith.muli %scan3A_205, %mul3A_259 : i32
        %add3A_261 = arith.constant 6 : i32
        %add3A_262 = arith.addi %mul3A_260, %add3A_261 : i32
        %mul3A_263 = arith.constant 16 : i32
        %mul3A_264 = arith.muli %add3A_262, %mul3A_263 : i32
        %get3A_265 = arith.index_cast %add3A_191 : i32 to index
        %get3A_266 = arith.index_cast %mul3A_264 : i32 to index
        %get3A_267 = tpu.vector_load %arg6[%get3A_265, %get3A_266] {strides = array<i32>} : memref<64x1024xi32, #tpu.memory_space<vmem>>, vector<16xi32>,
        tpu.vector_store_idx %arg10[%get3A_267], %broadcast_in_dim3A_5 {add = true} : memref<8192xf32, #tpu.memory_space<vmem>>[vector<16xi32>], vector<16xf32>,
        %mul3A_268 = arith.constant 8 : i32
        %mul3A_269 = arith.muli %scan3A_205, %mul3A_268 : i32
        %add3A_270 = arith.constant 7 : i32
        %add3A_271 = arith.addi %mul3A_269, %add3A_270 : i32
        %mul3A_272 = arith.constant 16 : i32
        %mul3A_273 = arith.muli %add3A_271, %mul3A_272 : i32
        %get3A_274 = arith.index_cast %add3A_191 : i32 to index
        %get3A_275 = arith.index_cast %mul3A_273 : i32 to index
        %get3A_276 = tpu.vector_load %arg6[%get3A_274, %get3A_275] {strides = array<i32>} : memref<64x1024xi32, #tpu.memory_space<vmem>>, vector<16xi32>,
        tpu.vector_store_idx %arg10[%get3A_276], %broadcast_in_dim3A_5 {add = true} : memref<8192xf32, #tpu.memory_space<vmem>>[vector<16xi32>], vector<16xf32>,
      }
      %scan3A_197 = arith.constant 8 : i32
      %add3A_198 = arith.addi %mul3A_2, %add3A_184 : i32
      %dma_start3A_199 = arith.constant 0 : i32
      %dma_start3A_200 = tpu.memref_slice %arg4[%add3A_198, %dma_start3A_199] : memref<1024x8192xf32, #tpu.memory_space<hbm>> -> memref<1x8192xf32, #tpu.memory_space<hbm>>
      %dma_start3A_201 = tpu.memref_squeeze %dma_start3A_200 : memref<1x8192xf32, #tpu.memory_space<hbm>> -> memref<8192xf32, #tpu.memory_space<hbm>>
      %dma_start3A_202 = arith.constant 0 : i32
      %dma_start3A_203 = tpu.memref_slice %arg4[%add3A_198, %dma_start3A_202] : memref<1024x8192xf32, #tpu.memory_space<hbm>> -> memref<1x8192xf32, #tpu.memory_space<hbm>>
      %dma_start3A_204 = tpu.memref_squeeze %dma_start3A_203 : memref<1x8192xf32, #tpu.memory_space<hbm>> -> memref<8192xf32, #tpu.memory_space<hbm>>
      tpu.enqueue_dma source(%arg10 : memref<8192xf32, #tpu.memory_space<vmem>>) target(%dma_start3A_204 : memref<8192xf32, #tpu.memory_space<hbm>>) target_semaphore(%arg14 : memref<!tpu.dma_semaphore, #tpu.memory_space<semaphore_mem>>)
    }
    %scan3A_18 = arith.constant 8 : i32
    %add3A_19 = arith.constant 28 : i32
    %add3A_20 = arith.addi %mul3A_2, %add3A_19 : i32
    %dma_wait3A = arith.constant 0 : i32
    %dma_wait3A_21 = tpu.memref_slice %arg4[%add3A_20, %dma_wait3A] : memref<1024x8192xf32, #tpu.memory_space<hbm>> -> memref<1x8192xf32, #tpu.memory_space<hbm>>
    %dma_wait3A_22 = tpu.memref_squeeze %dma_wait3A_21 : memref<1x8192xf32, #tpu.memory_space<hbm>> -> memref<8192xf32, #tpu.memory_space<hbm>>
    %dma_wait3A_23 = arith.constant 0 : i32
    %dma_wait3A_24 = tpu.memref_slice %arg4[%add3A_20, %dma_wait3A_23] : memref<1024x8192xf32, #tpu.memory_space<hbm>> -> memref<1x8192xf32, #tpu.memory_space<hbm>>
    %dma_wait3A_25 = tpu.memref_squeeze %dma_wait3A_24 : memref<1x8192xf32, #tpu.memory_space<hbm>> -> memref<8192xf32, #tpu.memory_space<hbm>>
    tpu.wait_dma2 semaphore(%arg11 : memref<!tpu.dma_semaphore, #tpu.memory_space<semaphore_mem>>) src(%arg7 : memref<8192xf32, #tpu.memory_space<vmem>>) dst(%dma_wait3A_25 : memref<8192xf32, #tpu.memory_space<hbm>>)
    %scan3A_26 = arith.constant 0 : i32
    %scan3A_27 = arith.constant 0 : i32
    %scan3A_28 = arith.constant 8 : i32
    %scan3A_29 = arith.addi %scan3A_27, %scan3A_28 : i32
    %scan3A_30 = arith.constant 1 : i32
    scf.for %scan3A_112 = %scan3A_27 to %scan3A_29 step %scan3A_30  : i32 {
      %mul3A_113 = arith.constant 8 : i32
      %mul3A_114 = arith.muli %scan3A_112, %mul3A_113 : i32
      %add3A_115 = arith.constant 0 : i32
      %add3A_116 = arith.addi %mul3A_114, %add3A_115 : i32
      %mul3A_117 = arith.constant 16 : i32
      %mul3A_118 = arith.muli %add3A_116, %mul3A_117 : i32
      %get3A = arith.constant 28 : i32
      %get3A_119 = arith.index_cast %get3A : i32 to index
      %get3A_120 = arith.index_cast %mul3A_118 : i32 to index
      %get3A_121 = tpu.vector_load %arg6[%get3A_119, %get3A_120] {strides = array<i32>} : memref<64x1024xi32, #tpu.memory_space<vmem>>, vector<16xi32>,
      tpu.vector_store_idx %arg7[%get3A_121], %neg3A_7 {add = true} : memref<8192xf32, #tpu.memory_space<vmem>>[vector<16xi32>], vector<16xf32>,
      %mul3A_122 = arith.constant 8 : i32
      %mul3A_123 = arith.muli %scan3A_112, %mul3A_122 : i32
      %add3A_124 = arith.constant 1 : i32
      %add3A_125 = arith.addi %mul3A_123, %add3A_124 : i32
      %mul3A_126 = arith.constant 16 : i32
      %mul3A_127 = arith.muli %add3A_125, %mul3A_126 : i32
      %get3A_128 = arith.constant 28 : i32
      %get3A_129 = arith.index_cast %get3A_128 : i32 to index
      %get3A_130 = arith.index_cast %mul3A_127 : i32 to index
      %get3A_131 = tpu.vector_load %arg6[%get3A_129, %get3A_130] {strides = array<i32>} : memref<64x1024xi32, #tpu.memory_space<vmem>>, vector<16xi32>,
      tpu.vector_store_idx %arg7[%get3A_131], %neg3A_7 {add = true} : memref<8192xf32, #tpu.memory_space<vmem>>[vector<16xi32>], vector<16xf32>,
      %mul3A_132 = arith.constant 8 : i32
      %mul3A_133 = arith.muli %scan3A_112, %mul3A_132 : i32
      %add3A_134 = arith.constant 2 : i32
      %add3A_135 = arith.addi %mul3A_133, %add3A_134 : i32
      %mul3A_136 = arith.constant 16 : i32
      %mul3A_137 = arith.muli %add3A_135, %mul3A_136 : i32
      %get3A_138 = arith.constant 28 : i32
      %get3A_139 = arith.index_cast %get3A_138 : i32 to index
      %get3A_140 = arith.index_cast %mul3A_137 : i32 to index
      %get3A_141 = tpu.vector_load %arg6[%get3A_139, %get3A_140] {strides = array<i32>} : memref<64x1024xi32, #tpu.memory_space<vmem>>, vector<16xi32>,
      tpu.vector_store_idx %arg7[%get3A_141], %neg3A_7 {add = true} : memref<8192xf32, #tpu.memory_space<vmem>>[vector<16xi32>], vector<16xf32>,
      %mul3A_142 = arith.constant 8 : i32
      %mul3A_143 = arith.muli %scan3A_112, %mul3A_142 : i32
      %add3A_144 = arith.constant 3 : i32
      %add3A_145 = arith.addi %mul3A_143, %add3A_144 : i32
      %mul3A_146 = arith.constant 16 : i32
      %mul3A_147 = arith.muli %add3A_145, %mul3A_146 : i32
      %get3A_148 = arith.constant 28 : i32
      %get3A_149 = arith.index_cast %get3A_148 : i32 to index
      %get3A_150 = arith.index_cast %mul3A_147 : i32 to index
      %get3A_151 = tpu.vector_load %arg6[%get3A_149, %get3A_150] {strides = array<i32>} : memref<64x1024xi32, #tpu.memory_space<vmem>>, vector<16xi32>,
      tpu.vector_store_idx %arg7[%get3A_151], %neg3A_7 {add = true} : memref<8192xf32, #tpu.memory_space<vmem>>[vector<16xi32>], vector<16xf32>,
      %mul3A_152 = arith.constant 8 : i32
      %mul3A_153 = arith.muli %scan3A_112, %mul3A_152 : i32
      %add3A_154 = arith.constant 4 : i32
      %add3A_155 = arith.addi %mul3A_153, %add3A_154 : i32
      %mul3A_156 = arith.constant 16 : i32
      %mul3A_157 = arith.muli %add3A_155, %mul3A_156 : i32
      %get3A_158 = arith.constant 28 : i32
      %get3A_159 = arith.index_cast %get3A_158 : i32 to index
      %get3A_160 = arith.index_cast %mul3A_157 : i32 to index
      %get3A_161 = tpu.vector_load %arg6[%get3A_159, %get3A_160] {strides = array<i32>} : memref<64x1024xi32, #tpu.memory_space<vmem>>, vector<16xi32>,
      tpu.vector_store_idx %arg7[%get3A_161], %neg3A_7 {add = true} : memref<8192xf32, #tpu.memory_space<vmem>>[vector<16xi32>], vector<16xf32>,
      %mul3A_162 = arith.constant 8 : i32
      %mul3A_163 = arith.muli %scan3A_112, %mul3A_162 : i32
      %add3A_164 = arith.constant 5 : i32
      %add3A_165 = arith.addi %mul3A_163, %add3A_164 : i32
      %mul3A_166 = arith.constant 16 : i32
      %mul3A_167 = arith.muli %add3A_165, %mul3A_166 : i32
      %get3A_168 = arith.constant 28 : i32
      %get3A_169 = arith.index_cast %get3A_168 : i32 to index
      %get3A_170 = arith.index_cast %mul3A_167 : i32 to index
      %get3A_171 = tpu.vector_load %arg6[%get3A_169, %get3A_170] {strides = array<i32>} : memref<64x1024xi32, #tpu.memory_space<vmem>>, vector<16xi32>,
      tpu.vector_store_idx %arg7[%get3A_171], %neg3A_7 {add = true} : memref<8192xf32, #tpu.memory_space<vmem>>[vector<16xi32>], vector<16xf32>,
      %mul3A_172 = arith.constant 8 : i32
      %mul3A_173 = arith.muli %scan3A_112, %mul3A_172 : i32
      %add3A_174 = arith.constant 6 : i32
      %add3A_175 = arith.addi %mul3A_173, %add3A_174 : i32
      %mul3A_176 = arith.constant 16 : i32
      %mul3A_177 = arith.muli %add3A_175, %mul3A_176 : i32
      %get3A_178 = arith.constant 28 : i32
      %get3A_179 = arith.index_cast %get3A_178 : i32 to index
      %get3A_180 = arith.index_cast %mul3A_177 : i32 to index
      %get3A_181 = tpu.vector_load %arg6[%get3A_179, %get3A_180] {strides = array<i32>} : memref<64x1024xi32, #tpu.memory_space<vmem>>, vector<16xi32>,
      tpu.vector_store_idx %arg7[%get3A_181], %neg3A_7 {add = true} : memref<8192xf32, #tpu.memory_space<vmem>>[vector<16xi32>], vector<16xf32>,
      %mul3A_182 = arith.constant 8 : i32
      %mul3A_183 = arith.muli %scan3A_112, %mul3A_182 : i32
      %add3A_184 = arith.constant 7 : i32
      %add3A_185 = arith.addi %mul3A_183, %add3A_184 : i32
      %mul3A_186 = arith.constant 16 : i32
      %mul3A_187 = arith.muli %add3A_185, %mul3A_186 : i32
      %get3A_188 = arith.constant 28 : i32
      %get3A_189 = arith.index_cast %get3A_188 : i32 to index
      %get3A_190 = arith.index_cast %mul3A_187 : i32 to index
      %get3A_191 = tpu.vector_load %arg6[%get3A_189, %get3A_190] {strides = array<i32>} : memref<64x1024xi32, #tpu.memory_space<vmem>>, vector<16xi32>,
      tpu.vector_store_idx %arg7[%get3A_191], %neg3A_7 {add = true} : memref<8192xf32, #tpu.memory_space<vmem>>[vector<16xi32>], vector<16xf32>,
    }
    %scan3A_31 = arith.constant 8 : i32
    %add3A_32 = arith.constant 29 : i32
    %add3A_33 = arith.addi %mul3A_2, %add3A_32 : i32
    %dma_wait3A_34 = arith.constant 0 : i32
    %dma_wait3A_35 = tpu.memref_slice %arg4[%add3A_33, %dma_wait3A_34] : memref<1024x8192xf32, #tpu.memory_space<hbm>> -> memref<1x8192xf32, #tpu.memory_space<hbm>>
    %dma_wait3A_36 = tpu.memref_squeeze %dma_wait3A_35 : memref<1x8192xf32, #tpu.memory_space<hbm>> -> memref<8192xf32, #tpu.memory_space<hbm>>
    %dma_wait3A_37 = arith.constant 0 : i32
    %dma_wait3A_38 = tpu.memref_slice %arg4[%add3A_33, %dma_wait3A_37] : memref<1024x8192xf32, #tpu.memory_space<hbm>> -> memref<1x8192xf32, #tpu.memory_space<hbm>>
    %dma_wait3A_39 = tpu.memref_squeeze %dma_wait3A_38 : memref<1x8192xf32, #tpu.memory_space<hbm>> -> memref<8192xf32, #tpu.memory_space<hbm>>
    tpu.wait_dma2 semaphore(%arg12 : memref<!tpu.dma_semaphore, #tpu.memory_space<semaphore_mem>>) src(%arg8 : memref<8192xf32, #tpu.memory_space<vmem>>) dst(%dma_wait3A_39 : memref<8192xf32, #tpu.memory_space<hbm>>)
    %scan3A_40 = arith.constant 0 : i32
    %scan3A_41 = arith.constant 0 : i32
    %scan3A_42 = arith.constant 8 : i32
    %scan3A_43 = arith.addi %scan3A_41, %scan3A_42 : i32
    %scan3A_44 = arith.constant 1 : i32
    scf.for %scan3A_112 = %scan3A_41 to %scan3A_43 step %scan3A_44  : i32 {
      %mul3A_113 = arith.constant 8 : i32
      %mul3A_114 = arith.muli %scan3A_112, %mul3A_113 : i32
      %add3A_115 = arith.constant 0 : i32
      %add3A_116 = arith.addi %mul3A_114, %add3A_115 : i32
      %mul3A_117 = arith.constant 16 : i32
      %mul3A_118 = arith.muli %add3A_116, %mul3A_117 : i32
      %get3A = arith.constant 29 : i32
      %get3A_119 = arith.index_cast %get3A : i32 to index
      %get3A_120 = arith.index_cast %mul3A_118 : i32 to index
      %get3A_121 = tpu.vector_load %arg6[%get3A_119, %get3A_120] {strides = array<i32>} : memref<64x1024xi32, #tpu.memory_space<vmem>>, vector<16xi32>,
      tpu.vector_store_idx %arg8[%get3A_121], %neg3A_7 {add = true} : memref<8192xf32, #tpu.memory_space<vmem>>[vector<16xi32>], vector<16xf32>,
      %mul3A_122 = arith.constant 8 : i32
      %mul3A_123 = arith.muli %scan3A_112, %mul3A_122 : i32
      %add3A_124 = arith.constant 1 : i32
      %add3A_125 = arith.addi %mul3A_123, %add3A_124 : i32
      %mul3A_126 = arith.constant 16 : i32
      %mul3A_127 = arith.muli %add3A_125, %mul3A_126 : i32
      %get3A_128 = arith.constant 29 : i32
      %get3A_129 = arith.index_cast %get3A_128 : i32 to index
      %get3A_130 = arith.index_cast %mul3A_127 : i32 to index
      %get3A_131 = tpu.vector_load %arg6[%get3A_129, %get3A_130] {strides = array<i32>} : memref<64x1024xi32, #tpu.memory_space<vmem>>, vector<16xi32>,
      tpu.vector_store_idx %arg8[%get3A_131], %neg3A_7 {add = true} : memref<8192xf32, #tpu.memory_space<vmem>>[vector<16xi32>], vector<16xf32>,
      %mul3A_132 = arith.constant 8 : i32
      %mul3A_133 = arith.muli %scan3A_112, %mul3A_132 : i32
      %add3A_134 = arith.constant 2 : i32
      %add3A_135 = arith.addi %mul3A_133, %add3A_134 : i32
      %mul3A_136 = arith.constant 16 : i32
      %mul3A_137 = arith.muli %add3A_135, %mul3A_136 : i32
      %get3A_138 = arith.constant 29 : i32
      %get3A_139 = arith.index_cast %get3A_138 : i32 to index
      %get3A_140 = arith.index_cast %mul3A_137 : i32 to index
      %get3A_141 = tpu.vector_load %arg6[%get3A_139, %get3A_140] {strides = array<i32>} : memref<64x1024xi32, #tpu.memory_space<vmem>>, vector<16xi32>,
      tpu.vector_store_idx %arg8[%get3A_141], %neg3A_7 {add = true} : memref<8192xf32, #tpu.memory_space<vmem>>[vector<16xi32>], vector<16xf32>,
      %mul3A_142 = arith.constant 8 : i32
      %mul3A_143 = arith.muli %scan3A_112, %mul3A_142 : i32
      %add3A_144 = arith.constant 3 : i32
      %add3A_145 = arith.addi %mul3A_143, %add3A_144 : i32
      %mul3A_146 = arith.constant 16 : i32
      %mul3A_147 = arith.muli %add3A_145, %mul3A_146 : i32
      %get3A_148 = arith.constant 29 : i32
      %get3A_149 = arith.index_cast %get3A_148 : i32 to index
      %get3A_150 = arith.index_cast %mul3A_147 : i32 to index
      %get3A_151 = tpu.vector_load %arg6[%get3A_149, %get3A_150] {strides = array<i32>} : memref<64x1024xi32, #tpu.memory_space<vmem>>, vector<16xi32>,
      tpu.vector_store_idx %arg8[%get3A_151], %neg3A_7 {add = true} : memref<8192xf32, #tpu.memory_space<vmem>>[vector<16xi32>], vector<16xf32>,
      %mul3A_152 = arith.constant 8 : i32
      %mul3A_153 = arith.muli %scan3A_112, %mul3A_152 : i32
      %add3A_154 = arith.constant 4 : i32
      %add3A_155 = arith.addi %mul3A_153, %add3A_154 : i32
      %mul3A_156 = arith.constant 16 : i32
      %mul3A_157 = arith.muli %add3A_155, %mul3A_156 : i32
      %get3A_158 = arith.constant 29 : i32
      %get3A_159 = arith.index_cast %get3A_158 : i32 to index
      %get3A_160 = arith.index_cast %mul3A_157 : i32 to index
      %get3A_161 = tpu.vector_load %arg6[%get3A_159, %get3A_160] {strides = array<i32>} : memref<64x1024xi32, #tpu.memory_space<vmem>>, vector<16xi32>,
      tpu.vector_store_idx %arg8[%get3A_161], %neg3A_7 {add = true} : memref<8192xf32, #tpu.memory_space<vmem>>[vector<16xi32>], vector<16xf32>,
      %mul3A_162 = arith.constant 8 : i32
      %mul3A_163 = arith.muli %scan3A_112, %mul3A_162 : i32
      %add3A_164 = arith.constant 5 : i32
      %add3A_165 = arith.addi %mul3A_163, %add3A_164 : i32
      %mul3A_166 = arith.constant 16 : i32
      %mul3A_167 = arith.muli %add3A_165, %mul3A_166 : i32
      %get3A_168 = arith.constant 29 : i32
      %get3A_169 = arith.index_cast %get3A_168 : i32 to index
      %get3A_170 = arith.index_cast %mul3A_167 : i32 to index
      %get3A_171 = tpu.vector_load %arg6[%get3A_169, %get3A_170] {strides = array<i32>} : memref<64x1024xi32, #tpu.memory_space<vmem>>, vector<16xi32>,
      tpu.vector_store_idx %arg8[%get3A_171], %neg3A_7 {add = true} : memref<8192xf32, #tpu.memory_space<vmem>>[vector<16xi32>], vector<16xf32>,
      %mul3A_172 = arith.constant 8 : i32
      %mul3A_173 = arith.muli %scan3A_112, %mul3A_172 : i32
      %add3A_174 = arith.constant 6 : i32
      %add3A_175 = arith.addi %mul3A_173, %add3A_174 : i32
      %mul3A_176 = arith.constant 16 : i32
      %mul3A_177 = arith.muli %add3A_175, %mul3A_176 : i32
      %get3A_178 = arith.constant 29 : i32
      %get3A_179 = arith.index_cast %get3A_178 : i32 to index
      %get3A_180 = arith.index_cast %mul3A_177 : i32 to index
      %get3A_181 = tpu.vector_load %arg6[%get3A_179, %get3A_180] {strides = array<i32>} : memref<64x1024xi32, #tpu.memory_space<vmem>>, vector<16xi32>,
      tpu.vector_store_idx %arg8[%get3A_181], %neg3A_7 {add = true} : memref<8192xf32, #tpu.memory_space<vmem>>[vector<16xi32>], vector<16xf32>,
      %mul3A_182 = arith.constant 8 : i32
      %mul3A_183 = arith.muli %scan3A_112, %mul3A_182 : i32
      %add3A_184 = arith.constant 7 : i32
      %add3A_185 = arith.addi %mul3A_183, %add3A_184 : i32
      %mul3A_186 = arith.constant 16 : i32
      %mul3A_187 = arith.muli %add3A_185, %mul3A_186 : i32
      %get3A_188 = arith.constant 29 : i32
      %get3A_189 = arith.index_cast %get3A_188 : i32 to index
      %get3A_190 = arith.index_cast %mul3A_187 : i32 to index
      %get3A_191 = tpu.vector_load %arg6[%get3A_189, %get3A_190] {strides = array<i32>} : memref<64x1024xi32, #tpu.memory_space<vmem>>, vector<16xi32>,
      tpu.vector_store_idx %arg8[%get3A_191], %neg3A_7 {add = true} : memref<8192xf32, #tpu.memory_space<vmem>>[vector<16xi32>], vector<16xf32>,
    }
    %scan3A_45 = arith.constant 8 : i32
    %add3A_46 = arith.constant 30 : i32
    %add3A_47 = arith.addi %mul3A_2, %add3A_46 : i32
    %dma_wait3A_48 = arith.constant 0 : i32
    %dma_wait3A_49 = tpu.memref_slice %arg4[%add3A_47, %dma_wait3A_48] : memref<1024x8192xf32, #tpu.memory_space<hbm>> -> memref<1x8192xf32, #tpu.memory_space<hbm>>
    %dma_wait3A_50 = tpu.memref_squeeze %dma_wait3A_49 : memref<1x8192xf32, #tpu.memory_space<hbm>> -> memref<8192xf32, #tpu.memory_space<hbm>>
    %dma_wait3A_51 = arith.constant 0 : i32
    %dma_wait3A_52 = tpu.memref_slice %arg4[%add3A_47, %dma_wait3A_51] : memref<1024x8192xf32, #tpu.memory_space<hbm>> -> memref<1x8192xf32, #tpu.memory_space<hbm>>
    %dma_wait3A_53 = tpu.memref_squeeze %dma_wait3A_52 : memref<1x8192xf32, #tpu.memory_space<hbm>> -> memref<8192xf32, #tpu.memory_space<hbm>>
    tpu.wait_dma2 semaphore(%arg13 : memref<!tpu.dma_semaphore, #tpu.memory_space<semaphore_mem>>) src(%arg9 : memref<8192xf32, #tpu.memory_space<vmem>>) dst(%dma_wait3A_53 : memref<8192xf32, #tpu.memory_space<hbm>>)
    %scan3A_54 = arith.constant 0 : i32
    %scan3A_55 = arith.constant 0 : i32
    %scan3A_56 = arith.constant 8 : i32
    %scan3A_57 = arith.addi %scan3A_55, %scan3A_56 : i32
    %scan3A_58 = arith.constant 1 : i32
    scf.for %scan3A_112 = %scan3A_55 to %scan3A_57 step %scan3A_58  : i32 {
      %mul3A_113 = arith.constant 8 : i32
      %mul3A_114 = arith.muli %scan3A_112, %mul3A_113 : i32
      %add3A_115 = arith.constant 0 : i32
      %add3A_116 = arith.addi %mul3A_114, %add3A_115 : i32
      %mul3A_117 = arith.constant 16 : i32
      %mul3A_118 = arith.muli %add3A_116, %mul3A_117 : i32
      %get3A = arith.constant 30 : i32
      %get3A_119 = arith.index_cast %get3A : i32 to index
      %get3A_120 = arith.index_cast %mul3A_118 : i32 to index
      %get3A_121 = tpu.vector_load %arg6[%get3A_119, %get3A_120] {strides = array<i32>} : memref<64x1024xi32, #tpu.memory_space<vmem>>, vector<16xi32>,
      tpu.vector_store_idx %arg9[%get3A_121], %neg3A_7 {add = true} : memref<8192xf32, #tpu.memory_space<vmem>>[vector<16xi32>], vector<16xf32>,
      %mul3A_122 = arith.constant 8 : i32
      %mul3A_123 = arith.muli %scan3A_112, %mul3A_122 : i32
      %add3A_124 = arith.constant 1 : i32
      %add3A_125 = arith.addi %mul3A_123, %add3A_124 : i32
      %mul3A_126 = arith.constant 16 : i32
      %mul3A_127 = arith.muli %add3A_125, %mul3A_126 : i32
      %get3A_128 = arith.constant 30 : i32
      %get3A_129 = arith.index_cast %get3A_128 : i32 to index
      %get3A_130 = arith.index_cast %mul3A_127 : i32 to index
      %get3A_131 = tpu.vector_load %arg6[%get3A_129, %get3A_130] {strides = array<i32>} : memref<64x1024xi32, #tpu.memory_space<vmem>>, vector<16xi32>,
      tpu.vector_store_idx %arg9[%get3A_131], %neg3A_7 {add = true} : memref<8192xf32, #tpu.memory_space<vmem>>[vector<16xi32>], vector<16xf32>,
      %mul3A_132 = arith.constant 8 : i32
      %mul3A_133 = arith.muli %scan3A_112, %mul3A_132 : i32
      %add3A_134 = arith.constant 2 : i32
      %add3A_135 = arith.addi %mul3A_133, %add3A_134 : i32
      %mul3A_136 = arith.constant 16 : i32
      %mul3A_137 = arith.muli %add3A_135, %mul3A_136 : i32
      %get3A_138 = arith.constant 30 : i32
      %get3A_139 = arith.index_cast %get3A_138 : i32 to index
      %get3A_140 = arith.index_cast %mul3A_137 : i32 to index
      %get3A_141 = tpu.vector_load %arg6[%get3A_139, %get3A_140] {strides = array<i32>} : memref<64x1024xi32, #tpu.memory_space<vmem>>, vector<16xi32>,
      tpu.vector_store_idx %arg9[%get3A_141], %neg3A_7 {add = true} : memref<8192xf32, #tpu.memory_space<vmem>>[vector<16xi32>], vector<16xf32>,
      %mul3A_142 = arith.constant 8 : i32
      %mul3A_143 = arith.muli %scan3A_112, %mul3A_142 : i32
      %add3A_144 = arith.constant 3 : i32
      %add3A_145 = arith.addi %mul3A_143, %add3A_144 : i32
      %mul3A_146 = arith.constant 16 : i32
      %mul3A_147 = arith.muli %add3A_145, %mul3A_146 : i32
      %get3A_148 = arith.constant 30 : i32
      %get3A_149 = arith.index_cast %get3A_148 : i32 to index
      %get3A_150 = arith.index_cast %mul3A_147 : i32 to index
      %get3A_151 = tpu.vector_load %arg6[%get3A_149, %get3A_150] {strides = array<i32>} : memref<64x1024xi32, #tpu.memory_space<vmem>>, vector<16xi32>,
      tpu.vector_store_idx %arg9[%get3A_151], %neg3A_7 {add = true} : memref<8192xf32, #tpu.memory_space<vmem>>[vector<16xi32>], vector<16xf32>,
      %mul3A_152 = arith.constant 8 : i32
      %mul3A_153 = arith.muli %scan3A_112, %mul3A_152 : i32
      %add3A_154 = arith.constant 4 : i32
      %add3A_155 = arith.addi %mul3A_153, %add3A_154 : i32
      %mul3A_156 = arith.constant 16 : i32
      %mul3A_157 = arith.muli %add3A_155, %mul3A_156 : i32
      %get3A_158 = arith.constant 30 : i32
      %get3A_159 = arith.index_cast %get3A_158 : i32 to index
      %get3A_160 = arith.index_cast %mul3A_157 : i32 to index
      %get3A_161 = tpu.vector_load %arg6[%get3A_159, %get3A_160] {strides = array<i32>} : memref<64x1024xi32, #tpu.memory_space<vmem>>, vector<16xi32>,
      tpu.vector_store_idx %arg9[%get3A_161], %neg3A_7 {add = true} : memref<8192xf32, #tpu.memory_space<vmem>>[vector<16xi32>], vector<16xf32>,
      %mul3A_162 = arith.constant 8 : i32
      %mul3A_163 = arith.muli %scan3A_112, %mul3A_162 : i32
      %add3A_164 = arith.constant 5 : i32
      %add3A_165 = arith.addi %mul3A_163, %add3A_164 : i32
      %mul3A_166 = arith.constant 16 : i32
      %mul3A_167 = arith.muli %add3A_165, %mul3A_166 : i32
      %get3A_168 = arith.constant 30 : i32
      %get3A_169 = arith.index_cast %get3A_168 : i32 to index
      %get3A_170 = arith.index_cast %mul3A_167 : i32 to index
      %get3A_171 = tpu.vector_load %arg6[%get3A_169, %get3A_170] {strides = array<i32>} : memref<64x1024xi32, #tpu.memory_space<vmem>>, vector<16xi32>,
      tpu.vector_store_idx %arg9[%get3A_171], %neg3A_7 {add = true} : memref<8192xf32, #tpu.memory_space<vmem>>[vector<16xi32>], vector<16xf32>,
      %mul3A_172 = arith.constant 8 : i32
      %mul3A_173 = arith.muli %scan3A_112, %mul3A_172 : i32
      %add3A_174 = arith.constant 6 : i32
      %add3A_175 = arith.addi %mul3A_173, %add3A_174 : i32
      %mul3A_176 = arith.constant 16 : i32
      %mul3A_177 = arith.muli %add3A_175, %mul3A_176 : i32
      %get3A_178 = arith.constant 30 : i32
      %get3A_179 = arith.index_cast %get3A_178 : i32 to index
      %get3A_180 = arith.index_cast %mul3A_177 : i32 to index
      %get3A_181 = tpu.vector_load %arg6[%get3A_179, %get3A_180] {strides = array<i32>} : memref<64x1024xi32, #tpu.memory_space<vmem>>, vector<16xi32>,
      tpu.vector_store_idx %arg9[%get3A_181], %neg3A_7 {add = true} : memref<8192xf32, #tpu.memory_space<vmem>>[vector<16xi32>], vector<16xf32>,
      %mul3A_182 = arith.constant 8 : i32
      %mul3A_183 = arith.muli %scan3A_112, %mul3A_182 : i32
      %add3A_184 = arith.constant 7 : i32
      %add3A_185 = arith.addi %mul3A_183, %add3A_184 : i32
      %mul3A_186 = arith.constant 16 : i32
      %mul3A_187 = arith.muli %add3A_185, %mul3A_186 : i32
      %get3A_188 = arith.constant 30 : i32
      %get3A_189 = arith.index_cast %get3A_188 : i32 to index
      %get3A_190 = arith.index_cast %mul3A_187 : i32 to index
      %get3A_191 = tpu.vector_load %arg6[%get3A_189, %get3A_190] {strides = array<i32>} : memref<64x1024xi32, #tpu.memory_space<vmem>>, vector<16xi32>,
      tpu.vector_store_idx %arg9[%get3A_191], %neg3A_7 {add = true} : memref<8192xf32, #tpu.memory_space<vmem>>[vector<16xi32>], vector<16xf32>,
    }
    %scan3A_59 = arith.constant 8 : i32
    %add3A_60 = arith.constant 31 : i32
    %add3A_61 = arith.addi %mul3A_2, %add3A_60 : i32
    %dma_wait3A_62 = arith.constant 0 : i32
    %dma_wait3A_63 = tpu.memref_slice %arg4[%add3A_61, %dma_wait3A_62] : memref<1024x8192xf32, #tpu.memory_space<hbm>> -> memref<1x8192xf32, #tpu.memory_space<hbm>>
    %dma_wait3A_64 = tpu.memref_squeeze %dma_wait3A_63 : memref<1x8192xf32, #tpu.memory_space<hbm>> -> memref<8192xf32, #tpu.memory_space<hbm>>
    %dma_wait3A_65 = arith.constant 0 : i32
    %dma_wait3A_66 = tpu.memref_slice %arg4[%add3A_61, %dma_wait3A_65] : memref<1024x8192xf32, #tpu.memory_space<hbm>> -> memref<1x8192xf32, #tpu.memory_space<hbm>>
    %dma_wait3A_67 = tpu.memref_squeeze %dma_wait3A_66 : memref<1x8192xf32, #tpu.memory_space<hbm>> -> memref<8192xf32, #tpu.memory_space<hbm>>
    tpu.wait_dma2 semaphore(%arg14 : memref<!tpu.dma_semaphore, #tpu.memory_space<semaphore_mem>>) src(%arg10 : memref<8192xf32, #tpu.memory_space<vmem>>) dst(%dma_wait3A_67 : memref<8192xf32, #tpu.memory_space<hbm>>)
    %scan3A_68 = arith.constant 0 : i32
    %scan3A_69 = arith.constant 0 : i32
    %scan3A_70 = arith.constant 8 : i32
    %scan3A_71 = arith.addi %scan3A_69, %scan3A_70 : i32
    %scan3A_72 = arith.constant 1 : i32
    scf.for %scan3A_112 = %scan3A_69 to %scan3A_71 step %scan3A_72  : i32 {
      %mul3A_113 = arith.constant 8 : i32
      %mul3A_114 = arith.muli %scan3A_112, %mul3A_113 : i32
      %add3A_115 = arith.constant 0 : i32
      %add3A_116 = arith.addi %mul3A_114, %add3A_115 : i32
      %mul3A_117 = arith.constant 16 : i32
      %mul3A_118 = arith.muli %add3A_116, %mul3A_117 : i32
      %get3A = arith.constant 31 : i32
      %get3A_119 = arith.index_cast %get3A : i32 to index
      %get3A_120 = arith.index_cast %mul3A_118 : i32 to index
      %get3A_121 = tpu.vector_load %arg6[%get3A_119, %get3A_120] {strides = array<i32>} : memref<64x1024xi32, #tpu.memory_space<vmem>>, vector<16xi32>,
      tpu.vector_store_idx %arg10[%get3A_121], %neg3A_7 {add = true} : memref<8192xf32, #tpu.memory_space<vmem>>[vector<16xi32>], vector<16xf32>,
      %mul3A_122 = arith.constant 8 : i32
      %mul3A_123 = arith.muli %scan3A_112, %mul3A_122 : i32
      %add3A_124 = arith.constant 1 : i32
      %add3A_125 = arith.addi %mul3A_123, %add3A_124 : i32
      %mul3A_126 = arith.constant 16 : i32
      %mul3A_127 = arith.muli %add3A_125, %mul3A_126 : i32
      %get3A_128 = arith.constant 31 : i32
      %get3A_129 = arith.index_cast %get3A_128 : i32 to index
      %get3A_130 = arith.index_cast %mul3A_127 : i32 to index
      %get3A_131 = tpu.vector_load %arg6[%get3A_129, %get3A_130] {strides = array<i32>} : memref<64x1024xi32, #tpu.memory_space<vmem>>, vector<16xi32>,
      tpu.vector_store_idx %arg10[%get3A_131], %neg3A_7 {add = true} : memref<8192xf32, #tpu.memory_space<vmem>>[vector<16xi32>], vector<16xf32>,
      %mul3A_132 = arith.constant 8 : i32
      %mul3A_133 = arith.muli %scan3A_112, %mul3A_132 : i32
      %add3A_134 = arith.constant 2 : i32
      %add3A_135 = arith.addi %mul3A_133, %add3A_134 : i32
      %mul3A_136 = arith.constant 16 : i32
      %mul3A_137 = arith.muli %add3A_135, %mul3A_136 : i32
      %get3A_138 = arith.constant 31 : i32
      %get3A_139 = arith.index_cast %get3A_138 : i32 to index
      %get3A_140 = arith.index_cast %mul3A_137 : i32 to index
      %get3A_141 = tpu.vector_load %arg6[%get3A_139, %get3A_140] {strides = array<i32>} : memref<64x1024xi32, #tpu.memory_space<vmem>>, vector<16xi32>,
      tpu.vector_store_idx %arg10[%get3A_141], %neg3A_7 {add = true} : memref<8192xf32, #tpu.memory_space<vmem>>[vector<16xi32>], vector<16xf32>,
      %mul3A_142 = arith.constant 8 : i32
      %mul3A_143 = arith.muli %scan3A_112, %mul3A_142 : i32
      %add3A_144 = arith.constant 3 : i32
      %add3A_145 = arith.addi %mul3A_143, %add3A_144 : i32
      %mul3A_146 = arith.constant 16 : i32
      %mul3A_147 = arith.muli %add3A_145, %mul3A_146 : i32
      %get3A_148 = arith.constant 31 : i32
      %get3A_149 = arith.index_cast %get3A_148 : i32 to index
      %get3A_150 = arith.index_cast %mul3A_147 : i32 to index
      %get3A_151 = tpu.vector_load %arg6[%get3A_149, %get3A_150] {strides = array<i32>} : memref<64x1024xi32, #tpu.memory_space<vmem>>, vector<16xi32>,
      tpu.vector_store_idx %arg10[%get3A_151], %neg3A_7 {add = true} : memref<8192xf32, #tpu.memory_space<vmem>>[vector<16xi32>], vector<16xf32>,
      %mul3A_152 = arith.constant 8 : i32
      %mul3A_153 = arith.muli %scan3A_112, %mul3A_152 : i32
      %add3A_154 = arith.constant 4 : i32
      %add3A_155 = arith.addi %mul3A_153, %add3A_154 : i32
      %mul3A_156 = arith.constant 16 : i32
      %mul3A_157 = arith.muli %add3A_155, %mul3A_156 : i32
      %get3A_158 = arith.constant 31 : i32
      %get3A_159 = arith.index_cast %get3A_158 : i32 to index
      %get3A_160 = arith.index_cast %mul3A_157 : i32 to index
      %get3A_161 = tpu.vector_load %arg6[%get3A_159, %get3A_160] {strides = array<i32>} : memref<64x1024xi32, #tpu.memory_space<vmem>>, vector<16xi32>,
      tpu.vector_store_idx %arg10[%get3A_161], %neg3A_7 {add = true} : memref<8192xf32, #tpu.memory_space<vmem>>[vector<16xi32>], vector<16xf32>,
      %mul3A_162 = arith.constant 8 : i32
      %mul3A_163 = arith.muli %scan3A_112, %mul3A_162 : i32
      %add3A_164 = arith.constant 5 : i32
      %add3A_165 = arith.addi %mul3A_163, %add3A_164 : i32
      %mul3A_166 = arith.constant 16 : i32
      %mul3A_167 = arith.muli %add3A_165, %mul3A_166 : i32
      %get3A_168 = arith.constant 31 : i32
      %get3A_169 = arith.index_cast %get3A_168 : i32 to index
      %get3A_170 = arith.index_cast %mul3A_167 : i32 to index
      %get3A_171 = tpu.vector_load %arg6[%get3A_169, %get3A_170] {strides = array<i32>} : memref<64x1024xi32, #tpu.memory_space<vmem>>, vector<16xi32>,
      tpu.vector_store_idx %arg10[%get3A_171], %neg3A_7 {add = true} : memref<8192xf32, #tpu.memory_space<vmem>>[vector<16xi32>], vector<16xf32>,
      %mul3A_172 = arith.constant 8 : i32
      %mul3A_173 = arith.muli %scan3A_112, %mul3A_172 : i32
      %add3A_174 = arith.constant 6 : i32
      %add3A_175 = arith.addi %mul3A_173, %add3A_174 : i32
      %mul3A_176 = arith.constant 16 : i32
      %mul3A_177 = arith.muli %add3A_175, %mul3A_176 : i32
      %get3A_178 = arith.constant 31 : i32
      %get3A_179 = arith.index_cast %get3A_178 : i32 to index
      %get3A_180 = arith.index_cast %mul3A_177 : i32 to index
      %get3A_181 = tpu.vector_load %arg6[%get3A_179, %get3A_180] {strides = array<i32>} : memref<64x1024xi32, #tpu.memory_space<vmem>>, vector<16xi32>,
      tpu.vector_store_idx %arg10[%get3A_181], %neg3A_7 {add = true} : memref<8192xf32, #tpu.memory_space<vmem>>[vector<16xi32>], vector<16xf32>,
      %mul3A_182 = arith.constant 8 : i32
      %mul3A_183 = arith.muli %scan3A_112, %mul3A_182 : i32
      %add3A_184 = arith.constant 7 : i32
      %add3A_185 = arith.addi %mul3A_183, %add3A_184 : i32
      %mul3A_186 = arith.constant 16 : i32
      %mul3A_187 = arith.muli %add3A_185, %mul3A_186 : i32
      %get3A_188 = arith.constant 31 : i32
      %get3A_189 = arith.index_cast %get3A_188 : i32 to index
      %get3A_190 = arith.index_cast %mul3A_187 : i32 to index
      %get3A_191 = tpu.vector_load %arg6[%get3A_189, %get3A_190] {strides = array<i32>} : memref<64x1024xi32, #tpu.memory_space<vmem>>, vector<16xi32>,
      tpu.vector_store_idx %arg10[%get3A_191], %neg3A_7 {add = true} : memref<8192xf32, #tpu.memory_space<vmem>>[vector<16xi32>], vector<16xf32>,
    }
    %scan3A_73 = arith.constant 8 : i32
    %scan3A_74 = arith.constant 0 : i32
    %scan3A_75 = arith.constant 0 : i32
    %scan3A_76 = arith.constant 8 : i32
    %scan3A_77 = arith.addi %scan3A_75, %scan3A_76 : i32
    %scan3A_78 = arith.constant 1 : i32
    scf.for %scan3A_112 = %scan3A_75 to %scan3A_77 step %scan3A_78  : i32 {
      %mul3A_113 = arith.constant 4 : i32
      %mul3A_114 = arith.muli %scan3A_112, %mul3A_113 : i32
      %add3A_115 = arith.constant 0 : i32
      %add3A_116 = arith.addi %mul3A_114, %add3A_115 : i32
      %gt3A = arith.constant 0 : i32
      %gt3A_117 = arith.cmpi sgt, %scan3A_112, %gt3A : i32
      %convert_element_type3A = arith.extui %gt3A_117 : i1 to i32
      %cond3A = arith.constant 0 : i32
      %cond3A_118 = arith.cmpi ne, %convert_element_type3A, %cond3A : i32
      scf.if %cond3A_118 {
        %add3A_205 = arith.addi %mul3A_2, %add3A_116 : i32
        %sub3A = arith.constant 4 : i32
        %sub3A_206 = arith.subi %add3A_205, %sub3A : i32
        %dma_wait3A_207 = arith.constant 0 : i32
        %dma_wait3A_208 = tpu.memref_slice %arg5[%sub3A_206, %dma_wait3A_207] : memref<1024x8192xf32, #tpu.memory_space<hbm>> -> memref<1x8192xf32, #tpu.memory_space<hbm>>
        %dma_wait3A_209 = tpu.memref_squeeze %dma_wait3A_208 : memref<1x8192xf32, #tpu.memory_space<hbm>> -> memref<8192xf32, #tpu.memory_space<hbm>>
        %dma_wait3A_210 = arith.constant 0 : i32
        %dma_wait3A_211 = tpu.memref_slice %arg5[%sub3A_206, %dma_wait3A_210] : memref<1024x8192xf32, #tpu.memory_space<hbm>> -> memref<1x8192xf32, #tpu.memory_space<hbm>>
        %dma_wait3A_212 = tpu.memref_squeeze %dma_wait3A_211 : memref<1x8192xf32, #tpu.memory_space<hbm>> -> memref<8192xf32, #tpu.memory_space<hbm>>
        tpu.wait_dma2 semaphore(%arg11 : memref<!tpu.dma_semaphore, #tpu.memory_space<semaphore_mem>>) src(%arg7 : memref<8192xf32, #tpu.memory_space<vmem>>) dst(%dma_wait3A_212 : memref<8192xf32, #tpu.memory_space<hbm>>)
        %add3A_213 = arith.constant 32 : i32
        %add3A_214 = arith.addi %add3A_213, %add3A_116 : i32
        %sub3A_215 = arith.constant 4 : i32
        %sub3A_216 = arith.subi %add3A_214, %sub3A_215 : i32
        %scan3A_217 = arith.constant 0 : i32
        %scan3A_218 = arith.constant 0 : i32
        %scan3A_219 = arith.constant 8 : i32
        %scan3A_220 = arith.addi %scan3A_218, %scan3A_219 : i32
        %scan3A_221 = arith.constant 1 : i32
        scf.for %scan3A_223 = %scan3A_218 to %scan3A_220 step %scan3A_221  : i32 {
          %mul3A_224 = arith.constant 8 : i32
          %mul3A_225 = arith.muli %scan3A_223, %mul3A_224 : i32
          %add3A_226 = arith.constant 0 : i32
          %add3A_227 = arith.addi %mul3A_225, %add3A_226 : i32
          %mul3A_228 = arith.constant 16 : i32
          %mul3A_229 = arith.muli %add3A_227, %mul3A_228 : i32
          %get3A = arith.index_cast %sub3A_216 : i32 to index
          %get3A_230 = arith.index_cast %mul3A_229 : i32 to index
          %get3A_231 = tpu.vector_load %arg6[%get3A, %get3A_230] {strides = array<i32>} : memref<64x1024xi32, #tpu.memory_space<vmem>>, vector<16xi32>,
          tpu.vector_store_idx %arg7[%get3A_231], %neg3A_7 {add = true} : memref<8192xf32, #tpu.memory_space<vmem>>[vector<16xi32>], vector<16xf32>,
          %mul3A_232 = arith.constant 8 : i32
          %mul3A_233 = arith.muli %scan3A_223, %mul3A_232 : i32
          %add3A_234 = arith.constant 1 : i32
          %add3A_235 = arith.addi %mul3A_233, %add3A_234 : i32
          %mul3A_236 = arith.constant 16 : i32
          %mul3A_237 = arith.muli %add3A_235, %mul3A_236 : i32
          %get3A_238 = arith.index_cast %sub3A_216 : i32 to index
          %get3A_239 = arith.index_cast %mul3A_237 : i32 to index
          %get3A_240 = tpu.vector_load %arg6[%get3A_238, %get3A_239] {strides = array<i32>} : memref<64x1024xi32, #tpu.memory_space<vmem>>, vector<16xi32>,
          tpu.vector_store_idx %arg7[%get3A_240], %neg3A_7 {add = true} : memref<8192xf32, #tpu.memory_space<vmem>>[vector<16xi32>], vector<16xf32>,
          %mul3A_241 = arith.constant 8 : i32
          %mul3A_242 = arith.muli %scan3A_223, %mul3A_241 : i32
          %add3A_243 = arith.constant 2 : i32
          %add3A_244 = arith.addi %mul3A_242, %add3A_243 : i32
          %mul3A_245 = arith.constant 16 : i32
          %mul3A_246 = arith.muli %add3A_244, %mul3A_245 : i32
          %get3A_247 = arith.index_cast %sub3A_216 : i32 to index
          %get3A_248 = arith.index_cast %mul3A_246 : i32 to index
          %get3A_249 = tpu.vector_load %arg6[%get3A_247, %get3A_248] {strides = array<i32>} : memref<64x1024xi32, #tpu.memory_space<vmem>>, vector<16xi32>,
          tpu.vector_store_idx %arg7[%get3A_249], %neg3A_7 {add = true} : memref<8192xf32, #tpu.memory_space<vmem>>[vector<16xi32>], vector<16xf32>,
          %mul3A_250 = arith.constant 8 : i32
          %mul3A_251 = arith.muli %scan3A_223, %mul3A_250 : i32
          %add3A_252 = arith.constant 3 : i32
          %add3A_253 = arith.addi %mul3A_251, %add3A_252 : i32
          %mul3A_254 = arith.constant 16 : i32
          %mul3A_255 = arith.muli %add3A_253, %mul3A_254 : i32
          %get3A_256 = arith.index_cast %sub3A_216 : i32 to index
          %get3A_257 = arith.index_cast %mul3A_255 : i32 to index
          %get3A_258 = tpu.vector_load %arg6[%get3A_256, %get3A_257] {strides = array<i32>} : memref<64x1024xi32, #tpu.memory_space<vmem>>, vector<16xi32>,
          tpu.vector_store_idx %arg7[%get3A_258], %neg3A_7 {add = true} : memref<8192xf32, #tpu.memory_space<vmem>>[vector<16xi32>], vector<16xf32>,
          %mul3A_259 = arith.constant 8 : i32
          %mul3A_260 = arith.muli %scan3A_223, %mul3A_259 : i32
          %add3A_261 = arith.constant 4 : i32
          %add3A_262 = arith.addi %mul3A_260, %add3A_261 : i32
          %mul3A_263 = arith.constant 16 : i32
          %mul3A_264 = arith.muli %add3A_262, %mul3A_263 : i32
          %get3A_265 = arith.index_cast %sub3A_216 : i32 to index
          %get3A_266 = arith.index_cast %mul3A_264 : i32 to index
          %get3A_267 = tpu.vector_load %arg6[%get3A_265, %get3A_266] {strides = array<i32>} : memref<64x1024xi32, #tpu.memory_space<vmem>>, vector<16xi32>,
          tpu.vector_store_idx %arg7[%get3A_267], %neg3A_7 {add = true} : memref<8192xf32, #tpu.memory_space<vmem>>[vector<16xi32>], vector<16xf32>,
          %mul3A_268 = arith.constant 8 : i32
          %mul3A_269 = arith.muli %scan3A_223, %mul3A_268 : i32
          %add3A_270 = arith.constant 5 : i32
          %add3A_271 = arith.addi %mul3A_269, %add3A_270 : i32
          %mul3A_272 = arith.constant 16 : i32
          %mul3A_273 = arith.muli %add3A_271, %mul3A_272 : i32
          %get3A_274 = arith.index_cast %sub3A_216 : i32 to index
          %get3A_275 = arith.index_cast %mul3A_273 : i32 to index
          %get3A_276 = tpu.vector_load %arg6[%get3A_274, %get3A_275] {strides = array<i32>} : memref<64x1024xi32, #tpu.memory_space<vmem>>, vector<16xi32>,
          tpu.vector_store_idx %arg7[%get3A_276], %neg3A_7 {add = true} : memref<8192xf32, #tpu.memory_space<vmem>>[vector<16xi32>], vector<16xf32>,
          %mul3A_277 = arith.constant 8 : i32
          %mul3A_278 = arith.muli %scan3A_223, %mul3A_277 : i32
          %add3A_279 = arith.constant 6 : i32
          %add3A_280 = arith.addi %mul3A_278, %add3A_279 : i32
          %mul3A_281 = arith.constant 16 : i32
          %mul3A_282 = arith.muli %add3A_280, %mul3A_281 : i32
          %get3A_283 = arith.index_cast %sub3A_216 : i32 to index
          %get3A_284 = arith.index_cast %mul3A_282 : i32 to index
          %get3A_285 = tpu.vector_load %arg6[%get3A_283, %get3A_284] {strides = array<i32>} : memref<64x1024xi32, #tpu.memory_space<vmem>>, vector<16xi32>,
          tpu.vector_store_idx %arg7[%get3A_285], %neg3A_7 {add = true} : memref<8192xf32, #tpu.memory_space<vmem>>[vector<16xi32>], vector<16xf32>,
          %mul3A_286 = arith.constant 8 : i32
          %mul3A_287 = arith.muli %scan3A_223, %mul3A_286 : i32
          %add3A_288 = arith.constant 7 : i32
          %add3A_289 = arith.addi %mul3A_287, %add3A_288 : i32
          %mul3A_290 = arith.constant 16 : i32
          %mul3A_291 = arith.muli %add3A_289, %mul3A_290 : i32
          %get3A_292 = arith.index_cast %sub3A_216 : i32 to index
          %get3A_293 = arith.index_cast %mul3A_291 : i32 to index
          %get3A_294 = tpu.vector_load %arg6[%get3A_292, %get3A_293] {strides = array<i32>} : memref<64x1024xi32, #tpu.memory_space<vmem>>, vector<16xi32>,
          tpu.vector_store_idx %arg7[%get3A_294], %neg3A_7 {add = true} : memref<8192xf32, #tpu.memory_space<vmem>>[vector<16xi32>], vector<16xf32>,
        }
        %scan3A_222 = arith.constant 8 : i32
      } else {
      }
      %add3A_119 = arith.constant 32 : i32
      %add3A_120 = arith.addi %add3A_119, %add3A_116 : i32
      %scan3A_121 = arith.constant 0 : i32
      %scan3A_122 = arith.constant 0 : i32
      %scan3A_123 = arith.constant 8 : i32
      %scan3A_124 = arith.addi %scan3A_122, %scan3A_123 : i32
      %scan3A_125 = arith.constant 1 : i32
      scf.for %scan3A_205 = %scan3A_122 to %scan3A_124 step %scan3A_125  : i32 {
        %mul3A_206 = arith.constant 8 : i32
        %mul3A_207 = arith.muli %scan3A_205, %mul3A_206 : i32
        %add3A_208 = arith.constant 0 : i32
        %add3A_209 = arith.addi %mul3A_207, %add3A_208 : i32
        %mul3A_210 = arith.constant 16 : i32
        %mul3A_211 = arith.muli %add3A_209, %mul3A_210 : i32
        %get3A = arith.index_cast %add3A_120 : i32 to index
        %get3A_212 = arith.index_cast %mul3A_211 : i32 to index
        %get3A_213 = tpu.vector_load %arg6[%get3A, %get3A_212] {strides = array<i32>} : memref<64x1024xi32, #tpu.memory_space<vmem>>, vector<16xi32>,
        tpu.vector_store_idx %arg7[%get3A_213], %broadcast_in_dim3A_5 {add = true} : memref<8192xf32, #tpu.memory_space<vmem>>[vector<16xi32>], vector<16xf32>,
        %mul3A_214 = arith.constant 8 : i32
        %mul3A_215 = arith.muli %scan3A_205, %mul3A_214 : i32
        %add3A_216 = arith.constant 1 : i32
        %add3A_217 = arith.addi %mul3A_215, %add3A_216 : i32
        %mul3A_218 = arith.constant 16 : i32
        %mul3A_219 = arith.muli %add3A_217, %mul3A_218 : i32
        %get3A_220 = arith.index_cast %add3A_120 : i32 to index
        %get3A_221 = arith.index_cast %mul3A_219 : i32 to index
        %get3A_222 = tpu.vector_load %arg6[%get3A_220, %get3A_221] {strides = array<i32>} : memref<64x1024xi32, #tpu.memory_space<vmem>>, vector<16xi32>,
        tpu.vector_store_idx %arg7[%get3A_222], %broadcast_in_dim3A_5 {add = true} : memref<8192xf32, #tpu.memory_space<vmem>>[vector<16xi32>], vector<16xf32>,
        %mul3A_223 = arith.constant 8 : i32
        %mul3A_224 = arith.muli %scan3A_205, %mul3A_223 : i32
        %add3A_225 = arith.constant 2 : i32
        %add3A_226 = arith.addi %mul3A_224, %add3A_225 : i32
        %mul3A_227 = arith.constant 16 : i32
        %mul3A_228 = arith.muli %add3A_226, %mul3A_227 : i32
        %get3A_229 = arith.index_cast %add3A_120 : i32 to index
        %get3A_230 = arith.index_cast %mul3A_228 : i32 to index
        %get3A_231 = tpu.vector_load %arg6[%get3A_229, %get3A_230] {strides = array<i32>} : memref<64x1024xi32, #tpu.memory_space<vmem>>, vector<16xi32>,
        tpu.vector_store_idx %arg7[%get3A_231], %broadcast_in_dim3A_5 {add = true} : memref<8192xf32, #tpu.memory_space<vmem>>[vector<16xi32>], vector<16xf32>,
        %mul3A_232 = arith.constant 8 : i32
        %mul3A_233 = arith.muli %scan3A_205, %mul3A_232 : i32
        %add3A_234 = arith.constant 3 : i32
        %add3A_235 = arith.addi %mul3A_233, %add3A_234 : i32
        %mul3A_236 = arith.constant 16 : i32
        %mul3A_237 = arith.muli %add3A_235, %mul3A_236 : i32
        %get3A_238 = arith.index_cast %add3A_120 : i32 to index
        %get3A_239 = arith.index_cast %mul3A_237 : i32 to index
        %get3A_240 = tpu.vector_load %arg6[%get3A_238, %get3A_239] {strides = array<i32>} : memref<64x1024xi32, #tpu.memory_space<vmem>>, vector<16xi32>,
        tpu.vector_store_idx %arg7[%get3A_240], %broadcast_in_dim3A_5 {add = true} : memref<8192xf32, #tpu.memory_space<vmem>>[vector<16xi32>], vector<16xf32>,
        %mul3A_241 = arith.constant 8 : i32
        %mul3A_242 = arith.muli %scan3A_205, %mul3A_241 : i32
        %add3A_243 = arith.constant 4 : i32
        %add3A_244 = arith.addi %mul3A_242, %add3A_243 : i32
        %mul3A_245 = arith.constant 16 : i32
        %mul3A_246 = arith.muli %add3A_244, %mul3A_245 : i32
        %get3A_247 = arith.index_cast %add3A_120 : i32 to index
        %get3A_248 = arith.index_cast %mul3A_246 : i32 to index
        %get3A_249 = tpu.vector_load %arg6[%get3A_247, %get3A_248] {strides = array<i32>} : memref<64x1024xi32, #tpu.memory_space<vmem>>, vector<16xi32>,
        tpu.vector_store_idx %arg7[%get3A_249], %broadcast_in_dim3A_5 {add = true} : memref<8192xf32, #tpu.memory_space<vmem>>[vector<16xi32>], vector<16xf32>,
        %mul3A_250 = arith.constant 8 : i32
        %mul3A_251 = arith.muli %scan3A_205, %mul3A_250 : i32
        %add3A_252 = arith.constant 5 : i32
        %add3A_253 = arith.addi %mul3A_251, %add3A_252 : i32
        %mul3A_254 = arith.constant 16 : i32
        %mul3A_255 = arith.muli %add3A_253, %mul3A_254 : i32
        %get3A_256 = arith.index_cast %add3A_120 : i32 to index
        %get3A_257 = arith.index_cast %mul3A_255 : i32 to index
        %get3A_258 = tpu.vector_load %arg6[%get3A_256, %get3A_257] {strides = array<i32>} : memref<64x1024xi32, #tpu.memory_space<vmem>>, vector<16xi32>,
        tpu.vector_store_idx %arg7[%get3A_258], %broadcast_in_dim3A_5 {add = true} : memref<8192xf32, #tpu.memory_space<vmem>>[vector<16xi32>], vector<16xf32>,
        %mul3A_259 = arith.constant 8 : i32
        %mul3A_260 = arith.muli %scan3A_205, %mul3A_259 : i32
        %add3A_261 = arith.constant 6 : i32
        %add3A_262 = arith.addi %mul3A_260, %add3A_261 : i32
        %mul3A_263 = arith.constant 16 : i32
        %mul3A_264 = arith.muli %add3A_262, %mul3A_263 : i32
        %get3A_265 = arith.index_cast %add3A_120 : i32 to index
        %get3A_266 = arith.index_cast %mul3A_264 : i32 to index
        %get3A_267 = tpu.vector_load %arg6[%get3A_265, %get3A_266] {strides = array<i32>} : memref<64x1024xi32, #tpu.memory_space<vmem>>, vector<16xi32>,
        tpu.vector_store_idx %arg7[%get3A_267], %broadcast_in_dim3A_5 {add = true} : memref<8192xf32, #tpu.memory_space<vmem>>[vector<16xi32>], vector<16xf32>,
        %mul3A_268 = arith.constant 8 : i32
        %mul3A_269 = arith.muli %scan3A_205, %mul3A_268 : i32
        %add3A_270 = arith.constant 7 : i32
        %add3A_271 = arith.addi %mul3A_269, %add3A_270 : i32
        %mul3A_272 = arith.constant 16 : i32
        %mul3A_273 = arith.muli %add3A_271, %mul3A_272 : i32
        %get3A_274 = arith.index_cast %add3A_120 : i32 to index
        %get3A_275 = arith.index_cast %mul3A_273 : i32 to index
        %get3A_276 = tpu.vector_load %arg6[%get3A_274, %get3A_275] {strides = array<i32>} : memref<64x1024xi32, #tpu.memory_space<vmem>>, vector<16xi32>,
        tpu.vector_store_idx %arg7[%get3A_276], %broadcast_in_dim3A_5 {add = true} : memref<8192xf32, #tpu.memory_space<vmem>>[vector<16xi32>], vector<16xf32>,
      }
      %scan3A_126 = arith.constant 8 : i32
      %add3A_127 = arith.addi %mul3A_2, %add3A_116 : i32
      %dma_start3A = arith.constant 0 : i32
      %dma_start3A_128 = tpu.memref_slice %arg5[%add3A_127, %dma_start3A] : memref<1024x8192xf32, #tpu.memory_space<hbm>> -> memref<1x8192xf32, #tpu.memory_space<hbm>>
      %dma_start3A_129 = tpu.memref_squeeze %dma_start3A_128 : memref<1x8192xf32, #tpu.memory_space<hbm>> -> memref<8192xf32, #tpu.memory_space<hbm>>
      %dma_start3A_130 = arith.constant 0 : i32
      %dma_start3A_131 = tpu.memref_slice %arg5[%add3A_127, %dma_start3A_130] : memref<1024x8192xf32, #tpu.memory_space<hbm>> -> memref<1x8192xf32, #tpu.memory_space<hbm>>
      %dma_start3A_132 = tpu.memref_squeeze %dma_start3A_131 : memref<1x8192xf32, #tpu.memory_space<hbm>> -> memref<8192xf32, #tpu.memory_space<hbm>>
      tpu.enqueue_dma source(%arg7 : memref<8192xf32, #tpu.memory_space<vmem>>) target(%dma_start3A_132 : memref<8192xf32, #tpu.memory_space<hbm>>) target_semaphore(%arg11 : memref<!tpu.dma_semaphore, #tpu.memory_space<semaphore_mem>>)
      %mul3A_133 = arith.constant 4 : i32
      %mul3A_134 = arith.muli %scan3A_112, %mul3A_133 : i32
      %add3A_135 = arith.constant 1 : i32
      %add3A_136 = arith.addi %mul3A_134, %add3A_135 : i32
      %gt3A_137 = arith.constant 0 : i32
      %gt3A_138 = arith.cmpi sgt, %scan3A_112, %gt3A_137 : i32
      %convert_element_type3A_139 = arith.extui %gt3A_138 : i1 to i32
      %cond3A_140 = arith.constant 0 : i32
      %cond3A_141 = arith.cmpi ne, %convert_element_type3A_139, %cond3A_140 : i32
      scf.if %cond3A_141 {
        %add3A_205 = arith.addi %mul3A_2, %add3A_136 : i32
        %sub3A = arith.constant 4 : i32
        %sub3A_206 = arith.subi %add3A_205, %sub3A : i32
        %dma_wait3A_207 = arith.constant 0 : i32
        %dma_wait3A_208 = tpu.memref_slice %arg5[%sub3A_206, %dma_wait3A_207] : memref<1024x8192xf32, #tpu.memory_space<hbm>> -> memref<1x8192xf32, #tpu.memory_space<hbm>>
        %dma_wait3A_209 = tpu.memref_squeeze %dma_wait3A_208 : memref<1x8192xf32, #tpu.memory_space<hbm>> -> memref<8192xf32, #tpu.memory_space<hbm>>
        %dma_wait3A_210 = arith.constant 0 : i32
        %dma_wait3A_211 = tpu.memref_slice %arg5[%sub3A_206, %dma_wait3A_210] : memref<1024x8192xf32, #tpu.memory_space<hbm>> -> memref<1x8192xf32, #tpu.memory_space<hbm>>
        %dma_wait3A_212 = tpu.memref_squeeze %dma_wait3A_211 : memref<1x8192xf32, #tpu.memory_space<hbm>> -> memref<8192xf32, #tpu.memory_space<hbm>>
        tpu.wait_dma2 semaphore(%arg12 : memref<!tpu.dma_semaphore, #tpu.memory_space<semaphore_mem>>) src(%arg8 : memref<8192xf32, #tpu.memory_space<vmem>>) dst(%dma_wait3A_212 : memref<8192xf32, #tpu.memory_space<hbm>>)
        %add3A_213 = arith.constant 32 : i32
        %add3A_214 = arith.addi %add3A_213, %add3A_136 : i32
        %sub3A_215 = arith.constant 4 : i32
        %sub3A_216 = arith.subi %add3A_214, %sub3A_215 : i32
        %scan3A_217 = arith.constant 0 : i32
        %scan3A_218 = arith.constant 0 : i32
        %scan3A_219 = arith.constant 8 : i32
        %scan3A_220 = arith.addi %scan3A_218, %scan3A_219 : i32
        %scan3A_221 = arith.constant 1 : i32
        scf.for %scan3A_223 = %scan3A_218 to %scan3A_220 step %scan3A_221  : i32 {
          %mul3A_224 = arith.constant 8 : i32
          %mul3A_225 = arith.muli %scan3A_223, %mul3A_224 : i32
          %add3A_226 = arith.constant 0 : i32
          %add3A_227 = arith.addi %mul3A_225, %add3A_226 : i32
          %mul3A_228 = arith.constant 16 : i32
          %mul3A_229 = arith.muli %add3A_227, %mul3A_228 : i32
          %get3A = arith.index_cast %sub3A_216 : i32 to index
          %get3A_230 = arith.index_cast %mul3A_229 : i32 to index
          %get3A_231 = tpu.vector_load %arg6[%get3A, %get3A_230] {strides = array<i32>} : memref<64x1024xi32, #tpu.memory_space<vmem>>, vector<16xi32>,
          tpu.vector_store_idx %arg8[%get3A_231], %neg3A_7 {add = true} : memref<8192xf32, #tpu.memory_space<vmem>>[vector<16xi32>], vector<16xf32>,
          %mul3A_232 = arith.constant 8 : i32
          %mul3A_233 = arith.muli %scan3A_223, %mul3A_232 : i32
          %add3A_234 = arith.constant 1 : i32
          %add3A_235 = arith.addi %mul3A_233, %add3A_234 : i32
          %mul3A_236 = arith.constant 16 : i32
          %mul3A_237 = arith.muli %add3A_235, %mul3A_236 : i32
          %get3A_238 = arith.index_cast %sub3A_216 : i32 to index
          %get3A_239 = arith.index_cast %mul3A_237 : i32 to index
          %get3A_240 = tpu.vector_load %arg6[%get3A_238, %get3A_239] {strides = array<i32>} : memref<64x1024xi32, #tpu.memory_space<vmem>>, vector<16xi32>,
          tpu.vector_store_idx %arg8[%get3A_240], %neg3A_7 {add = true} : memref<8192xf32, #tpu.memory_space<vmem>>[vector<16xi32>], vector<16xf32>,
          %mul3A_241 = arith.constant 8 : i32
          %mul3A_242 = arith.muli %scan3A_223, %mul3A_241 : i32
          %add3A_243 = arith.constant 2 : i32
          %add3A_244 = arith.addi %mul3A_242, %add3A_243 : i32
          %mul3A_245 = arith.constant 16 : i32
          %mul3A_246 = arith.muli %add3A_244, %mul3A_245 : i32
          %get3A_247 = arith.index_cast %sub3A_216 : i32 to index
          %get3A_248 = arith.index_cast %mul3A_246 : i32 to index
          %get3A_249 = tpu.vector_load %arg6[%get3A_247, %get3A_248] {strides = array<i32>} : memref<64x1024xi32, #tpu.memory_space<vmem>>, vector<16xi32>,
          tpu.vector_store_idx %arg8[%get3A_249], %neg3A_7 {add = true} : memref<8192xf32, #tpu.memory_space<vmem>>[vector<16xi32>], vector<16xf32>,
          %mul3A_250 = arith.constant 8 : i32
          %mul3A_251 = arith.muli %scan3A_223, %mul3A_250 : i32
          %add3A_252 = arith.constant 3 : i32
          %add3A_253 = arith.addi %mul3A_251, %add3A_252 : i32
          %mul3A_254 = arith.constant 16 : i32
          %mul3A_255 = arith.muli %add3A_253, %mul3A_254 : i32
          %get3A_256 = arith.index_cast %sub3A_216 : i32 to index
          %get3A_257 = arith.index_cast %mul3A_255 : i32 to index
          %get3A_258 = tpu.vector_load %arg6[%get3A_256, %get3A_257] {strides = array<i32>} : memref<64x1024xi32, #tpu.memory_space<vmem>>, vector<16xi32>,
          tpu.vector_store_idx %arg8[%get3A_258], %neg3A_7 {add = true} : memref<8192xf32, #tpu.memory_space<vmem>>[vector<16xi32>], vector<16xf32>,
          %mul3A_259 = arith.constant 8 : i32
          %mul3A_260 = arith.muli %scan3A_223, %mul3A_259 : i32
          %add3A_261 = arith.constant 4 : i32
          %add3A_262 = arith.addi %mul3A_260, %add3A_261 : i32
          %mul3A_263 = arith.constant 16 : i32
          %mul3A_264 = arith.muli %add3A_262, %mul3A_263 : i32
          %get3A_265 = arith.index_cast %sub3A_216 : i32 to index
          %get3A_266 = arith.index_cast %mul3A_264 : i32 to index
          %get3A_267 = tpu.vector_load %arg6[%get3A_265, %get3A_266] {strides = array<i32>} : memref<64x1024xi32, #tpu.memory_space<vmem>>, vector<16xi32>,
          tpu.vector_store_idx %arg8[%get3A_267], %neg3A_7 {add = true} : memref<8192xf32, #tpu.memory_space<vmem>>[vector<16xi32>], vector<16xf32>,
          %mul3A_268 = arith.constant 8 : i32
          %mul3A_269 = arith.muli %scan3A_223, %mul3A_268 : i32
          %add3A_270 = arith.constant 5 : i32
          %add3A_271 = arith.addi %mul3A_269, %add3A_270 : i32
          %mul3A_272 = arith.constant 16 : i32
          %mul3A_273 = arith.muli %add3A_271, %mul3A_272 : i32
          %get3A_274 = arith.index_cast %sub3A_216 : i32 to index
          %get3A_275 = arith.index_cast %mul3A_273 : i32 to index
          %get3A_276 = tpu.vector_load %arg6[%get3A_274, %get3A_275] {strides = array<i32>} : memref<64x1024xi32, #tpu.memory_space<vmem>>, vector<16xi32>,
          tpu.vector_store_idx %arg8[%get3A_276], %neg3A_7 {add = true} : memref<8192xf32, #tpu.memory_space<vmem>>[vector<16xi32>], vector<16xf32>,
          %mul3A_277 = arith.constant 8 : i32
          %mul3A_278 = arith.muli %scan3A_223, %mul3A_277 : i32
          %add3A_279 = arith.constant 6 : i32
          %add3A_280 = arith.addi %mul3A_278, %add3A_279 : i32
          %mul3A_281 = arith.constant 16 : i32
          %mul3A_282 = arith.muli %add3A_280, %mul3A_281 : i32
          %get3A_283 = arith.index_cast %sub3A_216 : i32 to index
          %get3A_284 = arith.index_cast %mul3A_282 : i32 to index
          %get3A_285 = tpu.vector_load %arg6[%get3A_283, %get3A_284] {strides = array<i32>} : memref<64x1024xi32, #tpu.memory_space<vmem>>, vector<16xi32>,
          tpu.vector_store_idx %arg8[%get3A_285], %neg3A_7 {add = true} : memref<8192xf32, #tpu.memory_space<vmem>>[vector<16xi32>], vector<16xf32>,
          %mul3A_286 = arith.constant 8 : i32
          %mul3A_287 = arith.muli %scan3A_223, %mul3A_286 : i32
          %add3A_288 = arith.constant 7 : i32
          %add3A_289 = arith.addi %mul3A_287, %add3A_288 : i32
          %mul3A_290 = arith.constant 16 : i32
          %mul3A_291 = arith.muli %add3A_289, %mul3A_290 : i32
          %get3A_292 = arith.index_cast %sub3A_216 : i32 to index
          %get3A_293 = arith.index_cast %mul3A_291 : i32 to index
          %get3A_294 = tpu.vector_load %arg6[%get3A_292, %get3A_293] {strides = array<i32>} : memref<64x1024xi32, #tpu.memory_space<vmem>>, vector<16xi32>,
          tpu.vector_store_idx %arg8[%get3A_294], %neg3A_7 {add = true} : memref<8192xf32, #tpu.memory_space<vmem>>[vector<16xi32>], vector<16xf32>,
        }
        %scan3A_222 = arith.constant 8 : i32
      } else {
      }
      %add3A_142 = arith.constant 32 : i32
      %add3A_143 = arith.addi %add3A_142, %add3A_136 : i32
      %scan3A_144 = arith.constant 0 : i32
      %scan3A_145 = arith.constant 0 : i32
      %scan3A_146 = arith.constant 8 : i32
      %scan3A_147 = arith.addi %scan3A_145, %scan3A_146 : i32
      %scan3A_148 = arith.constant 1 : i32
      scf.for %scan3A_205 = %scan3A_145 to %scan3A_147 step %scan3A_148  : i32 {
        %mul3A_206 = arith.constant 8 : i32
        %mul3A_207 = arith.muli %scan3A_205, %mul3A_206 : i32
        %add3A_208 = arith.constant 0 : i32
        %add3A_209 = arith.addi %mul3A_207, %add3A_208 : i32
        %mul3A_210 = arith.constant 16 : i32
        %mul3A_211 = arith.muli %add3A_209, %mul3A_210 : i32
        %get3A = arith.index_cast %add3A_143 : i32 to index
        %get3A_212 = arith.index_cast %mul3A_211 : i32 to index
        %get3A_213 = tpu.vector_load %arg6[%get3A, %get3A_212] {strides = array<i32>} : memref<64x1024xi32, #tpu.memory_space<vmem>>, vector<16xi32>,
        tpu.vector_store_idx %arg8[%get3A_213], %broadcast_in_dim3A_5 {add = true} : memref<8192xf32, #tpu.memory_space<vmem>>[vector<16xi32>], vector<16xf32>,
        %mul3A_214 = arith.constant 8 : i32
        %mul3A_215 = arith.muli %scan3A_205, %mul3A_214 : i32
        %add3A_216 = arith.constant 1 : i32
        %add3A_217 = arith.addi %mul3A_215, %add3A_216 : i32
        %mul3A_218 = arith.constant 16 : i32
        %mul3A_219 = arith.muli %add3A_217, %mul3A_218 : i32
        %get3A_220 = arith.index_cast %add3A_143 : i32 to index
        %get3A_221 = arith.index_cast %mul3A_219 : i32 to index
        %get3A_222 = tpu.vector_load %arg6[%get3A_220, %get3A_221] {strides = array<i32>} : memref<64x1024xi32, #tpu.memory_space<vmem>>, vector<16xi32>,
        tpu.vector_store_idx %arg8[%get3A_222], %broadcast_in_dim3A_5 {add = true} : memref<8192xf32, #tpu.memory_space<vmem>>[vector<16xi32>], vector<16xf32>,
        %mul3A_223 = arith.constant 8 : i32
        %mul3A_224 = arith.muli %scan3A_205, %mul3A_223 : i32
        %add3A_225 = arith.constant 2 : i32
        %add3A_226 = arith.addi %mul3A_224, %add3A_225 : i32
        %mul3A_227 = arith.constant 16 : i32
        %mul3A_228 = arith.muli %add3A_226, %mul3A_227 : i32
        %get3A_229 = arith.index_cast %add3A_143 : i32 to index
        %get3A_230 = arith.index_cast %mul3A_228 : i32 to index
        %get3A_231 = tpu.vector_load %arg6[%get3A_229, %get3A_230] {strides = array<i32>} : memref<64x1024xi32, #tpu.memory_space<vmem>>, vector<16xi32>,
        tpu.vector_store_idx %arg8[%get3A_231], %broadcast_in_dim3A_5 {add = true} : memref<8192xf32, #tpu.memory_space<vmem>>[vector<16xi32>], vector<16xf32>,
        %mul3A_232 = arith.constant 8 : i32
        %mul3A_233 = arith.muli %scan3A_205, %mul3A_232 : i32
        %add3A_234 = arith.constant 3 : i32
        %add3A_235 = arith.addi %mul3A_233, %add3A_234 : i32
        %mul3A_236 = arith.constant 16 : i32
        %mul3A_237 = arith.muli %add3A_235, %mul3A_236 : i32
        %get3A_238 = arith.index_cast %add3A_143 : i32 to index
        %get3A_239 = arith.index_cast %mul3A_237 : i32 to index
        %get3A_240 = tpu.vector_load %arg6[%get3A_238, %get3A_239] {strides = array<i32>} : memref<64x1024xi32, #tpu.memory_space<vmem>>, vector<16xi32>,
        tpu.vector_store_idx %arg8[%get3A_240], %broadcast_in_dim3A_5 {add = true} : memref<8192xf32, #tpu.memory_space<vmem>>[vector<16xi32>], vector<16xf32>,
        %mul3A_241 = arith.constant 8 : i32
        %mul3A_242 = arith.muli %scan3A_205, %mul3A_241 : i32
        %add3A_243 = arith.constant 4 : i32
        %add3A_244 = arith.addi %mul3A_242, %add3A_243 : i32
        %mul3A_245 = arith.constant 16 : i32
        %mul3A_246 = arith.muli %add3A_244, %mul3A_245 : i32
        %get3A_247 = arith.index_cast %add3A_143 : i32 to index
        %get3A_248 = arith.index_cast %mul3A_246 : i32 to index
        %get3A_249 = tpu.vector_load %arg6[%get3A_247, %get3A_248] {strides = array<i32>} : memref<64x1024xi32, #tpu.memory_space<vmem>>, vector<16xi32>,
        tpu.vector_store_idx %arg8[%get3A_249], %broadcast_in_dim3A_5 {add = true} : memref<8192xf32, #tpu.memory_space<vmem>>[vector<16xi32>], vector<16xf32>,
        %mul3A_250 = arith.constant 8 : i32
        %mul3A_251 = arith.muli %scan3A_205, %mul3A_250 : i32
        %add3A_252 = arith.constant 5 : i32
        %add3A_253 = arith.addi %mul3A_251, %add3A_252 : i32
        %mul3A_254 = arith.constant 16 : i32
        %mul3A_255 = arith.muli %add3A_253, %mul3A_254 : i32
        %get3A_256 = arith.index_cast %add3A_143 : i32 to index
        %get3A_257 = arith.index_cast %mul3A_255 : i32 to index
        %get3A_258 = tpu.vector_load %arg6[%get3A_256, %get3A_257] {strides = array<i32>} : memref<64x1024xi32, #tpu.memory_space<vmem>>, vector<16xi32>,
        tpu.vector_store_idx %arg8[%get3A_258], %broadcast_in_dim3A_5 {add = true} : memref<8192xf32, #tpu.memory_space<vmem>>[vector<16xi32>], vector<16xf32>,
        %mul3A_259 = arith.constant 8 : i32
        %mul3A_260 = arith.muli %scan3A_205, %mul3A_259 : i32
        %add3A_261 = arith.constant 6 : i32
        %add3A_262 = arith.addi %mul3A_260, %add3A_261 : i32
        %mul3A_263 = arith.constant 16 : i32
        %mul3A_264 = arith.muli %add3A_262, %mul3A_263 : i32
        %get3A_265 = arith.index_cast %add3A_143 : i32 to index
        %get3A_266 = arith.index_cast %mul3A_264 : i32 to index
        %get3A_267 = tpu.vector_load %arg6[%get3A_265, %get3A_266] {strides = array<i32>} : memref<64x1024xi32, #tpu.memory_space<vmem>>, vector<16xi32>,
        tpu.vector_store_idx %arg8[%get3A_267], %broadcast_in_dim3A_5 {add = true} : memref<8192xf32, #tpu.memory_space<vmem>>[vector<16xi32>], vector<16xf32>,
        %mul3A_268 = arith.constant 8 : i32
        %mul3A_269 = arith.muli %scan3A_205, %mul3A_268 : i32
        %add3A_270 = arith.constant 7 : i32
        %add3A_271 = arith.addi %mul3A_269, %add3A_270 : i32
        %mul3A_272 = arith.constant 16 : i32
        %mul3A_273 = arith.muli %add3A_271, %mul3A_272 : i32
        %get3A_274 = arith.index_cast %add3A_143 : i32 to index
        %get3A_275 = arith.index_cast %mul3A_273 : i32 to index
        %get3A_276 = tpu.vector_load %arg6[%get3A_274, %get3A_275] {strides = array<i32>} : memref<64x1024xi32, #tpu.memory_space<vmem>>, vector<16xi32>,
        tpu.vector_store_idx %arg8[%get3A_276], %broadcast_in_dim3A_5 {add = true} : memref<8192xf32, #tpu.memory_space<vmem>>[vector<16xi32>], vector<16xf32>,
      }
      %scan3A_149 = arith.constant 8 : i32
      %add3A_150 = arith.addi %mul3A_2, %add3A_136 : i32
      %dma_start3A_151 = arith.constant 0 : i32
      %dma_start3A_152 = tpu.memref_slice %arg5[%add3A_150, %dma_start3A_151] : memref<1024x8192xf32, #tpu.memory_space<hbm>> -> memref<1x8192xf32, #tpu.memory_space<hbm>>
      %dma_start3A_153 = tpu.memref_squeeze %dma_start3A_152 : memref<1x8192xf32, #tpu.memory_space<hbm>> -> memref<8192xf32, #tpu.memory_space<hbm>>
      %dma_start3A_154 = arith.constant 0 : i32
      %dma_start3A_155 = tpu.memref_slice %arg5[%add3A_150, %dma_start3A_154] : memref<1024x8192xf32, #tpu.memory_space<hbm>> -> memref<1x8192xf32, #tpu.memory_space<hbm>>
      %dma_start3A_156 = tpu.memref_squeeze %dma_start3A_155 : memref<1x8192xf32, #tpu.memory_space<hbm>> -> memref<8192xf32, #tpu.memory_space<hbm>>
      tpu.enqueue_dma source(%arg8 : memref<8192xf32, #tpu.memory_space<vmem>>) target(%dma_start3A_156 : memref<8192xf32, #tpu.memory_space<hbm>>) target_semaphore(%arg12 : memref<!tpu.dma_semaphore, #tpu.memory_space<semaphore_mem>>)
      %mul3A_157 = arith.constant 4 : i32
      %mul3A_158 = arith.muli %scan3A_112, %mul3A_157 : i32
      %add3A_159 = arith.constant 2 : i32
      %add3A_160 = arith.addi %mul3A_158, %add3A_159 : i32
      %gt3A_161 = arith.constant 0 : i32
      %gt3A_162 = arith.cmpi sgt, %scan3A_112, %gt3A_161 : i32
      %convert_element_type3A_163 = arith.extui %gt3A_162 : i1 to i32
      %cond3A_164 = arith.constant 0 : i32
      %cond3A_165 = arith.cmpi ne, %convert_element_type3A_163, %cond3A_164 : i32
      scf.if %cond3A_165 {
        %add3A_205 = arith.addi %mul3A_2, %add3A_160 : i32
        %sub3A = arith.constant 4 : i32
        %sub3A_206 = arith.subi %add3A_205, %sub3A : i32
        %dma_wait3A_207 = arith.constant 0 : i32
        %dma_wait3A_208 = tpu.memref_slice %arg5[%sub3A_206, %dma_wait3A_207] : memref<1024x8192xf32, #tpu.memory_space<hbm>> -> memref<1x8192xf32, #tpu.memory_space<hbm>>
        %dma_wait3A_209 = tpu.memref_squeeze %dma_wait3A_208 : memref<1x8192xf32, #tpu.memory_space<hbm>> -> memref<8192xf32, #tpu.memory_space<hbm>>
        %dma_wait3A_210 = arith.constant 0 : i32
        %dma_wait3A_211 = tpu.memref_slice %arg5[%sub3A_206, %dma_wait3A_210] : memref<1024x8192xf32, #tpu.memory_space<hbm>> -> memref<1x8192xf32, #tpu.memory_space<hbm>>
        %dma_wait3A_212 = tpu.memref_squeeze %dma_wait3A_211 : memref<1x8192xf32, #tpu.memory_space<hbm>> -> memref<8192xf32, #tpu.memory_space<hbm>>
        tpu.wait_dma2 semaphore(%arg13 : memref<!tpu.dma_semaphore, #tpu.memory_space<semaphore_mem>>) src(%arg9 : memref<8192xf32, #tpu.memory_space<vmem>>) dst(%dma_wait3A_212 : memref<8192xf32, #tpu.memory_space<hbm>>)
        %add3A_213 = arith.constant 32 : i32
        %add3A_214 = arith.addi %add3A_213, %add3A_160 : i32
        %sub3A_215 = arith.constant 4 : i32
        %sub3A_216 = arith.subi %add3A_214, %sub3A_215 : i32
        %scan3A_217 = arith.constant 0 : i32
        %scan3A_218 = arith.constant 0 : i32
        %scan3A_219 = arith.constant 8 : i32
        %scan3A_220 = arith.addi %scan3A_218, %scan3A_219 : i32
        %scan3A_221 = arith.constant 1 : i32
        scf.for %scan3A_223 = %scan3A_218 to %scan3A_220 step %scan3A_221  : i32 {
          %mul3A_224 = arith.constant 8 : i32
          %mul3A_225 = arith.muli %scan3A_223, %mul3A_224 : i32
          %add3A_226 = arith.constant 0 : i32
          %add3A_227 = arith.addi %mul3A_225, %add3A_226 : i32
          %mul3A_228 = arith.constant 16 : i32
          %mul3A_229 = arith.muli %add3A_227, %mul3A_228 : i32
          %get3A = arith.index_cast %sub3A_216 : i32 to index
          %get3A_230 = arith.index_cast %mul3A_229 : i32 to index
          %get3A_231 = tpu.vector_load %arg6[%get3A, %get3A_230] {strides = array<i32>} : memref<64x1024xi32, #tpu.memory_space<vmem>>, vector<16xi32>,
          tpu.vector_store_idx %arg9[%get3A_231], %neg3A_7 {add = true} : memref<8192xf32, #tpu.memory_space<vmem>>[vector<16xi32>], vector<16xf32>,
          %mul3A_232 = arith.constant 8 : i32
          %mul3A_233 = arith.muli %scan3A_223, %mul3A_232 : i32
          %add3A_234 = arith.constant 1 : i32
          %add3A_235 = arith.addi %mul3A_233, %add3A_234 : i32
          %mul3A_236 = arith.constant 16 : i32
          %mul3A_237 = arith.muli %add3A_235, %mul3A_236 : i32
          %get3A_238 = arith.index_cast %sub3A_216 : i32 to index
          %get3A_239 = arith.index_cast %mul3A_237 : i32 to index
          %get3A_240 = tpu.vector_load %arg6[%get3A_238, %get3A_239] {strides = array<i32>} : memref<64x1024xi32, #tpu.memory_space<vmem>>, vector<16xi32>,
          tpu.vector_store_idx %arg9[%get3A_240], %neg3A_7 {add = true} : memref<8192xf32, #tpu.memory_space<vmem>>[vector<16xi32>], vector<16xf32>,
          %mul3A_241 = arith.constant 8 : i32
          %mul3A_242 = arith.muli %scan3A_223, %mul3A_241 : i32
          %add3A_243 = arith.constant 2 : i32
          %add3A_244 = arith.addi %mul3A_242, %add3A_243 : i32
          %mul3A_245 = arith.constant 16 : i32
          %mul3A_246 = arith.muli %add3A_244, %mul3A_245 : i32
          %get3A_247 = arith.index_cast %sub3A_216 : i32 to index
          %get3A_248 = arith.index_cast %mul3A_246 : i32 to index
          %get3A_249 = tpu.vector_load %arg6[%get3A_247, %get3A_248] {strides = array<i32>} : memref<64x1024xi32, #tpu.memory_space<vmem>>, vector<16xi32>,
          tpu.vector_store_idx %arg9[%get3A_249], %neg3A_7 {add = true} : memref<8192xf32, #tpu.memory_space<vmem>>[vector<16xi32>], vector<16xf32>,
          %mul3A_250 = arith.constant 8 : i32
          %mul3A_251 = arith.muli %scan3A_223, %mul3A_250 : i32
          %add3A_252 = arith.constant 3 : i32
          %add3A_253 = arith.addi %mul3A_251, %add3A_252 : i32
          %mul3A_254 = arith.constant 16 : i32
          %mul3A_255 = arith.muli %add3A_253, %mul3A_254 : i32
          %get3A_256 = arith.index_cast %sub3A_216 : i32 to index
          %get3A_257 = arith.index_cast %mul3A_255 : i32 to index
          %get3A_258 = tpu.vector_load %arg6[%get3A_256, %get3A_257] {strides = array<i32>} : memref<64x1024xi32, #tpu.memory_space<vmem>>, vector<16xi32>,
          tpu.vector_store_idx %arg9[%get3A_258], %neg3A_7 {add = true} : memref<8192xf32, #tpu.memory_space<vmem>>[vector<16xi32>], vector<16xf32>,
          %mul3A_259 = arith.constant 8 : i32
          %mul3A_260 = arith.muli %scan3A_223, %mul3A_259 : i32
          %add3A_261 = arith.constant 4 : i32
          %add3A_262 = arith.addi %mul3A_260, %add3A_261 : i32
          %mul3A_263 = arith.constant 16 : i32
          %mul3A_264 = arith.muli %add3A_262, %mul3A_263 : i32
          %get3A_265 = arith.index_cast %sub3A_216 : i32 to index
          %get3A_266 = arith.index_cast %mul3A_264 : i32 to index
          %get3A_267 = tpu.vector_load %arg6[%get3A_265, %get3A_266] {strides = array<i32>} : memref<64x1024xi32, #tpu.memory_space<vmem>>, vector<16xi32>,
          tpu.vector_store_idx %arg9[%get3A_267], %neg3A_7 {add = true} : memref<8192xf32, #tpu.memory_space<vmem>>[vector<16xi32>], vector<16xf32>,
          %mul3A_268 = arith.constant 8 : i32
          %mul3A_269 = arith.muli %scan3A_223, %mul3A_268 : i32
          %add3A_270 = arith.constant 5 : i32
          %add3A_271 = arith.addi %mul3A_269, %add3A_270 : i32
          %mul3A_272 = arith.constant 16 : i32
          %mul3A_273 = arith.muli %add3A_271, %mul3A_272 : i32
          %get3A_274 = arith.index_cast %sub3A_216 : i32 to index
          %get3A_275 = arith.index_cast %mul3A_273 : i32 to index
          %get3A_276 = tpu.vector_load %arg6[%get3A_274, %get3A_275] {strides = array<i32>} : memref<64x1024xi32, #tpu.memory_space<vmem>>, vector<16xi32>,
          tpu.vector_store_idx %arg9[%get3A_276], %neg3A_7 {add = true} : memref<8192xf32, #tpu.memory_space<vmem>>[vector<16xi32>], vector<16xf32>,
          %mul3A_277 = arith.constant 8 : i32
          %mul3A_278 = arith.muli %scan3A_223, %mul3A_277 : i32
          %add3A_279 = arith.constant 6 : i32
          %add3A_280 = arith.addi %mul3A_278, %add3A_279 : i32
          %mul3A_281 = arith.constant 16 : i32
          %mul3A_282 = arith.muli %add3A_280, %mul3A_281 : i32
          %get3A_283 = arith.index_cast %sub3A_216 : i32 to index
          %get3A_284 = arith.index_cast %mul3A_282 : i32 to index
          %get3A_285 = tpu.vector_load %arg6[%get3A_283, %get3A_284] {strides = array<i32>} : memref<64x1024xi32, #tpu.memory_space<vmem>>, vector<16xi32>,
          tpu.vector_store_idx %arg9[%get3A_285], %neg3A_7 {add = true} : memref<8192xf32, #tpu.memory_space<vmem>>[vector<16xi32>], vector<16xf32>,
          %mul3A_286 = arith.constant 8 : i32
          %mul3A_287 = arith.muli %scan3A_223, %mul3A_286 : i32
          %add3A_288 = arith.constant 7 : i32
          %add3A_289 = arith.addi %mul3A_287, %add3A_288 : i32
          %mul3A_290 = arith.constant 16 : i32
          %mul3A_291 = arith.muli %add3A_289, %mul3A_290 : i32
          %get3A_292 = arith.index_cast %sub3A_216 : i32 to index
          %get3A_293 = arith.index_cast %mul3A_291 : i32 to index
          %get3A_294 = tpu.vector_load %arg6[%get3A_292, %get3A_293] {strides = array<i32>} : memref<64x1024xi32, #tpu.memory_space<vmem>>, vector<16xi32>,
          tpu.vector_store_idx %arg9[%get3A_294], %neg3A_7 {add = true} : memref<8192xf32, #tpu.memory_space<vmem>>[vector<16xi32>], vector<16xf32>,
        }
        %scan3A_222 = arith.constant 8 : i32
      } else {
      }
      %add3A_166 = arith.constant 32 : i32
      %add3A_167 = arith.addi %add3A_166, %add3A_160 : i32
      %scan3A_168 = arith.constant 0 : i32
      %scan3A_169 = arith.constant 0 : i32
      %scan3A_170 = arith.constant 8 : i32
      %scan3A_171 = arith.addi %scan3A_169, %scan3A_170 : i32
      %scan3A_172 = arith.constant 1 : i32
      scf.for %scan3A_205 = %scan3A_169 to %scan3A_171 step %scan3A_172  : i32 {
        %mul3A_206 = arith.constant 8 : i32
        %mul3A_207 = arith.muli %scan3A_205, %mul3A_206 : i32
        %add3A_208 = arith.constant 0 : i32
        %add3A_209 = arith.addi %mul3A_207, %add3A_208 : i32
        %mul3A_210 = arith.constant 16 : i32
        %mul3A_211 = arith.muli %add3A_209, %mul3A_210 : i32
        %get3A = arith.index_cast %add3A_167 : i32 to index
        %get3A_212 = arith.index_cast %mul3A_211 : i32 to index
        %get3A_213 = tpu.vector_load %arg6[%get3A, %get3A_212] {strides = array<i32>} : memref<64x1024xi32, #tpu.memory_space<vmem>>, vector<16xi32>,
        tpu.vector_store_idx %arg9[%get3A_213], %broadcast_in_dim3A_5 {add = true} : memref<8192xf32, #tpu.memory_space<vmem>>[vector<16xi32>], vector<16xf32>,
        %mul3A_214 = arith.constant 8 : i32
        %mul3A_215 = arith.muli %scan3A_205, %mul3A_214 : i32
        %add3A_216 = arith.constant 1 : i32
        %add3A_217 = arith.addi %mul3A_215, %add3A_216 : i32
        %mul3A_218 = arith.constant 16 : i32
        %mul3A_219 = arith.muli %add3A_217, %mul3A_218 : i32
        %get3A_220 = arith.index_cast %add3A_167 : i32 to index
        %get3A_221 = arith.index_cast %mul3A_219 : i32 to index
        %get3A_222 = tpu.vector_load %arg6[%get3A_220, %get3A_221] {strides = array<i32>} : memref<64x1024xi32, #tpu.memory_space<vmem>>, vector<16xi32>,
        tpu.vector_store_idx %arg9[%get3A_222], %broadcast_in_dim3A_5 {add = true} : memref<8192xf32, #tpu.memory_space<vmem>>[vector<16xi32>], vector<16xf32>,
        %mul3A_223 = arith.constant 8 : i32
        %mul3A_224 = arith.muli %scan3A_205, %mul3A_223 : i32
        %add3A_225 = arith.constant 2 : i32
        %add3A_226 = arith.addi %mul3A_224, %add3A_225 : i32
        %mul3A_227 = arith.constant 16 : i32
        %mul3A_228 = arith.muli %add3A_226, %mul3A_227 : i32
        %get3A_229 = arith.index_cast %add3A_167 : i32 to index
        %get3A_230 = arith.index_cast %mul3A_228 : i32 to index
        %get3A_231 = tpu.vector_load %arg6[%get3A_229, %get3A_230] {strides = array<i32>} : memref<64x1024xi32, #tpu.memory_space<vmem>>, vector<16xi32>,
        tpu.vector_store_idx %arg9[%get3A_231], %broadcast_in_dim3A_5 {add = true} : memref<8192xf32, #tpu.memory_space<vmem>>[vector<16xi32>], vector<16xf32>,
        %mul3A_232 = arith.constant 8 : i32
        %mul3A_233 = arith.muli %scan3A_205, %mul3A_232 : i32
        %add3A_234 = arith.constant 3 : i32
        %add3A_235 = arith.addi %mul3A_233, %add3A_234 : i32
        %mul3A_236 = arith.constant 16 : i32
        %mul3A_237 = arith.muli %add3A_235, %mul3A_236 : i32
        %get3A_238 = arith.index_cast %add3A_167 : i32 to index
        %get3A_239 = arith.index_cast %mul3A_237 : i32 to index
        %get3A_240 = tpu.vector_load %arg6[%get3A_238, %get3A_239] {strides = array<i32>} : memref<64x1024xi32, #tpu.memory_space<vmem>>, vector<16xi32>,
        tpu.vector_store_idx %arg9[%get3A_240], %broadcast_in_dim3A_5 {add = true} : memref<8192xf32, #tpu.memory_space<vmem>>[vector<16xi32>], vector<16xf32>,
        %mul3A_241 = arith.constant 8 : i32
        %mul3A_242 = arith.muli %scan3A_205, %mul3A_241 : i32
        %add3A_243 = arith.constant 4 : i32
        %add3A_244 = arith.addi %mul3A_242, %add3A_243 : i32
        %mul3A_245 = arith.constant 16 : i32
        %mul3A_246 = arith.muli %add3A_244, %mul3A_245 : i32
        %get3A_247 = arith.index_cast %add3A_167 : i32 to index
        %get3A_248 = arith.index_cast %mul3A_246 : i32 to index
        %get3A_249 = tpu.vector_load %arg6[%get3A_247, %get3A_248] {strides = array<i32>} : memref<64x1024xi32, #tpu.memory_space<vmem>>, vector<16xi32>,
        tpu.vector_store_idx %arg9[%get3A_249], %broadcast_in_dim3A_5 {add = true} : memref<8192xf32, #tpu.memory_space<vmem>>[vector<16xi32>], vector<16xf32>,
        %mul3A_250 = arith.constant 8 : i32
        %mul3A_251 = arith.muli %scan3A_205, %mul3A_250 : i32
        %add3A_252 = arith.constant 5 : i32
        %add3A_253 = arith.addi %mul3A_251, %add3A_252 : i32
        %mul3A_254 = arith.constant 16 : i32
        %mul3A_255 = arith.muli %add3A_253, %mul3A_254 : i32
        %get3A_256 = arith.index_cast %add3A_167 : i32 to index
        %get3A_257 = arith.index_cast %mul3A_255 : i32 to index
        %get3A_258 = tpu.vector_load %arg6[%get3A_256, %get3A_257] {strides = array<i32>} : memref<64x1024xi32, #tpu.memory_space<vmem>>, vector<16xi32>,
        tpu.vector_store_idx %arg9[%get3A_258], %broadcast_in_dim3A_5 {add = true} : memref<8192xf32, #tpu.memory_space<vmem>>[vector<16xi32>], vector<16xf32>,
        %mul3A_259 = arith.constant 8 : i32
        %mul3A_260 = arith.muli %scan3A_205, %mul3A_259 : i32
        %add3A_261 = arith.constant 6 : i32
        %add3A_262 = arith.addi %mul3A_260, %add3A_261 : i32
        %mul3A_263 = arith.constant 16 : i32
        %mul3A_264 = arith.muli %add3A_262, %mul3A_263 : i32
        %get3A_265 = arith.index_cast %add3A_167 : i32 to index
        %get3A_266 = arith.index_cast %mul3A_264 : i32 to index
        %get3A_267 = tpu.vector_load %arg6[%get3A_265, %get3A_266] {strides = array<i32>} : memref<64x1024xi32, #tpu.memory_space<vmem>>, vector<16xi32>,
        tpu.vector_store_idx %arg9[%get3A_267], %broadcast_in_dim3A_5 {add = true} : memref<8192xf32, #tpu.memory_space<vmem>>[vector<16xi32>], vector<16xf32>,
        %mul3A_268 = arith.constant 8 : i32
        %mul3A_269 = arith.muli %scan3A_205, %mul3A_268 : i32
        %add3A_270 = arith.constant 7 : i32
        %add3A_271 = arith.addi %mul3A_269, %add3A_270 : i32
        %mul3A_272 = arith.constant 16 : i32
        %mul3A_273 = arith.muli %add3A_271, %mul3A_272 : i32
        %get3A_274 = arith.index_cast %add3A_167 : i32 to index
        %get3A_275 = arith.index_cast %mul3A_273 : i32 to index
        %get3A_276 = tpu.vector_load %arg6[%get3A_274, %get3A_275] {strides = array<i32>} : memref<64x1024xi32, #tpu.memory_space<vmem>>, vector<16xi32>,
        tpu.vector_store_idx %arg9[%get3A_276], %broadcast_in_dim3A_5 {add = true} : memref<8192xf32, #tpu.memory_space<vmem>>[vector<16xi32>], vector<16xf32>,
      }
      %scan3A_173 = arith.constant 8 : i32
      %add3A_174 = arith.addi %mul3A_2, %add3A_160 : i32
      %dma_start3A_175 = arith.constant 0 : i32
      %dma_start3A_176 = tpu.memref_slice %arg5[%add3A_174, %dma_start3A_175] : memref<1024x8192xf32, #tpu.memory_space<hbm>> -> memref<1x8192xf32, #tpu.memory_space<hbm>>
      %dma_start3A_177 = tpu.memref_squeeze %dma_start3A_176 : memref<1x8192xf32, #tpu.memory_space<hbm>> -> memref<8192xf32, #tpu.memory_space<hbm>>
      %dma_start3A_178 = arith.constant 0 : i32
      %dma_start3A_179 = tpu.memref_slice %arg5[%add3A_174, %dma_start3A_178] : memref<1024x8192xf32, #tpu.memory_space<hbm>> -> memref<1x8192xf32, #tpu.memory_space<hbm>>
      %dma_start3A_180 = tpu.memref_squeeze %dma_start3A_179 : memref<1x8192xf32, #tpu.memory_space<hbm>> -> memref<8192xf32, #tpu.memory_space<hbm>>
      tpu.enqueue_dma source(%arg9 : memref<8192xf32, #tpu.memory_space<vmem>>) target(%dma_start3A_180 : memref<8192xf32, #tpu.memory_space<hbm>>) target_semaphore(%arg13 : memref<!tpu.dma_semaphore, #tpu.memory_space<semaphore_mem>>)
      %mul3A_181 = arith.constant 4 : i32
      %mul3A_182 = arith.muli %scan3A_112, %mul3A_181 : i32
      %add3A_183 = arith.constant 3 : i32
      %add3A_184 = arith.addi %mul3A_182, %add3A_183 : i32
      %gt3A_185 = arith.constant 0 : i32
      %gt3A_186 = arith.cmpi sgt, %scan3A_112, %gt3A_185 : i32
      %convert_element_type3A_187 = arith.extui %gt3A_186 : i1 to i32
      %cond3A_188 = arith.constant 0 : i32
      %cond3A_189 = arith.cmpi ne, %convert_element_type3A_187, %cond3A_188 : i32
      scf.if %cond3A_189 {
        %add3A_205 = arith.addi %mul3A_2, %add3A_184 : i32
        %sub3A = arith.constant 4 : i32
        %sub3A_206 = arith.subi %add3A_205, %sub3A : i32
        %dma_wait3A_207 = arith.constant 0 : i32
        %dma_wait3A_208 = tpu.memref_slice %arg5[%sub3A_206, %dma_wait3A_207] : memref<1024x8192xf32, #tpu.memory_space<hbm>> -> memref<1x8192xf32, #tpu.memory_space<hbm>>
        %dma_wait3A_209 = tpu.memref_squeeze %dma_wait3A_208 : memref<1x8192xf32, #tpu.memory_space<hbm>> -> memref<8192xf32, #tpu.memory_space<hbm>>
        %dma_wait3A_210 = arith.constant 0 : i32
        %dma_wait3A_211 = tpu.memref_slice %arg5[%sub3A_206, %dma_wait3A_210] : memref<1024x8192xf32, #tpu.memory_space<hbm>> -> memref<1x8192xf32, #tpu.memory_space<hbm>>
        %dma_wait3A_212 = tpu.memref_squeeze %dma_wait3A_211 : memref<1x8192xf32, #tpu.memory_space<hbm>> -> memref<8192xf32, #tpu.memory_space<hbm>>
        tpu.wait_dma2 semaphore(%arg14 : memref<!tpu.dma_semaphore, #tpu.memory_space<semaphore_mem>>) src(%arg10 : memref<8192xf32, #tpu.memory_space<vmem>>) dst(%dma_wait3A_212 : memref<8192xf32, #tpu.memory_space<hbm>>)
        %add3A_213 = arith.constant 32 : i32
        %add3A_214 = arith.addi %add3A_213, %add3A_184 : i32
        %sub3A_215 = arith.constant 4 : i32
        %sub3A_216 = arith.subi %add3A_214, %sub3A_215 : i32
        %scan3A_217 = arith.constant 0 : i32
        %scan3A_218 = arith.constant 0 : i32
        %scan3A_219 = arith.constant 8 : i32
        %scan3A_220 = arith.addi %scan3A_218, %scan3A_219 : i32
        %scan3A_221 = arith.constant 1 : i32
        scf.for %scan3A_223 = %scan3A_218 to %scan3A_220 step %scan3A_221  : i32 {
          %mul3A_224 = arith.constant 8 : i32
          %mul3A_225 = arith.muli %scan3A_223, %mul3A_224 : i32
          %add3A_226 = arith.constant 0 : i32
          %add3A_227 = arith.addi %mul3A_225, %add3A_226 : i32
          %mul3A_228 = arith.constant 16 : i32
          %mul3A_229 = arith.muli %add3A_227, %mul3A_228 : i32
          %get3A = arith.index_cast %sub3A_216 : i32 to index
          %get3A_230 = arith.index_cast %mul3A_229 : i32 to index
          %get3A_231 = tpu.vector_load %arg6[%get3A, %get3A_230] {strides = array<i32>} : memref<64x1024xi32, #tpu.memory_space<vmem>>, vector<16xi32>,
          tpu.vector_store_idx %arg10[%get3A_231], %neg3A_7 {add = true} : memref<8192xf32, #tpu.memory_space<vmem>>[vector<16xi32>], vector<16xf32>,
          %mul3A_232 = arith.constant 8 : i32
          %mul3A_233 = arith.muli %scan3A_223, %mul3A_232 : i32
          %add3A_234 = arith.constant 1 : i32
          %add3A_235 = arith.addi %mul3A_233, %add3A_234 : i32
          %mul3A_236 = arith.constant 16 : i32
          %mul3A_237 = arith.muli %add3A_235, %mul3A_236 : i32
          %get3A_238 = arith.index_cast %sub3A_216 : i32 to index
          %get3A_239 = arith.index_cast %mul3A_237 : i32 to index
          %get3A_240 = tpu.vector_load %arg6[%get3A_238, %get3A_239] {strides = array<i32>} : memref<64x1024xi32, #tpu.memory_space<vmem>>, vector<16xi32>,
          tpu.vector_store_idx %arg10[%get3A_240], %neg3A_7 {add = true} : memref<8192xf32, #tpu.memory_space<vmem>>[vector<16xi32>], vector<16xf32>,
          %mul3A_241 = arith.constant 8 : i32
          %mul3A_242 = arith.muli %scan3A_223, %mul3A_241 : i32
          %add3A_243 = arith.constant 2 : i32
          %add3A_244 = arith.addi %mul3A_242, %add3A_243 : i32
          %mul3A_245 = arith.constant 16 : i32
          %mul3A_246 = arith.muli %add3A_244, %mul3A_245 : i32
          %get3A_247 = arith.index_cast %sub3A_216 : i32 to index
          %get3A_248 = arith.index_cast %mul3A_246 : i32 to index
          %get3A_249 = tpu.vector_load %arg6[%get3A_247, %get3A_248] {strides = array<i32>} : memref<64x1024xi32, #tpu.memory_space<vmem>>, vector<16xi32>,
          tpu.vector_store_idx %arg10[%get3A_249], %neg3A_7 {add = true} : memref<8192xf32, #tpu.memory_space<vmem>>[vector<16xi32>], vector<16xf32>,
          %mul3A_250 = arith.constant 8 : i32
          %mul3A_251 = arith.muli %scan3A_223, %mul3A_250 : i32
          %add3A_252 = arith.constant 3 : i32
          %add3A_253 = arith.addi %mul3A_251, %add3A_252 : i32
          %mul3A_254 = arith.constant 16 : i32
          %mul3A_255 = arith.muli %add3A_253, %mul3A_254 : i32
          %get3A_256 = arith.index_cast %sub3A_216 : i32 to index
          %get3A_257 = arith.index_cast %mul3A_255 : i32 to index
          %get3A_258 = tpu.vector_load %arg6[%get3A_256, %get3A_257] {strides = array<i32>} : memref<64x1024xi32, #tpu.memory_space<vmem>>, vector<16xi32>,
          tpu.vector_store_idx %arg10[%get3A_258], %neg3A_7 {add = true} : memref<8192xf32, #tpu.memory_space<vmem>>[vector<16xi32>], vector<16xf32>,
          %mul3A_259 = arith.constant 8 : i32
          %mul3A_260 = arith.muli %scan3A_223, %mul3A_259 : i32
          %add3A_261 = arith.constant 4 : i32
          %add3A_262 = arith.addi %mul3A_260, %add3A_261 : i32
          %mul3A_263 = arith.constant 16 : i32
          %mul3A_264 = arith.muli %add3A_262, %mul3A_263 : i32
          %get3A_265 = arith.index_cast %sub3A_216 : i32 to index
          %get3A_266 = arith.index_cast %mul3A_264 : i32 to index
          %get3A_267 = tpu.vector_load %arg6[%get3A_265, %get3A_266] {strides = array<i32>} : memref<64x1024xi32, #tpu.memory_space<vmem>>, vector<16xi32>,
          tpu.vector_store_idx %arg10[%get3A_267], %neg3A_7 {add = true} : memref<8192xf32, #tpu.memory_space<vmem>>[vector<16xi32>], vector<16xf32>,
          %mul3A_268 = arith.constant 8 : i32
          %mul3A_269 = arith.muli %scan3A_223, %mul3A_268 : i32
          %add3A_270 = arith.constant 5 : i32
          %add3A_271 = arith.addi %mul3A_269, %add3A_270 : i32
          %mul3A_272 = arith.constant 16 : i32
          %mul3A_273 = arith.muli %add3A_271, %mul3A_272 : i32
          %get3A_274 = arith.index_cast %sub3A_216 : i32 to index
          %get3A_275 = arith.index_cast %mul3A_273 : i32 to index
          %get3A_276 = tpu.vector_load %arg6[%get3A_274, %get3A_275] {strides = array<i32>} : memref<64x1024xi32, #tpu.memory_space<vmem>>, vector<16xi32>,
          tpu.vector_store_idx %arg10[%get3A_276], %neg3A_7 {add = true} : memref<8192xf32, #tpu.memory_space<vmem>>[vector<16xi32>], vector<16xf32>,
          %mul3A_277 = arith.constant 8 : i32
          %mul3A_278 = arith.muli %scan3A_223, %mul3A_277 : i32
          %add3A_279 = arith.constant 6 : i32
          %add3A_280 = arith.addi %mul3A_278, %add3A_279 : i32
          %mul3A_281 = arith.constant 16 : i32
          %mul3A_282 = arith.muli %add3A_280, %mul3A_281 : i32
          %get3A_283 = arith.index_cast %sub3A_216 : i32 to index
          %get3A_284 = arith.index_cast %mul3A_282 : i32 to index
          %get3A_285 = tpu.vector_load %arg6[%get3A_283, %get3A_284] {strides = array<i32>} : memref<64x1024xi32, #tpu.memory_space<vmem>>, vector<16xi32>,
          tpu.vector_store_idx %arg10[%get3A_285], %neg3A_7 {add = true} : memref<8192xf32, #tpu.memory_space<vmem>>[vector<16xi32>], vector<16xf32>,
          %mul3A_286 = arith.constant 8 : i32
          %mul3A_287 = arith.muli %scan3A_223, %mul3A_286 : i32
          %add3A_288 = arith.constant 7 : i32
          %add3A_289 = arith.addi %mul3A_287, %add3A_288 : i32
          %mul3A_290 = arith.constant 16 : i32
          %mul3A_291 = arith.muli %add3A_289, %mul3A_290 : i32
          %get3A_292 = arith.index_cast %sub3A_216 : i32 to index
          %get3A_293 = arith.index_cast %mul3A_291 : i32 to index
          %get3A_294 = tpu.vector_load %arg6[%get3A_292, %get3A_293] {strides = array<i32>} : memref<64x1024xi32, #tpu.memory_space<vmem>>, vector<16xi32>,
          tpu.vector_store_idx %arg10[%get3A_294], %neg3A_7 {add = true} : memref<8192xf32, #tpu.memory_space<vmem>>[vector<16xi32>], vector<16xf32>,
        }
        %scan3A_222 = arith.constant 8 : i32
      } else {
      }
      %add3A_190 = arith.constant 32 : i32
      %add3A_191 = arith.addi %add3A_190, %add3A_184 : i32
      %scan3A_192 = arith.constant 0 : i32
      %scan3A_193 = arith.constant 0 : i32
      %scan3A_194 = arith.constant 8 : i32
      %scan3A_195 = arith.addi %scan3A_193, %scan3A_194 : i32
      %scan3A_196 = arith.constant 1 : i32
      scf.for %scan3A_205 = %scan3A_193 to %scan3A_195 step %scan3A_196  : i32 {
        %mul3A_206 = arith.constant 8 : i32
        %mul3A_207 = arith.muli %scan3A_205, %mul3A_206 : i32
        %add3A_208 = arith.constant 0 : i32
        %add3A_209 = arith.addi %mul3A_207, %add3A_208 : i32
        %mul3A_210 = arith.constant 16 : i32
        %mul3A_211 = arith.muli %add3A_209, %mul3A_210 : i32
        %get3A = arith.index_cast %add3A_191 : i32 to index
        %get3A_212 = arith.index_cast %mul3A_211 : i32 to index
        %get3A_213 = tpu.vector_load %arg6[%get3A, %get3A_212] {strides = array<i32>} : memref<64x1024xi32, #tpu.memory_space<vmem>>, vector<16xi32>,
        tpu.vector_store_idx %arg10[%get3A_213], %broadcast_in_dim3A_5 {add = true} : memref<8192xf32, #tpu.memory_space<vmem>>[vector<16xi32>], vector<16xf32>,
        %mul3A_214 = arith.constant 8 : i32
        %mul3A_215 = arith.muli %scan3A_205, %mul3A_214 : i32
        %add3A_216 = arith.constant 1 : i32
        %add3A_217 = arith.addi %mul3A_215, %add3A_216 : i32
        %mul3A_218 = arith.constant 16 : i32
        %mul3A_219 = arith.muli %add3A_217, %mul3A_218 : i32
        %get3A_220 = arith.index_cast %add3A_191 : i32 to index
        %get3A_221 = arith.index_cast %mul3A_219 : i32 to index
        %get3A_222 = tpu.vector_load %arg6[%get3A_220, %get3A_221] {strides = array<i32>} : memref<64x1024xi32, #tpu.memory_space<vmem>>, vector<16xi32>,
        tpu.vector_store_idx %arg10[%get3A_222], %broadcast_in_dim3A_5 {add = true} : memref<8192xf32, #tpu.memory_space<vmem>>[vector<16xi32>], vector<16xf32>,
        %mul3A_223 = arith.constant 8 : i32
        %mul3A_224 = arith.muli %scan3A_205, %mul3A_223 : i32
        %add3A_225 = arith.constant 2 : i32
        %add3A_226 = arith.addi %mul3A_224, %add3A_225 : i32
        %mul3A_227 = arith.constant 16 : i32
        %mul3A_228 = arith.muli %add3A_226, %mul3A_227 : i32
        %get3A_229 = arith.index_cast %add3A_191 : i32 to index
        %get3A_230 = arith.index_cast %mul3A_228 : i32 to index
        %get3A_231 = tpu.vector_load %arg6[%get3A_229, %get3A_230] {strides = array<i32>} : memref<64x1024xi32, #tpu.memory_space<vmem>>, vector<16xi32>,
        tpu.vector_store_idx %arg10[%get3A_231], %broadcast_in_dim3A_5 {add = true} : memref<8192xf32, #tpu.memory_space<vmem>>[vector<16xi32>], vector<16xf32>,
        %mul3A_232 = arith.constant 8 : i32
        %mul3A_233 = arith.muli %scan3A_205, %mul3A_232 : i32
        %add3A_234 = arith.constant 3 : i32
        %add3A_235 = arith.addi %mul3A_233, %add3A_234 : i32
        %mul3A_236 = arith.constant 16 : i32
        %mul3A_237 = arith.muli %add3A_235, %mul3A_236 : i32
        %get3A_238 = arith.index_cast %add3A_191 : i32 to index
        %get3A_239 = arith.index_cast %mul3A_237 : i32 to index
        %get3A_240 = tpu.vector_load %arg6[%get3A_238, %get3A_239] {strides = array<i32>} : memref<64x1024xi32, #tpu.memory_space<vmem>>, vector<16xi32>,
        tpu.vector_store_idx %arg10[%get3A_240], %broadcast_in_dim3A_5 {add = true} : memref<8192xf32, #tpu.memory_space<vmem>>[vector<16xi32>], vector<16xf32>,
        %mul3A_241 = arith.constant 8 : i32
        %mul3A_242 = arith.muli %scan3A_205, %mul3A_241 : i32
        %add3A_243 = arith.constant 4 : i32
        %add3A_244 = arith.addi %mul3A_242, %add3A_243 : i32
        %mul3A_245 = arith.constant 16 : i32
        %mul3A_246 = arith.muli %add3A_244, %mul3A_245 : i32
        %get3A_247 = arith.index_cast %add3A_191 : i32 to index
        %get3A_248 = arith.index_cast %mul3A_246 : i32 to index
        %get3A_249 = tpu.vector_load %arg6[%get3A_247, %get3A_248] {strides = array<i32>} : memref<64x1024xi32, #tpu.memory_space<vmem>>, vector<16xi32>,
        tpu.vector_store_idx %arg10[%get3A_249], %broadcast_in_dim3A_5 {add = true} : memref<8192xf32, #tpu.memory_space<vmem>>[vector<16xi32>], vector<16xf32>,
        %mul3A_250 = arith.constant 8 : i32
        %mul3A_251 = arith.muli %scan3A_205, %mul3A_250 : i32
        %add3A_252 = arith.constant 5 : i32
        %add3A_253 = arith.addi %mul3A_251, %add3A_252 : i32
        %mul3A_254 = arith.constant 16 : i32
        %mul3A_255 = arith.muli %add3A_253, %mul3A_254 : i32
        %get3A_256 = arith.index_cast %add3A_191 : i32 to index
        %get3A_257 = arith.index_cast %mul3A_255 : i32 to index
        %get3A_258 = tpu.vector_load %arg6[%get3A_256, %get3A_257] {strides = array<i32>} : memref<64x1024xi32, #tpu.memory_space<vmem>>, vector<16xi32>,
        tpu.vector_store_idx %arg10[%get3A_258], %broadcast_in_dim3A_5 {add = true} : memref<8192xf32, #tpu.memory_space<vmem>>[vector<16xi32>], vector<16xf32>,
        %mul3A_259 = arith.constant 8 : i32
        %mul3A_260 = arith.muli %scan3A_205, %mul3A_259 : i32
        %add3A_261 = arith.constant 6 : i32
        %add3A_262 = arith.addi %mul3A_260, %add3A_261 : i32
        %mul3A_263 = arith.constant 16 : i32
        %mul3A_264 = arith.muli %add3A_262, %mul3A_263 : i32
        %get3A_265 = arith.index_cast %add3A_191 : i32 to index
        %get3A_266 = arith.index_cast %mul3A_264 : i32 to index
        %get3A_267 = tpu.vector_load %arg6[%get3A_265, %get3A_266] {strides = array<i32>} : memref<64x1024xi32, #tpu.memory_space<vmem>>, vector<16xi32>,
        tpu.vector_store_idx %arg10[%get3A_267], %broadcast_in_dim3A_5 {add = true} : memref<8192xf32, #tpu.memory_space<vmem>>[vector<16xi32>], vector<16xf32>,
        %mul3A_268 = arith.constant 8 : i32
        %mul3A_269 = arith.muli %scan3A_205, %mul3A_268 : i32
        %add3A_270 = arith.constant 7 : i32
        %add3A_271 = arith.addi %mul3A_269, %add3A_270 : i32
        %mul3A_272 = arith.constant 16 : i32
        %mul3A_273 = arith.muli %add3A_271, %mul3A_272 : i32
        %get3A_274 = arith.index_cast %add3A_191 : i32 to index
        %get3A_275 = arith.index_cast %mul3A_273 : i32 to index
        %get3A_276 = tpu.vector_load %arg6[%get3A_274, %get3A_275] {strides = array<i32>} : memref<64x1024xi32, #tpu.memory_space<vmem>>, vector<16xi32>,
        tpu.vector_store_idx %arg10[%get3A_276], %broadcast_in_dim3A_5 {add = true} : memref<8192xf32, #tpu.memory_space<vmem>>[vector<16xi32>], vector<16xf32>,
      }
      %scan3A_197 = arith.constant 8 : i32
      %add3A_198 = arith.addi %mul3A_2, %add3A_184 : i32
      %dma_start3A_199 = arith.constant 0 : i32
      %dma_start3A_200 = tpu.memref_slice %arg5[%add3A_198, %dma_start3A_199] : memref<1024x8192xf32, #tpu.memory_space<hbm>> -> memref<1x8192xf32, #tpu.memory_space<hbm>>
      %dma_start3A_201 = tpu.memref_squeeze %dma_start3A_200 : memref<1x8192xf32, #tpu.memory_space<hbm>> -> memref<8192xf32, #tpu.memory_space<hbm>>
      %dma_start3A_202 = arith.constant 0 : i32
      %dma_start3A_203 = tpu.memref_slice %arg5[%add3A_198, %dma_start3A_202] : memref<1024x8192xf32, #tpu.memory_space<hbm>> -> memref<1x8192xf32, #tpu.memory_space<hbm>>
      %dma_start3A_204 = tpu.memref_squeeze %dma_start3A_203 : memref<1x8192xf32, #tpu.memory_space<hbm>> -> memref<8192xf32, #tpu.memory_space<hbm>>
      tpu.enqueue_dma source(%arg10 : memref<8192xf32, #tpu.memory_space<vmem>>) target(%dma_start3A_204 : memref<8192xf32, #tpu.memory_space<hbm>>) target_semaphore(%arg14 : memref<!tpu.dma_semaphore, #tpu.memory_space<semaphore_mem>>)
    }
    %scan3A_79 = arith.constant 8 : i32
    %add3A_80 = arith.constant 28 : i32
    %add3A_81 = arith.addi %mul3A_2, %add3A_80 : i32
    %dma_wait3A_82 = arith.constant 0 : i32
    %dma_wait3A_83 = tpu.memref_slice %arg5[%add3A_81, %dma_wait3A_82] : memref<1024x8192xf32, #tpu.memory_space<hbm>> -> memref<1x8192xf32, #tpu.memory_space<hbm>>
    %dma_wait3A_84 = tpu.memref_squeeze %dma_wait3A_83 : memref<1x8192xf32, #tpu.memory_space<hbm>> -> memref<8192xf32, #tpu.memory_space<hbm>>
    %dma_wait3A_85 = arith.constant 0 : i32
    %dma_wait3A_86 = tpu.memref_slice %arg5[%add3A_81, %dma_wait3A_85] : memref<1024x8192xf32, #tpu.memory_space<hbm>> -> memref<1x8192xf32, #tpu.memory_space<hbm>>
    %dma_wait3A_87 = tpu.memref_squeeze %dma_wait3A_86 : memref<1x8192xf32, #tpu.memory_space<hbm>> -> memref<8192xf32, #tpu.memory_space<hbm>>
    tpu.wait_dma2 semaphore(%arg11 : memref<!tpu.dma_semaphore, #tpu.memory_space<semaphore_mem>>) src(%arg7 : memref<8192xf32, #tpu.memory_space<vmem>>) dst(%dma_wait3A_87 : memref<8192xf32, #tpu.memory_space<hbm>>)
    %add3A_88 = arith.constant 29 : i32
    %add3A_89 = arith.addi %mul3A_2, %add3A_88 : i32
    %dma_wait3A_90 = arith.constant 0 : i32
    %dma_wait3A_91 = tpu.memref_slice %arg5[%add3A_89, %dma_wait3A_90] : memref<1024x8192xf32, #tpu.memory_space<hbm>> -> memref<1x8192xf32, #tpu.memory_space<hbm>>
    %dma_wait3A_92 = tpu.memref_squeeze %dma_wait3A_91 : memref<1x8192xf32, #tpu.memory_space<hbm>> -> memref<8192xf32, #tpu.memory_space<hbm>>
    %dma_wait3A_93 = arith.constant 0 : i32
    %dma_wait3A_94 = tpu.memref_slice %arg5[%add3A_89, %dma_wait3A_93] : memref<1024x8192xf32, #tpu.memory_space<hbm>> -> memref<1x8192xf32, #tpu.memory_space<hbm>>
    %dma_wait3A_95 = tpu.memref_squeeze %dma_wait3A_94 : memref<1x8192xf32, #tpu.memory_space<hbm>> -> memref<8192xf32, #tpu.memory_space<hbm>>
    tpu.wait_dma2 semaphore(%arg12 : memref<!tpu.dma_semaphore, #tpu.memory_space<semaphore_mem>>) src(%arg8 : memref<8192xf32, #tpu.memory_space<vmem>>) dst(%dma_wait3A_95 : memref<8192xf32, #tpu.memory_space<hbm>>)
    %add3A_96 = arith.constant 30 : i32
    %add3A_97 = arith.addi %mul3A_2, %add3A_96 : i32
    %dma_wait3A_98 = arith.constant 0 : i32
    %dma_wait3A_99 = tpu.memref_slice %arg5[%add3A_97, %dma_wait3A_98] : memref<1024x8192xf32, #tpu.memory_space<hbm>> -> memref<1x8192xf32, #tpu.memory_space<hbm>>
    %dma_wait3A_100 = tpu.memref_squeeze %dma_wait3A_99 : memref<1x8192xf32, #tpu.memory_space<hbm>> -> memref<8192xf32, #tpu.memory_space<hbm>>
    %dma_wait3A_101 = arith.constant 0 : i32
    %dma_wait3A_102 = tpu.memref_slice %arg5[%add3A_97, %dma_wait3A_101] : memref<1024x8192xf32, #tpu.memory_space<hbm>> -> memref<1x8192xf32, #tpu.memory_space<hbm>>
    %dma_wait3A_103 = tpu.memref_squeeze %dma_wait3A_102 : memref<1x8192xf32, #tpu.memory_space<hbm>> -> memref<8192xf32, #tpu.memory_space<hbm>>
    tpu.wait_dma2 semaphore(%arg13 : memref<!tpu.dma_semaphore, #tpu.memory_space<semaphore_mem>>) src(%arg9 : memref<8192xf32, #tpu.memory_space<vmem>>) dst(%dma_wait3A_103 : memref<8192xf32, #tpu.memory_space<hbm>>)
    %add3A_104 = arith.constant 31 : i32
    %add3A_105 = arith.addi %mul3A_2, %add3A_104 : i32
    %dma_wait3A_106 = arith.constant 0 : i32
    %dma_wait3A_107 = tpu.memref_slice %arg5[%add3A_105, %dma_wait3A_106] : memref<1024x8192xf32, #tpu.memory_space<hbm>> -> memref<1x8192xf32, #tpu.memory_space<hbm>>
    %dma_wait3A_108 = tpu.memref_squeeze %dma_wait3A_107 : memref<1x8192xf32, #tpu.memory_space<hbm>> -> memref<8192xf32, #tpu.memory_space<hbm>>
    %dma_wait3A_109 = arith.constant 0 : i32
    %dma_wait3A_110 = tpu.memref_slice %arg5[%add3A_105, %dma_wait3A_109] : memref<1024x8192xf32, #tpu.memory_space<hbm>> -> memref<1x8192xf32, #tpu.memory_space<hbm>>
    %dma_wait3A_111 = tpu.memref_squeeze %dma_wait3A_110 : memref<1x8192xf32, #tpu.memory_space<hbm>> -> memref<8192xf32, #tpu.memory_space<hbm>>
    tpu.wait_dma2 semaphore(%arg14 : memref<!tpu.dma_semaphore, #tpu.memory_space<semaphore_mem>>) src(%arg10 : memref<8192xf32, #tpu.memory_space<vmem>>) dst(%dma_wait3A_111 : memref<8192xf32, #tpu.memory_space<hbm>>)
    return
  }
}

module attributes {stable_mosaic.version = 14 : i64} {
  func.func @_tc_body(%arg0: i32, %arg1: memref<128x8192xf32, #tpu.memory_space<vmem>>, %arg2: memref<128x8192xf32, #tpu.memory_space<vmem>>, %arg3: memref<8192x256xf32, #tpu.memory_space<vmem>>, %arg4: memref<512x256xf32, #tpu.memory_space<vmem>>, %arg5: memref<1x256xf32, #tpu.memory_space<vmem>>, %arg6: memref<256x256xf32, #tpu.memory_space<vmem>>, %arg7: memref<1x256xf32, #tpu.memory_space<vmem>>, %arg8: memref<256x1024xf32, #tpu.memory_space<vmem>>, %arg9: memref<1024x256xf32, #tpu.memory_space<vmem>>, %arg10: memref<128x1xi32, #tpu.memory_space<vmem>>, %arg11: memref<128x256xf32, #tpu.memory_space<vmem>>) attributes {dimension_semantics = [#tpu.dimension_semantics<arbitrary>], iteration_bounds = array<i64: 8>, scalar_prefetch = 0 : i64, scratch_operands = 0 : i64, tpu.core_type = #tpu.core_type<tc>, window_params = [{transform_indices = @transform_0, window_bounds = array<i64: 128, 8192>}, {transform_indices = @transform_1, window_bounds = array<i64: 128, 8192>}, {pipeline_mode = #tpu.pipeline_mode<synchronous>, transform_indices = @transform_2, window_bounds = array<i64: 8192, 256>}, {pipeline_mode = #tpu.pipeline_mode<synchronous>, transform_indices = @transform_3, window_bounds = array<i64: 512, 256>}, {pipeline_mode = #tpu.pipeline_mode<synchronous>, transform_indices = @transform_4, window_bounds = array<i64: 1, 256>}, {pipeline_mode = #tpu.pipeline_mode<synchronous>, transform_indices = @transform_5, window_bounds = array<i64: 256, 256>}, {pipeline_mode = #tpu.pipeline_mode<synchronous>, transform_indices = @transform_6, window_bounds = array<i64: 1, 256>}, {pipeline_mode = #tpu.pipeline_mode<synchronous>, transform_indices = @transform_7, window_bounds = array<i64: 256, 1024>}, {pipeline_mode = #tpu.pipeline_mode<synchronous>, transform_indices = @transform_8, window_bounds = array<i64: 1024, 256>}, {transform_indices = @transform_9, window_bounds = array<i64: 128, 1>}, {transform_indices = @transform_10, window_bounds = array<i64: 128, 256>}]} {
    %get3A = arith.constant 0 : index
    %get3A_0 = arith.constant 0 : index
    %get3A_1 = vector.load %arg3[%get3A, %get3A_0] : memref<8192x256xf32, #tpu.memory_space<vmem>>, vector<8192x256xf32>
    %convert_element_type3A = arith.truncf %get3A_1 : vector<8192x256xf32> to vector<8192x256xbf16>
    %convert_element_type3A_2 = arith.extf %convert_element_type3A : vector<8192x256xbf16> to vector<8192x256xf32>
    %sub3A = arith.subf %get3A_1, %convert_element_type3A_2 : vector<8192x256xf32>
    %convert_element_type3A_3 = arith.truncf %sub3A : vector<8192x256xf32> to vector<8192x256xbf16>
    %get3A_4 = arith.constant 0 : index
    %get3A_5 = arith.constant 0 : index
    %get3A_6 = vector.load %arg1[%get3A_4, %get3A_5] : memref<128x8192xf32, #tpu.memory_space<vmem>>, vector<128x8192xf32>
    %convert_element_type3A_7 = arith.truncf %get3A_6 : vector<128x8192xf32> to vector<128x8192xbf16>
    %get3A_8 = arith.constant 0 : index
    %get3A_9 = arith.constant 0 : index
    %get3A_10 = vector.load %arg2[%get3A_8, %get3A_9] : memref<128x8192xf32, #tpu.memory_space<vmem>>, vector<128x8192xf32>
    %convert_element_type3A_11 = arith.truncf %get3A_10 : vector<128x8192xf32> to vector<128x8192xbf16>
    %dot_general3A = arith.constant dense<0.000000e+00> : vector<128x256xf32>
    %dot_general3A_12 = tpu.matmul %convert_element_type3A_7, %convert_element_type3A, %dot_general3A {dimension_numbers = #tpu.dot_dimension_numbers<[1], [0], [0], [1], [0, 0, 1, 1], [], []>, transpose_lhs_hint = false} : vector<128x8192xbf16>, vector<8192x256xbf16>, vector<128x256xf32> -> vector<128x256xf32>
    %dot_general3A_13 = arith.constant dense<0.000000e+00> : vector<128x256xf32>
    %dot_general3A_14 = tpu.matmul %convert_element_type3A_7, %convert_element_type3A_3, %dot_general3A_13 {dimension_numbers = #tpu.dot_dimension_numbers<[1], [0], [0], [1], [0, 0, 1, 1], [], []>, transpose_lhs_hint = false} : vector<128x8192xbf16>, vector<8192x256xbf16>, vector<128x256xf32> -> vector<128x256xf32>
    %add3A = arith.addf %dot_general3A_12, %dot_general3A_14 : vector<128x256xf32>
    %mul3A = arith.constant 9.765625E-4 : f32
    %mul3A_15 = vector.broadcast %mul3A : f32 to vector<128x256xf32>
    %mul3A_16 = arith.mulf %add3A, %mul3A_15 : vector<128x256xf32>
    %dot_general3A_17 = arith.constant dense<0.000000e+00> : vector<128x256xf32>
    %dot_general3A_18 = tpu.matmul %convert_element_type3A_11, %convert_element_type3A, %dot_general3A_17 {dimension_numbers = #tpu.dot_dimension_numbers<[1], [0], [0], [1], [0, 0, 1, 1], [], []>, transpose_lhs_hint = false} : vector<128x8192xbf16>, vector<8192x256xbf16>, vector<128x256xf32> -> vector<128x256xf32>
    %dot_general3A_19 = arith.constant dense<0.000000e+00> : vector<128x256xf32>
    %dot_general3A_20 = tpu.matmul %convert_element_type3A_11, %convert_element_type3A_3, %dot_general3A_19 {dimension_numbers = #tpu.dot_dimension_numbers<[1], [0], [0], [1], [0, 0, 1, 1], [], []>, transpose_lhs_hint = false} : vector<128x8192xbf16>, vector<8192x256xbf16>, vector<128x256xf32> -> vector<128x256xf32>
    %add3A_21 = arith.addf %dot_general3A_18, %dot_general3A_20 : vector<128x256xf32>
    %mul3A_22 = arith.constant 9.765625E-4 : f32
    %mul3A_23 = vector.broadcast %mul3A_22 : f32 to vector<128x256xf32>
    %mul3A_24 = arith.mulf %add3A_21, %mul3A_23 : vector<128x256xf32>
    %concatenate3A = tpu.concatenate %mul3A_16, %mul3A_24 in 1 : vector<128x256xf32>, vector<128x256xf32> -> vector<128x512xf32>
    %get3A_25 = arith.constant 0 : index
    %get3A_26 = arith.constant 0 : index
    %get3A_27 = vector.load %arg4[%get3A_25, %get3A_26] : memref<512x256xf32, #tpu.memory_space<vmem>>, vector<512x256xf32>
    %dot_general3A_28 = arith.constant dense<0.000000e+00> : vector<128x256xf32>
    %dot_general3A_29 = tpu.matmul %concatenate3A, %get3A_27, %dot_general3A_28 {dimension_numbers = #tpu.dot_dimension_numbers<[1], [0], [0], [1], [0, 0, 1, 1], [], []>, transpose_lhs_hint = false} : vector<128x512xf32>, vector<512x256xf32>, vector<128x256xf32> -> vector<128x256xf32>
    %get3A_30 = arith.constant 0 : index
    %get3A_31 = arith.constant 0 : index
    %get3A_32 = vector.load %arg5[%get3A_30, %get3A_31] : memref<1x256xf32, #tpu.memory_space<vmem>>, vector<1x256xf32>
    %add3A_33 = vector.broadcast %get3A_32 : vector<1x256xf32> to vector<128x256xf32>
    %add3A_34 = arith.addf %dot_general3A_29, %add3A_33 : vector<128x256xf32>
    %mul3A_35 = arith.constant 5.000000e-01 : f32
    %mul3A_36 = vector.broadcast %mul3A_35 : f32 to vector<128x256xf32>
    %mul3A_37 = arith.mulf %mul3A_36, %add3A_34 : vector<128x256xf32>
    %mul3A_38 = arith.constant 0.707106769 : f32
    %mul3A_39 = vector.broadcast %mul3A_38 : f32 to vector<128x256xf32>
    %mul3A_40 = arith.mulf %add3A_34, %mul3A_39 : vector<128x256xf32>
    %erf3A = math.erf %mul3A_40 : vector<128x256xf32>
    %add3A_41 = arith.constant 1.000000e+00 : f32
    %add3A_42 = vector.broadcast %add3A_41 : f32 to vector<128x256xf32>
    %add3A_43 = arith.addf %add3A_42, %erf3A : vector<128x256xf32>
    %mul3A_44 = arith.mulf %mul3A_37, %add3A_43 : vector<128x256xf32>
    %get3A_45 = arith.constant 0 : index
    %get3A_46 = arith.constant 0 : index
    %get3A_47 = vector.load %arg6[%get3A_45, %get3A_46] : memref<256x256xf32, #tpu.memory_space<vmem>>, vector<256x256xf32>
    %dot_general3A_48 = arith.constant dense<0.000000e+00> : vector<128x256xf32>
    %dot_general3A_49 = tpu.matmul %mul3A_44, %get3A_47, %dot_general3A_48 {dimension_numbers = #tpu.dot_dimension_numbers<[1], [0], [0], [1], [0, 0, 1, 1], [], []>, transpose_lhs_hint = false} : vector<128x256xf32>, vector<256x256xf32>, vector<128x256xf32> -> vector<128x256xf32>
    %get3A_50 = arith.constant 0 : index
    %get3A_51 = arith.constant 0 : index
    %get3A_52 = vector.load %arg7[%get3A_50, %get3A_51] : memref<1x256xf32, #tpu.memory_space<vmem>>, vector<1x256xf32>
    %add3A_53 = vector.broadcast %get3A_52 : vector<1x256xf32> to vector<128x256xf32>
    %add3A_54 = arith.addf %dot_general3A_49, %add3A_53 : vector<128x256xf32>
    %get3A_55 = arith.constant 0 : index
    %get3A_56 = arith.constant 0 : index
    %get3A_57 = vector.load %arg8[%get3A_55, %get3A_56] : memref<256x1024xf32, #tpu.memory_space<vmem>>, vector<256x1024xf32>
    %dot_general3A_58 = arith.constant dense<0.000000e+00> : vector<128x1024xf32>
    %dot_general3A_59 = tpu.matmul %add3A_54, %get3A_57, %dot_general3A_58 {dimension_numbers = #tpu.dot_dimension_numbers<[1], [0], [0], [1], [0, 0, 1, 1], [], []>, transpose_lhs_hint = false} : vector<128x256xf32>, vector<256x1024xf32>, vector<128x1024xf32> -> vector<128x1024xf32>
    %mul3A_60 = arith.mulf %add3A_54, %add3A_54 : vector<128x256xf32>
    %reduce_sum3A = arith.constant dense<0.000000e+00> : vector<128xf32>
    %reduce_sum3A_61 = vector.multi_reduction <add>, %mul3A_60, %reduce_sum3A [1] : vector<128x256xf32> to vector<128xf32>
    %broadcast_in_dim3A = vector.shape_cast %reduce_sum3A_61 : vector<128xf32> to vector<128x1xf32>
    %get3A_62 = arith.constant 0 : index
    %get3A_63 = arith.constant 0 : index
    %get3A_64 = vector.load %arg8[%get3A_62, %get3A_63] : memref<256x1024xf32, #tpu.memory_space<vmem>>, vector<256x1024xf32>
    %mul3A_65 = arith.mulf %get3A_64, %get3A_64 : vector<256x1024xf32>
    %reduce_sum3A_66 = arith.constant dense<0.000000e+00> : vector<1024xf32>
    %reduce_sum3A_67 = vector.multi_reduction <add>, %mul3A_65, %reduce_sum3A_66 [0] : vector<256x1024xf32> to vector<1024xf32>
    %broadcast_in_dim3A_68 = vector.shape_cast %reduce_sum3A_67 : vector<1024xf32> to vector<1x1024xf32>
    %mul3A_69 = arith.constant 2.000000e+00 : f32
    %mul3A_70 = vector.broadcast %mul3A_69 : f32 to vector<128x1024xf32>
    %mul3A_71 = arith.mulf %mul3A_70, %dot_general3A_59 : vector<128x1024xf32>
    %sub3A_72 = vector.broadcast %broadcast_in_dim3A : vector<128x1xf32> to vector<128x1024xf32>
    %sub3A_73 = arith.subf %sub3A_72, %mul3A_71 : vector<128x1024xf32>
    %add3A_74 = vector.broadcast %broadcast_in_dim3A_68 : vector<1x1024xf32> to vector<128x1024xf32>
    %add3A_75 = arith.addf %sub3A_73, %add3A_74 : vector<128x1024xf32>
    %reduce_min3A = arith.constant dense<0x7F800000> : vector<128xf32>
    %reduce_min3A_76 = vector.multi_reduction <minimumf>, %add3A_75, %reduce_min3A [1] : vector<128x1024xf32> to vector<128xf32>
    %broadcast_in_dim3A_77 = vector.shape_cast %reduce_min3A_76 : vector<128xf32> to vector<128x1xf32>
    %iota3A = tpu.iota {dimensions = array<i32: 1>} : vector<128x1024xi32>
    %le3A = vector.broadcast %broadcast_in_dim3A_77 : vector<128x1xf32> to vector<128x1024xf32>
    %le3A_78 = arith.cmpf ole, %add3A_75, %le3A : vector<128x1024xf32>
    %jit3A = arith.constant 1024 : i32
    %broadcast_in_dim3A_79 = vector.broadcast %jit3A : i32 to vector<128x1024xi32>
    %select_n3A = arith.select %le3A_78, %iota3A, %broadcast_in_dim3A_79 : vector<128x1024xi1>, vector<128x1024xi32>
    %reduce_min3A_80 = arith.constant dense<2147483647> : vector<128xi32>
    %reduce_min3A_81 = vector.multi_reduction <minsi>, %select_n3A, %reduce_min3A_80 [1] : vector<128x1024xi32> to vector<128xi32>
    %broadcast_in_dim3A_82 = vector.shape_cast %reduce_min3A_81 : vector<128xi32> to vector<128x1xi32>
    %swap3A = arith.constant 0 : index
    %swap3A_83 = arith.constant 0 : index
    %swap3A_84 = vector.load %arg10[%swap3A, %swap3A_83] : memref<128x1xi32, #tpu.memory_space<vmem>>, vector<128x1xi32>
    tpu.vector_store %arg10[%swap3A, %swap3A_83], %broadcast_in_dim3A_82 {strides = array<i32>} : memref<128x1xi32, #tpu.memory_space<vmem>>, vector<128x1xi32>,
    %eq3A = vector.broadcast %broadcast_in_dim3A_82 : vector<128x1xi32> to vector<128x1024xi32>
    %eq3A_85 = arith.cmpi eq, %iota3A, %eq3A : vector<128x1024xi32>
    %convert_element_type3A_86 = arith.extui %eq3A_85 : vector<128x1024xi1> to vector<128x1024xi32>
    %convert_element_type3A_87 = arith.sitofp %convert_element_type3A_86 : vector<128x1024xi32> to vector<128x1024xf32>
    %get3A_88 = arith.constant 0 : index
    %get3A_89 = arith.constant 0 : index
    %get3A_90 = vector.load %arg9[%get3A_88, %get3A_89] : memref<1024x256xf32, #tpu.memory_space<vmem>>, vector<1024x256xf32>
    %dot_general3A_91 = arith.constant dense<0.000000e+00> : vector<128x256xf32>
    %dot_general3A_92 = tpu.matmul %convert_element_type3A_87, %get3A_90, %dot_general3A_91 {dimension_numbers = #tpu.dot_dimension_numbers<[1], [0], [0], [1], [0, 0, 1, 1], [], []>, precision = #tpu.contract_precision<fp32>, transpose_lhs_hint = false} : vector<128x1024xf32>, vector<1024x256xf32>, vector<128x256xf32> -> vector<128x256xf32>
    %swap3A_93 = arith.constant 0 : index
    %swap3A_94 = arith.constant 0 : index
    %swap3A_95 = vector.load %arg11[%swap3A_93, %swap3A_94] : memref<128x256xf32, #tpu.memory_space<vmem>>, vector<128x256xf32>
    tpu.vector_store %arg11[%swap3A_93, %swap3A_94], %dot_general3A_92 {strides = array<i32>} : memref<128x256xf32, #tpu.memory_space<vmem>>, vector<128x256xf32>,
    return
  }
  func.func @transform_0(%arg0: i32) -> (i32, i32) {
    %c0_i32 = arith.constant 0 : i32
    %c0_i32_0 = arith.constant 0 : i32
    return %arg0, %c0_i32 : i32, i32
  }
  func.func @transform_1(%arg0: i32) -> (i32, i32) {
    %c0_i32 = arith.constant 0 : i32
    %c0_i32_0 = arith.constant 0 : i32
    return %arg0, %c0_i32 : i32, i32
  }
  func.func @transform_2(%arg0: i32) -> (i32, i32) {
    %c0_i32 = arith.constant 0 : i32
    %c0_i32_0 = arith.constant 0 : i32
    %c0_i32_1 = arith.constant 0 : i32
    return %c0_i32, %c0_i32_0 : i32, i32
  }
  func.func @transform_3(%arg0: i32) -> (i32, i32) {
    %c0_i32 = arith.constant 0 : i32
    %c0_i32_0 = arith.constant 0 : i32
    %c0_i32_1 = arith.constant 0 : i32
    return %c0_i32, %c0_i32_0 : i32, i32
  }
  func.func @transform_4(%arg0: i32) -> (i32, i32) {
    %c0_i32 = arith.constant 0 : i32
    %c0_i32_0 = arith.constant 0 : i32
    %c0_i32_1 = arith.constant 0 : i32
    return %c0_i32, %c0_i32_0 : i32, i32
  }
  func.func @transform_5(%arg0: i32) -> (i32, i32) {
    %c0_i32 = arith.constant 0 : i32
    %c0_i32_0 = arith.constant 0 : i32
    %c0_i32_1 = arith.constant 0 : i32
    return %c0_i32, %c0_i32_0 : i32, i32
  }
  func.func @transform_6(%arg0: i32) -> (i32, i32) {
    %c0_i32 = arith.constant 0 : i32
    %c0_i32_0 = arith.constant 0 : i32
    %c0_i32_1 = arith.constant 0 : i32
    return %c0_i32, %c0_i32_0 : i32, i32
  }
  func.func @transform_7(%arg0: i32) -> (i32, i32) {
    %c0_i32 = arith.constant 0 : i32
    %c0_i32_0 = arith.constant 0 : i32
    %c0_i32_1 = arith.constant 0 : i32
    return %c0_i32, %c0_i32_0 : i32, i32
  }
  func.func @transform_8(%arg0: i32) -> (i32, i32) {
    %c0_i32 = arith.constant 0 : i32
    %c0_i32_0 = arith.constant 0 : i32
    %c0_i32_1 = arith.constant 0 : i32
    return %c0_i32, %c0_i32_0 : i32, i32
  }
  func.func @transform_9(%arg0: i32) -> (i32, i32) {
    %c0_i32 = arith.constant 0 : i32
    %c0_i32_0 = arith.constant 0 : i32
    return %arg0, %c0_i32 : i32, i32
  }
  func.func @transform_10(%arg0: i32) -> (i32, i32) {
    %c0_i32 = arith.constant 0 : i32
    %c0_i32_0 = arith.constant 0 : i32
    return %arg0, %c0_i32 : i32, i32
  }
}

</mosaic_0001>

<sc_bundles>
// kernel: kernel.4.cloned.1.call-start
scs
__scs_entry_jumppad:
0x0: {  	(pc) =	sbr.rel $0x88, $3  }
0x1: {  	(tag) =	ssettag $0x0;
	lr =	simm.s32 $0x1  }
0x2: {  	[smem:$0x3F99] =	sst lr;
	_ =	strace $0xD0000000  }
0x3: {  	_ = 	snop  }
0x4: {  	_ = 	snop  }
0x5: {  	_ = 	snop  }
0x6: {  	_ = 	snop  }
0x7: {  	_ = 	snop  }
__scs_overlays_trampoline_lowered:
0x8: {  	[smem:$0x3FA8] =	sst s0  }
0x9: {  	[smem:$0x3FA9] =	sst s1  }
0xa: {  	[smem:$0x3FAA] =	sst s2  }
0xb: {  	[smem:$0x3FAB] =	sst s3  }
0xc: {  	[smem:$0x3FAC] =	sst s4  }
0xd: {  	[smem:$0x3FAD] =	sst s5  }
0xe: {  	[smem:$0x3FAE] =	sst s6  }
0xf: {  	[smem:$0x3FAF] =	sst s7  }
0x10: {  	[smem:$0x3FB0] =	sst s8  }
0x11: {  	[smem:$0x3FB1] =	sst s9;
	s0 =	simm.s32 @!p0 $0x0  }
0x12: {  	s1 =	sld [smem:$0x3F97];
	s0 =	simm.s32 @p0 $0x1  }
0x13: {  	[smem:$0x3FB2] =	sst s0;
	s0 =	simm.s32 @!p1 $0x0  }
0x14: {  	s2 =	sld [smem:$0x3F96];
	s0 =	simm.s32 @p1 $0x1  }
0x15: {  	[smem:$0x3FB3] =	sst s0;
	s0 =	simm.s32 @!p2 $0x0  }
0x16: {  	s3 =	sld [smem:$0x3FDB];
	s0 =	simm.s32 @p2 $0x1  }
0x17: {  	s4 =	simm.s32 $0x1BF5;
	[smem:$0x3FB5] =	sst s0  }
0x18: {  	s0 =	sld [smem:$0x3F98];
	_ =	swait.ge [sflag:s4], $0x0  }
0x19: {  	s7 =	sld [smem:$0x3F99]  }
0x1a: {  	s8 =	sadd.s32 $0xFFFFE003, lr  }
0x1b: {  	s9 =	sadd.s32 $0xFFFFFEF7, lr;
	s5 =	simm.s32 $0xFFFFFFFF;
	p2 =	slt.u32 s8, $0xFFFFF086  }
0x1c: {  	p1 =	slt.u32 s9, $0xF7A;
	s5 =	simm.s32 @!p2 $0x0  }
0x1d: {  	s5 =	simm.s32 @p1 $0x1;
	p0 =	seq.s32 s7, s2  }
0x1e: {  	s7 =	smul.u32 @!p0 $0xF7A, s2;
	p2 =	seq.s32 @!p0 s5, $0x0  }
0x1f: {  	s9 =	smul.u32 $0xF7A, s1;
	s8 =	simm.s32 @!p0 $0x1BF5;
	p2 =	por !p2, p0  }
0x20: {  	[sflag:s8] =	ssyncset.s32 @!p0 $0xFFFFF086;
	s6 =	sadd.s32 @!p0 s3, s7;
	s7 =	simm.s32 @!p0 $0x108  }
0x21: {  	s3 =	sadd.s32 s3, s9;
	s6 =	sadd.s32 @!p0 $0x88, s6;
	s7 =	simm.s32 @p2 $0x1082  }
0x22: {  	[simem:s7], [sflag:s8] =	dma.local @!p0 [hbm:s6], $0xF7A  }
0x23: {  	s9 =	sor.u32 $0xD0000000, s2;
	s6 =	simm.s32 $0x108;
	_ =	swait.ge @!p0 [sflag:s8], $0x0  }
0x24: {  	s3 =	sadd.s32 $0x88, s3;
	s6 =	simm.s32 @!p1 $0x1082;
	[sflag:s4] =	ssyncset.s32 $0xFFFFF086  }
0x25: {  	[simem:s6], [sflag:s4] =	dma.local [hbm:s3], $0xF7A  }
0x26: {  	[smem:$0x3F99] =	sst s1;
	(tag) =	ssettag s2;
	_ =	strace s9  }
0x27: {  	s1 =	sld [smem:$0x3FA9]  }
0x28: {  	s2 =	sld [smem:$0x3FAA]  }
0x29: {  	s4 =	sld [smem:$0x3FAC]  }
0x2a: {  	p0 =	seq.s32 s5, $0x0;
	s5 =	sld [smem:$0x3FAD]  }
0x2b: {  	s6 =	sld [smem:$0x3FAE]  }
0x2c: {  	s7 =	sld [smem:$0x3FAF]  }
0x2d: {  	s3 =	simm.s32 $0x108;
	s8 =	sld [smem:$0x3FB0]  }
0x2e: {  	s3 =	simm.s32 @!p0 $0x1082;
	s9 =	sld [smem:$0x3FB1]  }
0x2f: {  	lr =	sadd.s32 s0, s3;
	s0 =	sld [smem:$0x3FA8]  }
0x30: {  	s3 =	sld [smem:$0x3FAB]  }
0x31: {  	[smem:$0x3FB4] =	sst s10  }
0x32: {  	s10 =	sld [smem:$0x3FB2];
	_ =	sdelay $0x3  }
0x33: {  	p0 =	seq.s32 s10, $0x1;
	s10 =	sld [smem:$0x3FB4];
	_ =	sdelay $0x3  }
0x34: {  	[smem:$0x3FB4] =	sst s10  }
0x35: {  	s10 =	sld [smem:$0x3FB3];
	_ =	sdelay $0x3  }
0x36: {  	p1 =	seq.s32 s10, $0x1;
	s10 =	sld [smem:$0x3FB4];
	_ =	sdelay $0x3  }
0x37: {  	[smem:$0x3FB4] =	sst s10  }
0x38: {  	s10 =	sld [smem:$0x3FB5]  }
0x39: {  	_ = 	snop;
	(pc) =	sbr.ind lr, $3  }
0x3a: {  	_ = 	snop  }
0x3b: {  	_ = 	snop  }
0x3c: {  	p2 =	seq.s32 s10, $0x1;
	s10 =	sld [smem:$0x3FB4]  }
0x3d: {  	_ =	shalt  }
0x3e: {  	_ =	shalt  }
0x3f: {  	_ =	shalt  }
0x40: {  	_ =	shalt  }
0x41: {  	_ =	shalt  }
0x42: {  	_ =	shalt  }
0x43: {  	_ =	shalt  }
0x44: {  	_ =	shalt  }
0x45: {  	_ =	shalt  }
0x46: {  	_ =	shalt  }
0x47: {  	_ =	shalt  }
0x48: {  	_ =	shalt  }
0x49: {  	_ =	shalt  }
0x4a: {  	_ =	shalt  }
0x4b: {  	_ =	shalt  }
0x4c: {  	_ =	shalt  }
0x4d: {  	_ =	shalt  }
0x4e: {  	_ =	shalt  }
0x4f: {  	_ =	shalt  }
0x50: {  	_ =	shalt  }
0x51: {  	_ =	shalt  }
0x52: {  	_ =	shalt  }
0x53: {  	_ =	shalt  }
0x54: {  	_ =	shalt  }
0x55: {  	_ =	shalt  }
0x56: {  	_ =	shalt  }
0x57: {  	_ =	shalt  }
0x58: {  	_ =	shalt  }
0x59: {  	_ =	shalt  }
0x5a: {  	_ =	shalt  }
0x5b: {  	_ =	shalt  }
0x5c: {  	_ =	shalt  }
0x5d: {  	_ =	shalt  }
0x5e: {  	_ =	shalt  }
0x5f: {  	_ =	shalt  }
0x60: {  	_ =	shalt  }
0x61: {  	_ =	shalt  }
0x62: {  	_ =	shalt  }
0x63: {  	_ =	shalt  }
0x64: {  	_ =	shalt  }
0x65: {  	_ =	shalt  }
0x66: {  	_ =	shalt  }
0x67: {  	_ =	shalt  }
0x68: {  	_ =	shalt  }
0x69: {  	_ =	shalt  }
0x6a: {  	_ =	shalt  }
0x6b: {  	_ =	shalt  }
0x6c: {  	_ =	shalt  }
0x6d: {  	_ =	shalt  }
0x6e: {  	_ =	shalt  }
0x6f: {  	_ =	shalt  }
0x70: {  	_ =	shalt  }
0x71: {  	_ =	shalt  }
0x72: {  	_ =	shalt  }
0x73: {  	_ =	shalt  }
0x74: {  	_ =	shalt  }
0x75: {  	_ =	shalt  }
0x76: {  	_ =	shalt  }
0x77: {  	_ =	shalt  }
0x78: {  	_ =	shalt  }
0x79: {  	_ =	shalt  }
0x7a: {  	_ =	shalt  }
0x7b: {  	_ =	shalt  }
0x7c: {  	_ =	shalt  }
0x7d: {  	_ =	shalt  }
0x7e: {  	_ =	shalt  }
0x7f: {  	_ =	shalt  }
0x80: {  	_ =	shalt  }
0x81: {  	_ =	shalt  }
0x82: {  	_ =	shalt  }
0x83: {  	_ =	shalt  }
0x84: {  	_ =	shalt  }
0x85: {  	_ =	shalt  }
0x86: {  	_ =	shalt  }
0x87: {  	_ =	shalt  }
.Lfunc_end0:
.L_simem_size_0:
called_computation_lowered:
.L_overlay_start_0:
0x88: {  	s2 =	sld [smem:$0x3FD9]  }
0x89: {  	s3 =	sld [smem:$0x3FFE];
	_ =	sdelay $0x1  }
0x8a: {  	s1 =	srdreg.scid  }
0x8b: {  	s0 =	sand.u32 $0x1, s1  }
0x8c: {  	s16 =	sshll.u32 s0, $0xA;
	s2 =	sadd.s32 s3, s2  }
0x8d: {  	s2 =	sadd.s32 s2, s16  }
0x8e: {  	[smem:$0x3FC0] =	sst s2  }
0x8f: {  	_ = 	snop  }
0x90: {  	(tm) =	ssettm $0x1  }
0x91: {  	s17 =	sld [smem:$0x3FFB];
	_ =	sdelay $0x3  }
0x92: {  	_ =	strace s17  }
0x93: {  	s2 =	sld [smem:$0x3FFC];
	_ =	sdelay $0x3  }
0x94: {  	_ =	strace s2  }
0x95: {  	s2 =	sld [smem:$0x3FFD];
	_ =	sdelay $0x3  }
0x96: {  	_ =	strace s2  }
0x97: {  	_ =	strace $0x8FFFFFFF  }
0x98: {  	s18 =	sld [smem:$0x3FDB];
	_ =	sdelay $0x1  }
0x99: {  	s19 =	simm.s32 $_scs_section_size  }
0x9a: {  	s4 =	simm.s32 $_size__tile_overlayer_lowered;
	s5 =	simm.s32 $_tile_overlayer_lowered  }
0x9b: {  	s22 =	simm.s32 $0x1BFF;
	s21 =	sshll.u32 s5, $0x1;
	s2 =	sadd.s32 s19, s18  }
0x9c: {  	s6 =	simm.s32 $0x0;
	s20 =	sshll.u32 s4, $0x1;
	s4 =	sadd.s32 s21, s2  }
0x9d: {  	[timem:s6], [sflag:s22] =	dma.local [hbm:s4], s20  }
0x9e: {  	_ =	swait.ge [sflag:s22], s20  }
0x9f: {  	s3 =	ssub.s32 $0x0, s20;
	[sflag:s22] =	ssyncset.done $0x0  }
0xa0: {  	[sflag:s22] =	ssyncadd.s32 s3;
	_ =	sdelay $0x1  }
0xa1: {  	s23 =	simm.s32 $0x1B8B  }
0xa2: {  	_ =	swait.ge [sflag:s23], $0x1  }
0xa3: {  	[sflag:s23] =	ssyncset.done $0x0  }
0xa4: {  	s25 =	simm.s32 $0x1B8E;
	s24 =	sld [smem:$0x3FFE];
	[sflag:s23] =	ssyncadd.s32 $0xFFFFFFFF  }
0xa5: {  	s26 =	simm.s32 $execute0_lowered;
	[smem:$0x3FD2] =	sst s25  }
0xa6: {  	s4 =	sshll.u32 s26, $0x1;
	_ =	strace $0x80000046;
	[dreg:$0x1] =	wrdreg $0xFFFFFFFF  }
0xa7: {  	s28 =	simm.s32 $_size_execute0_lowered;
	s2 =	sadd.s32 s2, s4;
	[dreg:$0x0] =	wrdreg $0x0  }
0xa8: {  	s4 =	sshll.u32 s28, $0x1;
	[dreg:$0x2] =	wrdreg s2  }
0xa9: {  	[dreg:$0x3] =	wrdreg s4  }
0xaa: {  	[dreg:$0x4] =	wrdreg $0xC0  }
0xab: {  	_ =	task [dreg:s6], $0x5FFFF  }
0xac: {  	[dreg:$0x1] =	wrdreg $0xFFFFFFFF  }
0xad: {  	[dreg:$0x0] =	wrdreg $0x60  }
0xae: {  	[dreg:$0x2] =	wrdreg s24  }
0xaf: {  	[dreg:$0x3] =	wrdreg $0x9  }
0xb0: {  	_ =	task.clear_ibuf [dreg:s6], $0x4FFFF;
	_ =	strace $0x90000046  }
0xb1: {  	s29 =	simm.s32 $0x9;
	_ =	strace $0x80000048  }
0xb2: {  	_ =	swait.ge [sflag:s29], $0x1  }
0xb3: {  	[sflag:s29] =	ssyncadd.s32 $0xFFFFFFFF  }
0xb4: {  	_ =	strace $0x90000048  }
0xb5: {  	_ =	sfence  }
0xb6: {  	s30 =	sld [smem:$0x0];
	_ =	sdelay $0x2  }
0xb7: {  	s31 =	sshll.u32 s1, $0xD;
	s1 =	sshrl.u32 s1, $0x2  }
0xb8: {  	s3 =	sand.u32 $0x4000, s31;
	s1 =	sadd.s32 s1, s30  }
0xb9: {  	s0 =	sor.u32 s3, s0;
	s1 =	sshll.u32 s1, $0x11  }
0xba: {  	s0 =	sor.u32 s1, s0  }
0xbb: {  	s0 =	sadd.s32 $0x8F2B, s0  }
0xbc: {  	[sflag:s0] =	ssyncadd.remote.s32 $0x1  }
0xbd: {  	_ =	sfence.sel $0xFFFF  }
0xbe: {  	[dreg:$0x0] =	wrdreg $0xFFFFFFFF;
	(pc) =	sbr.abs _section_cstart, $3  }
0xbf: {  	[dreg:$0x1] =	wrdreg $0xFFFFFFFF  }
0xc0: {  	_ =	task.clear_ibuf [dreg:s6], $0x2FFFF;
	_ =	strace $0x9FFFFFFF  }
0xc1: {  	(tm) =	ssettm $0x7FFFFFFF  }
tec
execute0_lowered:
.L_overlay_start_1:
0x0: {  	(tag) =	ssettag $0x1  }
0x1: {  	s4 =	rddreg [dreg:$0x0]  }
0x2: {  	s0 =	rddreg [dreg:$0x1];
	s3 =	srdreg.scid;
	s2 =	simm.s32 $0x0  }
0x3: {  	s1 =	stileid.u32;
	s11 =	simm.s32 $0x10000;
	s12 =	simm.s32 $0x80  }
0x4: {  	s13 =	simm.s32 $0x400;
	s14 =	simm.s32 $0x12000;
	s15 =	simm.s32 $0x14000  }
0x5: {  	s16 =	simm.s32 $0x16000;
	s17 =	simm.s32 $0x1;
	s18 =	simm.s32 $0x2  }
0x6: {  	s19 =	simm.s32 $0x3;
	s20 =	simm.s32 $0x4;
	s21 =	simm.s32 $0x0  }
0x7: {  	s7 =	sand.u32 $0x1, s3;
	[smem:$0x7FF] =	sst s2;
	s30 =	sshll.u32 s1, $0xD  }
0x8: {  	s9 =	sshll.u32 s1, $0x10;
	s5 =	sshll.u32 s7, $0xC;
	_ =	strace $0x80000047  }
.Ltmp0:
0x9: {  	s31 =	ssub.s32 $0x2, s7;
	s3 =	sor.u32 s5, s30;
	(pc) =	sbr.rel .LBB2_1-.Ltmp0, $4  }
0xa: {  	s10 =	sshll.u32 s7, $0xF;
	s8 =	sshrl.u32 s31, $0x1;
	s6 =	sadd.s32 s3, s4  }
0xb: {  	s3 =	sadd.s32 $0x41A00, s4;
	s4 =	sadd.s32 $0x141A00, s4;
	s8 =	ssub.s32 s31, s8  }
0xc: {  	s5 =	sadd.s32 $0x1A00, s6;
	s6 =	sadd.s32 $0x21A00, s6;
	s7 =	smax.u32 s8, $0x1  }
0xd: {  	v0 =	vimm.f32 $0.0e+00;
	v1 =	vimm.f32 $1.000000000e+00;
	v2 =	vimm.f32 $-1.000000000e+00;
	s8 =	sor.u32 s10, s9;
	s9 =	simm.s32 $0x5;
	s10 =	simm.s32 $0x8000  }
.LBB2_31:
0xe: {  	_ =	swait.ge [sflag:s17], $0x2000  }
0xf: {  	[sflag:s17] =	ssyncset.done $0x0  }
0x10: {  	[sflag:s17] =	ssyncadd.s32 $0xFFFFE000  }
0x11: {  	_ =	swait.ge [sflag:s18], $0x2000  }
0x12: {  	[sflag:s18] =	ssyncset.done $0x0  }
0x13: {  	s21 =	sadd.s32 $0x1, s21;
	[sflag:s18] =	ssyncadd.s32 $0xFFFFE000  }
0x14: {  	p0 =	sne.s32 s21, s7;
	_ =	swait.ge [sflag:s19], $0x2000  }
.Ltmp1:
0x15: {  	[sflag:s19] =	ssyncset.done $0x0;
	(pc) =	sbr.rel @!p0 .LBB2_32-.Ltmp1, $4  }
0x16: {  	[sflag:s19] =	ssyncadd.s32 $0xFFFFE000  }
0x17: {  	_ =	swait.ge [sflag:s20], $0x2000  }
0x18: {  	[sflag:s20] =	ssyncset.done $0x0  }
0x19: {  	[sflag:s20] =	ssyncadd.s32 $0xFFFFE000  }
.LBB2_1:
0x1a: {  	[tilespmem:s2], [sflag:$0x5] =	stream.linear.gather [hbm4b:s5+s2], $0x8000, $0x38;
	[tilespmem:$0x18000] =	vst v63  }
0x1b: {  	_ =	swait.ge [sflag:s9], $0x8000  }
0x1c: {  	[sflag:s9] =	ssyncset.done $0x0  }
0x1d: {  	[sflag:s9] =	ssyncadd.s32 $0xFFFF8000  }
0x1e: {  	[tilespmem:s10], [sflag:$0x5] =	stream.linear.gather [hbm4b:s6+s2], $0x8000, $0x38;
	[tilespmem:$0x18000] =	vst v63  }
0x1f: {  	_ =	swait.ge [sflag:s9], $0x8000  }
0x20: {  	[sflag:s9] =	ssyncset.done $0x0  }
0x21: {  	s22 =	simm.s32 $0x0;
	[sflag:s9] =	ssyncadd.s32 $0xFFFF8000  }
.LBB2_2:
0x22: {  	p0 =	sne.s32 s22, $0x7FC0  }
.Ltmp2:
0x23: {  	s23 =	sshra.s32 s22, $0x2;
	(pc) =	sbr.rel @p0 .LBB2_2-.Ltmp2, $4  }
0x24: {  	[tilespmem:s23+$0x10000] =	vst v0  }
0x25: {  	[tilespmem:s23+$0x12000] =	vst v0  }
0x26: {  	[tilespmem:s23+$0x14000] =	vst v0  }
0x27: {  	s22 =	sadd.s32 $0x40, s22;
	[tilespmem:s23+$0x16000] =	vst v0  }
.Ltmp3:
0x28: {  	(pc) =	sbr.rel .LBB2_4-.Ltmp3, $2  }
0x29: {  	_ =	sdelay $0x2  }
0x2a: {  	s22 =	simm.s32 $0x0;
	s23 =	simm.s32 $0x0;
	s24 =	simm.s32 $0x0  }
.LBB2_12:
0x2b: {  	s28 =	sadd.s32 $0x180, s24  }
0x2c: {  	s28 =	sand.u32 $0x380, s28  }
0x2d: {  	s25 =	sadd.s32 s28, s25  }
0x2e: {  	v3 =	vld [tilespmem:s25+$0x0];
	_ =	sdelay $0x7  }
0x2f: {  	[tilespmem:v3+s16+$0x0] =	vst.idx.add.f32.msk $0xffff, v1  }
0x30: {  	v3 =	vld [tilespmem:s25+$0x10];
	_ =	sdelay $0x7  }
0x31: {  	[tilespmem:v3+s16+$0x0] =	vst.idx.add.f32.msk $0xffff, v1  }
0x32: {  	v3 =	vld [tilespmem:s25+$0x20];
	_ =	sdelay $0x7  }
0x33: {  	[tilespmem:v3+s16+$0x0] =	vst.idx.add.f32.msk $0xffff, v1  }
0x34: {  	v3 =	vld [tilespmem:s25+$0x30];
	_ =	sdelay $0x7  }
0x35: {  	[tilespmem:v3+s16+$0x0] =	vst.idx.add.f32.msk $0xffff, v1  }
0x36: {  	v3 =	vld [tilespmem:s25+$0x40];
	_ =	sdelay $0x7  }
0x37: {  	[tilespmem:v3+s16+$0x0] =	vst.idx.add.f32.msk $0xffff, v1  }
0x38: {  	v3 =	vld [tilespmem:s25+$0x50];
	_ =	sdelay $0x7  }
0x39: {  	[tilespmem:v3+s16+$0x0] =	vst.idx.add.f32.msk $0xffff, v1  }
0x3a: {  	v3 =	vld [tilespmem:s25+$0x60];
	_ =	sdelay $0x7  }
0x3b: {  	[tilespmem:v3+s16+$0x0] =	vst.idx.add.f32.msk $0xffff, v1  }
0x3c: {  	v3 =	vld [tilespmem:s25+$0x70];
	_ =	sdelay $0x7  }
0x3d: {  	[tilespmem:v3+s16+$0x0] =	vst.idx.add.f32.msk $0xffff, v1  }
0x3e: {  	v3 =	vld [tilespmem:s25+$0x400];
	_ =	sdelay $0x7  }
0x3f: {  	[tilespmem:v3+s16+$0x0] =	vst.idx.add.f32.msk $0xffff, v1  }
0x40: {  	v3 =	vld [tilespmem:s25+$0x410];
	_ =	sdelay $0x7  }
0x41: {  	[tilespmem:v3+s16+$0x0] =	vst.idx.add.f32.msk $0xffff, v1  }
0x42: {  	v3 =	vld [tilespmem:s25+$0x420];
	_ =	sdelay $0x7  }
0x43: {  	[tilespmem:v3+s16+$0x0] =	vst.idx.add.f32.msk $0xffff, v1  }
0x44: {  	v3 =	vld [tilespmem:s25+$0x430];
	_ =	sdelay $0x7  }
0x45: {  	[tilespmem:v3+s16+$0x0] =	vst.idx.add.f32.msk $0xffff, v1  }
0x46: {  	v3 =	vld [tilespmem:s25+$0x440];
	_ =	sdelay $0x7  }
0x47: {  	[tilespmem:v3+s16+$0x0] =	vst.idx.add.f32.msk $0xffff, v1  }
0x48: {  	v3 =	vld [tilespmem:s25+$0x450];
	_ =	sdelay $0x7  }
0x49: {  	[tilespmem:v3+s16+$0x0] =	vst.idx.add.f32.msk $0xffff, v1  }
0x4a: {  	v3 =	vld [tilespmem:s25+$0x460];
	_ =	sdelay $0x7  }
0x4b: {  	[tilespmem:v3+s16+$0x0] =	vst.idx.add.f32.msk $0xffff, v1  }
0x4c: {  	v3 =	vld [tilespmem:s25+$0x470];
	_ =	sdelay $0x7  }
0x4d: {  	[tilespmem:v3+s16+$0x0] =	vst.idx.add.f32.msk $0xffff, v1  }
0x4e: {  	v3 =	vld [tilespmem:s25+$0x800];
	_ =	sdelay $0x7  }
0x4f: {  	[tilespmem:v3+s16+$0x0] =	vst.idx.add.f32.msk $0xffff, v1  }
0x50: {  	v3 =	vld [tilespmem:s25+$0x810];
	_ =	sdelay $0x7  }
0x51: {  	[tilespmem:v3+s16+$0x0] =	vst.idx.add.f32.msk $0xffff, v1  }
0x52: {  	v3 =	vld [tilespmem:s25+$0x820];
	_ =	sdelay $0x7  }
0x53: {  	[tilespmem:v3+s16+$0x0] =	vst.idx.add.f32.msk $0xffff, v1  }
0x54: {  	v3 =	vld [tilespmem:s25+$0x830];
	_ =	sdelay $0x7  }
0x55: {  	[tilespmem:v3+s16+$0x0] =	vst.idx.add.f32.msk $0xffff, v1  }
0x56: {  	v3 =	vld [tilespmem:s25+$0x840];
	_ =	sdelay $0x7  }
0x57: {  	[tilespmem:v3+s16+$0x0] =	vst.idx.add.f32.msk $0xffff, v1  }
0x58: {  	v3 =	vld [tilespmem:s25+$0x850];
	_ =	sdelay $0x7  }
0x59: {  	[tilespmem:v3+s16+$0x0] =	vst.idx.add.f32.msk $0xffff, v1  }
0x5a: {  	v3 =	vld [tilespmem:s25+$0x860];
	_ =	sdelay $0x7  }
0x5b: {  	[tilespmem:v3+s16+$0x0] =	vst.idx.add.f32.msk $0xffff, v1  }
0x5c: {  	v3 =	vld [tilespmem:s25+$0x870];
	_ =	sdelay $0x7  }
0x5d: {  	[tilespmem:v3+s16+$0x0] =	vst.idx.add.f32.msk $0xffff, v1  }
0x5e: {  	v3 =	vld [tilespmem:s25+$0xC00];
	_ =	sdelay $0x7  }
0x5f: {  	[tilespmem:v3+s16+$0x0] =	vst.idx.add.f32.msk $0xffff, v1  }
0x60: {  	v3 =	vld [tilespmem:s25+$0xC10];
	_ =	sdelay $0x7  }
0x61: {  	[tilespmem:v3+s16+$0x0] =	vst.idx.add.f32.msk $0xffff, v1  }
0x62: {  	v3 =	vld [tilespmem:s25+$0xC20];
	_ =	sdelay $0x7  }
0x63: {  	[tilespmem:v3+s16+$0x0] =	vst.idx.add.f32.msk $0xffff, v1  }
0x64: {  	v3 =	vld [tilespmem:s25+$0xC30];
	_ =	sdelay $0x7  }
0x65: {  	[tilespmem:v3+s16+$0x0] =	vst.idx.add.f32.msk $0xffff, v1  }
0x66: {  	v3 =	vld [tilespmem:s25+$0xC40];
	_ =	sdelay $0x7  }
0x67: {  	[tilespmem:v3+s16+$0x0] =	vst.idx.add.f32.msk $0xffff, v1  }
0x68: {  	v3 =	vld [tilespmem:s25+$0xC50];
	_ =	sdelay $0x7  }
0x69: {  	[tilespmem:v3+s16+$0x0] =	vst.idx.add.f32.msk $0xffff, v1  }
0x6a: {  	v3 =	vld [tilespmem:s25+$0xC60];
	_ =	sdelay $0x7  }
0x6b: {  	[tilespmem:v3+s16+$0x0] =	vst.idx.add.f32.msk $0xffff, v1  }
0x6c: {  	v3 =	vld [tilespmem:s25+$0xC70];
	_ =	sdelay $0x7  }
0x6d: {  	[tilespmem:v3+s16+$0x0] =	vst.idx.add.f32.msk $0xffff, v1  }
0x6e: {  	v3 =	vld [tilespmem:s25+$0x1000];
	_ =	sdelay $0x7  }
0x6f: {  	[tilespmem:v3+s16+$0x0] =	vst.idx.add.f32.msk $0xffff, v1  }
0x70: {  	v3 =	vld [tilespmem:s25+$0x1010];
	_ =	sdelay $0x7  }
0x71: {  	[tilespmem:v3+s16+$0x0] =	vst.idx.add.f32.msk $0xffff, v1  }
0x72: {  	v3 =	vld [tilespmem:s25+$0x1020];
	_ =	sdelay $0x7  }
0x73: {  	[tilespmem:v3+s16+$0x0] =	vst.idx.add.f32.msk $0xffff, v1  }
0x74: {  	v3 =	vld [tilespmem:s25+$0x1030];
	_ =	sdelay $0x7  }
0x75: {  	[tilespmem:v3+s16+$0x0] =	vst.idx.add.f32.msk $0xffff, v1  }
0x76: {  	v3 =	vld [tilespmem:s25+$0x1040];
	_ =	sdelay $0x7  }
0x77: {  	[tilespmem:v3+s16+$0x0] =	vst.idx.add.f32.msk $0xffff, v1  }
0x78: {  	v3 =	vld [tilespmem:s25+$0x1050];
	_ =	sdelay $0x7  }
0x79: {  	[tilespmem:v3+s16+$0x0] =	vst.idx.add.f32.msk $0xffff, v1  }
0x7a: {  	v3 =	vld [tilespmem:s25+$0x1060];
	_ =	sdelay $0x7  }
0x7b: {  	[tilespmem:v3+s16+$0x0] =	vst.idx.add.f32.msk $0xffff, v1  }
0x7c: {  	v3 =	vld [tilespmem:s25+$0x1070];
	_ =	sdelay $0x7  }
0x7d: {  	[tilespmem:v3+s16+$0x0] =	vst.idx.add.f32.msk $0xffff, v1  }
0x7e: {  	v3 =	vld [tilespmem:s25+$0x1400];
	_ =	sdelay $0x7  }
0x7f: {  	[tilespmem:v3+s16+$0x0] =	vst.idx.add.f32.msk $0xffff, v1  }
0x80: {  	v3 =	vld [tilespmem:s25+$0x1410];
	_ =	sdelay $0x7  }
0x81: {  	[tilespmem:v3+s16+$0x0] =	vst.idx.add.f32.msk $0xffff, v1  }
0x82: {  	v3 =	vld [tilespmem:s25+$0x1420];
	_ =	sdelay $0x7  }
0x83: {  	[tilespmem:v3+s16+$0x0] =	vst.idx.add.f32.msk $0xffff, v1  }
0x84: {  	v3 =	vld [tilespmem:s25+$0x1430];
	_ =	sdelay $0x7  }
0x85: {  	[tilespmem:v3+s16+$0x0] =	vst.idx.add.f32.msk $0xffff, v1  }
0x86: {  	v3 =	vld [tilespmem:s25+$0x1440];
	_ =	sdelay $0x7  }
0x87: {  	[tilespmem:v3+s16+$0x0] =	vst.idx.add.f32.msk $0xffff, v1  }
0x88: {  	v3 =	vld [tilespmem:s25+$0x1450];
	_ =	sdelay $0x7  }
0x89: {  	[tilespmem:v3+s16+$0x0] =	vst.idx.add.f32.msk $0xffff, v1  }
0x8a: {  	v3 =	vld [tilespmem:s25+$0x1460];
	_ =	sdelay $0x7  }
0x8b: {  	[tilespmem:v3+s16+$0x0] =	vst.idx.add.f32.msk $0xffff, v1  }
0x8c: {  	v3 =	vld [tilespmem:s25+$0x1470];
	_ =	sdelay $0x7  }
0x8d: {  	[tilespmem:v3+s16+$0x0] =	vst.idx.add.f32.msk $0xffff, v1  }
0x8e: {  	v3 =	vld [tilespmem:s25+$0x1800];
	_ =	sdelay $0x7  }
0x8f: {  	[tilespmem:v3+s16+$0x0] =	vst.idx.add.f32.msk $0xffff, v1  }
0x90: {  	v3 =	vld [tilespmem:s25+$0x1810];
	_ =	sdelay $0x7  }
0x91: {  	[tilespmem:v3+s16+$0x0] =	vst.idx.add.f32.msk $0xffff, v1  }
0x92: {  	v3 =	vld [tilespmem:s25+$0x1820];
	_ =	sdelay $0x7  }
0x93: {  	[tilespmem:v3+s16+$0x0] =	vst.idx.add.f32.msk $0xffff, v1  }
0x94: {  	v3 =	vld [tilespmem:s25+$0x1830];
	_ =	sdelay $0x7  }
0x95: {  	[tilespmem:v3+s16+$0x0] =	vst.idx.add.f32.msk $0xffff, v1  }
0x96: {  	v3 =	vld [tilespmem:s25+$0x1840];
	_ =	sdelay $0x7  }
0x97: {  	[tilespmem:v3+s16+$0x0] =	vst.idx.add.f32.msk $0xffff, v1  }
0x98: {  	v3 =	vld [tilespmem:s25+$0x1850];
	_ =	sdelay $0x7  }
0x99: {  	[tilespmem:v3+s16+$0x0] =	vst.idx.add.f32.msk $0xffff, v1  }
0x9a: {  	v3 =	vld [tilespmem:s25+$0x1860];
	_ =	sdelay $0x7  }
0x9b: {  	[tilespmem:v3+s16+$0x0] =	vst.idx.add.f32.msk $0xffff, v1  }
0x9c: {  	v3 =	vld [tilespmem:s25+$0x1870];
	_ =	sdelay $0x7  }
0x9d: {  	[tilespmem:v3+s16+$0x0] =	vst.idx.add.f32.msk $0xffff, v1  }
0x9e: {  	v3 =	vld [tilespmem:s25+$0x1C00];
	_ =	sdelay $0x7  }
0x9f: {  	[tilespmem:v3+s16+$0x0] =	vst.idx.add.f32.msk $0xffff, v1  }
0xa0: {  	v3 =	vld [tilespmem:s25+$0x1C10];
	_ =	sdelay $0x7  }
0xa1: {  	[tilespmem:v3+s16+$0x0] =	vst.idx.add.f32.msk $0xffff, v1  }
0xa2: {  	v3 =	vld [tilespmem:s25+$0x1C20];
	_ =	sdelay $0x7  }
0xa3: {  	[tilespmem:v3+s16+$0x0] =	vst.idx.add.f32.msk $0xffff, v1  }
0xa4: {  	v3 =	vld [tilespmem:s25+$0x1C30];
	_ =	sdelay $0x7  }
0xa5: {  	[tilespmem:v3+s16+$0x0] =	vst.idx.add.f32.msk $0xffff, v1  }
0xa6: {  	v3 =	vld [tilespmem:s25+$0x1C40];
	_ =	sdelay $0x7  }
0xa7: {  	[tilespmem:v3+s16+$0x0] =	vst.idx.add.f32.msk $0xffff, v1  }
0xa8: {  	v3 =	vld [tilespmem:s25+$0x1C50];
	_ =	sdelay $0x7  }
0xa9: {  	[tilespmem:v3+s16+$0x0] =	vst.idx.add.f32.msk $0xffff, v1  }
0xaa: {  	v3 =	vld [tilespmem:s25+$0x1C60];
	_ =	sdelay $0x7  }
0xab: {  	[tilespmem:v3+s16+$0x0] =	vst.idx.add.f32.msk $0xffff, v1  }
0xac: {  	v3 =	vld [tilespmem:s25+$0x1C70];
	_ =	sdelay $0x2  }
0xad: {  	s24 =	sadd.s32 $0x200, s24  }
0xae: {  	p0 =	sne.s32 s24, $0x1000  }
.Ltmp4:
0xaf: {  	s31 =	sadd.s32 $0x30, s23;
	(pc) =	sbr.rel @!p0 .LBB2_13-.Ltmp4, $4  }
0xb0: {  	s25 =	sand.u32 $0x70, s31  }
0xb1: {  	s25 =	sadd.s32 s3, s25  }
0xb2: {  	s23 =	sadd.s32 $0x40, s23;
	s22 =	sadd.s32 $0x1000, s22;
	s25 =	sadd.s32 s26, s25;
	[tilespmem:v3+s16+$0x0] =	vst.idx.add.f32.msk $0xffff, v1  }
0xb3: {  	[hbm4b:s25+s12] =	stream.strided.scatter [tilespmem:s16], [sflag:$0x4], $0x2000, s13, s12, $0x38;
	[tilespmem:$0x18000] =	vst v63  }
.LBB2_4:
0xb4: {  	p0 =	seq.s32 s24, $0x0  }
.Ltmp5:
0xb5: {  	_ = 	snop;
	(pc) =	sbr.rel @p0 .LBB2_6-.Ltmp5, $1  }
0xb6: {  	_ =	sdelay $0x3  }
0xb7: {  	_ =	swait.ge [sflag:s17], $0x2000;
	s25 =	sadd.s32 $0xFFFFF000, s22;
	s26 =	sadd.s32 $0xFFFFFE00, s24  }
0xb8: {  	[sflag:s17] =	ssyncset.done $0x0;
	s25 =	sand.u32 $0xFFFFE000, s25;
	s26 =	sand.u32 $0x200, s26  }
0xb9: {  	[sflag:s17] =	ssyncadd.s32 $0xFFFFE000;
	s25 =	sor.u32 s26, s25  }
0xba: {  	v3 =	vld [tilespmem:s25+$0x0];
	_ =	sdelay $0x7  }
0xbb: {  	[tilespmem:v3+s11+$0x0] =	vst.idx.add.f32.msk $0xffff, v2  }
0xbc: {  	v3 =	vld [tilespmem:s25+$0x10];
	_ =	sdelay $0x7  }
0xbd: {  	[tilespmem:v3+s11+$0x0] =	vst.idx.add.f32.msk $0xffff, v2  }
0xbe: {  	v3 =	vld [tilespmem:s25+$0x20];
	_ =	sdelay $0x7  }
0xbf: {  	[tilespmem:v3+s11+$0x0] =	vst.idx.add.f32.msk $0xffff, v2  }
0xc0: {  	v3 =	vld [tilespmem:s25+$0x30];
	_ =	sdelay $0x7  }
0xc1: {  	[tilespmem:v3+s11+$0x0] =	vst.idx.add.f32.msk $0xffff, v2  }
0xc2: {  	v3 =	vld [tilespmem:s25+$0x40];
	_ =	sdelay $0x7  }
0xc3: {  	[tilespmem:v3+s11+$0x0] =	vst.idx.add.f32.msk $0xffff, v2  }
0xc4: {  	v3 =	vld [tilespmem:s25+$0x50];
	_ =	sdelay $0x7  }
0xc5: {  	[tilespmem:v3+s11+$0x0] =	vst.idx.add.f32.msk $0xffff, v2  }
0xc6: {  	v3 =	vld [tilespmem:s25+$0x60];
	_ =	sdelay $0x7  }
0xc7: {  	[tilespmem:v3+s11+$0x0] =	vst.idx.add.f32.msk $0xffff, v2  }
0xc8: {  	v3 =	vld [tilespmem:s25+$0x70];
	_ =	sdelay $0x7  }
0xc9: {  	[tilespmem:v3+s11+$0x0] =	vst.idx.add.f32.msk $0xffff, v2  }
0xca: {  	v3 =	vld [tilespmem:s25+$0x400];
	_ =	sdelay $0x7  }
0xcb: {  	[tilespmem:v3+s11+$0x0] =	vst.idx.add.f32.msk $0xffff, v2  }
0xcc: {  	v3 =	vld [tilespmem:s25+$0x410];
	_ =	sdelay $0x7  }
0xcd: {  	[tilespmem:v3+s11+$0x0] =	vst.idx.add.f32.msk $0xffff, v2  }
0xce: {  	v3 =	vld [tilespmem:s25+$0x420];
	_ =	sdelay $0x7  }
0xcf: {  	[tilespmem:v3+s11+$0x0] =	vst.idx.add.f32.msk $0xffff, v2  }
0xd0: {  	v3 =	vld [tilespmem:s25+$0x430];
	_ =	sdelay $0x7  }
0xd1: {  	[tilespmem:v3+s11+$0x0] =	vst.idx.add.f32.msk $0xffff, v2  }
0xd2: {  	v3 =	vld [tilespmem:s25+$0x440];
	_ =	sdelay $0x7  }
0xd3: {  	[tilespmem:v3+s11+$0x0] =	vst.idx.add.f32.msk $0xffff, v2  }
0xd4: {  	v3 =	vld [tilespmem:s25+$0x450];
	_ =	sdelay $0x7  }
0xd5: {  	[tilespmem:v3+s11+$0x0] =	vst.idx.add.f32.msk $0xffff, v2  }
0xd6: {  	v3 =	vld [tilespmem:s25+$0x460];
	_ =	sdelay $0x7  }
0xd7: {  	[tilespmem:v3+s11+$0x0] =	vst.idx.add.f32.msk $0xffff, v2  }
0xd8: {  	v3 =	vld [tilespmem:s25+$0x470];
	_ =	sdelay $0x7  }
0xd9: {  	[tilespmem:v3+s11+$0x0] =	vst.idx.add.f32.msk $0xffff, v2  }
0xda: {  	v3 =	vld [tilespmem:s25+$0x800];
	_ =	sdelay $0x7  }
0xdb: {  	[tilespmem:v3+s11+$0x0] =	vst.idx.add.f32.msk $0xffff, v2  }
0xdc: {  	v3 =	vld [tilespmem:s25+$0x810];
	_ =	sdelay $0x7  }
0xdd: {  	[tilespmem:v3+s11+$0x0] =	vst.idx.add.f32.msk $0xffff, v2  }
0xde: {  	v3 =	vld [tilespmem:s25+$0x820];
	_ =	sdelay $0x7  }
0xdf: {  	[tilespmem:v3+s11+$0x0] =	vst.idx.add.f32.msk $0xffff, v2  }
0xe0: {  	v3 =	vld [tilespmem:s25+$0x830];
	_ =	sdelay $0x7  }
0xe1: {  	[tilespmem:v3+s11+$0x0] =	vst.idx.add.f32.msk $0xffff, v2  }
0xe2: {  	v3 =	vld [tilespmem:s25+$0x840];
	_ =	sdelay $0x7  }
0xe3: {  	[tilespmem:v3+s11+$0x0] =	vst.idx.add.f32.msk $0xffff, v2  }
0xe4: {  	v3 =	vld [tilespmem:s25+$0x850];
	_ =	sdelay $0x7  }
0xe5: {  	[tilespmem:v3+s11+$0x0] =	vst.idx.add.f32.msk $0xffff, v2  }
0xe6: {  	v3 =	vld [tilespmem:s25+$0x860];
	_ =	sdelay $0x7  }
0xe7: {  	[tilespmem:v3+s11+$0x0] =	vst.idx.add.f32.msk $0xffff, v2  }
0xe8: {  	v3 =	vld [tilespmem:s25+$0x870];
	_ =	sdelay $0x7  }
0xe9: {  	[tilespmem:v3+s11+$0x0] =	vst.idx.add.f32.msk $0xffff, v2  }
0xea: {  	v3 =	vld [tilespmem:s25+$0xC00];
	_ =	sdelay $0x7  }
0xeb: {  	[tilespmem:v3+s11+$0x0] =	vst.idx.add.f32.msk $0xffff, v2  }
0xec: {  	v3 =	vld [tilespmem:s25+$0xC10];
	_ =	sdelay $0x7  }
0xed: {  	[tilespmem:v3+s11+$0x0] =	vst.idx.add.f32.msk $0xffff, v2  }
0xee: {  	v3 =	vld [tilespmem:s25+$0xC20];
	_ =	sdelay $0x7  }
0xef: {  	[tilespmem:v3+s11+$0x0] =	vst.idx.add.f32.msk $0xffff, v2  }
0xf0: {  	v3 =	vld [tilespmem:s25+$0xC30];
	_ =	sdelay $0x7  }
0xf1: {  	[tilespmem:v3+s11+$0x0] =	vst.idx.add.f32.msk $0xffff, v2  }
0xf2: {  	v3 =	vld [tilespmem:s25+$0xC40];
	_ =	sdelay $0x7  }
0xf3: {  	[tilespmem:v3+s11+$0x0] =	vst.idx.add.f32.msk $0xffff, v2  }
0xf4: {  	v3 =	vld [tilespmem:s25+$0xC50];
	_ =	sdelay $0x7  }
0xf5: {  	[tilespmem:v3+s11+$0x0] =	vst.idx.add.f32.msk $0xffff, v2  }
0xf6: {  	v3 =	vld [tilespmem:s25+$0xC60];
	_ =	sdelay $0x7  }
0xf7: {  	[tilespmem:v3+s11+$0x0] =	vst.idx.add.f32.msk $0xffff, v2  }
0xf8: {  	v3 =	vld [tilespmem:s25+$0xC70];
	_ =	sdelay $0x7  }
0xf9: {  	[tilespmem:v3+s11+$0x0] =	vst.idx.add.f32.msk $0xffff, v2  }
0xfa: {  	v3 =	vld [tilespmem:s25+$0x1000];
	_ =	sdelay $0x7  }
0xfb: {  	[tilespmem:v3+s11+$0x0] =	vst.idx.add.f32.msk $0xffff, v2  }
0xfc: {  	v3 =	vld [tilespmem:s25+$0x1010];
	_ =	sdelay $0x7  }
0xfd: {  	[tilespmem:v3+s11+$0x0] =	vst.idx.add.f32.msk $0xffff, v2  }
0xfe: {  	v3 =	vld [tilespmem:s25+$0x1020];
	_ =	sdelay $0x7  }
0xff: {  	[tilespmem:v3+s11+$0x0] =	vst.idx.add.f32.msk $0xffff, v2  }
0x100: {  	v3 =	vld [tilespmem:s25+$0x1030];
	_ =	sdelay $0x7  }
0x101: {  	[tilespmem:v3+s11+$0x0] =	vst.idx.add.f32.msk $0xffff, v2  }
0x102: {  	v3 =	vld [tilespmem:s25+$0x1040];
	_ =	sdelay $0x7  }
0x103: {  	[tilespmem:v3+s11+$0x0] =	vst.idx.add.f32.msk $0xffff, v2  }
0x104: {  	v3 =	vld [tilespmem:s25+$0x1050];
	_ =	sdelay $0x7  }
0x105: {  	[tilespmem:v3+s11+$0x0] =	vst.idx.add.f32.msk $0xffff, v2  }
0x106: {  	v3 =	vld [tilespmem:s25+$0x1060];
	_ =	sdelay $0x7  }
0x107: {  	[tilespmem:v3+s11+$0x0] =	vst.idx.add.f32.msk $0xffff, v2  }
0x108: {  	v3 =	vld [tilespmem:s25+$0x1070];
	_ =	sdelay $0x7  }
0x109: {  	[tilespmem:v3+s11+$0x0] =	vst.idx.add.f32.msk $0xffff, v2  }
0x10a: {  	v3 =	vld [tilespmem:s25+$0x1400];
	_ =	sdelay $0x7  }
0x10b: {  	[tilespmem:v3+s11+$0x0] =	vst.idx.add.f32.msk $0xffff, v2  }
0x10c: {  	v3 =	vld [tilespmem:s25+$0x1410];
	_ =	sdelay $0x7  }
0x10d: {  	[tilespmem:v3+s11+$0x0] =	vst.idx.add.f32.msk $0xffff, v2  }
0x10e: {  	v3 =	vld [tilespmem:s25+$0x1420];
	_ =	sdelay $0x7  }
0x10f: {  	[tilespmem:v3+s11+$0x0] =	vst.idx.add.f32.msk $0xffff, v2  }
0x110: {  	v3 =	vld [tilespmem:s25+$0x1430];
	_ =	sdelay $0x7  }
0x111: {  	[tilespmem:v3+s11+$0x0] =	vst.idx.add.f32.msk $0xffff, v2  }
0x112: {  	v3 =	vld [tilespmem:s25+$0x1440];
	_ =	sdelay $0x7  }
0x113: {  	[tilespmem:v3+s11+$0x0] =	vst.idx.add.f32.msk $0xffff, v2  }
0x114: {  	v3 =	vld [tilespmem:s25+$0x1450];
	_ =	sdelay $0x7  }
0x115: {  	[tilespmem:v3+s11+$0x0] =	vst.idx.add.f32.msk $0xffff, v2  }
0x116: {  	v3 =	vld [tilespmem:s25+$0x1460];
	_ =	sdelay $0x7  }
0x117: {  	[tilespmem:v3+s11+$0x0] =	vst.idx.add.f32.msk $0xffff, v2  }
0x118: {  	v3 =	vld [tilespmem:s25+$0x1470];
	_ =	sdelay $0x7  }
0x119: {  	[tilespmem:v3+s11+$0x0] =	vst.idx.add.f32.msk $0xffff, v2  }
0x11a: {  	v3 =	vld [tilespmem:s25+$0x1800];
	_ =	sdelay $0x7  }
0x11b: {  	[tilespmem:v3+s11+$0x0] =	vst.idx.add.f32.msk $0xffff, v2  }
0x11c: {  	v3 =	vld [tilespmem:s25+$0x1810];
	_ =	sdelay $0x7  }
0x11d: {  	[tilespmem:v3+s11+$0x0] =	vst.idx.add.f32.msk $0xffff, v2  }
0x11e: {  	v3 =	vld [tilespmem:s25+$0x1820];
	_ =	sdelay $0x7  }
0x11f: {  	[tilespmem:v3+s11+$0x0] =	vst.idx.add.f32.msk $0xffff, v2  }
0x120: {  	v3 =	vld [tilespmem:s25+$0x1830];
	_ =	sdelay $0x7  }
0x121: {  	[tilespmem:v3+s11+$0x0] =	vst.idx.add.f32.msk $0xffff, v2  }
0x122: {  	v3 =	vld [tilespmem:s25+$0x1840];
	_ =	sdelay $0x7  }
0x123: {  	[tilespmem:v3+s11+$0x0] =	vst.idx.add.f32.msk $0xffff, v2  }
0x124: {  	v3 =	vld [tilespmem:s25+$0x1850];
	_ =	sdelay $0x7  }
0x125: {  	[tilespmem:v3+s11+$0x0] =	vst.idx.add.f32.msk $0xffff, v2  }
0x126: {  	v3 =	vld [tilespmem:s25+$0x1860];
	_ =	sdelay $0x7  }
0x127: {  	[tilespmem:v3+s11+$0x0] =	vst.idx.add.f32.msk $0xffff, v2  }
0x128: {  	v3 =	vld [tilespmem:s25+$0x1870];
	_ =	sdelay $0x7  }
0x129: {  	[tilespmem:v3+s11+$0x0] =	vst.idx.add.f32.msk $0xffff, v2  }
0x12a: {  	v3 =	vld [tilespmem:s25+$0x1C00];
	_ =	sdelay $0x7  }
0x12b: {  	[tilespmem:v3+s11+$0x0] =	vst.idx.add.f32.msk $0xffff, v2  }
0x12c: {  	v3 =	vld [tilespmem:s25+$0x1C10];
	_ =	sdelay $0x7  }
0x12d: {  	[tilespmem:v3+s11+$0x0] =	vst.idx.add.f32.msk $0xffff, v2  }
0x12e: {  	v3 =	vld [tilespmem:s25+$0x1C20];
	_ =	sdelay $0x7  }
0x12f: {  	[tilespmem:v3+s11+$0x0] =	vst.idx.add.f32.msk $0xffff, v2  }
0x130: {  	v3 =	vld [tilespmem:s25+$0x1C30];
	_ =	sdelay $0x7  }
0x131: {  	[tilespmem:v3+s11+$0x0] =	vst.idx.add.f32.msk $0xffff, v2  }
0x132: {  	v3 =	vld [tilespmem:s25+$0x1C40];
	_ =	sdelay $0x7  }
0x133: {  	[tilespmem:v3+s11+$0x0] =	vst.idx.add.f32.msk $0xffff, v2  }
0x134: {  	v3 =	vld [tilespmem:s25+$0x1C50];
	_ =	sdelay $0x7  }
0x135: {  	[tilespmem:v3+s11+$0x0] =	vst.idx.add.f32.msk $0xffff, v2  }
0x136: {  	v3 =	vld [tilespmem:s25+$0x1C60];
	_ =	sdelay $0x7  }
0x137: {  	[tilespmem:v3+s11+$0x0] =	vst.idx.add.f32.msk $0xffff, v2  }
0x138: {  	v3 =	vld [tilespmem:s25+$0x1C70];
	_ =	sdelay $0x7  }
0x139: {  	[tilespmem:v3+s11+$0x0] =	vst.idx.add.f32.msk $0xffff, v2  }
.LBB2_6:
0x13a: {  	s25 =	sand.u32 $0x6000, s22;
	s26 =	sand.u32 $0x200, s24  }
0x13b: {  	s26 =	sor.u32 s26, s25  }
0x13c: {  	v3 =	vld [tilespmem:s26+$0x0];
	_ =	sdelay $0x7  }
0x13d: {  	[tilespmem:v3+s11+$0x0] =	vst.idx.add.f32.msk $0xffff, v1  }
0x13e: {  	v3 =	vld [tilespmem:s26+$0x10];
	_ =	sdelay $0x7  }
0x13f: {  	[tilespmem:v3+s11+$0x0] =	vst.idx.add.f32.msk $0xffff, v1  }
0x140: {  	v3 =	vld [tilespmem:s26+$0x20];
	_ =	sdelay $0x7  }
0x141: {  	[tilespmem:v3+s11+$0x0] =	vst.idx.add.f32.msk $0xffff, v1  }
0x142: {  	v3 =	vld [tilespmem:s26+$0x30];
	_ =	sdelay $0x7  }
0x143: {  	[tilespmem:v3+s11+$0x0] =	vst.idx.add.f32.msk $0xffff, v1  }
0x144: {  	v3 =	vld [tilespmem:s26+$0x40];
	_ =	sdelay $0x7  }
0x145: {  	[tilespmem:v3+s11+$0x0] =	vst.idx.add.f32.msk $0xffff, v1  }
0x146: {  	v3 =	vld [tilespmem:s26+$0x50];
	_ =	sdelay $0x7  }
0x147: {  	[tilespmem:v3+s11+$0x0] =	vst.idx.add.f32.msk $0xffff, v1  }
0x148: {  	v3 =	vld [tilespmem:s26+$0x60];
	_ =	sdelay $0x7  }
0x149: {  	[tilespmem:v3+s11+$0x0] =	vst.idx.add.f32.msk $0xffff, v1  }
0x14a: {  	v3 =	vld [tilespmem:s26+$0x70];
	_ =	sdelay $0x7  }
0x14b: {  	[tilespmem:v3+s11+$0x0] =	vst.idx.add.f32.msk $0xffff, v1  }
0x14c: {  	v3 =	vld [tilespmem:s26+$0x400];
	_ =	sdelay $0x7  }
0x14d: {  	[tilespmem:v3+s11+$0x0] =	vst.idx.add.f32.msk $0xffff, v1  }
0x14e: {  	v3 =	vld [tilespmem:s26+$0x410];
	_ =	sdelay $0x7  }
0x14f: {  	[tilespmem:v3+s11+$0x0] =	vst.idx.add.f32.msk $0xffff, v1  }
0x150: {  	v3 =	vld [tilespmem:s26+$0x420];
	_ =	sdelay $0x7  }
0x151: {  	[tilespmem:v3+s11+$0x0] =	vst.idx.add.f32.msk $0xffff, v1  }
0x152: {  	v3 =	vld [tilespmem:s26+$0x430];
	_ =	sdelay $0x7  }
0x153: {  	[tilespmem:v3+s11+$0x0] =	vst.idx.add.f32.msk $0xffff, v1  }
0x154: {  	v3 =	vld [tilespmem:s26+$0x440];
	_ =	sdelay $0x7  }
0x155: {  	[tilespmem:v3+s11+$0x0] =	vst.idx.add.f32.msk $0xffff, v1  }
0x156: {  	v3 =	vld [tilespmem:s26+$0x450];
	_ =	sdelay $0x7  }
0x157: {  	[tilespmem:v3+s11+$0x0] =	vst.idx.add.f32.msk $0xffff, v1  }
0x158: {  	v3 =	vld [tilespmem:s26+$0x460];
	_ =	sdelay $0x7  }
0x159: {  	[tilespmem:v3+s11+$0x0] =	vst.idx.add.f32.msk $0xffff, v1  }
0x15a: {  	v3 =	vld [tilespmem:s26+$0x470];
	_ =	sdelay $0x7  }
0x15b: {  	[tilespmem:v3+s11+$0x0] =	vst.idx.add.f32.msk $0xffff, v1  }
0x15c: {  	v3 =	vld [tilespmem:s26+$0x800];
	_ =	sdelay $0x7  }
0x15d: {  	[tilespmem:v3+s11+$0x0] =	vst.idx.add.f32.msk $0xffff, v1  }
0x15e: {  	v3 =	vld [tilespmem:s26+$0x810];
	_ =	sdelay $0x7  }
0x15f: {  	[tilespmem:v3+s11+$0x0] =	vst.idx.add.f32.msk $0xffff, v1  }
0x160: {  	v3 =	vld [tilespmem:s26+$0x820];
	_ =	sdelay $0x7  }
0x161: {  	[tilespmem:v3+s11+$0x0] =	vst.idx.add.f32.msk $0xffff, v1  }
0x162: {  	v3 =	vld [tilespmem:s26+$0x830];
	_ =	sdelay $0x7  }
0x163: {  	[tilespmem:v3+s11+$0x0] =	vst.idx.add.f32.msk $0xffff, v1  }
0x164: {  	v3 =	vld [tilespmem:s26+$0x840];
	_ =	sdelay $0x7  }
0x165: {  	[tilespmem:v3+s11+$0x0] =	vst.idx.add.f32.msk $0xffff, v1  }
0x166: {  	v3 =	vld [tilespmem:s26+$0x850];
	_ =	sdelay $0x7  }
0x167: {  	[tilespmem:v3+s11+$0x0] =	vst.idx.add.f32.msk $0xffff, v1  }
0x168: {  	v3 =	vld [tilespmem:s26+$0x860];
	_ =	sdelay $0x7  }
0x169: {  	[tilespmem:v3+s11+$0x0] =	vst.idx.add.f32.msk $0xffff, v1  }
0x16a: {  	v3 =	vld [tilespmem:s26+$0x870];
	_ =	sdelay $0x7  }
0x16b: {  	[tilespmem:v3+s11+$0x0] =	vst.idx.add.f32.msk $0xffff, v1  }
0x16c: {  	v3 =	vld [tilespmem:s26+$0xC00];
	_ =	sdelay $0x7  }
0x16d: {  	[tilespmem:v3+s11+$0x0] =	vst.idx.add.f32.msk $0xffff, v1  }
0x16e: {  	v3 =	vld [tilespmem:s26+$0xC10];
	_ =	sdelay $0x7  }
0x16f: {  	[tilespmem:v3+s11+$0x0] =	vst.idx.add.f32.msk $0xffff, v1  }
0x170: {  	v3 =	vld [tilespmem:s26+$0xC20];
	_ =	sdelay $0x7  }
0x171: {  	[tilespmem:v3+s11+$0x0] =	vst.idx.add.f32.msk $0xffff, v1  }
0x172: {  	v3 =	vld [tilespmem:s26+$0xC30];
	_ =	sdelay $0x7  }
0x173: {  	[tilespmem:v3+s11+$0x0] =	vst.idx.add.f32.msk $0xffff, v1  }
0x174: {  	v3 =	vld [tilespmem:s26+$0xC40];
	_ =	sdelay $0x7  }
0x175: {  	[tilespmem:v3+s11+$0x0] =	vst.idx.add.f32.msk $0xffff, v1  }
0x176: {  	v3 =	vld [tilespmem:s26+$0xC50];
	_ =	sdelay $0x7  }
0x177: {  	[tilespmem:v3+s11+$0x0] =	vst.idx.add.f32.msk $0xffff, v1  }
0x178: {  	v3 =	vld [tilespmem:s26+$0xC60];
	_ =	sdelay $0x7  }
0x179: {  	[tilespmem:v3+s11+$0x0] =	vst.idx.add.f32.msk $0xffff, v1  }
0x17a: {  	v3 =	vld [tilespmem:s26+$0xC70];
	_ =	sdelay $0x7  }
0x17b: {  	[tilespmem:v3+s11+$0x0] =	vst.idx.add.f32.msk $0xffff, v1  }
0x17c: {  	v3 =	vld [tilespmem:s26+$0x1000];
	_ =	sdelay $0x7  }
0x17d: {  	[tilespmem:v3+s11+$0x0] =	vst.idx.add.f32.msk $0xffff, v1  }
0x17e: {  	v3 =	vld [tilespmem:s26+$0x1010];
	_ =	sdelay $0x7  }
0x17f: {  	[tilespmem:v3+s11+$0x0] =	vst.idx.add.f32.msk $0xffff, v1  }
0x180: {  	v3 =	vld [tilespmem:s26+$0x1020];
	_ =	sdelay $0x7  }
0x181: {  	[tilespmem:v3+s11+$0x0] =	vst.idx.add.f32.msk $0xffff, v1  }
0x182: {  	v3 =	vld [tilespmem:s26+$0x1030];
	_ =	sdelay $0x7  }
0x183: {  	[tilespmem:v3+s11+$0x0] =	vst.idx.add.f32.msk $0xffff, v1  }
0x184: {  	v3 =	vld [tilespmem:s26+$0x1040];
	_ =	sdelay $0x7  }
0x185: {  	[tilespmem:v3+s11+$0x0] =	vst.idx.add.f32.msk $0xffff, v1  }
0x186: {  	v3 =	vld [tilespmem:s26+$0x1050];
	_ =	sdelay $0x7  }
0x187: {  	[tilespmem:v3+s11+$0x0] =	vst.idx.add.f32.msk $0xffff, v1  }
0x188: {  	v3 =	vld [tilespmem:s26+$0x1060];
	_ =	sdelay $0x7  }
0x189: {  	[tilespmem:v3+s11+$0x0] =	vst.idx.add.f32.msk $0xffff, v1  }
0x18a: {  	v3 =	vld [tilespmem:s26+$0x1070];
	_ =	sdelay $0x7  }
0x18b: {  	[tilespmem:v3+s11+$0x0] =	vst.idx.add.f32.msk $0xffff, v1  }
0x18c: {  	v3 =	vld [tilespmem:s26+$0x1400];
	_ =	sdelay $0x7  }
0x18d: {  	[tilespmem:v3+s11+$0x0] =	vst.idx.add.f32.msk $0xffff, v1  }
0x18e: {  	v3 =	vld [tilespmem:s26+$0x1410];
	_ =	sdelay $0x7  }
0x18f: {  	[tilespmem:v3+s11+$0x0] =	vst.idx.add.f32.msk $0xffff, v1  }
0x190: {  	v3 =	vld [tilespmem:s26+$0x1420];
	_ =	sdelay $0x7  }
0x191: {  	[tilespmem:v3+s11+$0x0] =	vst.idx.add.f32.msk $0xffff, v1  }
0x192: {  	v3 =	vld [tilespmem:s26+$0x1430];
	_ =	sdelay $0x7  }
0x193: {  	[tilespmem:v3+s11+$0x0] =	vst.idx.add.f32.msk $0xffff, v1  }
0x194: {  	v3 =	vld [tilespmem:s26+$0x1440];
	_ =	sdelay $0x7  }
0x195: {  	[tilespmem:v3+s11+$0x0] =	vst.idx.add.f32.msk $0xffff, v1  }
0x196: {  	v3 =	vld [tilespmem:s26+$0x1450];
	_ =	sdelay $0x7  }
0x197: {  	[tilespmem:v3+s11+$0x0] =	vst.idx.add.f32.msk $0xffff, v1  }
0x198: {  	v3 =	vld [tilespmem:s26+$0x1460];
	_ =	sdelay $0x7  }
0x199: {  	[tilespmem:v3+s11+$0x0] =	vst.idx.add.f32.msk $0xffff, v1  }
0x19a: {  	v3 =	vld [tilespmem:s26+$0x1470];
	_ =	sdelay $0x7  }
0x19b: {  	[tilespmem:v3+s11+$0x0] =	vst.idx.add.f32.msk $0xffff, v1  }
0x19c: {  	v3 =	vld [tilespmem:s26+$0x1800];
	_ =	sdelay $0x7  }
0x19d: {  	[tilespmem:v3+s11+$0x0] =	vst.idx.add.f32.msk $0xffff, v1  }
0x19e: {  	v3 =	vld [tilespmem:s26+$0x1810];
	_ =	sdelay $0x7  }
0x19f: {  	[tilespmem:v3+s11+$0x0] =	vst.idx.add.f32.msk $0xffff, v1  }
0x1a0: {  	v3 =	vld [tilespmem:s26+$0x1820];
	_ =	sdelay $0x7  }
0x1a1: {  	[tilespmem:v3+s11+$0x0] =	vst.idx.add.f32.msk $0xffff, v1  }
0x1a2: {  	v3 =	vld [tilespmem:s26+$0x1830];
	_ =	sdelay $0x7  }
0x1a3: {  	[tilespmem:v3+s11+$0x0] =	vst.idx.add.f32.msk $0xffff, v1  }
0x1a4: {  	v3 =	vld [tilespmem:s26+$0x1840];
	_ =	sdelay $0x7  }
0x1a5: {  	[tilespmem:v3+s11+$0x0] =	vst.idx.add.f32.msk $0xffff, v1  }
0x1a6: {  	v3 =	vld [tilespmem:s26+$0x1850];
	_ =	sdelay $0x7  }
0x1a7: {  	[tilespmem:v3+s11+$0x0] =	vst.idx.add.f32.msk $0xffff, v1  }
0x1a8: {  	v3 =	vld [tilespmem:s26+$0x1860];
	_ =	sdelay $0x7  }
0x1a9: {  	[tilespmem:v3+s11+$0x0] =	vst.idx.add.f32.msk $0xffff, v1  }
0x1aa: {  	v3 =	vld [tilespmem:s26+$0x1870];
	_ =	sdelay $0x7  }
0x1ab: {  	[tilespmem:v3+s11+$0x0] =	vst.idx.add.f32.msk $0xffff, v1  }
0x1ac: {  	v3 =	vld [tilespmem:s26+$0x1C00];
	_ =	sdelay $0x7  }
0x1ad: {  	[tilespmem:v3+s11+$0x0] =	vst.idx.add.f32.msk $0xffff, v1  }
0x1ae: {  	v3 =	vld [tilespmem:s26+$0x1C10];
	_ =	sdelay $0x7  }
0x1af: {  	[tilespmem:v3+s11+$0x0] =	vst.idx.add.f32.msk $0xffff, v1  }
0x1b0: {  	v3 =	vld [tilespmem:s26+$0x1C20];
	_ =	sdelay $0x7  }
0x1b1: {  	[tilespmem:v3+s11+$0x0] =	vst.idx.add.f32.msk $0xffff, v1  }
0x1b2: {  	v3 =	vld [tilespmem:s26+$0x1C30];
	_ =	sdelay $0x7  }
0x1b3: {  	[tilespmem:v3+s11+$0x0] =	vst.idx.add.f32.msk $0xffff, v1  }
0x1b4: {  	v3 =	vld [tilespmem:s26+$0x1C40];
	_ =	sdelay $0x7  }
0x1b5: {  	[tilespmem:v3+s11+$0x0] =	vst.idx.add.f32.msk $0xffff, v1  }
0x1b6: {  	v3 =	vld [tilespmem:s26+$0x1C50];
	_ =	sdelay $0x7  }
0x1b7: {  	[tilespmem:v3+s11+$0x0] =	vst.idx.add.f32.msk $0xffff, v1  }
0x1b8: {  	v3 =	vld [tilespmem:s26+$0x1C60];
	_ =	sdelay $0x7  }
0x1b9: {  	[tilespmem:v3+s11+$0x0] =	vst.idx.add.f32.msk $0xffff, v1  }
0x1ba: {  	v3 =	vld [tilespmem:s26+$0x1C70];
	_ =	sdelay $0x4  }
.Ltmp6:
0x1bb: {  	_ = 	snop;
	(pc) =	sbr.rel @p0 .LBB2_8-.Ltmp6, $4  }
0x1bc: {  	s31 =	sadd.s32 s22, s8;
	s28 =	sand.u32 $0x40, s23  }
0x1bd: {  	s28 =	sadd.s32 s3, s28;
	s26 =	sand.u32 $0xFE000, s31  }
0x1be: {  	s28 =	sadd.s32 s26, s28;
	[tilespmem:v3+s11+$0x0] =	vst.idx.add.f32.msk $0xffff, v1  }
0x1bf: {  	[hbm4b:s28+s12] =	stream.strided.scatter [tilespmem:s11], [sflag:$0x1], $0x2000, s13, s12, $0x38;
	[tilespmem:$0x18000] =	vst v63  }
0x1c0: {  	_ =	swait.ge [sflag:s18], $0x2000;
	s28 =	sadd.s32 $0xFFFFF400, s22;
	s29 =	sadd.s32 $0xFFFFFE80, s24  }
0x1c1: {  	[sflag:s18] =	ssyncset.done $0x0;
	s28 =	sand.u32 $0xFFFFE000, s28;
	s29 =	sand.u32 $0x280, s29  }
0x1c2: {  	[sflag:s18] =	ssyncadd.s32 $0xFFFFE000;
	s28 =	sor.u32 s29, s28  }
0x1c3: {  	v3 =	vld [tilespmem:s28+$0x0];
	_ =	sdelay $0x7  }
0x1c4: {  	[tilespmem:v3+s14+$0x0] =	vst.idx.add.f32.msk $0xffff, v2  }
0x1c5: {  	v3 =	vld [tilespmem:s28+$0x10];
	_ =	sdelay $0x7  }
0x1c6: {  	[tilespmem:v3+s14+$0x0] =	vst.idx.add.f32.msk $0xffff, v2  }
0x1c7: {  	v3 =	vld [tilespmem:s28+$0x20];
	_ =	sdelay $0x7  }
0x1c8: {  	[tilespmem:v3+s14+$0x0] =	vst.idx.add.f32.msk $0xffff, v2  }
0x1c9: {  	v3 =	vld [tilespmem:s28+$0x30];
	_ =	sdelay $0x7  }
0x1ca: {  	[tilespmem:v3+s14+$0x0] =	vst.idx.add.f32.msk $0xffff, v2  }
0x1cb: {  	v3 =	vld [tilespmem:s28+$0x40];
	_ =	sdelay $0x7  }
0x1cc: {  	[tilespmem:v3+s14+$0x0] =	vst.idx.add.f32.msk $0xffff, v2  }
0x1cd: {  	v3 =	vld [tilespmem:s28+$0x50];
	_ =	sdelay $0x7  }
0x1ce: {  	[tilespmem:v3+s14+$0x0] =	vst.idx.add.f32.msk $0xffff, v2  }
0x1cf: {  	v3 =	vld [tilespmem:s28+$0x60];
	_ =	sdelay $0x7  }
0x1d0: {  	[tilespmem:v3+s14+$0x0] =	vst.idx.add.f32.msk $0xffff, v2  }
0x1d1: {  	v3 =	vld [tilespmem:s28+$0x70];
	_ =	sdelay $0x7  }
0x1d2: {  	[tilespmem:v3+s14+$0x0] =	vst.idx.add.f32.msk $0xffff, v2  }
0x1d3: {  	v3 =	vld [tilespmem:s28+$0x400];
	_ =	sdelay $0x7  }
0x1d4: {  	[tilespmem:v3+s14+$0x0] =	vst.idx.add.f32.msk $0xffff, v2  }
0x1d5: {  	v3 =	vld [tilespmem:s28+$0x410];
	_ =	sdelay $0x7  }
0x1d6: {  	[tilespmem:v3+s14+$0x0] =	vst.idx.add.f32.msk $0xffff, v2  }
0x1d7: {  	v3 =	vld [tilespmem:s28+$0x420];
	_ =	sdelay $0x7  }
0x1d8: {  	[tilespmem:v3+s14+$0x0] =	vst.idx.add.f32.msk $0xffff, v2  }
0x1d9: {  	v3 =	vld [tilespmem:s28+$0x430];
	_ =	sdelay $0x7  }
0x1da: {  	[tilespmem:v3+s14+$0x0] =	vst.idx.add.f32.msk $0xffff, v2  }
0x1db: {  	v3 =	vld [tilespmem:s28+$0x440];
	_ =	sdelay $0x7  }
0x1dc: {  	[tilespmem:v3+s14+$0x0] =	vst.idx.add.f32.msk $0xffff, v2  }
0x1dd: {  	v3 =	vld [tilespmem:s28+$0x450];
	_ =	sdelay $0x7  }
0x1de: {  	[tilespmem:v3+s14+$0x0] =	vst.idx.add.f32.msk $0xffff, v2  }
0x1df: {  	v3 =	vld [tilespmem:s28+$0x460];
	_ =	sdelay $0x7  }
0x1e0: {  	[tilespmem:v3+s14+$0x0] =	vst.idx.add.f32.msk $0xffff, v2  }
0x1e1: {  	v3 =	vld [tilespmem:s28+$0x470];
	_ =	sdelay $0x7  }
0x1e2: {  	[tilespmem:v3+s14+$0x0] =	vst.idx.add.f32.msk $0xffff, v2  }
0x1e3: {  	v3 =	vld [tilespmem:s28+$0x800];
	_ =	sdelay $0x7  }
0x1e4: {  	[tilespmem:v3+s14+$0x0] =	vst.idx.add.f32.msk $0xffff, v2  }
0x1e5: {  	v3 =	vld [tilespmem:s28+$0x810];
	_ =	sdelay $0x7  }
0x1e6: {  	[tilespmem:v3+s14+$0x0] =	vst.idx.add.f32.msk $0xffff, v2  }
0x1e7: {  	v3 =	vld [tilespmem:s28+$0x820];
	_ =	sdelay $0x7  }
0x1e8: {  	[tilespmem:v3+s14+$0x0] =	vst.idx.add.f32.msk $0xffff, v2  }
0x1e9: {  	v3 =	vld [tilespmem:s28+$0x830];
	_ =	sdelay $0x7  }
0x1ea: {  	[tilespmem:v3+s14+$0x0] =	vst.idx.add.f32.msk $0xffff, v2  }
0x1eb: {  	v3 =	vld [tilespmem:s28+$0x840];
	_ =	sdelay $0x7  }
0x1ec: {  	[tilespmem:v3+s14+$0x0] =	vst.idx.add.f32.msk $0xffff, v2  }
0x1ed: {  	v3 =	vld [tilespmem:s28+$0x850];
	_ =	sdelay $0x7  }
0x1ee: {  	[tilespmem:v3+s14+$0x0] =	vst.idx.add.f32.msk $0xffff, v2  }
0x1ef: {  	v3 =	vld [tilespmem:s28+$0x860];
	_ =	sdelay $0x7  }
0x1f0: {  	[tilespmem:v3+s14+$0x0] =	vst.idx.add.f32.msk $0xffff, v2  }
0x1f1: {  	v3 =	vld [tilespmem:s28+$0x870];
	_ =	sdelay $0x7  }
0x1f2: {  	[tilespmem:v3+s14+$0x0] =	vst.idx.add.f32.msk $0xffff, v2  }
0x1f3: {  	v3 =	vld [tilespmem:s28+$0xC00];
	_ =	sdelay $0x7  }
0x1f4: {  	[tilespmem:v3+s14+$0x0] =	vst.idx.add.f32.msk $0xffff, v2  }
0x1f5: {  	v3 =	vld [tilespmem:s28+$0xC10];
	_ =	sdelay $0x7  }
0x1f6: {  	[tilespmem:v3+s14+$0x0] =	vst.idx.add.f32.msk $0xffff, v2  }
0x1f7: {  	v3 =	vld [tilespmem:s28+$0xC20];
	_ =	sdelay $0x7  }
0x1f8: {  	[tilespmem:v3+s14+$0x0] =	vst.idx.add.f32.msk $0xffff, v2  }
0x1f9: {  	v3 =	vld [tilespmem:s28+$0xC30];
	_ =	sdelay $0x7  }
0x1fa: {  	[tilespmem:v3+s14+$0x0] =	vst.idx.add.f32.msk $0xffff, v2  }
0x1fb: {  	v3 =	vld [tilespmem:s28+$0xC40];
	_ =	sdelay $0x7  }
0x1fc: {  	[tilespmem:v3+s14+$0x0] =	vst.idx.add.f32.msk $0xffff, v2  }
0x1fd: {  	v3 =	vld [tilespmem:s28+$0xC50];
	_ =	sdelay $0x7  }
0x1fe: {  	[tilespmem:v3+s14+$0x0] =	vst.idx.add.f32.msk $0xffff, v2  }
0x1ff: {  	v3 =	vld [tilespmem:s28+$0xC60];
	_ =	sdelay $0x7  }
0x200: {  	[tilespmem:v3+s14+$0x0] =	vst.idx.add.f32.msk $0xffff, v2  }
0x201: {  	v3 =	vld [tilespmem:s28+$0xC70];
	_ =	sdelay $0x7  }
0x202: {  	[tilespmem:v3+s14+$0x0] =	vst.idx.add.f32.msk $0xffff, v2  }
0x203: {  	v3 =	vld [tilespmem:s28+$0x1000];
	_ =	sdelay $0x7  }
0x204: {  	[tilespmem:v3+s14+$0x0] =	vst.idx.add.f32.msk $0xffff, v2  }
0x205: {  	v3 =	vld [tilespmem:s28+$0x1010];
	_ =	sdelay $0x7  }
0x206: {  	[tilespmem:v3+s14+$0x0] =	vst.idx.add.f32.msk $0xffff, v2  }
0x207: {  	v3 =	vld [tilespmem:s28+$0x1020];
	_ =	sdelay $0x7  }
0x208: {  	[tilespmem:v3+s14+$0x0] =	vst.idx.add.f32.msk $0xffff, v2  }
0x209: {  	v3 =	vld [tilespmem:s28+$0x1030];
	_ =	sdelay $0x7  }
0x20a: {  	[tilespmem:v3+s14+$0x0] =	vst.idx.add.f32.msk $0xffff, v2  }
0x20b: {  	v3 =	vld [tilespmem:s28+$0x1040];
	_ =	sdelay $0x7  }
0x20c: {  	[tilespmem:v3+s14+$0x0] =	vst.idx.add.f32.msk $0xffff, v2  }
0x20d: {  	v3 =	vld [tilespmem:s28+$0x1050];
	_ =	sdelay $0x7  }
0x20e: {  	[tilespmem:v3+s14+$0x0] =	vst.idx.add.f32.msk $0xffff, v2  }
0x20f: {  	v3 =	vld [tilespmem:s28+$0x1060];
	_ =	sdelay $0x7  }
0x210: {  	[tilespmem:v3+s14+$0x0] =	vst.idx.add.f32.msk $0xffff, v2  }
0x211: {  	v3 =	vld [tilespmem:s28+$0x1070];
	_ =	sdelay $0x7  }
0x212: {  	[tilespmem:v3+s14+$0x0] =	vst.idx.add.f32.msk $0xffff, v2  }
0x213: {  	v3 =	vld [tilespmem:s28+$0x1400];
	_ =	sdelay $0x7  }
0x214: {  	[tilespmem:v3+s14+$0x0] =	vst.idx.add.f32.msk $0xffff, v2  }
0x215: {  	v3 =	vld [tilespmem:s28+$0x1410];
	_ =	sdelay $0x7  }
0x216: {  	[tilespmem:v3+s14+$0x0] =	vst.idx.add.f32.msk $0xffff, v2  }
0x217: {  	v3 =	vld [tilespmem:s28+$0x1420];
	_ =	sdelay $0x7  }
0x218: {  	[tilespmem:v3+s14+$0x0] =	vst.idx.add.f32.msk $0xffff, v2  }
0x219: {  	v3 =	vld [tilespmem:s28+$0x1430];
	_ =	sdelay $0x7  }
0x21a: {  	[tilespmem:v3+s14+$0x0] =	vst.idx.add.f32.msk $0xffff, v2  }
0x21b: {  	v3 =	vld [tilespmem:s28+$0x1440];
	_ =	sdelay $0x7  }
0x21c: {  	[tilespmem:v3+s14+$0x0] =	vst.idx.add.f32.msk $0xffff, v2  }
0x21d: {  	v3 =	vld [tilespmem:s28+$0x1450];
	_ =	sdelay $0x7  }
0x21e: {  	[tilespmem:v3+s14+$0x0] =	vst.idx.add.f32.msk $0xffff, v2  }
0x21f: {  	v3 =	vld [tilespmem:s28+$0x1460];
	_ =	sdelay $0x7  }
0x220: {  	[tilespmem:v3+s14+$0x0] =	vst.idx.add.f32.msk $0xffff, v2  }
0x221: {  	v3 =	vld [tilespmem:s28+$0x1470];
	_ =	sdelay $0x7  }
0x222: {  	[tilespmem:v3+s14+$0x0] =	vst.idx.add.f32.msk $0xffff, v2  }
0x223: {  	v3 =	vld [tilespmem:s28+$0x1800];
	_ =	sdelay $0x7  }
0x224: {  	[tilespmem:v3+s14+$0x0] =	vst.idx.add.f32.msk $0xffff, v2  }
0x225: {  	v3 =	vld [tilespmem:s28+$0x1810];
	_ =	sdelay $0x7  }
0x226: {  	[tilespmem:v3+s14+$0x0] =	vst.idx.add.f32.msk $0xffff, v2  }
0x227: {  	v3 =	vld [tilespmem:s28+$0x1820];
	_ =	sdelay $0x7  }
0x228: {  	[tilespmem:v3+s14+$0x0] =	vst.idx.add.f32.msk $0xffff, v2  }
0x229: {  	v3 =	vld [tilespmem:s28+$0x1830];
	_ =	sdelay $0x7  }
0x22a: {  	[tilespmem:v3+s14+$0x0] =	vst.idx.add.f32.msk $0xffff, v2  }
0x22b: {  	v3 =	vld [tilespmem:s28+$0x1840];
	_ =	sdelay $0x7  }
0x22c: {  	[tilespmem:v3+s14+$0x0] =	vst.idx.add.f32.msk $0xffff, v2  }
0x22d: {  	v3 =	vld [tilespmem:s28+$0x1850];
	_ =	sdelay $0x7  }
0x22e: {  	[tilespmem:v3+s14+$0x0] =	vst.idx.add.f32.msk $0xffff, v2  }
0x22f: {  	v3 =	vld [tilespmem:s28+$0x1860];
	_ =	sdelay $0x7  }
0x230: {  	[tilespmem:v3+s14+$0x0] =	vst.idx.add.f32.msk $0xffff, v2  }
0x231: {  	v3 =	vld [tilespmem:s28+$0x1870];
	_ =	sdelay $0x7  }
0x232: {  	[tilespmem:v3+s14+$0x0] =	vst.idx.add.f32.msk $0xffff, v2  }
0x233: {  	v3 =	vld [tilespmem:s28+$0x1C00];
	_ =	sdelay $0x7  }
0x234: {  	[tilespmem:v3+s14+$0x0] =	vst.idx.add.f32.msk $0xffff, v2  }
0x235: {  	v3 =	vld [tilespmem:s28+$0x1C10];
	_ =	sdelay $0x7  }
0x236: {  	[tilespmem:v3+s14+$0x0] =	vst.idx.add.f32.msk $0xffff, v2  }
0x237: {  	v3 =	vld [tilespmem:s28+$0x1C20];
	_ =	sdelay $0x7  }
0x238: {  	[tilespmem:v3+s14+$0x0] =	vst.idx.add.f32.msk $0xffff, v2  }
0x239: {  	v3 =	vld [tilespmem:s28+$0x1C30];
	_ =	sdelay $0x7  }
0x23a: {  	[tilespmem:v3+s14+$0x0] =	vst.idx.add.f32.msk $0xffff, v2  }
0x23b: {  	v3 =	vld [tilespmem:s28+$0x1C40];
	_ =	sdelay $0x7  }
0x23c: {  	[tilespmem:v3+s14+$0x0] =	vst.idx.add.f32.msk $0xffff, v2  }
0x23d: {  	v3 =	vld [tilespmem:s28+$0x1C50];
	_ =	sdelay $0x7  }
0x23e: {  	[tilespmem:v3+s14+$0x0] =	vst.idx.add.f32.msk $0xffff, v2  }
0x23f: {  	v3 =	vld [tilespmem:s28+$0x1C60];
	_ =	sdelay $0x7  }
0x240: {  	[tilespmem:v3+s14+$0x0] =	vst.idx.add.f32.msk $0xffff, v2  }
0x241: {  	v3 =	vld [tilespmem:s28+$0x1C70];
	_ =	sdelay $0x7  }
0x242: {  	[tilespmem:v3+s14+$0x0] =	vst.idx.add.f32.msk $0xffff, v2  }
.LBB2_8:
0x243: {  	s28 =	sadd.s32 $0x80, s24  }
0x244: {  	s28 =	sand.u32 $0x280, s28  }
0x245: {  	s28 =	sadd.s32 s28, s25  }
0x246: {  	v3 =	vld [tilespmem:s28+$0x0];
	_ =	sdelay $0x7  }
0x247: {  	[tilespmem:v3+s14+$0x0] =	vst.idx.add.f32.msk $0xffff, v1  }
0x248: {  	v3 =	vld [tilespmem:s28+$0x10];
	_ =	sdelay $0x7  }
0x249: {  	[tilespmem:v3+s14+$0x0] =	vst.idx.add.f32.msk $0xffff, v1  }
0x24a: {  	v3 =	vld [tilespmem:s28+$0x20];
	_ =	sdelay $0x7  }
0x24b: {  	[tilespmem:v3+s14+$0x0] =	vst.idx.add.f32.msk $0xffff, v1  }
0x24c: {  	v3 =	vld [tilespmem:s28+$0x30];
	_ =	sdelay $0x7  }
0x24d: {  	[tilespmem:v3+s14+$0x0] =	vst.idx.add.f32.msk $0xffff, v1  }
0x24e: {  	v3 =	vld [tilespmem:s28+$0x40];
	_ =	sdelay $0x7  }
0x24f: {  	[tilespmem:v3+s14+$0x0] =	vst.idx.add.f32.msk $0xffff, v1  }
0x250: {  	v3 =	vld [tilespmem:s28+$0x50];
	_ =	sdelay $0x7  }
0x251: {  	[tilespmem:v3+s14+$0x0] =	vst.idx.add.f32.msk $0xffff, v1  }
0x252: {  	v3 =	vld [tilespmem:s28+$0x60];
	_ =	sdelay $0x7  }
0x253: {  	[tilespmem:v3+s14+$0x0] =	vst.idx.add.f32.msk $0xffff, v1  }
0x254: {  	v3 =	vld [tilespmem:s28+$0x70];
	_ =	sdelay $0x7  }
0x255: {  	[tilespmem:v3+s14+$0x0] =	vst.idx.add.f32.msk $0xffff, v1  }
0x256: {  	v3 =	vld [tilespmem:s28+$0x400];
	_ =	sdelay $0x7  }
0x257: {  	[tilespmem:v3+s14+$0x0] =	vst.idx.add.f32.msk $0xffff, v1  }
0x258: {  	v3 =	vld [tilespmem:s28+$0x410];
	_ =	sdelay $0x7  }
0x259: {  	[tilespmem:v3+s14+$0x0] =	vst.idx.add.f32.msk $0xffff, v1  }
0x25a: {  	v3 =	vld [tilespmem:s28+$0x420];
	_ =	sdelay $0x7  }
0x25b: {  	[tilespmem:v3+s14+$0x0] =	vst.idx.add.f32.msk $0xffff, v1  }
0x25c: {  	v3 =	vld [tilespmem:s28+$0x430];
	_ =	sdelay $0x7  }
0x25d: {  	[tilespmem:v3+s14+$0x0] =	vst.idx.add.f32.msk $0xffff, v1  }
0x25e: {  	v3 =	vld [tilespmem:s28+$0x440];
	_ =	sdelay $0x7  }
0x25f: {  	[tilespmem:v3+s14+$0x0] =	vst.idx.add.f32.msk $0xffff, v1  }
0x260: {  	v3 =	vld [tilespmem:s28+$0x450];
	_ =	sdelay $0x7  }
0x261: {  	[tilespmem:v3+s14+$0x0] =	vst.idx.add.f32.msk $0xffff, v1  }
0x262: {  	v3 =	vld [tilespmem:s28+$0x460];
	_ =	sdelay $0x7  }
0x263: {  	[tilespmem:v3+s14+$0x0] =	vst.idx.add.f32.msk $0xffff, v1  }
0x264: {  	v3 =	vld [tilespmem:s28+$0x470];
	_ =	sdelay $0x7  }
0x265: {  	[tilespmem:v3+s14+$0x0] =	vst.idx.add.f32.msk $0xffff, v1  }
0x266: {  	v3 =	vld [tilespmem:s28+$0x800];
	_ =	sdelay $0x7  }
0x267: {  	[tilespmem:v3+s14+$0x0] =	vst.idx.add.f32.msk $0xffff, v1  }
0x268: {  	v3 =	vld [tilespmem:s28+$0x810];
	_ =	sdelay $0x7  }
0x269: {  	[tilespmem:v3+s14+$0x0] =	vst.idx.add.f32.msk $0xffff, v1  }
0x26a: {  	v3 =	vld [tilespmem:s28+$0x820];
	_ =	sdelay $0x7  }
0x26b: {  	[tilespmem:v3+s14+$0x0] =	vst.idx.add.f32.msk $0xffff, v1  }
0x26c: {  	v3 =	vld [tilespmem:s28+$0x830];
	_ =	sdelay $0x7  }
0x26d: {  	[tilespmem:v3+s14+$0x0] =	vst.idx.add.f32.msk $0xffff, v1  }
0x26e: {  	v3 =	vld [tilespmem:s28+$0x840];
	_ =	sdelay $0x7  }
0x26f: {  	[tilespmem:v3+s14+$0x0] =	vst.idx.add.f32.msk $0xffff, v1  }
0x270: {  	v3 =	vld [tilespmem:s28+$0x850];
	_ =	sdelay $0x7  }
0x271: {  	[tilespmem:v3+s14+$0x0] =	vst.idx.add.f32.msk $0xffff, v1  }
0x272: {  	v3 =	vld [tilespmem:s28+$0x860];
	_ =	sdelay $0x7  }
0x273: {  	[tilespmem:v3+s14+$0x0] =	vst.idx.add.f32.msk $0xffff, v1  }
0x274: {  	v3 =	vld [tilespmem:s28+$0x870];
	_ =	sdelay $0x7  }
0x275: {  	[tilespmem:v3+s14+$0x0] =	vst.idx.add.f32.msk $0xffff, v1  }
0x276: {  	v3 =	vld [tilespmem:s28+$0xC00];
	_ =	sdelay $0x7  }
0x277: {  	[tilespmem:v3+s14+$0x0] =	vst.idx.add.f32.msk $0xffff, v1  }
0x278: {  	v3 =	vld [tilespmem:s28+$0xC10];
	_ =	sdelay $0x7  }
0x279: {  	[tilespmem:v3+s14+$0x0] =	vst.idx.add.f32.msk $0xffff, v1  }
0x27a: {  	v3 =	vld [tilespmem:s28+$0xC20];
	_ =	sdelay $0x7  }
0x27b: {  	[tilespmem:v3+s14+$0x0] =	vst.idx.add.f32.msk $0xffff, v1  }
0x27c: {  	v3 =	vld [tilespmem:s28+$0xC30];
	_ =	sdelay $0x7  }
0x27d: {  	[tilespmem:v3+s14+$0x0] =	vst.idx.add.f32.msk $0xffff, v1  }
0x27e: {  	v3 =	vld [tilespmem:s28+$0xC40];
	_ =	sdelay $0x7  }
0x27f: {  	[tilespmem:v3+s14+$0x0] =	vst.idx.add.f32.msk $0xffff, v1  }
0x280: {  	v3 =	vld [tilespmem:s28+$0xC50];
	_ =	sdelay $0x7  }
0x281: {  	[tilespmem:v3+s14+$0x0] =	vst.idx.add.f32.msk $0xffff, v1  }
0x282: {  	v3 =	vld [tilespmem:s28+$0xC60];
	_ =	sdelay $0x7  }
0x283: {  	[tilespmem:v3+s14+$0x0] =	vst.idx.add.f32.msk $0xffff, v1  }
0x284: {  	v3 =	vld [tilespmem:s28+$0xC70];
	_ =	sdelay $0x7  }
0x285: {  	[tilespmem:v3+s14+$0x0] =	vst.idx.add.f32.msk $0xffff, v1  }
0x286: {  	v3 =	vld [tilespmem:s28+$0x1000];
	_ =	sdelay $0x7  }
0x287: {  	[tilespmem:v3+s14+$0x0] =	vst.idx.add.f32.msk $0xffff, v1  }
0x288: {  	v3 =	vld [tilespmem:s28+$0x1010];
	_ =	sdelay $0x7  }
0x289: {  	[tilespmem:v3+s14+$0x0] =	vst.idx.add.f32.msk $0xffff, v1  }
0x28a: {  	v3 =	vld [tilespmem:s28+$0x1020];
	_ =	sdelay $0x7  }
0x28b: {  	[tilespmem:v3+s14+$0x0] =	vst.idx.add.f32.msk $0xffff, v1  }
0x28c: {  	v3 =	vld [tilespmem:s28+$0x1030];
	_ =	sdelay $0x7  }
0x28d: {  	[tilespmem:v3+s14+$0x0] =	vst.idx.add.f32.msk $0xffff, v1  }
0x28e: {  	v3 =	vld [tilespmem:s28+$0x1040];
	_ =	sdelay $0x7  }
0x28f: {  	[tilespmem:v3+s14+$0x0] =	vst.idx.add.f32.msk $0xffff, v1  }
0x290: {  	v3 =	vld [tilespmem:s28+$0x1050];
	_ =	sdelay $0x7  }
0x291: {  	[tilespmem:v3+s14+$0x0] =	vst.idx.add.f32.msk $0xffff, v1  }
0x292: {  	v3 =	vld [tilespmem:s28+$0x1060];
	_ =	sdelay $0x7  }
0x293: {  	[tilespmem:v3+s14+$0x0] =	vst.idx.add.f32.msk $0xffff, v1  }
0x294: {  	v3 =	vld [tilespmem:s28+$0x1070];
	_ =	sdelay $0x7  }
0x295: {  	[tilespmem:v3+s14+$0x0] =	vst.idx.add.f32.msk $0xffff, v1  }
0x296: {  	v3 =	vld [tilespmem:s28+$0x1400];
	_ =	sdelay $0x7  }
0x297: {  	[tilespmem:v3+s14+$0x0] =	vst.idx.add.f32.msk $0xffff, v1  }
0x298: {  	v3 =	vld [tilespmem:s28+$0x1410];
	_ =	sdelay $0x7  }
0x299: {  	[tilespmem:v3+s14+$0x0] =	vst.idx.add.f32.msk $0xffff, v1  }
0x29a: {  	v3 =	vld [tilespmem:s28+$0x1420];
	_ =	sdelay $0x7  }
0x29b: {  	[tilespmem:v3+s14+$0x0] =	vst.idx.add.f32.msk $0xffff, v1  }
0x29c: {  	v3 =	vld [tilespmem:s28+$0x1430];
	_ =	sdelay $0x7  }
0x29d: {  	[tilespmem:v3+s14+$0x0] =	vst.idx.add.f32.msk $0xffff, v1  }
0x29e: {  	v3 =	vld [tilespmem:s28+$0x1440];
	_ =	sdelay $0x7  }
0x29f: {  	[tilespmem:v3+s14+$0x0] =	vst.idx.add.f32.msk $0xffff, v1  }
0x2a0: {  	v3 =	vld [tilespmem:s28+$0x1450];
	_ =	sdelay $0x7  }
0x2a1: {  	[tilespmem:v3+s14+$0x0] =	vst.idx.add.f32.msk $0xffff, v1  }
0x2a2: {  	v3 =	vld [tilespmem:s28+$0x1460];
	_ =	sdelay $0x7  }
0x2a3: {  	[tilespmem:v3+s14+$0x0] =	vst.idx.add.f32.msk $0xffff, v1  }
0x2a4: {  	v3 =	vld [tilespmem:s28+$0x1470];
	_ =	sdelay $0x7  }
0x2a5: {  	[tilespmem:v3+s14+$0x0] =	vst.idx.add.f32.msk $0xffff, v1  }
0x2a6: {  	v3 =	vld [tilespmem:s28+$0x1800];
	_ =	sdelay $0x7  }
0x2a7: {  	[tilespmem:v3+s14+$0x0] =	vst.idx.add.f32.msk $0xffff, v1  }
0x2a8: {  	v3 =	vld [tilespmem:s28+$0x1810];
	_ =	sdelay $0x7  }
0x2a9: {  	[tilespmem:v3+s14+$0x0] =	vst.idx.add.f32.msk $0xffff, v1  }
0x2aa: {  	v3 =	vld [tilespmem:s28+$0x1820];
	_ =	sdelay $0x7  }
0x2ab: {  	[tilespmem:v3+s14+$0x0] =	vst.idx.add.f32.msk $0xffff, v1  }
0x2ac: {  	v3 =	vld [tilespmem:s28+$0x1830];
	_ =	sdelay $0x7  }
0x2ad: {  	[tilespmem:v3+s14+$0x0] =	vst.idx.add.f32.msk $0xffff, v1  }
0x2ae: {  	v3 =	vld [tilespmem:s28+$0x1840];
	_ =	sdelay $0x7  }
0x2af: {  	[tilespmem:v3+s14+$0x0] =	vst.idx.add.f32.msk $0xffff, v1  }
0x2b0: {  	v3 =	vld [tilespmem:s28+$0x1850];
	_ =	sdelay $0x7  }
0x2b1: {  	[tilespmem:v3+s14+$0x0] =	vst.idx.add.f32.msk $0xffff, v1  }
0x2b2: {  	v3 =	vld [tilespmem:s28+$0x1860];
	_ =	sdelay $0x7  }
0x2b3: {  	[tilespmem:v3+s14+$0x0] =	vst.idx.add.f32.msk $0xffff, v1  }
0x2b4: {  	v3 =	vld [tilespmem:s28+$0x1870];
	_ =	sdelay $0x7  }
0x2b5: {  	[tilespmem:v3+s14+$0x0] =	vst.idx.add.f32.msk $0xffff, v1  }
0x2b6: {  	v3 =	vld [tilespmem:s28+$0x1C00];
	_ =	sdelay $0x7  }
0x2b7: {  	[tilespmem:v3+s14+$0x0] =	vst.idx.add.f32.msk $0xffff, v1  }
0x2b8: {  	v3 =	vld [tilespmem:s28+$0x1C10];
	_ =	sdelay $0x7  }
0x2b9: {  	[tilespmem:v3+s14+$0x0] =	vst.idx.add.f32.msk $0xffff, v1  }
0x2ba: {  	v3 =	vld [tilespmem:s28+$0x1C20];
	_ =	sdelay $0x7  }
0x2bb: {  	[tilespmem:v3+s14+$0x0] =	vst.idx.add.f32.msk $0xffff, v1  }
0x2bc: {  	v3 =	vld [tilespmem:s28+$0x1C30];
	_ =	sdelay $0x7  }
0x2bd: {  	[tilespmem:v3+s14+$0x0] =	vst.idx.add.f32.msk $0xffff, v1  }
0x2be: {  	v3 =	vld [tilespmem:s28+$0x1C40];
	_ =	sdelay $0x7  }
0x2bf: {  	[tilespmem:v3+s14+$0x0] =	vst.idx.add.f32.msk $0xffff, v1  }
0x2c0: {  	v3 =	vld [tilespmem:s28+$0x1C50];
	_ =	sdelay $0x7  }
0x2c1: {  	[tilespmem:v3+s14+$0x0] =	vst.idx.add.f32.msk $0xffff, v1  }
0x2c2: {  	v3 =	vld [tilespmem:s28+$0x1C60];
	_ =	sdelay $0x7  }
0x2c3: {  	[tilespmem:v3+s14+$0x0] =	vst.idx.add.f32.msk $0xffff, v1  }
0x2c4: {  	v3 =	vld [tilespmem:s28+$0x1C70];
	_ =	sdelay $0x4  }
.Ltmp7:
0x2c5: {  	s31 =	sadd.s32 $0x10, s23;
	(pc) =	sbr.rel @p0 .LBB2_10-.Ltmp7, $4  }
0x2c6: {  	s28 =	sand.u32 $0x50, s31  }
0x2c7: {  	s28 =	sadd.s32 s3, s28  }
0x2c8: {  	s28 =	sadd.s32 s26, s28;
	[tilespmem:v3+s14+$0x0] =	vst.idx.add.f32.msk $0xffff, v1  }
0x2c9: {  	[hbm4b:s28+s12] =	stream.strided.scatter [tilespmem:s14], [sflag:$0x2], $0x2000, s13, s12, $0x38;
	[tilespmem:$0x18000] =	vst v63  }
0x2ca: {  	_ =	swait.ge [sflag:s19], $0x2000;
	s28 =	sadd.s32 $0xFFFFF800, s22;
	s29 =	sadd.s32 $0xFFFFFF00, s24  }
0x2cb: {  	[sflag:s19] =	ssyncset.done $0x0;
	s28 =	sand.u32 $0xFFFFE000, s28;
	s29 =	sand.u32 $0x300, s29  }
0x2cc: {  	[sflag:s19] =	ssyncadd.s32 $0xFFFFE000;
	s28 =	sor.u32 s29, s28  }
0x2cd: {  	v3 =	vld [tilespmem:s28+$0x0];
	_ =	sdelay $0x7  }
0x2ce: {  	[tilespmem:v3+s15+$0x0] =	vst.idx.add.f32.msk $0xffff, v2  }
0x2cf: {  	v3 =	vld [tilespmem:s28+$0x10];
	_ =	sdelay $0x7  }
0x2d0: {  	[tilespmem:v3+s15+$0x0] =	vst.idx.add.f32.msk $0xffff, v2  }
0x2d1: {  	v3 =	vld [tilespmem:s28+$0x20];
	_ =	sdelay $0x7  }
0x2d2: {  	[tilespmem:v3+s15+$0x0] =	vst.idx.add.f32.msk $0xffff, v2  }
0x2d3: {  	v3 =	vld [tilespmem:s28+$0x30];
	_ =	sdelay $0x7  }
0x2d4: {  	[tilespmem:v3+s15+$0x0] =	vst.idx.add.f32.msk $0xffff, v2  }
0x2d5: {  	v3 =	vld [tilespmem:s28+$0x40];
	_ =	sdelay $0x7  }
0x2d6: {  	[tilespmem:v3+s15+$0x0] =	vst.idx.add.f32.msk $0xffff, v2  }
0x2d7: {  	v3 =	vld [tilespmem:s28+$0x50];
	_ =	sdelay $0x7  }
0x2d8: {  	[tilespmem:v3+s15+$0x0] =	vst.idx.add.f32.msk $0xffff, v2  }
0x2d9: {  	v3 =	vld [tilespmem:s28+$0x60];
	_ =	sdelay $0x7  }
0x2da: {  	[tilespmem:v3+s15+$0x0] =	vst.idx.add.f32.msk $0xffff, v2  }
0x2db: {  	v3 =	vld [tilespmem:s28+$0x70];
	_ =	sdelay $0x7  }
0x2dc: {  	[tilespmem:v3+s15+$0x0] =	vst.idx.add.f32.msk $0xffff, v2  }
0x2dd: {  	v3 =	vld [tilespmem:s28+$0x400];
	_ =	sdelay $0x7  }
0x2de: {  	[tilespmem:v3+s15+$0x0] =	vst.idx.add.f32.msk $0xffff, v2  }
0x2df: {  	v3 =	vld [tilespmem:s28+$0x410];
	_ =	sdelay $0x7  }
0x2e0: {  	[tilespmem:v3+s15+$0x0] =	vst.idx.add.f32.msk $0xffff, v2  }
0x2e1: {  	v3 =	vld [tilespmem:s28+$0x420];
	_ =	sdelay $0x7  }
0x2e2: {  	[tilespmem:v3+s15+$0x0] =	vst.idx.add.f32.msk $0xffff, v2  }
0x2e3: {  	v3 =	vld [tilespmem:s28+$0x430];
	_ =	sdelay $0x7  }
0x2e4: {  	[tilespmem:v3+s15+$0x0] =	vst.idx.add.f32.msk $0xffff, v2  }
0x2e5: {  	v3 =	vld [tilespmem:s28+$0x440];
	_ =	sdelay $0x7  }
0x2e6: {  	[tilespmem:v3+s15+$0x0] =	vst.idx.add.f32.msk $0xffff, v2  }
0x2e7: {  	v3 =	vld [tilespmem:s28+$0x450];
	_ =	sdelay $0x7  }
0x2e8: {  	[tilespmem:v3+s15+$0x0] =	vst.idx.add.f32.msk $0xffff, v2  }
0x2e9: {  	v3 =	vld [tilespmem:s28+$0x460];
	_ =	sdelay $0x7  }
0x2ea: {  	[tilespmem:v3+s15+$0x0] =	vst.idx.add.f32.msk $0xffff, v2  }
0x2eb: {  	v3 =	vld [tilespmem:s28+$0x470];
	_ =	sdelay $0x7  }
0x2ec: {  	[tilespmem:v3+s15+$0x0] =	vst.idx.add.f32.msk $0xffff, v2  }
0x2ed: {  	v3 =	vld [tilespmem:s28+$0x800];
	_ =	sdelay $0x7  }
0x2ee: {  	[tilespmem:v3+s15+$0x0] =	vst.idx.add.f32.msk $0xffff, v2  }
0x2ef: {  	v3 =	vld [tilespmem:s28+$0x810];
	_ =	sdelay $0x7  }
0x2f0: {  	[tilespmem:v3+s15+$0x0] =	vst.idx.add.f32.msk $0xffff, v2  }
0x2f1: {  	v3 =	vld [tilespmem:s28+$0x820];
	_ =	sdelay $0x7  }
0x2f2: {  	[tilespmem:v3+s15+$0x0] =	vst.idx.add.f32.msk $0xffff, v2  }
0x2f3: {  	v3 =	vld [tilespmem:s28+$0x830];
	_ =	sdelay $0x7  }
0x2f4: {  	[tilespmem:v3+s15+$0x0] =	vst.idx.add.f32.msk $0xffff, v2  }
0x2f5: {  	v3 =	vld [tilespmem:s28+$0x840];
	_ =	sdelay $0x7  }
0x2f6: {  	[tilespmem:v3+s15+$0x0] =	vst.idx.add.f32.msk $0xffff, v2  }
0x2f7: {  	v3 =	vld [tilespmem:s28+$0x850];
	_ =	sdelay $0x7  }
0x2f8: {  	[tilespmem:v3+s15+$0x0] =	vst.idx.add.f32.msk $0xffff, v2  }
0x2f9: {  	v3 =	vld [tilespmem:s28+$0x860];
	_ =	sdelay $0x7  }
0x2fa: {  	[tilespmem:v3+s15+$0x0] =	vst.idx.add.f32.msk $0xffff, v2  }
0x2fb: {  	v3 =	vld [tilespmem:s28+$0x870];
	_ =	sdelay $0x7  }
0x2fc: {  	[tilespmem:v3+s15+$0x0] =	vst.idx.add.f32.msk $0xffff, v2  }
0x2fd: {  	v3 =	vld [tilespmem:s28+$0xC00];
	_ =	sdelay $0x7  }
0x2fe: {  	[tilespmem:v3+s15+$0x0] =	vst.idx.add.f32.msk $0xffff, v2  }
0x2ff: {  	v3 =	vld [tilespmem:s28+$0xC10];
	_ =	sdelay $0x7  }
0x300: {  	[tilespmem:v3+s15+$0x0] =	vst.idx.add.f32.msk $0xffff, v2  }
0x301: {  	v3 =	vld [tilespmem:s28+$0xC20];
	_ =	sdelay $0x7  }
0x302: {  	[tilespmem:v3+s15+$0x0] =	vst.idx.add.f32.msk $0xffff, v2  }
0x303: {  	v3 =	vld [tilespmem:s28+$0xC30];
	_ =	sdelay $0x7  }
0x304: {  	[tilespmem:v3+s15+$0x0] =	vst.idx.add.f32.msk $0xffff, v2  }
0x305: {  	v3 =	vld [tilespmem:s28+$0xC40];
	_ =	sdelay $0x7  }
0x306: {  	[tilespmem:v3+s15+$0x0] =	vst.idx.add.f32.msk $0xffff, v2  }
0x307: {  	v3 =	vld [tilespmem:s28+$0xC50];
	_ =	sdelay $0x7  }
0x308: {  	[tilespmem:v3+s15+$0x0] =	vst.idx.add.f32.msk $0xffff, v2  }
0x309: {  	v3 =	vld [tilespmem:s28+$0xC60];
	_ =	sdelay $0x7  }
0x30a: {  	[tilespmem:v3+s15+$0x0] =	vst.idx.add.f32.msk $0xffff, v2  }
0x30b: {  	v3 =	vld [tilespmem:s28+$0xC70];
	_ =	sdelay $0x7  }
0x30c: {  	[tilespmem:v3+s15+$0x0] =	vst.idx.add.f32.msk $0xffff, v2  }
0x30d: {  	v3 =	vld [tilespmem:s28+$0x1000];
	_ =	sdelay $0x7  }
0x30e: {  	[tilespmem:v3+s15+$0x0] =	vst.idx.add.f32.msk $0xffff, v2  }
0x30f: {  	v3 =	vld [tilespmem:s28+$0x1010];
	_ =	sdelay $0x7  }
0x310: {  	[tilespmem:v3+s15+$0x0] =	vst.idx.add.f32.msk $0xffff, v2  }
0x311: {  	v3 =	vld [tilespmem:s28+$0x1020];
	_ =	sdelay $0x7  }
0x312: {  	[tilespmem:v3+s15+$0x0] =	vst.idx.add.f32.msk $0xffff, v2  }
0x313: {  	v3 =	vld [tilespmem:s28+$0x1030];
	_ =	sdelay $0x7  }
0x314: {  	[tilespmem:v3+s15+$0x0] =	vst.idx.add.f32.msk $0xffff, v2  }
0x315: {  	v3 =	vld [tilespmem:s28+$0x1040];
	_ =	sdelay $0x7  }
0x316: {  	[tilespmem:v3+s15+$0x0] =	vst.idx.add.f32.msk $0xffff, v2  }
0x317: {  	v3 =	vld [tilespmem:s28+$0x1050];
	_ =	sdelay $0x7  }
0x318: {  	[tilespmem:v3+s15+$0x0] =	vst.idx.add.f32.msk $0xffff, v2  }
0x319: {  	v3 =	vld [tilespmem:s28+$0x1060];
	_ =	sdelay $0x7  }
0x31a: {  	[tilespmem:v3+s15+$0x0] =	vst.idx.add.f32.msk $0xffff, v2  }
0x31b: {  	v3 =	vld [tilespmem:s28+$0x1070];
	_ =	sdelay $0x7  }
0x31c: {  	[tilespmem:v3+s15+$0x0] =	vst.idx.add.f32.msk $0xffff, v2  }
0x31d: {  	v3 =	vld [tilespmem:s28+$0x1400];
	_ =	sdelay $0x7  }
0x31e: {  	[tilespmem:v3+s15+$0x0] =	vst.idx.add.f32.msk $0xffff, v2  }
0x31f: {  	v3 =	vld [tilespmem:s28+$0x1410];
	_ =	sdelay $0x7  }
0x320: {  	[tilespmem:v3+s15+$0x0] =	vst.idx.add.f32.msk $0xffff, v2  }
0x321: {  	v3 =	vld [tilespmem:s28+$0x1420];
	_ =	sdelay $0x7  }
0x322: {  	[tilespmem:v3+s15+$0x0] =	vst.idx.add.f32.msk $0xffff, v2  }
0x323: {  	v3 =	vld [tilespmem:s28+$0x1430];
	_ =	sdelay $0x7  }
0x324: {  	[tilespmem:v3+s15+$0x0] =	vst.idx.add.f32.msk $0xffff, v2  }
0x325: {  	v3 =	vld [tilespmem:s28+$0x1440];
	_ =	sdelay $0x7  }
0x326: {  	[tilespmem:v3+s15+$0x0] =	vst.idx.add.f32.msk $0xffff, v2  }
0x327: {  	v3 =	vld [tilespmem:s28+$0x1450];
	_ =	sdelay $0x7  }
0x328: {  	[tilespmem:v3+s15+$0x0] =	vst.idx.add.f32.msk $0xffff, v2  }
0x329: {  	v3 =	vld [tilespmem:s28+$0x1460];
	_ =	sdelay $0x7  }
0x32a: {  	[tilespmem:v3+s15+$0x0] =	vst.idx.add.f32.msk $0xffff, v2  }
0x32b: {  	v3 =	vld [tilespmem:s28+$0x1470];
	_ =	sdelay $0x7  }
0x32c: {  	[tilespmem:v3+s15+$0x0] =	vst.idx.add.f32.msk $0xffff, v2  }
0x32d: {  	v3 =	vld [tilespmem:s28+$0x1800];
	_ =	sdelay $0x7  }
0x32e: {  	[tilespmem:v3+s15+$0x0] =	vst.idx.add.f32.msk $0xffff, v2  }
0x32f: {  	v3 =	vld [tilespmem:s28+$0x1810];
	_ =	sdelay $0x7  }
0x330: {  	[tilespmem:v3+s15+$0x0] =	vst.idx.add.f32.msk $0xffff, v2  }
0x331: {  	v3 =	vld [tilespmem:s28+$0x1820];
	_ =	sdelay $0x7  }
0x332: {  	[tilespmem:v3+s15+$0x0] =	vst.idx.add.f32.msk $0xffff, v2  }
0x333: {  	v3 =	vld [tilespmem:s28+$0x1830];
	_ =	sdelay $0x7  }
0x334: {  	[tilespmem:v3+s15+$0x0] =	vst.idx.add.f32.msk $0xffff, v2  }
0x335: {  	v3 =	vld [tilespmem:s28+$0x1840];
	_ =	sdelay $0x7  }
0x336: {  	[tilespmem:v3+s15+$0x0] =	vst.idx.add.f32.msk $0xffff, v2  }
0x337: {  	v3 =	vld [tilespmem:s28+$0x1850];
	_ =	sdelay $0x7  }
0x338: {  	[tilespmem:v3+s15+$0x0] =	vst.idx.add.f32.msk $0xffff, v2  }
0x339: {  	v3 =	vld [tilespmem:s28+$0x1860];
	_ =	sdelay $0x7  }
0x33a: {  	[tilespmem:v3+s15+$0x0] =	vst.idx.add.f32.msk $0xffff, v2  }
0x33b: {  	v3 =	vld [tilespmem:s28+$0x1870];
	_ =	sdelay $0x7  }
0x33c: {  	[tilespmem:v3+s15+$0x0] =	vst.idx.add.f32.msk $0xffff, v2  }
0x33d: {  	v3 =	vld [tilespmem:s28+$0x1C00];
	_ =	sdelay $0x7  }
0x33e: {  	[tilespmem:v3+s15+$0x0] =	vst.idx.add.f32.msk $0xffff, v2  }
0x33f: {  	v3 =	vld [tilespmem:s28+$0x1C10];
	_ =	sdelay $0x7  }
0x340: {  	[tilespmem:v3+s15+$0x0] =	vst.idx.add.f32.msk $0xffff, v2  }
0x341: {  	v3 =	vld [tilespmem:s28+$0x1C20];
	_ =	sdelay $0x7  }
0x342: {  	[tilespmem:v3+s15+$0x0] =	vst.idx.add.f32.msk $0xffff, v2  }
0x343: {  	v3 =	vld [tilespmem:s28+$0x1C30];
	_ =	sdelay $0x7  }
0x344: {  	[tilespmem:v3+s15+$0x0] =	vst.idx.add.f32.msk $0xffff, v2  }
0x345: {  	v3 =	vld [tilespmem:s28+$0x1C40];
	_ =	sdelay $0x7  }
0x346: {  	[tilespmem:v3+s15+$0x0] =	vst.idx.add.f32.msk $0xffff, v2  }
0x347: {  	v3 =	vld [tilespmem:s28+$0x1C50];
	_ =	sdelay $0x7  }
0x348: {  	[tilespmem:v3+s15+$0x0] =	vst.idx.add.f32.msk $0xffff, v2  }
0x349: {  	v3 =	vld [tilespmem:s28+$0x1C60];
	_ =	sdelay $0x7  }
0x34a: {  	[tilespmem:v3+s15+$0x0] =	vst.idx.add.f32.msk $0xffff, v2  }
0x34b: {  	v3 =	vld [tilespmem:s28+$0x1C70];
	_ =	sdelay $0x7  }
0x34c: {  	[tilespmem:v3+s15+$0x0] =	vst.idx.add.f32.msk $0xffff, v2  }
.LBB2_10:
0x34d: {  	s28 =	sadd.s32 $0x100, s24  }
0x34e: {  	s28 =	sand.u32 $0x300, s28  }
0x34f: {  	s28 =	sadd.s32 s28, s25  }
0x350: {  	v3 =	vld [tilespmem:s28+$0x0];
	_ =	sdelay $0x7  }
0x351: {  	[tilespmem:v3+s15+$0x0] =	vst.idx.add.f32.msk $0xffff, v1  }
0x352: {  	v3 =	vld [tilespmem:s28+$0x10];
	_ =	sdelay $0x7  }
0x353: {  	[tilespmem:v3+s15+$0x0] =	vst.idx.add.f32.msk $0xffff, v1  }
0x354: {  	v3 =	vld [tilespmem:s28+$0x20];
	_ =	sdelay $0x7  }
0x355: {  	[tilespmem:v3+s15+$0x0] =	vst.idx.add.f32.msk $0xffff, v1  }
0x356: {  	v3 =	vld [tilespmem:s28+$0x30];
	_ =	sdelay $0x7  }
0x357: {  	[tilespmem:v3+s15+$0x0] =	vst.idx.add.f32.msk $0xffff, v1  }
0x358: {  	v3 =	vld [tilespmem:s28+$0x40];
	_ =	sdelay $0x7  }
0x359: {  	[tilespmem:v3+s15+$0x0] =	vst.idx.add.f32.msk $0xffff, v1  }
0x35a: {  	v3 =	vld [tilespmem:s28+$0x50];
	_ =	sdelay $0x7  }
0x35b: {  	[tilespmem:v3+s15+$0x0] =	vst.idx.add.f32.msk $0xffff, v1  }
0x35c: {  	v3 =	vld [tilespmem:s28+$0x60];
	_ =	sdelay $0x7  }
0x35d: {  	[tilespmem:v3+s15+$0x0] =	vst.idx.add.f32.msk $0xffff, v1  }
0x35e: {  	v3 =	vld [tilespmem:s28+$0x70];
	_ =	sdelay $0x7  }
0x35f: {  	[tilespmem:v3+s15+$0x0] =	vst.idx.add.f32.msk $0xffff, v1  }
0x360: {  	v3 =	vld [tilespmem:s28+$0x400];
	_ =	sdelay $0x7  }
0x361: {  	[tilespmem:v3+s15+$0x0] =	vst.idx.add.f32.msk $0xffff, v1  }
0x362: {  	v3 =	vld [tilespmem:s28+$0x410];
	_ =	sdelay $0x7  }
0x363: {  	[tilespmem:v3+s15+$0x0] =	vst.idx.add.f32.msk $0xffff, v1  }
0x364: {  	v3 =	vld [tilespmem:s28+$0x420];
	_ =	sdelay $0x7  }
0x365: {  	[tilespmem:v3+s15+$0x0] =	vst.idx.add.f32.msk $0xffff, v1  }
0x366: {  	v3 =	vld [tilespmem:s28+$0x430];
	_ =	sdelay $0x7  }
0x367: {  	[tilespmem:v3+s15+$0x0] =	vst.idx.add.f32.msk $0xffff, v1  }
0x368: {  	v3 =	vld [tilespmem:s28+$0x440];
	_ =	sdelay $0x7  }
0x369: {  	[tilespmem:v3+s15+$0x0] =	vst.idx.add.f32.msk $0xffff, v1  }
0x36a: {  	v3 =	vld [tilespmem:s28+$0x450];
	_ =	sdelay $0x7  }
0x36b: {  	[tilespmem:v3+s15+$0x0] =	vst.idx.add.f32.msk $0xffff, v1  }
0x36c: {  	v3 =	vld [tilespmem:s28+$0x460];
	_ =	sdelay $0x7  }
0x36d: {  	[tilespmem:v3+s15+$0x0] =	vst.idx.add.f32.msk $0xffff, v1  }
0x36e: {  	v3 =	vld [tilespmem:s28+$0x470];
	_ =	sdelay $0x7  }
0x36f: {  	[tilespmem:v3+s15+$0x0] =	vst.idx.add.f32.msk $0xffff, v1  }
0x370: {  	v3 =	vld [tilespmem:s28+$0x800];
	_ =	sdelay $0x7  }
0x371: {  	[tilespmem:v3+s15+$0x0] =	vst.idx.add.f32.msk $0xffff, v1  }
0x372: {  	v3 =	vld [tilespmem:s28+$0x810];
	_ =	sdelay $0x7  }
0x373: {  	[tilespmem:v3+s15+$0x0] =	vst.idx.add.f32.msk $0xffff, v1  }
0x374: {  	v3 =	vld [tilespmem:s28+$0x820];
	_ =	sdelay $0x7  }
0x375: {  	[tilespmem:v3+s15+$0x0] =	vst.idx.add.f32.msk $0xffff, v1  }
0x376: {  	v3 =	vld [tilespmem:s28+$0x830];
	_ =	sdelay $0x7  }
0x377: {  	[tilespmem:v3+s15+$0x0] =	vst.idx.add.f32.msk $0xffff, v1  }
0x378: {  	v3 =	vld [tilespmem:s28+$0x840];
	_ =	sdelay $0x7  }
0x379: {  	[tilespmem:v3+s15+$0x0] =	vst.idx.add.f32.msk $0xffff, v1  }
0x37a: {  	v3 =	vld [tilespmem:s28+$0x850];
	_ =	sdelay $0x7  }
0x37b: {  	[tilespmem:v3+s15+$0x0] =	vst.idx.add.f32.msk $0xffff, v1  }
0x37c: {  	v3 =	vld [tilespmem:s28+$0x860];
	_ =	sdelay $0x7  }
0x37d: {  	[tilespmem:v3+s15+$0x0] =	vst.idx.add.f32.msk $0xffff, v1  }
0x37e: {  	v3 =	vld [tilespmem:s28+$0x870];
	_ =	sdelay $0x7  }
0x37f: {  	[tilespmem:v3+s15+$0x0] =	vst.idx.add.f32.msk $0xffff, v1  }
0x380: {  	v3 =	vld [tilespmem:s28+$0xC00];
	_ =	sdelay $0x7  }
0x381: {  	[tilespmem:v3+s15+$0x0] =	vst.idx.add.f32.msk $0xffff, v1  }
0x382: {  	v3 =	vld [tilespmem:s28+$0xC10];
	_ =	sdelay $0x7  }
0x383: {  	[tilespmem:v3+s15+$0x0] =	vst.idx.add.f32.msk $0xffff, v1  }
0x384: {  	v3 =	vld [tilespmem:s28+$0xC20];
	_ =	sdelay $0x7  }
0x385: {  	[tilespmem:v3+s15+$0x0] =	vst.idx.add.f32.msk $0xffff, v1  }
0x386: {  	v3 =	vld [tilespmem:s28+$0xC30];
	_ =	sdelay $0x7  }
0x387: {  	[tilespmem:v3+s15+$0x0] =	vst.idx.add.f32.msk $0xffff, v1  }
0x388: {  	v3 =	vld [tilespmem:s28+$0xC40];
	_ =	sdelay $0x7  }
0x389: {  	[tilespmem:v3+s15+$0x0] =	vst.idx.add.f32.msk $0xffff, v1  }
0x38a: {  	v3 =	vld [tilespmem:s28+$0xC50];
	_ =	sdelay $0x7  }
0x38b: {  	[tilespmem:v3+s15+$0x0] =	vst.idx.add.f32.msk $0xffff, v1  }
0x38c: {  	v3 =	vld [tilespmem:s28+$0xC60];
	_ =	sdelay $0x7  }
0x38d: {  	[tilespmem:v3+s15+$0x0] =	vst.idx.add.f32.msk $0xffff, v1  }
0x38e: {  	v3 =	vld [tilespmem:s28+$0xC70];
	_ =	sdelay $0x7  }
0x38f: {  	[tilespmem:v3+s15+$0x0] =	vst.idx.add.f32.msk $0xffff, v1  }
0x390: {  	v3 =	vld [tilespmem:s28+$0x1000];
	_ =	sdelay $0x7  }
0x391: {  	[tilespmem:v3+s15+$0x0] =	vst.idx.add.f32.msk $0xffff, v1  }
0x392: {  	v3 =	vld [tilespmem:s28+$0x1010];
	_ =	sdelay $0x7  }
0x393: {  	[tilespmem:v3+s15+$0x0] =	vst.idx.add.f32.msk $0xffff, v1  }
0x394: {  	v3 =	vld [tilespmem:s28+$0x1020];
	_ =	sdelay $0x7  }
0x395: {  	[tilespmem:v3+s15+$0x0] =	vst.idx.add.f32.msk $0xffff, v1  }
0x396: {  	v3 =	vld [tilespmem:s28+$0x1030];
	_ =	sdelay $0x7  }
0x397: {  	[tilespmem:v3+s15+$0x0] =	vst.idx.add.f32.msk $0xffff, v1  }
0x398: {  	v3 =	vld [tilespmem:s28+$0x1040];
	_ =	sdelay $0x7  }
0x399: {  	[tilespmem:v3+s15+$0x0] =	vst.idx.add.f32.msk $0xffff, v1  }
0x39a: {  	v3 =	vld [tilespmem:s28+$0x1050];
	_ =	sdelay $0x7  }
0x39b: {  	[tilespmem:v3+s15+$0x0] =	vst.idx.add.f32.msk $0xffff, v1  }
0x39c: {  	v3 =	vld [tilespmem:s28+$0x1060];
	_ =	sdelay $0x7  }
0x39d: {  	[tilespmem:v3+s15+$0x0] =	vst.idx.add.f32.msk $0xffff, v1  }
0x39e: {  	v3 =	vld [tilespmem:s28+$0x1070];
	_ =	sdelay $0x7  }
0x39f: {  	[tilespmem:v3+s15+$0x0] =	vst.idx.add.f32.msk $0xffff, v1  }
0x3a0: {  	v3 =	vld [tilespmem:s28+$0x1400];
	_ =	sdelay $0x7  }
0x3a1: {  	[tilespmem:v3+s15+$0x0] =	vst.idx.add.f32.msk $0xffff, v1  }
0x3a2: {  	v3 =	vld [tilespmem:s28+$0x1410];
	_ =	sdelay $0x7  }
0x3a3: {  	[tilespmem:v3+s15+$0x0] =	vst.idx.add.f32.msk $0xffff, v1  }
0x3a4: {  	v3 =	vld [tilespmem:s28+$0x1420];
	_ =	sdelay $0x7  }
0x3a5: {  	[tilespmem:v3+s15+$0x0] =	vst.idx.add.f32.msk $0xffff, v1  }
0x3a6: {  	v3 =	vld [tilespmem:s28+$0x1430];
	_ =	sdelay $0x7  }
0x3a7: {  	[tilespmem:v3+s15+$0x0] =	vst.idx.add.f32.msk $0xffff, v1  }
0x3a8: {  	v3 =	vld [tilespmem:s28+$0x1440];
	_ =	sdelay $0x7  }
0x3a9: {  	[tilespmem:v3+s15+$0x0] =	vst.idx.add.f32.msk $0xffff, v1  }
0x3aa: {  	v3 =	vld [tilespmem:s28+$0x1450];
	_ =	sdelay $0x7  }
0x3ab: {  	[tilespmem:v3+s15+$0x0] =	vst.idx.add.f32.msk $0xffff, v1  }
0x3ac: {  	v3 =	vld [tilespmem:s28+$0x1460];
	_ =	sdelay $0x7  }
0x3ad: {  	[tilespmem:v3+s15+$0x0] =	vst.idx.add.f32.msk $0xffff, v1  }
0x3ae: {  	v3 =	vld [tilespmem:s28+$0x1470];
	_ =	sdelay $0x7  }
0x3af: {  	[tilespmem:v3+s15+$0x0] =	vst.idx.add.f32.msk $0xffff, v1  }
0x3b0: {  	v3 =	vld [tilespmem:s28+$0x1800];
	_ =	sdelay $0x7  }
0x3b1: {  	[tilespmem:v3+s15+$0x0] =	vst.idx.add.f32.msk $0xffff, v1  }
0x3b2: {  	v3 =	vld [tilespmem:s28+$0x1810];
	_ =	sdelay $0x7  }
0x3b3: {  	[tilespmem:v3+s15+$0x0] =	vst.idx.add.f32.msk $0xffff, v1  }
0x3b4: {  	v3 =	vld [tilespmem:s28+$0x1820];
	_ =	sdelay $0x7  }
0x3b5: {  	[tilespmem:v3+s15+$0x0] =	vst.idx.add.f32.msk $0xffff, v1  }
0x3b6: {  	v3 =	vld [tilespmem:s28+$0x1830];
	_ =	sdelay $0x7  }
0x3b7: {  	[tilespmem:v3+s15+$0x0] =	vst.idx.add.f32.msk $0xffff, v1  }
0x3b8: {  	v3 =	vld [tilespmem:s28+$0x1840];
	_ =	sdelay $0x7  }
0x3b9: {  	[tilespmem:v3+s15+$0x0] =	vst.idx.add.f32.msk $0xffff, v1  }
0x3ba: {  	v3 =	vld [tilespmem:s28+$0x1850];
	_ =	sdelay $0x7  }
0x3bb: {  	[tilespmem:v3+s15+$0x0] =	vst.idx.add.f32.msk $0xffff, v1  }
0x3bc: {  	v3 =	vld [tilespmem:s28+$0x1860];
	_ =	sdelay $0x7  }
0x3bd: {  	[tilespmem:v3+s15+$0x0] =	vst.idx.add.f32.msk $0xffff, v1  }
0x3be: {  	v3 =	vld [tilespmem:s28+$0x1870];
	_ =	sdelay $0x7  }
0x3bf: {  	[tilespmem:v3+s15+$0x0] =	vst.idx.add.f32.msk $0xffff, v1  }
0x3c0: {  	v3 =	vld [tilespmem:s28+$0x1C00];
	_ =	sdelay $0x7  }
0x3c1: {  	[tilespmem:v3+s15+$0x0] =	vst.idx.add.f32.msk $0xffff, v1  }
0x3c2: {  	v3 =	vld [tilespmem:s28+$0x1C10];
	_ =	sdelay $0x7  }
0x3c3: {  	[tilespmem:v3+s15+$0x0] =	vst.idx.add.f32.msk $0xffff, v1  }
0x3c4: {  	v3 =	vld [tilespmem:s28+$0x1C20];
	_ =	sdelay $0x7  }
0x3c5: {  	[tilespmem:v3+s15+$0x0] =	vst.idx.add.f32.msk $0xffff, v1  }
0x3c6: {  	v3 =	vld [tilespmem:s28+$0x1C30];
	_ =	sdelay $0x7  }
0x3c7: {  	[tilespmem:v3+s15+$0x0] =	vst.idx.add.f32.msk $0xffff, v1  }
0x3c8: {  	v3 =	vld [tilespmem:s28+$0x1C40];
	_ =	sdelay $0x7  }
0x3c9: {  	[tilespmem:v3+s15+$0x0] =	vst.idx.add.f32.msk $0xffff, v1  }
0x3ca: {  	v3 =	vld [tilespmem:s28+$0x1C50];
	_ =	sdelay $0x7  }
0x3cb: {  	[tilespmem:v3+s15+$0x0] =	vst.idx.add.f32.msk $0xffff, v1  }
0x3cc: {  	v3 =	vld [tilespmem:s28+$0x1C60];
	_ =	sdelay $0x7  }
0x3cd: {  	[tilespmem:v3+s15+$0x0] =	vst.idx.add.f32.msk $0xffff, v1  }
0x3ce: {  	v3 =	vld [tilespmem:s28+$0x1C70];
	_ =	sdelay $0x4  }
.Ltmp8:
0x3cf: {  	s31 =	sadd.s32 $0x20, s23;
	(pc) =	sbr.rel @p0 .LBB2_12-.Ltmp8, $4  }
0x3d0: {  	s28 =	sand.u32 $0x60, s31  }
0x3d1: {  	s28 =	sadd.s32 s3, s28  }
0x3d2: {  	s28 =	sadd.s32 s26, s28;
	[tilespmem:v3+s15+$0x0] =	vst.idx.add.f32.msk $0xffff, v1  }
0x3d3: {  	[hbm4b:s28+s12] =	stream.strided.scatter [tilespmem:s15], [sflag:$0x3], $0x2000, s13, s12, $0x38;
	[tilespmem:$0x18000] =	vst v63  }
0x3d4: {  	_ =	swait.ge [sflag:s20], $0x2000;
	s28 =	sadd.s32 $0xFFFFFC00, s22;
	s29 =	sadd.s32 $0xFFFFFF80, s24  }
0x3d5: {  	[sflag:s20] =	ssyncset.done $0x0;
	s28 =	sand.u32 $0xFFFFE000, s28;
	s29 =	sand.u32 $0x380, s29  }
0x3d6: {  	[sflag:s20] =	ssyncadd.s32 $0xFFFFE000;
	s28 =	sor.u32 s29, s28  }
0x3d7: {  	v3 =	vld [tilespmem:s28+$0x0];
	_ =	sdelay $0x7  }
0x3d8: {  	[tilespmem:v3+s16+$0x0] =	vst.idx.add.f32.msk $0xffff, v2  }
0x3d9: {  	v3 =	vld [tilespmem:s28+$0x10];
	_ =	sdelay $0x7  }
0x3da: {  	[tilespmem:v3+s16+$0x0] =	vst.idx.add.f32.msk $0xffff, v2  }
0x3db: {  	v3 =	vld [tilespmem:s28+$0x20];
	_ =	sdelay $0x7  }
0x3dc: {  	[tilespmem:v3+s16+$0x0] =	vst.idx.add.f32.msk $0xffff, v2  }
0x3dd: {  	v3 =	vld [tilespmem:s28+$0x30];
	_ =	sdelay $0x7  }
0x3de: {  	[tilespmem:v3+s16+$0x0] =	vst.idx.add.f32.msk $0xffff, v2  }
0x3df: {  	v3 =	vld [tilespmem:s28+$0x40];
	_ =	sdelay $0x7  }
0x3e0: {  	[tilespmem:v3+s16+$0x0] =	vst.idx.add.f32.msk $0xffff, v2  }
0x3e1: {  	v3 =	vld [tilespmem:s28+$0x50];
	_ =	sdelay $0x7  }
0x3e2: {  	[tilespmem:v3+s16+$0x0] =	vst.idx.add.f32.msk $0xffff, v2  }
0x3e3: {  	v3 =	vld [tilespmem:s28+$0x60];
	_ =	sdelay $0x7  }
0x3e4: {  	[tilespmem:v3+s16+$0x0] =	vst.idx.add.f32.msk $0xffff, v2  }
0x3e5: {  	v3 =	vld [tilespmem:s28+$0x70];
	_ =	sdelay $0x7  }
0x3e6: {  	[tilespmem:v3+s16+$0x0] =	vst.idx.add.f32.msk $0xffff, v2  }
0x3e7: {  	v3 =	vld [tilespmem:s28+$0x400];
	_ =	sdelay $0x7  }
0x3e8: {  	[tilespmem:v3+s16+$0x0] =	vst.idx.add.f32.msk $0xffff, v2  }
0x3e9: {  	v3 =	vld [tilespmem:s28+$0x410];
	_ =	sdelay $0x7  }
0x3ea: {  	[tilespmem:v3+s16+$0x0] =	vst.idx.add.f32.msk $0xffff, v2  }
0x3eb: {  	v3 =	vld [tilespmem:s28+$0x420];
	_ =	sdelay $0x7  }
0x3ec: {  	[tilespmem:v3+s16+$0x0] =	vst.idx.add.f32.msk $0xffff, v2  }
0x3ed: {  	v3 =	vld [tilespmem:s28+$0x430];
	_ =	sdelay $0x7  }
0x3ee: {  	[tilespmem:v3+s16+$0x0] =	vst.idx.add.f32.msk $0xffff, v2  }
0x3ef: {  	v3 =	vld [tilespmem:s28+$0x440];
	_ =	sdelay $0x7  }
0x3f0: {  	[tilespmem:v3+s16+$0x0] =	vst.idx.add.f32.msk $0xffff, v2  }
0x3f1: {  	v3 =	vld [tilespmem:s28+$0x450];
	_ =	sdelay $0x7  }
0x3f2: {  	[tilespmem:v3+s16+$0x0] =	vst.idx.add.f32.msk $0xffff, v2  }
0x3f3: {  	v3 =	vld [tilespmem:s28+$0x460];
	_ =	sdelay $0x7  }
0x3f4: {  	[tilespmem:v3+s16+$0x0] =	vst.idx.add.f32.msk $0xffff, v2  }
0x3f5: {  	v3 =	vld [tilespmem:s28+$0x470];
	_ =	sdelay $0x7  }
0x3f6: {  	[tilespmem:v3+s16+$0x0] =	vst.idx.add.f32.msk $0xffff, v2  }
0x3f7: {  	v3 =	vld [tilespmem:s28+$0x800];
	_ =	sdelay $0x7  }
0x3f8: {  	[tilespmem:v3+s16+$0x0] =	vst.idx.add.f32.msk $0xffff, v2  }
0x3f9: {  	v3 =	vld [tilespmem:s28+$0x810];
	_ =	sdelay $0x7  }
0x3fa: {  	[tilespmem:v3+s16+$0x0] =	vst.idx.add.f32.msk $0xffff, v2  }
0x3fb: {  	v3 =	vld [tilespmem:s28+$0x820];
	_ =	sdelay $0x7  }
0x3fc: {  	[tilespmem:v3+s16+$0x0] =	vst.idx.add.f32.msk $0xffff, v2  }
0x3fd: {  	v3 =	vld [tilespmem:s28+$0x830];
	_ =	sdelay $0x7  }
0x3fe: {  	[tilespmem:v3+s16+$0x0] =	vst.idx.add.f32.msk $0xffff, v2  }
0x3ff: {  	v3 =	vld [tilespmem:s28+$0x840];
	_ =	sdelay $0x7  }
0x400: {  	[tilespmem:v3+s16+$0x0] =	vst.idx.add.f32.msk $0xffff, v2  }
0x401: {  	v3 =	vld [tilespmem:s28+$0x850];
	_ =	sdelay $0x7  }
0x402: {  	[tilespmem:v3+s16+$0x0] =	vst.idx.add.f32.msk $0xffff, v2  }
0x403: {  	v3 =	vld [tilespmem:s28+$0x860];
	_ =	sdelay $0x7  }
0x404: {  	[tilespmem:v3+s16+$0x0] =	vst.idx.add.f32.msk $0xffff, v2  }
0x405: {  	v3 =	vld [tilespmem:s28+$0x870];
	_ =	sdelay $0x7  }
0x406: {  	[tilespmem:v3+s16+$0x0] =	vst.idx.add.f32.msk $0xffff, v2  }
0x407: {  	v3 =	vld [tilespmem:s28+$0xC00];
	_ =	sdelay $0x7  }
0x408: {  	[tilespmem:v3+s16+$0x0] =	vst.idx.add.f32.msk $0xffff, v2  }
0x409: {  	v3 =	vld [tilespmem:s28+$0xC10];
	_ =	sdelay $0x7  }
0x40a: {  	[tilespmem:v3+s16+$0x0] =	vst.idx.add.f32.msk $0xffff, v2  }
0x40b: {  	v3 =	vld [tilespmem:s28+$0xC20];
	_ =	sdelay $0x7  }
0x40c: {  	[tilespmem:v3+s16+$0x0] =	vst.idx.add.f32.msk $0xffff, v2  }
0x40d: {  	v3 =	vld [tilespmem:s28+$0xC30];
	_ =	sdelay $0x7  }
0x40e: {  	[tilespmem:v3+s16+$0x0] =	vst.idx.add.f32.msk $0xffff, v2  }
0x40f: {  	v3 =	vld [tilespmem:s28+$0xC40];
	_ =	sdelay $0x7  }
0x410: {  	[tilespmem:v3+s16+$0x0] =	vst.idx.add.f32.msk $0xffff, v2  }
0x411: {  	v3 =	vld [tilespmem:s28+$0xC50];
	_ =	sdelay $0x7  }
0x412: {  	[tilespmem:v3+s16+$0x0] =	vst.idx.add.f32.msk $0xffff, v2  }
0x413: {  	v3 =	vld [tilespmem:s28+$0xC60];
	_ =	sdelay $0x7  }
0x414: {  	[tilespmem:v3+s16+$0x0] =	vst.idx.add.f32.msk $0xffff, v2  }
0x415: {  	v3 =	vld [tilespmem:s28+$0xC70];
	_ =	sdelay $0x7  }
0x416: {  	[tilespmem:v3+s16+$0x0] =	vst.idx.add.f32.msk $0xffff, v2  }
0x417: {  	v3 =	vld [tilespmem:s28+$0x1000];
	_ =	sdelay $0x7  }
0x418: {  	[tilespmem:v3+s16+$0x0] =	vst.idx.add.f32.msk $0xffff, v2  }
0x419: {  	v3 =	vld [tilespmem:s28+$0x1010];
	_ =	sdelay $0x7  }
0x41a: {  	[tilespmem:v3+s16+$0x0] =	vst.idx.add.f32.msk $0xffff, v2  }
0x41b: {  	v3 =	vld [tilespmem:s28+$0x1020];
	_ =	sdelay $0x7  }
0x41c: {  	[tilespmem:v3+s16+$0x0] =	vst.idx.add.f32.msk $0xffff, v2  }
0x41d: {  	v3 =	vld [tilespmem:s28+$0x1030];
	_ =	sdelay $0x7  }
0x41e: {  	[tilespmem:v3+s16+$0x0] =	vst.idx.add.f32.msk $0xffff, v2  }
0x41f: {  	v3 =	vld [tilespmem:s28+$0x1040];
	_ =	sdelay $0x7  }
0x420: {  	[tilespmem:v3+s16+$0x0] =	vst.idx.add.f32.msk $0xffff, v2  }
0x421: {  	v3 =	vld [tilespmem:s28+$0x1050];
	_ =	sdelay $0x7  }
0x422: {  	[tilespmem:v3+s16+$0x0] =	vst.idx.add.f32.msk $0xffff, v2  }
0x423: {  	v3 =	vld [tilespmem:s28+$0x1060];
	_ =	sdelay $0x7  }
0x424: {  	[tilespmem:v3+s16+$0x0] =	vst.idx.add.f32.msk $0xffff, v2  }
0x425: {  	v3 =	vld [tilespmem:s28+$0x1070];
	_ =	sdelay $0x7  }
0x426: {  	[tilespmem:v3+s16+$0x0] =	vst.idx.add.f32.msk $0xffff, v2  }
0x427: {  	v3 =	vld [tilespmem:s28+$0x1400];
	_ =	sdelay $0x7  }
0x428: {  	[tilespmem:v3+s16+$0x0] =	vst.idx.add.f32.msk $0xffff, v2  }
0x429: {  	v3 =	vld [tilespmem:s28+$0x1410];
	_ =	sdelay $0x7  }
0x42a: {  	[tilespmem:v3+s16+$0x0] =	vst.idx.add.f32.msk $0xffff, v2  }
0x42b: {  	v3 =	vld [tilespmem:s28+$0x1420];
	_ =	sdelay $0x7  }
0x42c: {  	[tilespmem:v3+s16+$0x0] =	vst.idx.add.f32.msk $0xffff, v2  }
0x42d: {  	v3 =	vld [tilespmem:s28+$0x1430];
	_ =	sdelay $0x7  }
0x42e: {  	[tilespmem:v3+s16+$0x0] =	vst.idx.add.f32.msk $0xffff, v2  }
0x42f: {  	v3 =	vld [tilespmem:s28+$0x1440];
	_ =	sdelay $0x7  }
0x430: {  	[tilespmem:v3+s16+$0x0] =	vst.idx.add.f32.msk $0xffff, v2  }
0x431: {  	v3 =	vld [tilespmem:s28+$0x1450];
	_ =	sdelay $0x7  }
0x432: {  	[tilespmem:v3+s16+$0x0] =	vst.idx.add.f32.msk $0xffff, v2  }
0x433: {  	v3 =	vld [tilespmem:s28+$0x1460];
	_ =	sdelay $0x7  }
0x434: {  	[tilespmem:v3+s16+$0x0] =	vst.idx.add.f32.msk $0xffff, v2  }
0x435: {  	v3 =	vld [tilespmem:s28+$0x1470];
	_ =	sdelay $0x7  }
0x436: {  	[tilespmem:v3+s16+$0x0] =	vst.idx.add.f32.msk $0xffff, v2  }
0x437: {  	v3 =	vld [tilespmem:s28+$0x1800];
	_ =	sdelay $0x7  }
0x438: {  	[tilespmem:v3+s16+$0x0] =	vst.idx.add.f32.msk $0xffff, v2  }
0x439: {  	v3 =	vld [tilespmem:s28+$0x1810];
	_ =	sdelay $0x7  }
0x43a: {  	[tilespmem:v3+s16+$0x0] =	vst.idx.add.f32.msk $0xffff, v2  }
0x43b: {  	v3 =	vld [tilespmem:s28+$0x1820];
	_ =	sdelay $0x7  }
0x43c: {  	[tilespmem:v3+s16+$0x0] =	vst.idx.add.f32.msk $0xffff, v2  }
0x43d: {  	v3 =	vld [tilespmem:s28+$0x1830];
	_ =	sdelay $0x7  }
0x43e: {  	[tilespmem:v3+s16+$0x0] =	vst.idx.add.f32.msk $0xffff, v2  }
0x43f: {  	v3 =	vld [tilespmem:s28+$0x1840];
	_ =	sdelay $0x7  }
0x440: {  	[tilespmem:v3+s16+$0x0] =	vst.idx.add.f32.msk $0xffff, v2  }
0x441: {  	v3 =	vld [tilespmem:s28+$0x1850];
	_ =	sdelay $0x7  }
0x442: {  	[tilespmem:v3+s16+$0x0] =	vst.idx.add.f32.msk $0xffff, v2  }
0x443: {  	v3 =	vld [tilespmem:s28+$0x1860];
	_ =	sdelay $0x7  }
0x444: {  	[tilespmem:v3+s16+$0x0] =	vst.idx.add.f32.msk $0xffff, v2  }
0x445: {  	v3 =	vld [tilespmem:s28+$0x1870];
	_ =	sdelay $0x7  }
0x446: {  	[tilespmem:v3+s16+$0x0] =	vst.idx.add.f32.msk $0xffff, v2  }
0x447: {  	v3 =	vld [tilespmem:s28+$0x1C00];
	_ =	sdelay $0x7  }
0x448: {  	[tilespmem:v3+s16+$0x0] =	vst.idx.add.f32.msk $0xffff, v2  }
0x449: {  	v3 =	vld [tilespmem:s28+$0x1C10];
	_ =	sdelay $0x7  }
0x44a: {  	[tilespmem:v3+s16+$0x0] =	vst.idx.add.f32.msk $0xffff, v2  }
0x44b: {  	v3 =	vld [tilespmem:s28+$0x1C20];
	_ =	sdelay $0x7  }
0x44c: {  	[tilespmem:v3+s16+$0x0] =	vst.idx.add.f32.msk $0xffff, v2  }
0x44d: {  	v3 =	vld [tilespmem:s28+$0x1C30];
	_ =	sdelay $0x7  }
0x44e: {  	[tilespmem:v3+s16+$0x0] =	vst.idx.add.f32.msk $0xffff, v2  }
0x44f: {  	v3 =	vld [tilespmem:s28+$0x1C40];
	_ =	sdelay $0x7  }
0x450: {  	[tilespmem:v3+s16+$0x0] =	vst.idx.add.f32.msk $0xffff, v2  }
0x451: {  	v3 =	vld [tilespmem:s28+$0x1C50];
	_ =	sdelay $0x7  }
0x452: {  	[tilespmem:v3+s16+$0x0] =	vst.idx.add.f32.msk $0xffff, v2  }
0x453: {  	v3 =	vld [tilespmem:s28+$0x1C60];
	_ =	sdelay $0x7  }
0x454: {  	[tilespmem:v3+s16+$0x0] =	vst.idx.add.f32.msk $0xffff, v2  }
0x455: {  	v3 =	vld [tilespmem:s28+$0x1C70];
	_ =	sdelay $0x3  }
.Ltmp9:
0x456: {  	_ = 	snop;
	(pc) =	sbr.rel .LBB2_12-.Ltmp9, $2  }
0x457: {  	_ =	sdelay $0x2  }
0x458: {  	[tilespmem:v3+s16+$0x0] =	vst.idx.add.f32.msk $0xffff, v2  }
.LBB2_13:
0x459: {  	_ =	swait.ge [sflag:s17], $0x2000  }
0x45a: {  	[sflag:s17] =	ssyncset.done $0x0  }
0x45b: {  	s22 =	simm.s32 $0x0;
	[sflag:s17] =	ssyncadd.s32 $0xFFFFE000  }
.LBB2_14:
0x45c: {  	s23 =	sshra.s32 s22, $0x2  }
0x45d: {  	v3 =	vld [tilespmem:s23+$0x6200];
	_ =	sdelay $0x7  }
0x45e: {  	[tilespmem:v3+s11+$0x0] =	vst.idx.add.f32.msk $0xffff, v2  }
0x45f: {  	v3 =	vld [tilespmem:s23+$0x6210];
	_ =	sdelay $0x7  }
0x460: {  	[tilespmem:v3+s11+$0x0] =	vst.idx.add.f32.msk $0xffff, v2  }
0x461: {  	v3 =	vld [tilespmem:s23+$0x6220];
	_ =	sdelay $0x7  }
0x462: {  	[tilespmem:v3+s11+$0x0] =	vst.idx.add.f32.msk $0xffff, v2  }
0x463: {  	v3 =	vld [tilespmem:s23+$0x6230];
	_ =	sdelay $0x7  }
0x464: {  	[tilespmem:v3+s11+$0x0] =	vst.idx.add.f32.msk $0xffff, v2  }
0x465: {  	v3 =	vld [tilespmem:s23+$0x6240];
	_ =	sdelay $0x7  }
0x466: {  	[tilespmem:v3+s11+$0x0] =	vst.idx.add.f32.msk $0xffff, v2  }
0x467: {  	v3 =	vld [tilespmem:s23+$0x6250];
	_ =	sdelay $0x7  }
0x468: {  	[tilespmem:v3+s11+$0x0] =	vst.idx.add.f32.msk $0xffff, v2  }
0x469: {  	v3 =	vld [tilespmem:s23+$0x6260];
	_ =	sdelay $0x7  }
0x46a: {  	[tilespmem:v3+s11+$0x0] =	vst.idx.add.f32.msk $0xffff, v2  }
0x46b: {  	v3 =	vld [tilespmem:s23+$0x6270];
	_ =	sdelay $0x2  }
0x46c: {  	p0 =	sne.s32 s22, $0x7000  }
.Ltmp10:
0x46d: {  	_ = 	snop;
	(pc) =	sbr.rel @p0 .LBB2_14-.Ltmp10, $2  }
0x46e: {  	_ =	sdelay $0x2  }
0x46f: {  	s22 =	sadd.s32 $0x1000, s22;
	[tilespmem:v3+s11+$0x0] =	vst.idx.add.f32.msk $0xffff, v2  }
0x470: {  	_ =	swait.ge [sflag:s18], $0x2000  }
0x471: {  	[sflag:s18] =	ssyncset.done $0x0  }
0x472: {  	s22 =	simm.s32 $0x0;
	[sflag:s18] =	ssyncadd.s32 $0xFFFFE000  }
.LBB2_16:
0x473: {  	s23 =	sshra.s32 s22, $0x2  }
0x474: {  	v3 =	vld [tilespmem:s23+$0x6280];
	_ =	sdelay $0x7  }
0x475: {  	[tilespmem:v3+s14+$0x0] =	vst.idx.add.f32.msk $0xffff, v2  }
0x476: {  	v3 =	vld [tilespmem:s23+$0x6290];
	_ =	sdelay $0x7  }
0x477: {  	[tilespmem:v3+s14+$0x0] =	vst.idx.add.f32.msk $0xffff, v2  }
0x478: {  	v3 =	vld [tilespmem:s23+$0x62A0];
	_ =	sdelay $0x7  }
0x479: {  	[tilespmem:v3+s14+$0x0] =	vst.idx.add.f32.msk $0xffff, v2  }
0x47a: {  	v3 =	vld [tilespmem:s23+$0x62B0];
	_ =	sdelay $0x7  }
0x47b: {  	[tilespmem:v3+s14+$0x0] =	vst.idx.add.f32.msk $0xffff, v2  }
0x47c: {  	v3 =	vld [tilespmem:s23+$0x62C0];
	_ =	sdelay $0x7  }
0x47d: {  	[tilespmem:v3+s14+$0x0] =	vst.idx.add.f32.msk $0xffff, v2  }
0x47e: {  	v3 =	vld [tilespmem:s23+$0x62D0];
	_ =	sdelay $0x7  }
0x47f: {  	[tilespmem:v3+s14+$0x0] =	vst.idx.add.f32.msk $0xffff, v2  }
0x480: {  	v3 =	vld [tilespmem:s23+$0x62E0];
	_ =	sdelay $0x7  }
0x481: {  	[tilespmem:v3+s14+$0x0] =	vst.idx.add.f32.msk $0xffff, v2  }
0x482: {  	v3 =	vld [tilespmem:s23+$0x62F0];
	_ =	sdelay $0x2  }
0x483: {  	p0 =	sne.s32 s22, $0x7000  }
.Ltmp11:
0x484: {  	_ = 	snop;
	(pc) =	sbr.rel @p0 .LBB2_16-.Ltmp11, $2  }
0x485: {  	_ =	sdelay $0x2  }
0x486: {  	s22 =	sadd.s32 $0x1000, s22;
	[tilespmem:v3+s14+$0x0] =	vst.idx.add.f32.msk $0xffff, v2  }
0x487: {  	_ =	swait.ge [sflag:s19], $0x2000  }
0x488: {  	[sflag:s19] =	ssyncset.done $0x0  }
0x489: {  	s22 =	simm.s32 $0x0;
	[sflag:s19] =	ssyncadd.s32 $0xFFFFE000  }
.LBB2_18:
0x48a: {  	s23 =	sshra.s32 s22, $0x2  }
0x48b: {  	v3 =	vld [tilespmem:s23+$0x6300];
	_ =	sdelay $0x7  }
0x48c: {  	[tilespmem:v3+s15+$0x0] =	vst.idx.add.f32.msk $0xffff, v2  }
0x48d: {  	v3 =	vld [tilespmem:s23+$0x6310];
	_ =	sdelay $0x7  }
0x48e: {  	[tilespmem:v3+s15+$0x0] =	vst.idx.add.f32.msk $0xffff, v2  }
0x48f: {  	v3 =	vld [tilespmem:s23+$0x6320];
	_ =	sdelay $0x7  }
0x490: {  	[tilespmem:v3+s15+$0x0] =	vst.idx.add.f32.msk $0xffff, v2  }
0x491: {  	v3 =	vld [tilespmem:s23+$0x6330];
	_ =	sdelay $0x7  }
0x492: {  	[tilespmem:v3+s15+$0x0] =	vst.idx.add.f32.msk $0xffff, v2  }
0x493: {  	v3 =	vld [tilespmem:s23+$0x6340];
	_ =	sdelay $0x7  }
0x494: {  	[tilespmem:v3+s15+$0x0] =	vst.idx.add.f32.msk $0xffff, v2  }
0x495: {  	v3 =	vld [tilespmem:s23+$0x6350];
	_ =	sdelay $0x7  }
0x496: {  	[tilespmem:v3+s15+$0x0] =	vst.idx.add.f32.msk $0xffff, v2  }
0x497: {  	v3 =	vld [tilespmem:s23+$0x6360];
	_ =	sdelay $0x7  }
0x498: {  	[tilespmem:v3+s15+$0x0] =	vst.idx.add.f32.msk $0xffff, v2  }
0x499: {  	v3 =	vld [tilespmem:s23+$0x6370];
	_ =	sdelay $0x2  }
0x49a: {  	p0 =	sne.s32 s22, $0x7000  }
.Ltmp12:
0x49b: {  	_ = 	snop;
	(pc) =	sbr.rel @p0 .LBB2_18-.Ltmp12, $2  }
0x49c: {  	_ =	sdelay $0x2  }
0x49d: {  	s22 =	sadd.s32 $0x1000, s22;
	[tilespmem:v3+s15+$0x0] =	vst.idx.add.f32.msk $0xffff, v2  }
0x49e: {  	_ =	swait.ge [sflag:s20], $0x2000  }
0x49f: {  	[sflag:s20] =	ssyncset.done $0x0  }
0x4a0: {  	s22 =	simm.s32 $0x0;
	s23 =	simm.s32 $0x0;
	[sflag:s20] =	ssyncadd.s32 $0xFFFFE000  }
.LBB2_20:
0x4a1: {  	s24 =	sshra.s32 s23, $0x2  }
0x4a2: {  	v3 =	vld [tilespmem:s24+$0x6380];
	_ =	sdelay $0x7  }
0x4a3: {  	[tilespmem:v3+s16+$0x0] =	vst.idx.add.f32.msk $0xffff, v2  }
0x4a4: {  	v3 =	vld [tilespmem:s24+$0x6390];
	_ =	sdelay $0x7  }
0x4a5: {  	[tilespmem:v3+s16+$0x0] =	vst.idx.add.f32.msk $0xffff, v2  }
0x4a6: {  	v3 =	vld [tilespmem:s24+$0x63A0];
	_ =	sdelay $0x7  }
0x4a7: {  	[tilespmem:v3+s16+$0x0] =	vst.idx.add.f32.msk $0xffff, v2  }
0x4a8: {  	v3 =	vld [tilespmem:s24+$0x63B0];
	_ =	sdelay $0x7  }
0x4a9: {  	[tilespmem:v3+s16+$0x0] =	vst.idx.add.f32.msk $0xffff, v2  }
0x4aa: {  	v3 =	vld [tilespmem:s24+$0x63C0];
	_ =	sdelay $0x7  }
0x4ab: {  	[tilespmem:v3+s16+$0x0] =	vst.idx.add.f32.msk $0xffff, v2  }
0x4ac: {  	v3 =	vld [tilespmem:s24+$0x63D0];
	_ =	sdelay $0x7  }
0x4ad: {  	[tilespmem:v3+s16+$0x0] =	vst.idx.add.f32.msk $0xffff, v2  }
0x4ae: {  	v3 =	vld [tilespmem:s24+$0x63E0];
	_ =	sdelay $0x7  }
0x4af: {  	[tilespmem:v3+s16+$0x0] =	vst.idx.add.f32.msk $0xffff, v2  }
0x4b0: {  	v3 =	vld [tilespmem:s24+$0x63F0];
	_ =	sdelay $0x2  }
0x4b1: {  	p0 =	sne.s32 s23, $0x7000  }
.Ltmp13:
0x4b2: {  	_ = 	snop;
	(pc) =	sbr.rel @p0 .LBB2_20-.Ltmp13, $2  }
0x4b3: {  	_ =	sdelay $0x2  }
0x4b4: {  	s23 =	sadd.s32 $0x1000, s23;
	[tilespmem:v3+s16+$0x0] =	vst.idx.add.f32.msk $0xffff, v2  }
.Ltmp14:
0x4b5: {  	(pc) =	sbr.rel .LBB2_22-.Ltmp14, $2  }
0x4b6: {  	_ =	sdelay $0x2  }
0x4b7: {  	s23 =	simm.s32 $0x0;
	s24 =	simm.s32 $0x0  }
.LBB2_30:
0x4b8: {  	s26 =	sadd.s32 $0x8C00, s24;
	s28 =	sadd.s32 $0x1180, s22  }
0x4b9: {  	s26 =	sand.u32 $0xE000, s26;
	s28 =	sand.u32 $0x380, s28  }
0x4ba: {  	s26 =	sor.u32 s28, s26  }
0x4bb: {  	v3 =	vld [tilespmem:s26+$0x0];
	_ =	sdelay $0x7  }
0x4bc: {  	[tilespmem:v3+s16+$0x0] =	vst.idx.add.f32.msk $0xffff, v1  }
0x4bd: {  	v3 =	vld [tilespmem:s26+$0x10];
	_ =	sdelay $0x7  }
0x4be: {  	[tilespmem:v3+s16+$0x0] =	vst.idx.add.f32.msk $0xffff, v1  }
0x4bf: {  	v3 =	vld [tilespmem:s26+$0x20];
	_ =	sdelay $0x7  }
0x4c0: {  	[tilespmem:v3+s16+$0x0] =	vst.idx.add.f32.msk $0xffff, v1  }
0x4c1: {  	v3 =	vld [tilespmem:s26+$0x30];
	_ =	sdelay $0x7  }
0x4c2: {  	[tilespmem:v3+s16+$0x0] =	vst.idx.add.f32.msk $0xffff, v1  }
0x4c3: {  	v3 =	vld [tilespmem:s26+$0x40];
	_ =	sdelay $0x7  }
0x4c4: {  	[tilespmem:v3+s16+$0x0] =	vst.idx.add.f32.msk $0xffff, v1  }
0x4c5: {  	v3 =	vld [tilespmem:s26+$0x50];
	_ =	sdelay $0x7  }
0x4c6: {  	[tilespmem:v3+s16+$0x0] =	vst.idx.add.f32.msk $0xffff, v1  }
0x4c7: {  	v3 =	vld [tilespmem:s26+$0x60];
	_ =	sdelay $0x7  }
0x4c8: {  	[tilespmem:v3+s16+$0x0] =	vst.idx.add.f32.msk $0xffff, v1  }
0x4c9: {  	v3 =	vld [tilespmem:s26+$0x70];
	_ =	sdelay $0x7  }
0x4ca: {  	[tilespmem:v3+s16+$0x0] =	vst.idx.add.f32.msk $0xffff, v1  }
0x4cb: {  	v3 =	vld [tilespmem:s26+$0x400];
	_ =	sdelay $0x7  }
0x4cc: {  	[tilespmem:v3+s16+$0x0] =	vst.idx.add.f32.msk $0xffff, v1  }
0x4cd: {  	v3 =	vld [tilespmem:s26+$0x410];
	_ =	sdelay $0x7  }
0x4ce: {  	[tilespmem:v3+s16+$0x0] =	vst.idx.add.f32.msk $0xffff, v1  }
0x4cf: {  	v3 =	vld [tilespmem:s26+$0x420];
	_ =	sdelay $0x7  }
0x4d0: {  	[tilespmem:v3+s16+$0x0] =	vst.idx.add.f32.msk $0xffff, v1  }
0x4d1: {  	v3 =	vld [tilespmem:s26+$0x430];
	_ =	sdelay $0x7  }
0x4d2: {  	[tilespmem:v3+s16+$0x0] =	vst.idx.add.f32.msk $0xffff, v1  }
0x4d3: {  	v3 =	vld [tilespmem:s26+$0x440];
	_ =	sdelay $0x7  }
0x4d4: {  	[tilespmem:v3+s16+$0x0] =	vst.idx.add.f32.msk $0xffff, v1  }
0x4d5: {  	v3 =	vld [tilespmem:s26+$0x450];
	_ =	sdelay $0x7  }
0x4d6: {  	[tilespmem:v3+s16+$0x0] =	vst.idx.add.f32.msk $0xffff, v1  }
0x4d7: {  	v3 =	vld [tilespmem:s26+$0x460];
	_ =	sdelay $0x7  }
0x4d8: {  	[tilespmem:v3+s16+$0x0] =	vst.idx.add.f32.msk $0xffff, v1  }
0x4d9: {  	v3 =	vld [tilespmem:s26+$0x470];
	_ =	sdelay $0x7  }
0x4da: {  	[tilespmem:v3+s16+$0x0] =	vst.idx.add.f32.msk $0xffff, v1  }
0x4db: {  	v3 =	vld [tilespmem:s26+$0x800];
	_ =	sdelay $0x7  }
0x4dc: {  	[tilespmem:v3+s16+$0x0] =	vst.idx.add.f32.msk $0xffff, v1  }
0x4dd: {  	v3 =	vld [tilespmem:s26+$0x810];
	_ =	sdelay $0x7  }
0x4de: {  	[tilespmem:v3+s16+$0x0] =	vst.idx.add.f32.msk $0xffff, v1  }
0x4df: {  	v3 =	vld [tilespmem:s26+$0x820];
	_ =	sdelay $0x7  }
0x4e0: {  	[tilespmem:v3+s16+$0x0] =	vst.idx.add.f32.msk $0xffff, v1  }
0x4e1: {  	v3 =	vld [tilespmem:s26+$0x830];
	_ =	sdelay $0x7  }
0x4e2: {  	[tilespmem:v3+s16+$0x0] =	vst.idx.add.f32.msk $0xffff, v1  }
0x4e3: {  	v3 =	vld [tilespmem:s26+$0x840];
	_ =	sdelay $0x7  }
0x4e4: {  	[tilespmem:v3+s16+$0x0] =	vst.idx.add.f32.msk $0xffff, v1  }
0x4e5: {  	v3 =	vld [tilespmem:s26+$0x850];
	_ =	sdelay $0x7  }
0x4e6: {  	[tilespmem:v3+s16+$0x0] =	vst.idx.add.f32.msk $0xffff, v1  }
0x4e7: {  	v3 =	vld [tilespmem:s26+$0x860];
	_ =	sdelay $0x7  }
0x4e8: {  	[tilespmem:v3+s16+$0x0] =	vst.idx.add.f32.msk $0xffff, v1  }
0x4e9: {  	v3 =	vld [tilespmem:s26+$0x870];
	_ =	sdelay $0x7  }
0x4ea: {  	[tilespmem:v3+s16+$0x0] =	vst.idx.add.f32.msk $0xffff, v1  }
0x4eb: {  	v3 =	vld [tilespmem:s26+$0xC00];
	_ =	sdelay $0x7  }
0x4ec: {  	[tilespmem:v3+s16+$0x0] =	vst.idx.add.f32.msk $0xffff, v1  }
0x4ed: {  	v3 =	vld [tilespmem:s26+$0xC10];
	_ =	sdelay $0x7  }
0x4ee: {  	[tilespmem:v3+s16+$0x0] =	vst.idx.add.f32.msk $0xffff, v1  }
0x4ef: {  	v3 =	vld [tilespmem:s26+$0xC20];
	_ =	sdelay $0x7  }
0x4f0: {  	[tilespmem:v3+s16+$0x0] =	vst.idx.add.f32.msk $0xffff, v1  }
0x4f1: {  	v3 =	vld [tilespmem:s26+$0xC30];
	_ =	sdelay $0x7  }
0x4f2: {  	[tilespmem:v3+s16+$0x0] =	vst.idx.add.f32.msk $0xffff, v1  }
0x4f3: {  	v3 =	vld [tilespmem:s26+$0xC40];
	_ =	sdelay $0x7  }
0x4f4: {  	[tilespmem:v3+s16+$0x0] =	vst.idx.add.f32.msk $0xffff, v1  }
0x4f5: {  	v3 =	vld [tilespmem:s26+$0xC50];
	_ =	sdelay $0x7  }
0x4f6: {  	[tilespmem:v3+s16+$0x0] =	vst.idx.add.f32.msk $0xffff, v1  }
0x4f7: {  	v3 =	vld [tilespmem:s26+$0xC60];
	_ =	sdelay $0x7  }
0x4f8: {  	[tilespmem:v3+s16+$0x0] =	vst.idx.add.f32.msk $0xffff, v1  }
0x4f9: {  	v3 =	vld [tilespmem:s26+$0xC70];
	_ =	sdelay $0x7  }
0x4fa: {  	[tilespmem:v3+s16+$0x0] =	vst.idx.add.f32.msk $0xffff, v1  }
0x4fb: {  	v3 =	vld [tilespmem:s26+$0x1000];
	_ =	sdelay $0x7  }
0x4fc: {  	[tilespmem:v3+s16+$0x0] =	vst.idx.add.f32.msk $0xffff, v1  }
0x4fd: {  	v3 =	vld [tilespmem:s26+$0x1010];
	_ =	sdelay $0x7  }
0x4fe: {  	[tilespmem:v3+s16+$0x0] =	vst.idx.add.f32.msk $0xffff, v1  }
0x4ff: {  	v3 =	vld [tilespmem:s26+$0x1020];
	_ =	sdelay $0x7  }
0x500: {  	[tilespmem:v3+s16+$0x0] =	vst.idx.add.f32.msk $0xffff, v1  }
0x501: {  	v3 =	vld [tilespmem:s26+$0x1030];
	_ =	sdelay $0x7  }
0x502: {  	[tilespmem:v3+s16+$0x0] =	vst.idx.add.f32.msk $0xffff, v1  }
0x503: {  	v3 =	vld [tilespmem:s26+$0x1040];
	_ =	sdelay $0x7  }
0x504: {  	[tilespmem:v3+s16+$0x0] =	vst.idx.add.f32.msk $0xffff, v1  }
0x505: {  	v3 =	vld [tilespmem:s26+$0x1050];
	_ =	sdelay $0x7  }
0x506: {  	[tilespmem:v3+s16+$0x0] =	vst.idx.add.f32.msk $0xffff, v1  }
0x507: {  	v3 =	vld [tilespmem:s26+$0x1060];
	_ =	sdelay $0x7  }
0x508: {  	[tilespmem:v3+s16+$0x0] =	vst.idx.add.f32.msk $0xffff, v1  }
0x509: {  	v3 =	vld [tilespmem:s26+$0x1070];
	_ =	sdelay $0x7  }
0x50a: {  	[tilespmem:v3+s16+$0x0] =	vst.idx.add.f32.msk $0xffff, v1  }
0x50b: {  	v3 =	vld [tilespmem:s26+$0x1400];
	_ =	sdelay $0x7  }
0x50c: {  	[tilespmem:v3+s16+$0x0] =	vst.idx.add.f32.msk $0xffff, v1  }
0x50d: {  	v3 =	vld [tilespmem:s26+$0x1410];
	_ =	sdelay $0x7  }
0x50e: {  	[tilespmem:v3+s16+$0x0] =	vst.idx.add.f32.msk $0xffff, v1  }
0x50f: {  	v3 =	vld [tilespmem:s26+$0x1420];
	_ =	sdelay $0x7  }
0x510: {  	[tilespmem:v3+s16+$0x0] =	vst.idx.add.f32.msk $0xffff, v1  }
0x511: {  	v3 =	vld [tilespmem:s26+$0x1430];
	_ =	sdelay $0x7  }
0x512: {  	[tilespmem:v3+s16+$0x0] =	vst.idx.add.f32.msk $0xffff, v1  }
0x513: {  	v3 =	vld [tilespmem:s26+$0x1440];
	_ =	sdelay $0x7  }
0x514: {  	[tilespmem:v3+s16+$0x0] =	vst.idx.add.f32.msk $0xffff, v1  }
0x515: {  	v3 =	vld [tilespmem:s26+$0x1450];
	_ =	sdelay $0x7  }
0x516: {  	[tilespmem:v3+s16+$0x0] =	vst.idx.add.f32.msk $0xffff, v1  }
0x517: {  	v3 =	vld [tilespmem:s26+$0x1460];
	_ =	sdelay $0x7  }
0x518: {  	[tilespmem:v3+s16+$0x0] =	vst.idx.add.f32.msk $0xffff, v1  }
0x519: {  	v3 =	vld [tilespmem:s26+$0x1470];
	_ =	sdelay $0x7  }
0x51a: {  	[tilespmem:v3+s16+$0x0] =	vst.idx.add.f32.msk $0xffff, v1  }
0x51b: {  	v3 =	vld [tilespmem:s26+$0x1800];
	_ =	sdelay $0x7  }
0x51c: {  	[tilespmem:v3+s16+$0x0] =	vst.idx.add.f32.msk $0xffff, v1  }
0x51d: {  	v3 =	vld [tilespmem:s26+$0x1810];
	_ =	sdelay $0x7  }
0x51e: {  	[tilespmem:v3+s16+$0x0] =	vst.idx.add.f32.msk $0xffff, v1  }
0x51f: {  	v3 =	vld [tilespmem:s26+$0x1820];
	_ =	sdelay $0x7  }
0x520: {  	[tilespmem:v3+s16+$0x0] =	vst.idx.add.f32.msk $0xffff, v1  }
0x521: {  	v3 =	vld [tilespmem:s26+$0x1830];
	_ =	sdelay $0x7  }
0x522: {  	[tilespmem:v3+s16+$0x0] =	vst.idx.add.f32.msk $0xffff, v1  }
0x523: {  	v3 =	vld [tilespmem:s26+$0x1840];
	_ =	sdelay $0x7  }
0x524: {  	[tilespmem:v3+s16+$0x0] =	vst.idx.add.f32.msk $0xffff, v1  }
0x525: {  	v3 =	vld [tilespmem:s26+$0x1850];
	_ =	sdelay $0x7  }
0x526: {  	[tilespmem:v3+s16+$0x0] =	vst.idx.add.f32.msk $0xffff, v1  }
0x527: {  	v3 =	vld [tilespmem:s26+$0x1860];
	_ =	sdelay $0x7  }
0x528: {  	[tilespmem:v3+s16+$0x0] =	vst.idx.add.f32.msk $0xffff, v1  }
0x529: {  	v3 =	vld [tilespmem:s26+$0x1870];
	_ =	sdelay $0x7  }
0x52a: {  	[tilespmem:v3+s16+$0x0] =	vst.idx.add.f32.msk $0xffff, v1  }
0x52b: {  	v3 =	vld [tilespmem:s26+$0x1C00];
	_ =	sdelay $0x7  }
0x52c: {  	[tilespmem:v3+s16+$0x0] =	vst.idx.add.f32.msk $0xffff, v1  }
0x52d: {  	v3 =	vld [tilespmem:s26+$0x1C10];
	_ =	sdelay $0x7  }
0x52e: {  	[tilespmem:v3+s16+$0x0] =	vst.idx.add.f32.msk $0xffff, v1  }
0x52f: {  	v3 =	vld [tilespmem:s26+$0x1C20];
	_ =	sdelay $0x7  }
0x530: {  	[tilespmem:v3+s16+$0x0] =	vst.idx.add.f32.msk $0xffff, v1  }
0x531: {  	v3 =	vld [tilespmem:s26+$0x1C30];
	_ =	sdelay $0x7  }
0x532: {  	[tilespmem:v3+s16+$0x0] =	vst.idx.add.f32.msk $0xffff, v1  }
0x533: {  	v3 =	vld [tilespmem:s26+$0x1C40];
	_ =	sdelay $0x7  }
0x534: {  	[tilespmem:v3+s16+$0x0] =	vst.idx.add.f32.msk $0xffff, v1  }
0x535: {  	v3 =	vld [tilespmem:s26+$0x1C50];
	_ =	sdelay $0x7  }
0x536: {  	[tilespmem:v3+s16+$0x0] =	vst.idx.add.f32.msk $0xffff, v1  }
0x537: {  	v3 =	vld [tilespmem:s26+$0x1C60];
	_ =	sdelay $0x7  }
0x538: {  	[tilespmem:v3+s16+$0x0] =	vst.idx.add.f32.msk $0xffff, v1  }
0x539: {  	v3 =	vld [tilespmem:s26+$0x1C70];
	_ =	sdelay $0x2  }
0x53a: {  	s24 =	sadd.s32 $0x1000, s24  }
0x53b: {  	p0 =	sne.s32 s24, $0x8000  }
.Ltmp15:
0x53c: {  	_ = 	snop;
	(pc) =	sbr.rel @!p0 .LBB2_31-.Ltmp15, $3  }
0x53d: {  	_ =	sdelay $0x1  }
0x53e: {  	s25 =	sadd.s32 $0x30, s25;
	s23 =	sadd.s32 $0x40, s23;
	s22 =	sadd.s32 $0x200, s22;
	[tilespmem:v3+s16+$0x0] =	vst.idx.add.f32.msk $0xffff, v1  }
0x53f: {  	[hbm4b:s25+s12] =	stream.strided.scatter [tilespmem:s16], [sflag:$0x4], $0x2000, s13, s12, $0x38;
	[tilespmem:$0x18000] =	vst v63  }
.LBB2_22:
0x540: {  	p0 =	seq.s32 s24, $0x0  }
.Ltmp16:
0x541: {  	_ = 	snop;
	(pc) =	sbr.rel @p0 .LBB2_24-.Ltmp16, $1  }
0x542: {  	_ =	sdelay $0x3  }
0x543: {  	_ =	swait.ge [sflag:s17], $0x2000;
	s25 =	sadd.s32 $0x7000, s24;
	s26 =	sadd.s32 $0xE00, s22  }
0x544: {  	[sflag:s17] =	ssyncset.done $0x0;
	s25 =	sand.u32 $0xE000, s25;
	s26 =	sand.u32 $0x200, s26  }
0x545: {  	[sflag:s17] =	ssyncadd.s32 $0xFFFFE000;
	s25 =	sor.u32 s26, s25  }
0x546: {  	v3 =	vld [tilespmem:s25+$0x0];
	_ =	sdelay $0x7  }
0x547: {  	[tilespmem:v3+s11+$0x0] =	vst.idx.add.f32.msk $0xffff, v2  }
0x548: {  	v3 =	vld [tilespmem:s25+$0x10];
	_ =	sdelay $0x7  }
0x549: {  	[tilespmem:v3+s11+$0x0] =	vst.idx.add.f32.msk $0xffff, v2  }
0x54a: {  	v3 =	vld [tilespmem:s25+$0x20];
	_ =	sdelay $0x7  }
0x54b: {  	[tilespmem:v3+s11+$0x0] =	vst.idx.add.f32.msk $0xffff, v2  }
0x54c: {  	v3 =	vld [tilespmem:s25+$0x30];
	_ =	sdelay $0x7  }
0x54d: {  	[tilespmem:v3+s11+$0x0] =	vst.idx.add.f32.msk $0xffff, v2  }
0x54e: {  	v3 =	vld [tilespmem:s25+$0x40];
	_ =	sdelay $0x7  }
0x54f: {  	[tilespmem:v3+s11+$0x0] =	vst.idx.add.f32.msk $0xffff, v2  }
0x550: {  	v3 =	vld [tilespmem:s25+$0x50];
	_ =	sdelay $0x7  }
0x551: {  	[tilespmem:v3+s11+$0x0] =	vst.idx.add.f32.msk $0xffff, v2  }
0x552: {  	v3 =	vld [tilespmem:s25+$0x60];
	_ =	sdelay $0x7  }
0x553: {  	[tilespmem:v3+s11+$0x0] =	vst.idx.add.f32.msk $0xffff, v2  }
0x554: {  	v3 =	vld [tilespmem:s25+$0x70];
	_ =	sdelay $0x7  }
0x555: {  	[tilespmem:v3+s11+$0x0] =	vst.idx.add.f32.msk $0xffff, v2  }
0x556: {  	v3 =	vld [tilespmem:s25+$0x400];
	_ =	sdelay $0x7  }
0x557: {  	[tilespmem:v3+s11+$0x0] =	vst.idx.add.f32.msk $0xffff, v2  }
0x558: {  	v3 =	vld [tilespmem:s25+$0x410];
	_ =	sdelay $0x7  }
0x559: {  	[tilespmem:v3+s11+$0x0] =	vst.idx.add.f32.msk $0xffff, v2  }
0x55a: {  	v3 =	vld [tilespmem:s25+$0x420];
	_ =	sdelay $0x7  }
0x55b: {  	[tilespmem:v3+s11+$0x0] =	vst.idx.add.f32.msk $0xffff, v2  }
0x55c: {  	v3 =	vld [tilespmem:s25+$0x430];
	_ =	sdelay $0x7  }
0x55d: {  	[tilespmem:v3+s11+$0x0] =	vst.idx.add.f32.msk $0xffff, v2  }
0x55e: {  	v3 =	vld [tilespmem:s25+$0x440];
	_ =	sdelay $0x7  }
0x55f: {  	[tilespmem:v3+s11+$0x0] =	vst.idx.add.f32.msk $0xffff, v2  }
0x560: {  	v3 =	vld [tilespmem:s25+$0x450];
	_ =	sdelay $0x7  }
0x561: {  	[tilespmem:v3+s11+$0x0] =	vst.idx.add.f32.msk $0xffff, v2  }
0x562: {  	v3 =	vld [tilespmem:s25+$0x460];
	_ =	sdelay $0x7  }
0x563: {  	[tilespmem:v3+s11+$0x0] =	vst.idx.add.f32.msk $0xffff, v2  }
0x564: {  	v3 =	vld [tilespmem:s25+$0x470];
	_ =	sdelay $0x7  }
0x565: {  	[tilespmem:v3+s11+$0x0] =	vst.idx.add.f32.msk $0xffff, v2  }
0x566: {  	v3 =	vld [tilespmem:s25+$0x800];
	_ =	sdelay $0x7  }
0x567: {  	[tilespmem:v3+s11+$0x0] =	vst.idx.add.f32.msk $0xffff, v2  }
0x568: {  	v3 =	vld [tilespmem:s25+$0x810];
	_ =	sdelay $0x7  }
0x569: {  	[tilespmem:v3+s11+$0x0] =	vst.idx.add.f32.msk $0xffff, v2  }
0x56a: {  	v3 =	vld [tilespmem:s25+$0x820];
	_ =	sdelay $0x7  }
0x56b: {  	[tilespmem:v3+s11+$0x0] =	vst.idx.add.f32.msk $0xffff, v2  }
0x56c: {  	v3 =	vld [tilespmem:s25+$0x830];
	_ =	sdelay $0x7  }
0x56d: {  	[tilespmem:v3+s11+$0x0] =	vst.idx.add.f32.msk $0xffff, v2  }
0x56e: {  	v3 =	vld [tilespmem:s25+$0x840];
	_ =	sdelay $0x7  }
0x56f: {  	[tilespmem:v3+s11+$0x0] =	vst.idx.add.f32.msk $0xffff, v2  }
0x570: {  	v3 =	vld [tilespmem:s25+$0x850];
	_ =	sdelay $0x7  }
0x571: {  	[tilespmem:v3+s11+$0x0] =	vst.idx.add.f32.msk $0xffff, v2  }
0x572: {  	v3 =	vld [tilespmem:s25+$0x860];
	_ =	sdelay $0x7  }
0x573: {  	[tilespmem:v3+s11+$0x0] =	vst.idx.add.f32.msk $0xffff, v2  }
0x574: {  	v3 =	vld [tilespmem:s25+$0x870];
	_ =	sdelay $0x7  }
0x575: {  	[tilespmem:v3+s11+$0x0] =	vst.idx.add.f32.msk $0xffff, v2  }
0x576: {  	v3 =	vld [tilespmem:s25+$0xC00];
	_ =	sdelay $0x7  }
0x577: {  	[tilespmem:v3+s11+$0x0] =	vst.idx.add.f32.msk $0xffff, v2  }
0x578: {  	v3 =	vld [tilespmem:s25+$0xC10];
	_ =	sdelay $0x7  }
0x579: {  	[tilespmem:v3+s11+$0x0] =	vst.idx.add.f32.msk $0xffff, v2  }
0x57a: {  	v3 =	vld [tilespmem:s25+$0xC20];
	_ =	sdelay $0x7  }
0x57b: {  	[tilespmem:v3+s11+$0x0] =	vst.idx.add.f32.msk $0xffff, v2  }
0x57c: {  	v3 =	vld [tilespmem:s25+$0xC30];
	_ =	sdelay $0x7  }
0x57d: {  	[tilespmem:v3+s11+$0x0] =	vst.idx.add.f32.msk $0xffff, v2  }
0x57e: {  	v3 =	vld [tilespmem:s25+$0xC40];
	_ =	sdelay $0x7  }
0x57f: {  	[tilespmem:v3+s11+$0x0] =	vst.idx.add.f32.msk $0xffff, v2  }
0x580: {  	v3 =	vld [tilespmem:s25+$0xC50];
	_ =	sdelay $0x7  }
0x581: {  	[tilespmem:v3+s11+$0x0] =	vst.idx.add.f32.msk $0xffff, v2  }
0x582: {  	v3 =	vld [tilespmem:s25+$0xC60];
	_ =	sdelay $0x7  }
0x583: {  	[tilespmem:v3+s11+$0x0] =	vst.idx.add.f32.msk $0xffff, v2  }
0x584: {  	v3 =	vld [tilespmem:s25+$0xC70];
	_ =	sdelay $0x7  }
0x585: {  	[tilespmem:v3+s11+$0x0] =	vst.idx.add.f32.msk $0xffff, v2  }
0x586: {  	v3 =	vld [tilespmem:s25+$0x1000];
	_ =	sdelay $0x7  }
0x587: {  	[tilespmem:v3+s11+$0x0] =	vst.idx.add.f32.msk $0xffff, v2  }
0x588: {  	v3 =	vld [tilespmem:s25+$0x1010];
	_ =	sdelay $0x7  }
0x589: {  	[tilespmem:v3+s11+$0x0] =	vst.idx.add.f32.msk $0xffff, v2  }
0x58a: {  	v3 =	vld [tilespmem:s25+$0x1020];
	_ =	sdelay $0x7  }
0x58b: {  	[tilespmem:v3+s11+$0x0] =	vst.idx.add.f32.msk $0xffff, v2  }
0x58c: {  	v3 =	vld [tilespmem:s25+$0x1030];
	_ =	sdelay $0x7  }
0x58d: {  	[tilespmem:v3+s11+$0x0] =	vst.idx.add.f32.msk $0xffff, v2  }
0x58e: {  	v3 =	vld [tilespmem:s25+$0x1040];
	_ =	sdelay $0x7  }
0x58f: {  	[tilespmem:v3+s11+$0x0] =	vst.idx.add.f32.msk $0xffff, v2  }
0x590: {  	v3 =	vld [tilespmem:s25+$0x1050];
	_ =	sdelay $0x7  }
0x591: {  	[tilespmem:v3+s11+$0x0] =	vst.idx.add.f32.msk $0xffff, v2  }
0x592: {  	v3 =	vld [tilespmem:s25+$0x1060];
	_ =	sdelay $0x7  }
0x593: {  	[tilespmem:v3+s11+$0x0] =	vst.idx.add.f32.msk $0xffff, v2  }
0x594: {  	v3 =	vld [tilespmem:s25+$0x1070];
	_ =	sdelay $0x7  }
0x595: {  	[tilespmem:v3+s11+$0x0] =	vst.idx.add.f32.msk $0xffff, v2  }
0x596: {  	v3 =	vld [tilespmem:s25+$0x1400];
	_ =	sdelay $0x7  }
0x597: {  	[tilespmem:v3+s11+$0x0] =	vst.idx.add.f32.msk $0xffff, v2  }
0x598: {  	v3 =	vld [tilespmem:s25+$0x1410];
	_ =	sdelay $0x7  }
0x599: {  	[tilespmem:v3+s11+$0x0] =	vst.idx.add.f32.msk $0xffff, v2  }
0x59a: {  	v3 =	vld [tilespmem:s25+$0x1420];
	_ =	sdelay $0x7  }
0x59b: {  	[tilespmem:v3+s11+$0x0] =	vst.idx.add.f32.msk $0xffff, v2  }
0x59c: {  	v3 =	vld [tilespmem:s25+$0x1430];
	_ =	sdelay $0x7  }
0x59d: {  	[tilespmem:v3+s11+$0x0] =	vst.idx.add.f32.msk $0xffff, v2  }
0x59e: {  	v3 =	vld [tilespmem:s25+$0x1440];
	_ =	sdelay $0x7  }
0x59f: {  	[tilespmem:v3+s11+$0x0] =	vst.idx.add.f32.msk $0xffff, v2  }
0x5a0: {  	v3 =	vld [tilespmem:s25+$0x1450];
	_ =	sdelay $0x7  }
0x5a1: {  	[tilespmem:v3+s11+$0x0] =	vst.idx.add.f32.msk $0xffff, v2  }
0x5a2: {  	v3 =	vld [tilespmem:s25+$0x1460];
	_ =	sdelay $0x7  }
0x5a3: {  	[tilespmem:v3+s11+$0x0] =	vst.idx.add.f32.msk $0xffff, v2  }
0x5a4: {  	v3 =	vld [tilespmem:s25+$0x1470];
	_ =	sdelay $0x7  }
0x5a5: {  	[tilespmem:v3+s11+$0x0] =	vst.idx.add.f32.msk $0xffff, v2  }
0x5a6: {  	v3 =	vld [tilespmem:s25+$0x1800];
	_ =	sdelay $0x7  }
0x5a7: {  	[tilespmem:v3+s11+$0x0] =	vst.idx.add.f32.msk $0xffff, v2  }
0x5a8: {  	v3 =	vld [tilespmem:s25+$0x1810];
	_ =	sdelay $0x7  }
0x5a9: {  	[tilespmem:v3+s11+$0x0] =	vst.idx.add.f32.msk $0xffff, v2  }
0x5aa: {  	v3 =	vld [tilespmem:s25+$0x1820];
	_ =	sdelay $0x7  }
0x5ab: {  	[tilespmem:v3+s11+$0x0] =	vst.idx.add.f32.msk $0xffff, v2  }
0x5ac: {  	v3 =	vld [tilespmem:s25+$0x1830];
	_ =	sdelay $0x7  }
0x5ad: {  	[tilespmem:v3+s11+$0x0] =	vst.idx.add.f32.msk $0xffff, v2  }
0x5ae: {  	v3 =	vld [tilespmem:s25+$0x1840];
	_ =	sdelay $0x7  }
0x5af: {  	[tilespmem:v3+s11+$0x0] =	vst.idx.add.f32.msk $0xffff, v2  }
0x5b0: {  	v3 =	vld [tilespmem:s25+$0x1850];
	_ =	sdelay $0x7  }
0x5b1: {  	[tilespmem:v3+s11+$0x0] =	vst.idx.add.f32.msk $0xffff, v2  }
0x5b2: {  	v3 =	vld [tilespmem:s25+$0x1860];
	_ =	sdelay $0x7  }
0x5b3: {  	[tilespmem:v3+s11+$0x0] =	vst.idx.add.f32.msk $0xffff, v2  }
0x5b4: {  	v3 =	vld [tilespmem:s25+$0x1870];
	_ =	sdelay $0x7  }
0x5b5: {  	[tilespmem:v3+s11+$0x0] =	vst.idx.add.f32.msk $0xffff, v2  }
0x5b6: {  	v3 =	vld [tilespmem:s25+$0x1C00];
	_ =	sdelay $0x7  }
0x5b7: {  	[tilespmem:v3+s11+$0x0] =	vst.idx.add.f32.msk $0xffff, v2  }
0x5b8: {  	v3 =	vld [tilespmem:s25+$0x1C10];
	_ =	sdelay $0x7  }
0x5b9: {  	[tilespmem:v3+s11+$0x0] =	vst.idx.add.f32.msk $0xffff, v2  }
0x5ba: {  	v3 =	vld [tilespmem:s25+$0x1C20];
	_ =	sdelay $0x7  }
0x5bb: {  	[tilespmem:v3+s11+$0x0] =	vst.idx.add.f32.msk $0xffff, v2  }
0x5bc: {  	v3 =	vld [tilespmem:s25+$0x1C30];
	_ =	sdelay $0x7  }
0x5bd: {  	[tilespmem:v3+s11+$0x0] =	vst.idx.add.f32.msk $0xffff, v2  }
0x5be: {  	v3 =	vld [tilespmem:s25+$0x1C40];
	_ =	sdelay $0x7  }
0x5bf: {  	[tilespmem:v3+s11+$0x0] =	vst.idx.add.f32.msk $0xffff, v2  }
0x5c0: {  	v3 =	vld [tilespmem:s25+$0x1C50];
	_ =	sdelay $0x7  }
0x5c1: {  	[tilespmem:v3+s11+$0x0] =	vst.idx.add.f32.msk $0xffff, v2  }
0x5c2: {  	v3 =	vld [tilespmem:s25+$0x1C60];
	_ =	sdelay $0x7  }
0x5c3: {  	[tilespmem:v3+s11+$0x0] =	vst.idx.add.f32.msk $0xffff, v2  }
0x5c4: {  	v3 =	vld [tilespmem:s25+$0x1C70];
	_ =	sdelay $0x7  }
0x5c5: {  	[tilespmem:v3+s11+$0x0] =	vst.idx.add.f32.msk $0xffff, v2  }
.LBB2_24:
0x5c6: {  	s25 =	sand.u32 $0x6000, s24;
	s26 =	sand.u32 $0x200, s22  }
0x5c7: {  	s25 =	sor.u32 s26, s25  }
0x5c8: {  	v3 =	vld [tilespmem:s25+$0x8000];
	_ =	sdelay $0x7  }
0x5c9: {  	[tilespmem:v3+s11+$0x0] =	vst.idx.add.f32.msk $0xffff, v1  }
0x5ca: {  	v3 =	vld [tilespmem:s25+$0x8010];
	_ =	sdelay $0x7  }
0x5cb: {  	[tilespmem:v3+s11+$0x0] =	vst.idx.add.f32.msk $0xffff, v1  }
0x5cc: {  	v3 =	vld [tilespmem:s25+$0x8020];
	_ =	sdelay $0x7  }
0x5cd: {  	[tilespmem:v3+s11+$0x0] =	vst.idx.add.f32.msk $0xffff, v1  }
0x5ce: {  	v3 =	vld [tilespmem:s25+$0x8030];
	_ =	sdelay $0x7  }
0x5cf: {  	[tilespmem:v3+s11+$0x0] =	vst.idx.add.f32.msk $0xffff, v1  }
0x5d0: {  	v3 =	vld [tilespmem:s25+$0x8040];
	_ =	sdelay $0x7  }
0x5d1: {  	[tilespmem:v3+s11+$0x0] =	vst.idx.add.f32.msk $0xffff, v1  }
0x5d2: {  	v3 =	vld [tilespmem:s25+$0x8050];
	_ =	sdelay $0x7  }
0x5d3: {  	[tilespmem:v3+s11+$0x0] =	vst.idx.add.f32.msk $0xffff, v1  }
0x5d4: {  	v3 =	vld [tilespmem:s25+$0x8060];
	_ =	sdelay $0x7  }
0x5d5: {  	[tilespmem:v3+s11+$0x0] =	vst.idx.add.f32.msk $0xffff, v1  }
0x5d6: {  	v3 =	vld [tilespmem:s25+$0x8070];
	_ =	sdelay $0x7  }
0x5d7: {  	[tilespmem:v3+s11+$0x0] =	vst.idx.add.f32.msk $0xffff, v1  }
0x5d8: {  	v3 =	vld [tilespmem:s25+$0x8400];
	_ =	sdelay $0x7  }
0x5d9: {  	[tilespmem:v3+s11+$0x0] =	vst.idx.add.f32.msk $0xffff, v1  }
0x5da: {  	v3 =	vld [tilespmem:s25+$0x8410];
	_ =	sdelay $0x7  }
0x5db: {  	[tilespmem:v3+s11+$0x0] =	vst.idx.add.f32.msk $0xffff, v1  }
0x5dc: {  	v3 =	vld [tilespmem:s25+$0x8420];
	_ =	sdelay $0x7  }
0x5dd: {  	[tilespmem:v3+s11+$0x0] =	vst.idx.add.f32.msk $0xffff, v1  }
0x5de: {  	v3 =	vld [tilespmem:s25+$0x8430];
	_ =	sdelay $0x7  }
0x5df: {  	[tilespmem:v3+s11+$0x0] =	vst.idx.add.f32.msk $0xffff, v1  }
0x5e0: {  	v3 =	vld [tilespmem:s25+$0x8440];
	_ =	sdelay $0x7  }
0x5e1: {  	[tilespmem:v3+s11+$0x0] =	vst.idx.add.f32.msk $0xffff, v1  }
0x5e2: {  	v3 =	vld [tilespmem:s25+$0x8450];
	_ =	sdelay $0x7  }
0x5e3: {  	[tilespmem:v3+s11+$0x0] =	vst.idx.add.f32.msk $0xffff, v1  }
0x5e4: {  	v3 =	vld [tilespmem:s25+$0x8460];
	_ =	sdelay $0x7  }
0x5e5: {  	[tilespmem:v3+s11+$0x0] =	vst.idx.add.f32.msk $0xffff, v1  }
0x5e6: {  	v3 =	vld [tilespmem:s25+$0x8470];
	_ =	sdelay $0x7  }
0x5e7: {  	[tilespmem:v3+s11+$0x0] =	vst.idx.add.f32.msk $0xffff, v1  }
0x5e8: {  	v3 =	vld [tilespmem:s25+$0x8800];
	_ =	sdelay $0x7  }
0x5e9: {  	[tilespmem:v3+s11+$0x0] =	vst.idx.add.f32.msk $0xffff, v1  }
0x5ea: {  	v3 =	vld [tilespmem:s25+$0x8810];
	_ =	sdelay $0x7  }
0x5eb: {  	[tilespmem:v3+s11+$0x0] =	vst.idx.add.f32.msk $0xffff, v1  }
0x5ec: {  	v3 =	vld [tilespmem:s25+$0x8820];
	_ =	sdelay $0x7  }
0x5ed: {  	[tilespmem:v3+s11+$0x0] =	vst.idx.add.f32.msk $0xffff, v1  }
0x5ee: {  	v3 =	vld [tilespmem:s25+$0x8830];
	_ =	sdelay $0x7  }
0x5ef: {  	[tilespmem:v3+s11+$0x0] =	vst.idx.add.f32.msk $0xffff, v1  }
0x5f0: {  	v3 =	vld [tilespmem:s25+$0x8840];
	_ =	sdelay $0x7  }
0x5f1: {  	[tilespmem:v3+s11+$0x0] =	vst.idx.add.f32.msk $0xffff, v1  }
0x5f2: {  	v3 =	vld [tilespmem:s25+$0x8850];
	_ =	sdelay $0x7  }
0x5f3: {  	[tilespmem:v3+s11+$0x0] =	vst.idx.add.f32.msk $0xffff, v1  }
0x5f4: {  	v3 =	vld [tilespmem:s25+$0x8860];
	_ =	sdelay $0x7  }
0x5f5: {  	[tilespmem:v3+s11+$0x0] =	vst.idx.add.f32.msk $0xffff, v1  }
0x5f6: {  	v3 =	vld [tilespmem:s25+$0x8870];
	_ =	sdelay $0x7  }
0x5f7: {  	[tilespmem:v3+s11+$0x0] =	vst.idx.add.f32.msk $0xffff, v1  }
0x5f8: {  	v3 =	vld [tilespmem:s25+$0x8C00];
	_ =	sdelay $0x7  }
0x5f9: {  	[tilespmem:v3+s11+$0x0] =	vst.idx.add.f32.msk $0xffff, v1  }
0x5fa: {  	v3 =	vld [tilespmem:s25+$0x8C10];
	_ =	sdelay $0x7  }
0x5fb: {  	[tilespmem:v3+s11+$0x0] =	vst.idx.add.f32.msk $0xffff, v1  }
0x5fc: {  	v3 =	vld [tilespmem:s25+$0x8C20];
	_ =	sdelay $0x7  }
0x5fd: {  	[tilespmem:v3+s11+$0x0] =	vst.idx.add.f32.msk $0xffff, v1  }
0x5fe: {  	v3 =	vld [tilespmem:s25+$0x8C30];
	_ =	sdelay $0x7  }
0x5ff: {  	[tilespmem:v3+s11+$0x0] =	vst.idx.add.f32.msk $0xffff, v1  }
0x600: {  	v3 =	vld [tilespmem:s25+$0x8C40];
	_ =	sdelay $0x7  }
0x601: {  	[tilespmem:v3+s11+$0x0] =	vst.idx.add.f32.msk $0xffff, v1  }
0x602: {  	v3 =	vld [tilespmem:s25+$0x8C50];
	_ =	sdelay $0x7  }
0x603: {  	[tilespmem:v3+s11+$0x0] =	vst.idx.add.f32.msk $0xffff, v1  }
0x604: {  	v3 =	vld [tilespmem:s25+$0x8C60];
	_ =	sdelay $0x7  }
0x605: {  	[tilespmem:v3+s11+$0x0] =	vst.idx.add.f32.msk $0xffff, v1  }
0x606: {  	v3 =	vld [tilespmem:s25+$0x8C70];
	_ =	sdelay $0x7  }
0x607: {  	[tilespmem:v3+s11+$0x0] =	vst.idx.add.f32.msk $0xffff, v1  }
0x608: {  	v3 =	vld [tilespmem:s25+$0x9000];
	_ =	sdelay $0x7  }
0x609: {  	[tilespmem:v3+s11+$0x0] =	vst.idx.add.f32.msk $0xffff, v1  }
0x60a: {  	v3 =	vld [tilespmem:s25+$0x9010];
	_ =	sdelay $0x7  }
0x60b: {  	[tilespmem:v3+s11+$0x0] =	vst.idx.add.f32.msk $0xffff, v1  }
0x60c: {  	v3 =	vld [tilespmem:s25+$0x9020];
	_ =	sdelay $0x7  }
0x60d: {  	[tilespmem:v3+s11+$0x0] =	vst.idx.add.f32.msk $0xffff, v1  }
0x60e: {  	v3 =	vld [tilespmem:s25+$0x9030];
	_ =	sdelay $0x7  }
0x60f: {  	[tilespmem:v3+s11+$0x0] =	vst.idx.add.f32.msk $0xffff, v1  }
0x610: {  	v3 =	vld [tilespmem:s25+$0x9040];
	_ =	sdelay $0x7  }
0x611: {  	[tilespmem:v3+s11+$0x0] =	vst.idx.add.f32.msk $0xffff, v1  }
0x612: {  	v3 =	vld [tilespmem:s25+$0x9050];
	_ =	sdelay $0x7  }
0x613: {  	[tilespmem:v3+s11+$0x0] =	vst.idx.add.f32.msk $0xffff, v1  }
0x614: {  	v3 =	vld [tilespmem:s25+$0x9060];
	_ =	sdelay $0x7  }
0x615: {  	[tilespmem:v3+s11+$0x0] =	vst.idx.add.f32.msk $0xffff, v1  }
0x616: {  	v3 =	vld [tilespmem:s25+$0x9070];
	_ =	sdelay $0x7  }
0x617: {  	[tilespmem:v3+s11+$0x0] =	vst.idx.add.f32.msk $0xffff, v1  }
0x618: {  	v3 =	vld [tilespmem:s25+$0x9400];
	_ =	sdelay $0x7  }
0x619: {  	[tilespmem:v3+s11+$0x0] =	vst.idx.add.f32.msk $0xffff, v1  }
0x61a: {  	v3 =	vld [tilespmem:s25+$0x9410];
	_ =	sdelay $0x7  }
0x61b: {  	[tilespmem:v3+s11+$0x0] =	vst.idx.add.f32.msk $0xffff, v1  }
0x61c: {  	v3 =	vld [tilespmem:s25+$0x9420];
	_ =	sdelay $0x7  }
0x61d: {  	[tilespmem:v3+s11+$0x0] =	vst.idx.add.f32.msk $0xffff, v1  }
0x61e: {  	v3 =	vld [tilespmem:s25+$0x9430];
	_ =	sdelay $0x7  }
0x61f: {  	[tilespmem:v3+s11+$0x0] =	vst.idx.add.f32.msk $0xffff, v1  }
0x620: {  	v3 =	vld [tilespmem:s25+$0x9440];
	_ =	sdelay $0x7  }
0x621: {  	[tilespmem:v3+s11+$0x0] =	vst.idx.add.f32.msk $0xffff, v1  }
0x622: {  	v3 =	vld [tilespmem:s25+$0x9450];
	_ =	sdelay $0x7  }
0x623: {  	[tilespmem:v3+s11+$0x0] =	vst.idx.add.f32.msk $0xffff, v1  }
0x624: {  	v3 =	vld [tilespmem:s25+$0x9460];
	_ =	sdelay $0x7  }
0x625: {  	[tilespmem:v3+s11+$0x0] =	vst.idx.add.f32.msk $0xffff, v1  }
0x626: {  	v3 =	vld [tilespmem:s25+$0x9470];
	_ =	sdelay $0x7  }
0x627: {  	[tilespmem:v3+s11+$0x0] =	vst.idx.add.f32.msk $0xffff, v1  }
0x628: {  	v3 =	vld [tilespmem:s25+$0x9800];
	_ =	sdelay $0x7  }
0x629: {  	[tilespmem:v3+s11+$0x0] =	vst.idx.add.f32.msk $0xffff, v1  }
0x62a: {  	v3 =	vld [tilespmem:s25+$0x9810];
	_ =	sdelay $0x7  }
0x62b: {  	[tilespmem:v3+s11+$0x0] =	vst.idx.add.f32.msk $0xffff, v1  }
0x62c: {  	v3 =	vld [tilespmem:s25+$0x9820];
	_ =	sdelay $0x7  }
0x62d: {  	[tilespmem:v3+s11+$0x0] =	vst.idx.add.f32.msk $0xffff, v1  }
0x62e: {  	v3 =	vld [tilespmem:s25+$0x9830];
	_ =	sdelay $0x7  }
0x62f: {  	[tilespmem:v3+s11+$0x0] =	vst.idx.add.f32.msk $0xffff, v1  }
0x630: {  	v3 =	vld [tilespmem:s25+$0x9840];
	_ =	sdelay $0x7  }
0x631: {  	[tilespmem:v3+s11+$0x0] =	vst.idx.add.f32.msk $0xffff, v1  }
0x632: {  	v3 =	vld [tilespmem:s25+$0x9850];
	_ =	sdelay $0x7  }
0x633: {  	[tilespmem:v3+s11+$0x0] =	vst.idx.add.f32.msk $0xffff, v1  }
0x634: {  	v3 =	vld [tilespmem:s25+$0x9860];
	_ =	sdelay $0x7  }
0x635: {  	[tilespmem:v3+s11+$0x0] =	vst.idx.add.f32.msk $0xffff, v1  }
0x636: {  	v3 =	vld [tilespmem:s25+$0x9870];
	_ =	sdelay $0x7  }
0x637: {  	[tilespmem:v3+s11+$0x0] =	vst.idx.add.f32.msk $0xffff, v1  }
0x638: {  	v3 =	vld [tilespmem:s25+$0x9C00];
	_ =	sdelay $0x7  }
0x639: {  	[tilespmem:v3+s11+$0x0] =	vst.idx.add.f32.msk $0xffff, v1  }
0x63a: {  	v3 =	vld [tilespmem:s25+$0x9C10];
	_ =	sdelay $0x7  }
0x63b: {  	[tilespmem:v3+s11+$0x0] =	vst.idx.add.f32.msk $0xffff, v1  }
0x63c: {  	v3 =	vld [tilespmem:s25+$0x9C20];
	_ =	sdelay $0x7  }
0x63d: {  	[tilespmem:v3+s11+$0x0] =	vst.idx.add.f32.msk $0xffff, v1  }
0x63e: {  	v3 =	vld [tilespmem:s25+$0x9C30];
	_ =	sdelay $0x7  }
0x63f: {  	[tilespmem:v3+s11+$0x0] =	vst.idx.add.f32.msk $0xffff, v1  }
0x640: {  	v3 =	vld [tilespmem:s25+$0x9C40];
	_ =	sdelay $0x7  }
0x641: {  	[tilespmem:v3+s11+$0x0] =	vst.idx.add.f32.msk $0xffff, v1  }
0x642: {  	v3 =	vld [tilespmem:s25+$0x9C50];
	_ =	sdelay $0x7  }
0x643: {  	[tilespmem:v3+s11+$0x0] =	vst.idx.add.f32.msk $0xffff, v1  }
0x644: {  	v3 =	vld [tilespmem:s25+$0x9C60];
	_ =	sdelay $0x7  }
0x645: {  	[tilespmem:v3+s11+$0x0] =	vst.idx.add.f32.msk $0xffff, v1  }
0x646: {  	v3 =	vld [tilespmem:s25+$0x9C70];
	_ =	sdelay $0x4  }
.Ltmp17:
0x647: {  	_ = 	snop;
	(pc) =	sbr.rel @p0 .LBB2_26-.Ltmp17, $4  }
0x648: {  	s31 =	sadd.s32 s24, s8;
	s26 =	sand.u32 $0x40, s23  }
0x649: {  	s28 =	sadd.s32 s4, s26;
	s25 =	sand.u32 $0xFE000, s31  }
0x64a: {  	s28 =	sadd.s32 s25, s28;
	[tilespmem:v3+s11+$0x0] =	vst.idx.add.f32.msk $0xffff, v1  }
0x64b: {  	[hbm4b:s28+s12] =	stream.strided.scatter [tilespmem:s11], [sflag:$0x1], $0x2000, s13, s12, $0x38;
	[tilespmem:$0x18000] =	vst v63  }
0x64c: {  	_ =	swait.ge [sflag:s18], $0x2000;
	s28 =	sadd.s32 $0x7400, s24;
	s29 =	sadd.s32 $0xE80, s22  }
0x64d: {  	[sflag:s18] =	ssyncset.done $0x0;
	s28 =	sand.u32 $0xE000, s28;
	s29 =	sand.u32 $0x280, s29  }
0x64e: {  	[sflag:s18] =	ssyncadd.s32 $0xFFFFE000;
	s28 =	sor.u32 s29, s28  }
0x64f: {  	v3 =	vld [tilespmem:s28+$0x0];
	_ =	sdelay $0x7  }
0x650: {  	[tilespmem:v3+s14+$0x0] =	vst.idx.add.f32.msk $0xffff, v2  }
0x651: {  	v3 =	vld [tilespmem:s28+$0x10];
	_ =	sdelay $0x7  }
0x652: {  	[tilespmem:v3+s14+$0x0] =	vst.idx.add.f32.msk $0xffff, v2  }
0x653: {  	v3 =	vld [tilespmem:s28+$0x20];
	_ =	sdelay $0x7  }
0x654: {  	[tilespmem:v3+s14+$0x0] =	vst.idx.add.f32.msk $0xffff, v2  }
0x655: {  	v3 =	vld [tilespmem:s28+$0x30];
	_ =	sdelay $0x7  }
0x656: {  	[tilespmem:v3+s14+$0x0] =	vst.idx.add.f32.msk $0xffff, v2  }
0x657: {  	v3 =	vld [tilespmem:s28+$0x40];
	_ =	sdelay $0x7  }
0x658: {  	[tilespmem:v3+s14+$0x0] =	vst.idx.add.f32.msk $0xffff, v2  }
0x659: {  	v3 =	vld [tilespmem:s28+$0x50];
	_ =	sdelay $0x7  }
0x65a: {  	[tilespmem:v3+s14+$0x0] =	vst.idx.add.f32.msk $0xffff, v2  }
0x65b: {  	v3 =	vld [tilespmem:s28+$0x60];
	_ =	sdelay $0x7  }
0x65c: {  	[tilespmem:v3+s14+$0x0] =	vst.idx.add.f32.msk $0xffff, v2  }
0x65d: {  	v3 =	vld [tilespmem:s28+$0x70];
	_ =	sdelay $0x7  }
0x65e: {  	[tilespmem:v3+s14+$0x0] =	vst.idx.add.f32.msk $0xffff, v2  }
0x65f: {  	v3 =	vld [tilespmem:s28+$0x400];
	_ =	sdelay $0x7  }
0x660: {  	[tilespmem:v3+s14+$0x0] =	vst.idx.add.f32.msk $0xffff, v2  }
0x661: {  	v3 =	vld [tilespmem:s28+$0x410];
	_ =	sdelay $0x7  }
0x662: {  	[tilespmem:v3+s14+$0x0] =	vst.idx.add.f32.msk $0xffff, v2  }
0x663: {  	v3 =	vld [tilespmem:s28+$0x420];
	_ =	sdelay $0x7  }
0x664: {  	[tilespmem:v3+s14+$0x0] =	vst.idx.add.f32.msk $0xffff, v2  }
0x665: {  	v3 =	vld [tilespmem:s28+$0x430];
	_ =	sdelay $0x7  }
0x666: {  	[tilespmem:v3+s14+$0x0] =	vst.idx.add.f32.msk $0xffff, v2  }
0x667: {  	v3 =	vld [tilespmem:s28+$0x440];
	_ =	sdelay $0x7  }
0x668: {  	[tilespmem:v3+s14+$0x0] =	vst.idx.add.f32.msk $0xffff, v2  }
0x669: {  	v3 =	vld [tilespmem:s28+$0x450];
	_ =	sdelay $0x7  }
0x66a: {  	[tilespmem:v3+s14+$0x0] =	vst.idx.add.f32.msk $0xffff, v2  }
0x66b: {  	v3 =	vld [tilespmem:s28+$0x460];
	_ =	sdelay $0x7  }
0x66c: {  	[tilespmem:v3+s14+$0x0] =	vst.idx.add.f32.msk $0xffff, v2  }
0x66d: {  	v3 =	vld [tilespmem:s28+$0x470];
	_ =	sdelay $0x7  }
0x66e: {  	[tilespmem:v3+s14+$0x0] =	vst.idx.add.f32.msk $0xffff, v2  }
0x66f: {  	v3 =	vld [tilespmem:s28+$0x800];
	_ =	sdelay $0x7  }
0x670: {  	[tilespmem:v3+s14+$0x0] =	vst.idx.add.f32.msk $0xffff, v2  }
0x671: {  	v3 =	vld [tilespmem:s28+$0x810];
	_ =	sdelay $0x7  }
0x672: {  	[tilespmem:v3+s14+$0x0] =	vst.idx.add.f32.msk $0xffff, v2  }
0x673: {  	v3 =	vld [tilespmem:s28+$0x820];
	_ =	sdelay $0x7  }
0x674: {  	[tilespmem:v3+s14+$0x0] =	vst.idx.add.f32.msk $0xffff, v2  }
0x675: {  	v3 =	vld [tilespmem:s28+$0x830];
	_ =	sdelay $0x7  }
0x676: {  	[tilespmem:v3+s14+$0x0] =	vst.idx.add.f32.msk $0xffff, v2  }
0x677: {  	v3 =	vld [tilespmem:s28+$0x840];
	_ =	sdelay $0x7  }
0x678: {  	[tilespmem:v3+s14+$0x0] =	vst.idx.add.f32.msk $0xffff, v2  }
0x679: {  	v3 =	vld [tilespmem:s28+$0x850];
	_ =	sdelay $0x7  }
0x67a: {  	[tilespmem:v3+s14+$0x0] =	vst.idx.add.f32.msk $0xffff, v2  }
0x67b: {  	v3 =	vld [tilespmem:s28+$0x860];
	_ =	sdelay $0x7  }
0x67c: {  	[tilespmem:v3+s14+$0x0] =	vst.idx.add.f32.msk $0xffff, v2  }
0x67d: {  	v3 =	vld [tilespmem:s28+$0x870];
	_ =	sdelay $0x7  }
0x67e: {  	[tilespmem:v3+s14+$0x0] =	vst.idx.add.f32.msk $0xffff, v2  }
0x67f: {  	v3 =	vld [tilespmem:s28+$0xC00];
	_ =	sdelay $0x7  }
0x680: {  	[tilespmem:v3+s14+$0x0] =	vst.idx.add.f32.msk $0xffff, v2  }
0x681: {  	v3 =	vld [tilespmem:s28+$0xC10];
	_ =	sdelay $0x7  }
0x682: {  	[tilespmem:v3+s14+$0x0] =	vst.idx.add.f32.msk $0xffff, v2  }
0x683: {  	v3 =	vld [tilespmem:s28+$0xC20];
	_ =	sdelay $0x7  }
0x684: {  	[tilespmem:v3+s14+$0x0] =	vst.idx.add.f32.msk $0xffff, v2  }
0x685: {  	v3 =	vld [tilespmem:s28+$0xC30];
	_ =	sdelay $0x7  }
0x686: {  	[tilespmem:v3+s14+$0x0] =	vst.idx.add.f32.msk $0xffff, v2  }
0x687: {  	v3 =	vld [tilespmem:s28+$0xC40];
	_ =	sdelay $0x7  }
0x688: {  	[tilespmem:v3+s14+$0x0] =	vst.idx.add.f32.msk $0xffff, v2  }
0x689: {  	v3 =	vld [tilespmem:s28+$0xC50];
	_ =	sdelay $0x7  }
0x68a: {  	[tilespmem:v3+s14+$0x0] =	vst.idx.add.f32.msk $0xffff, v2  }
0x68b: {  	v3 =	vld [tilespmem:s28+$0xC60];
	_ =	sdelay $0x7  }
0x68c: {  	[tilespmem:v3+s14+$0x0] =	vst.idx.add.f32.msk $0xffff, v2  }
0x68d: {  	v3 =	vld [tilespmem:s28+$0xC70];
	_ =	sdelay $0x7  }
0x68e: {  	[tilespmem:v3+s14+$0x0] =	vst.idx.add.f32.msk $0xffff, v2  }
0x68f: {  	v3 =	vld [tilespmem:s28+$0x1000];
	_ =	sdelay $0x7  }
0x690: {  	[tilespmem:v3+s14+$0x0] =	vst.idx.add.f32.msk $0xffff, v2  }
0x691: {  	v3 =	vld [tilespmem:s28+$0x1010];
	_ =	sdelay $0x7  }
0x692: {  	[tilespmem:v3+s14+$0x0] =	vst.idx.add.f32.msk $0xffff, v2  }
0x693: {  	v3 =	vld [tilespmem:s28+$0x1020];
	_ =	sdelay $0x7  }
0x694: {  	[tilespmem:v3+s14+$0x0] =	vst.idx.add.f32.msk $0xffff, v2  }
0x695: {  	v3 =	vld [tilespmem:s28+$0x1030];
	_ =	sdelay $0x7  }
0x696: {  	[tilespmem:v3+s14+$0x0] =	vst.idx.add.f32.msk $0xffff, v2  }
0x697: {  	v3 =	vld [tilespmem:s28+$0x1040];
	_ =	sdelay $0x7  }
0x698: {  	[tilespmem:v3+s14+$0x0] =	vst.idx.add.f32.msk $0xffff, v2  }
0x699: {  	v3 =	vld [tilespmem:s28+$0x1050];
	_ =	sdelay $0x7  }
0x69a: {  	[tilespmem:v3+s14+$0x0] =	vst.idx.add.f32.msk $0xffff, v2  }
0x69b: {  	v3 =	vld [tilespmem:s28+$0x1060];
	_ =	sdelay $0x7  }
0x69c: {  	[tilespmem:v3+s14+$0x0] =	vst.idx.add.f32.msk $0xffff, v2  }
0x69d: {  	v3 =	vld [tilespmem:s28+$0x1070];
	_ =	sdelay $0x7  }
0x69e: {  	[tilespmem:v3+s14+$0x0] =	vst.idx.add.f32.msk $0xffff, v2  }
0x69f: {  	v3 =	vld [tilespmem:s28+$0x1400];
	_ =	sdelay $0x7  }
0x6a0: {  	[tilespmem:v3+s14+$0x0] =	vst.idx.add.f32.msk $0xffff, v2  }
0x6a1: {  	v3 =	vld [tilespmem:s28+$0x1410];
	_ =	sdelay $0x7  }
0x6a2: {  	[tilespmem:v3+s14+$0x0] =	vst.idx.add.f32.msk $0xffff, v2  }
0x6a3: {  	v3 =	vld [tilespmem:s28+$0x1420];
	_ =	sdelay $0x7  }
0x6a4: {  	[tilespmem:v3+s14+$0x0] =	vst.idx.add.f32.msk $0xffff, v2  }
0x6a5: {  	v3 =	vld [tilespmem:s28+$0x1430];
	_ =	sdelay $0x7  }
0x6a6: {  	[tilespmem:v3+s14+$0x0] =	vst.idx.add.f32.msk $0xffff, v2  }
0x6a7: {  	v3 =	vld [tilespmem:s28+$0x1440];
	_ =	sdelay $0x7  }
0x6a8: {  	[tilespmem:v3+s14+$0x0] =	vst.idx.add.f32.msk $0xffff, v2  }
0x6a9: {  	v3 =	vld [tilespmem:s28+$0x1450];
	_ =	sdelay $0x7  }
0x6aa: {  	[tilespmem:v3+s14+$0x0] =	vst.idx.add.f32.msk $0xffff, v2  }
0x6ab: {  	v3 =	vld [tilespmem:s28+$0x1460];
	_ =	sdelay $0x7  }
0x6ac: {  	[tilespmem:v3+s14+$0x0] =	vst.idx.add.f32.msk $0xffff, v2  }
0x6ad: {  	v3 =	vld [tilespmem:s28+$0x1470];
	_ =	sdelay $0x7  }
0x6ae: {  	[tilespmem:v3+s14+$0x0] =	vst.idx.add.f32.msk $0xffff, v2  }
0x6af: {  	v3 =	vld [tilespmem:s28+$0x1800];
	_ =	sdelay $0x7  }
0x6b0: {  	[tilespmem:v3+s14+$0x0] =	vst.idx.add.f32.msk $0xffff, v2  }
0x6b1: {  	v3 =	vld [tilespmem:s28+$0x1810];
	_ =	sdelay $0x7  }
0x6b2: {  	[tilespmem:v3+s14+$0x0] =	vst.idx.add.f32.msk $0xffff, v2  }
0x6b3: {  	v3 =	vld [tilespmem:s28+$0x1820];
	_ =	sdelay $0x7  }
0x6b4: {  	[tilespmem:v3+s14+$0x0] =	vst.idx.add.f32.msk $0xffff, v2  }
0x6b5: {  	v3 =	vld [tilespmem:s28+$0x1830];
	_ =	sdelay $0x7  }
0x6b6: {  	[tilespmem:v3+s14+$0x0] =	vst.idx.add.f32.msk $0xffff, v2  }
0x6b7: {  	v3 =	vld [tilespmem:s28+$0x1840];
	_ =	sdelay $0x7  }
0x6b8: {  	[tilespmem:v3+s14+$0x0] =	vst.idx.add.f32.msk $0xffff, v2  }
0x6b9: {  	v3 =	vld [tilespmem:s28+$0x1850];
	_ =	sdelay $0x7  }
0x6ba: {  	[tilespmem:v3+s14+$0x0] =	vst.idx.add.f32.msk $0xffff, v2  }
0x6bb: {  	v3 =	vld [tilespmem:s28+$0x1860];
	_ =	sdelay $0x7  }
0x6bc: {  	[tilespmem:v3+s14+$0x0] =	vst.idx.add.f32.msk $0xffff, v2  }
0x6bd: {  	v3 =	vld [tilespmem:s28+$0x1870];
	_ =	sdelay $0x7  }
0x6be: {  	[tilespmem:v3+s14+$0x0] =	vst.idx.add.f32.msk $0xffff, v2  }
0x6bf: {  	v3 =	vld [tilespmem:s28+$0x1C00];
	_ =	sdelay $0x7  }
0x6c0: {  	[tilespmem:v3+s14+$0x0] =	vst.idx.add.f32.msk $0xffff, v2  }
0x6c1: {  	v3 =	vld [tilespmem:s28+$0x1C10];
	_ =	sdelay $0x7  }
0x6c2: {  	[tilespmem:v3+s14+$0x0] =	vst.idx.add.f32.msk $0xffff, v2  }
0x6c3: {  	v3 =	vld [tilespmem:s28+$0x1C20];
	_ =	sdelay $0x7  }
0x6c4: {  	[tilespmem:v3+s14+$0x0] =	vst.idx.add.f32.msk $0xffff, v2  }
0x6c5: {  	v3 =	vld [tilespmem:s28+$0x1C30];
	_ =	sdelay $0x7  }
0x6c6: {  	[tilespmem:v3+s14+$0x0] =	vst.idx.add.f32.msk $0xffff, v2  }
0x6c7: {  	v3 =	vld [tilespmem:s28+$0x1C40];
	_ =	sdelay $0x7  }
0x6c8: {  	[tilespmem:v3+s14+$0x0] =	vst.idx.add.f32.msk $0xffff, v2  }
0x6c9: {  	v3 =	vld [tilespmem:s28+$0x1C50];
	_ =	sdelay $0x7  }
0x6ca: {  	[tilespmem:v3+s14+$0x0] =	vst.idx.add.f32.msk $0xffff, v2  }
0x6cb: {  	v3 =	vld [tilespmem:s28+$0x1C60];
	_ =	sdelay $0x7  }
0x6cc: {  	[tilespmem:v3+s14+$0x0] =	vst.idx.add.f32.msk $0xffff, v2  }
0x6cd: {  	v3 =	vld [tilespmem:s28+$0x1C70];
	_ =	sdelay $0x7  }
0x6ce: {  	[tilespmem:v3+s14+$0x0] =	vst.idx.add.f32.msk $0xffff, v2  }
.LBB2_26:
0x6cf: {  	s28 =	sadd.s32 $0x8400, s24;
	s29 =	sadd.s32 $0x1080, s22  }
0x6d0: {  	s28 =	sand.u32 $0xE000, s28;
	s29 =	sand.u32 $0x280, s29  }
0x6d1: {  	s28 =	sor.u32 s29, s28  }
0x6d2: {  	v3 =	vld [tilespmem:s28+$0x0];
	_ =	sdelay $0x7  }
0x6d3: {  	[tilespmem:v3+s14+$0x0] =	vst.idx.add.f32.msk $0xffff, v1  }
0x6d4: {  	v3 =	vld [tilespmem:s28+$0x10];
	_ =	sdelay $0x7  }
0x6d5: {  	[tilespmem:v3+s14+$0x0] =	vst.idx.add.f32.msk $0xffff, v1  }
0x6d6: {  	v3 =	vld [tilespmem:s28+$0x20];
	_ =	sdelay $0x7  }
0x6d7: {  	[tilespmem:v3+s14+$0x0] =	vst.idx.add.f32.msk $0xffff, v1  }
0x6d8: {  	v3 =	vld [tilespmem:s28+$0x30];
	_ =	sdelay $0x7  }
0x6d9: {  	[tilespmem:v3+s14+$0x0] =	vst.idx.add.f32.msk $0xffff, v1  }
0x6da: {  	v3 =	vld [tilespmem:s28+$0x40];
	_ =	sdelay $0x7  }
0x6db: {  	[tilespmem:v3+s14+$0x0] =	vst.idx.add.f32.msk $0xffff, v1  }
0x6dc: {  	v3 =	vld [tilespmem:s28+$0x50];
	_ =	sdelay $0x7  }
0x6dd: {  	[tilespmem:v3+s14+$0x0] =	vst.idx.add.f32.msk $0xffff, v1  }
0x6de: {  	v3 =	vld [tilespmem:s28+$0x60];
	_ =	sdelay $0x7  }
0x6df: {  	[tilespmem:v3+s14+$0x0] =	vst.idx.add.f32.msk $0xffff, v1  }
0x6e0: {  	v3 =	vld [tilespmem:s28+$0x70];
	_ =	sdelay $0x7  }
0x6e1: {  	[tilespmem:v3+s14+$0x0] =	vst.idx.add.f32.msk $0xffff, v1  }
0x6e2: {  	v3 =	vld [tilespmem:s28+$0x400];
	_ =	sdelay $0x7  }
0x6e3: {  	[tilespmem:v3+s14+$0x0] =	vst.idx.add.f32.msk $0xffff, v1  }
0x6e4: {  	v3 =	vld [tilespmem:s28+$0x410];
	_ =	sdelay $0x7  }
0x6e5: {  	[tilespmem:v3+s14+$0x0] =	vst.idx.add.f32.msk $0xffff, v1  }
0x6e6: {  	v3 =	vld [tilespmem:s28+$0x420];
	_ =	sdelay $0x7  }
0x6e7: {  	[tilespmem:v3+s14+$0x0] =	vst.idx.add.f32.msk $0xffff, v1  }
0x6e8: {  	v3 =	vld [tilespmem:s28+$0x430];
	_ =	sdelay $0x7  }
0x6e9: {  	[tilespmem:v3+s14+$0x0] =	vst.idx.add.f32.msk $0xffff, v1  }
0x6ea: {  	v3 =	vld [tilespmem:s28+$0x440];
	_ =	sdelay $0x7  }
0x6eb: {  	[tilespmem:v3+s14+$0x0] =	vst.idx.add.f32.msk $0xffff, v1  }
0x6ec: {  	v3 =	vld [tilespmem:s28+$0x450];
	_ =	sdelay $0x7  }
0x6ed: {  	[tilespmem:v3+s14+$0x0] =	vst.idx.add.f32.msk $0xffff, v1  }
0x6ee: {  	v3 =	vld [tilespmem:s28+$0x460];
	_ =	sdelay $0x7  }
0x6ef: {  	[tilespmem:v3+s14+$0x0] =	vst.idx.add.f32.msk $0xffff, v1  }
0x6f0: {  	v3 =	vld [tilespmem:s28+$0x470];
	_ =	sdelay $0x7  }
0x6f1: {  	[tilespmem:v3+s14+$0x0] =	vst.idx.add.f32.msk $0xffff, v1  }
0x6f2: {  	v3 =	vld [tilespmem:s28+$0x800];
	_ =	sdelay $0x7  }
0x6f3: {  	[tilespmem:v3+s14+$0x0] =	vst.idx.add.f32.msk $0xffff, v1  }
0x6f4: {  	v3 =	vld [tilespmem:s28+$0x810];
	_ =	sdelay $0x7  }
0x6f5: {  	[tilespmem:v3+s14+$0x0] =	vst.idx.add.f32.msk $0xffff, v1  }
0x6f6: {  	v3 =	vld [tilespmem:s28+$0x820];
	_ =	sdelay $0x7  }
0x6f7: {  	[tilespmem:v3+s14+$0x0] =	vst.idx.add.f32.msk $0xffff, v1  }
0x6f8: {  	v3 =	vld [tilespmem:s28+$0x830];
	_ =	sdelay $0x7  }
0x6f9: {  	[tilespmem:v3+s14+$0x0] =	vst.idx.add.f32.msk $0xffff, v1  }
0x6fa: {  	v3 =	vld [tilespmem:s28+$0x840];
	_ =	sdelay $0x7  }
0x6fb: {  	[tilespmem:v3+s14+$0x0] =	vst.idx.add.f32.msk $0xffff, v1  }
0x6fc: {  	v3 =	vld [tilespmem:s28+$0x850];
	_ =	sdelay $0x7  }
0x6fd: {  	[tilespmem:v3+s14+$0x0] =	vst.idx.add.f32.msk $0xffff, v1  }
0x6fe: {  	v3 =	vld [tilespmem:s28+$0x860];
	_ =	sdelay $0x7  }
0x6ff: {  	[tilespmem:v3+s14+$0x0] =	vst.idx.add.f32.msk $0xffff, v1  }
0x700: {  	v3 =	vld [tilespmem:s28+$0x870];
	_ =	sdelay $0x7  }
0x701: {  	[tilespmem:v3+s14+$0x0] =	vst.idx.add.f32.msk $0xffff, v1  }
0x702: {  	v3 =	vld [tilespmem:s28+$0xC00];
	_ =	sdelay $0x7  }
0x703: {  	[tilespmem:v3+s14+$0x0] =	vst.idx.add.f32.msk $0xffff, v1  }
0x704: {  	v3 =	vld [tilespmem:s28+$0xC10];
	_ =	sdelay $0x7  }
0x705: {  	[tilespmem:v3+s14+$0x0] =	vst.idx.add.f32.msk $0xffff, v1  }
0x706: {  	v3 =	vld [tilespmem:s28+$0xC20];
	_ =	sdelay $0x7  }
0x707: {  	[tilespmem:v3+s14+$0x0] =	vst.idx.add.f32.msk $0xffff, v1  }
0x708: {  	v3 =	vld [tilespmem:s28+$0xC30];
	_ =	sdelay $0x7  }
0x709: {  	[tilespmem:v3+s14+$0x0] =	vst.idx.add.f32.msk $0xffff, v1  }
0x70a: {  	v3 =	vld [tilespmem:s28+$0xC40];
	_ =	sdelay $0x7  }
0x70b: {  	[tilespmem:v3+s14+$0x0] =	vst.idx.add.f32.msk $0xffff, v1  }
0x70c: {  	v3 =	vld [tilespmem:s28+$0xC50];
	_ =	sdelay $0x7  }
0x70d: {  	[tilespmem:v3+s14+$0x0] =	vst.idx.add.f32.msk $0xffff, v1  }
0x70e: {  	v3 =	vld [tilespmem:s28+$0xC60];
	_ =	sdelay $0x7  }
0x70f: {  	[tilespmem:v3+s14+$0x0] =	vst.idx.add.f32.msk $0xffff, v1  }
0x710: {  	v3 =	vld [tilespmem:s28+$0xC70];
	_ =	sdelay $0x7  }
0x711: {  	[tilespmem:v3+s14+$0x0] =	vst.idx.add.f32.msk $0xffff, v1  }
0x712: {  	v3 =	vld [tilespmem:s28+$0x1000];
	_ =	sdelay $0x7  }
0x713: {  	[tilespmem:v3+s14+$0x0] =	vst.idx.add.f32.msk $0xffff, v1  }
0x714: {  	v3 =	vld [tilespmem:s28+$0x1010];
	_ =	sdelay $0x7  }
0x715: {  	[tilespmem:v3+s14+$0x0] =	vst.idx.add.f32.msk $0xffff, v1  }
0x716: {  	v3 =	vld [tilespmem:s28+$0x1020];
	_ =	sdelay $0x7  }
0x717: {  	[tilespmem:v3+s14+$0x0] =	vst.idx.add.f32.msk $0xffff, v1  }
0x718: {  	v3 =	vld [tilespmem:s28+$0x1030];
	_ =	sdelay $0x7  }
0x719: {  	[tilespmem:v3+s14+$0x0] =	vst.idx.add.f32.msk $0xffff, v1  }
0x71a: {  	v3 =	vld [tilespmem:s28+$0x1040];
	_ =	sdelay $0x7  }
0x71b: {  	[tilespmem:v3+s14+$0x0] =	vst.idx.add.f32.msk $0xffff, v1  }
0x71c: {  	v3 =	vld [tilespmem:s28+$0x1050];
	_ =	sdelay $0x7  }
0x71d: {  	[tilespmem:v3+s14+$0x0] =	vst.idx.add.f32.msk $0xffff, v1  }
0x71e: {  	v3 =	vld [tilespmem:s28+$0x1060];
	_ =	sdelay $0x7  }
0x71f: {  	[tilespmem:v3+s14+$0x0] =	vst.idx.add.f32.msk $0xffff, v1  }
0x720: {  	v3 =	vld [tilespmem:s28+$0x1070];
	_ =	sdelay $0x7  }
0x721: {  	[tilespmem:v3+s14+$0x0] =	vst.idx.add.f32.msk $0xffff, v1  }
0x722: {  	v3 =	vld [tilespmem:s28+$0x1400];
	_ =	sdelay $0x7  }
0x723: {  	[tilespmem:v3+s14+$0x0] =	vst.idx.add.f32.msk $0xffff, v1  }
0x724: {  	v3 =	vld [tilespmem:s28+$0x1410];
	_ =	sdelay $0x7  }
0x725: {  	[tilespmem:v3+s14+$0x0] =	vst.idx.add.f32.msk $0xffff, v1  }
0x726: {  	v3 =	vld [tilespmem:s28+$0x1420];
	_ =	sdelay $0x7  }
0x727: {  	[tilespmem:v3+s14+$0x0] =	vst.idx.add.f32.msk $0xffff, v1  }
0x728: {  	v3 =	vld [tilespmem:s28+$0x1430];
	_ =	sdelay $0x7  }
0x729: {  	[tilespmem:v3+s14+$0x0] =	vst.idx.add.f32.msk $0xffff, v1  }
0x72a: {  	v3 =	vld [tilespmem:s28+$0x1440];
	_ =	sdelay $0x7  }
0x72b: {  	[tilespmem:v3+s14+$0x0] =	vst.idx.add.f32.msk $0xffff, v1  }
0x72c: {  	v3 =	vld [tilespmem:s28+$0x1450];
	_ =	sdelay $0x7  }
0x72d: {  	[tilespmem:v3+s14+$0x0] =	vst.idx.add.f32.msk $0xffff, v1  }
0x72e: {  	v3 =	vld [tilespmem:s28+$0x1460];
	_ =	sdelay $0x7  }
0x72f: {  	[tilespmem:v3+s14+$0x0] =	vst.idx.add.f32.msk $0xffff, v1  }
0x730: {  	v3 =	vld [tilespmem:s28+$0x1470];
	_ =	sdelay $0x7  }
0x731: {  	[tilespmem:v3+s14+$0x0] =	vst.idx.add.f32.msk $0xffff, v1  }
0x732: {  	v3 =	vld [tilespmem:s28+$0x1800];
	_ =	sdelay $0x7  }
0x733: {  	[tilespmem:v3+s14+$0x0] =	vst.idx.add.f32.msk $0xffff, v1  }
0x734: {  	v3 =	vld [tilespmem:s28+$0x1810];
	_ =	sdelay $0x7  }
0x735: {  	[tilespmem:v3+s14+$0x0] =	vst.idx.add.f32.msk $0xffff, v1  }
0x736: {  	v3 =	vld [tilespmem:s28+$0x1820];
	_ =	sdelay $0x7  }
0x737: {  	[tilespmem:v3+s14+$0x0] =	vst.idx.add.f32.msk $0xffff, v1  }
0x738: {  	v3 =	vld [tilespmem:s28+$0x1830];
	_ =	sdelay $0x7  }
0x739: {  	[tilespmem:v3+s14+$0x0] =	vst.idx.add.f32.msk $0xffff, v1  }
0x73a: {  	v3 =	vld [tilespmem:s28+$0x1840];
	_ =	sdelay $0x7  }
0x73b: {  	[tilespmem:v3+s14+$0x0] =	vst.idx.add.f32.msk $0xffff, v1  }
0x73c: {  	v3 =	vld [tilespmem:s28+$0x1850];
	_ =	sdelay $0x7  }
0x73d: {  	[tilespmem:v3+s14+$0x0] =	vst.idx.add.f32.msk $0xffff, v1  }
0x73e: {  	v3 =	vld [tilespmem:s28+$0x1860];
	_ =	sdelay $0x7  }
0x73f: {  	[tilespmem:v3+s14+$0x0] =	vst.idx.add.f32.msk $0xffff, v1  }
0x740: {  	v3 =	vld [tilespmem:s28+$0x1870];
	_ =	sdelay $0x7  }
0x741: {  	[tilespmem:v3+s14+$0x0] =	vst.idx.add.f32.msk $0xffff, v1  }
0x742: {  	v3 =	vld [tilespmem:s28+$0x1C00];
	_ =	sdelay $0x7  }
0x743: {  	[tilespmem:v3+s14+$0x0] =	vst.idx.add.f32.msk $0xffff, v1  }
0x744: {  	v3 =	vld [tilespmem:s28+$0x1C10];
	_ =	sdelay $0x7  }
0x745: {  	[tilespmem:v3+s14+$0x0] =	vst.idx.add.f32.msk $0xffff, v1  }
0x746: {  	v3 =	vld [tilespmem:s28+$0x1C20];
	_ =	sdelay $0x7  }
0x747: {  	[tilespmem:v3+s14+$0x0] =	vst.idx.add.f32.msk $0xffff, v1  }
0x748: {  	v3 =	vld [tilespmem:s28+$0x1C30];
	_ =	sdelay $0x7  }
0x749: {  	[tilespmem:v3+s14+$0x0] =	vst.idx.add.f32.msk $0xffff, v1  }
0x74a: {  	v3 =	vld [tilespmem:s28+$0x1C40];
	_ =	sdelay $0x7  }
0x74b: {  	[tilespmem:v3+s14+$0x0] =	vst.idx.add.f32.msk $0xffff, v1  }
0x74c: {  	v3 =	vld [tilespmem:s28+$0x1C50];
	_ =	sdelay $0x7  }
0x74d: {  	[tilespmem:v3+s14+$0x0] =	vst.idx.add.f32.msk $0xffff, v1  }
0x74e: {  	v3 =	vld [tilespmem:s28+$0x1C60];
	_ =	sdelay $0x7  }
0x74f: {  	[tilespmem:v3+s14+$0x0] =	vst.idx.add.f32.msk $0xffff, v1  }
0x750: {  	v3 =	vld [tilespmem:s28+$0x1C70];
	_ =	sdelay $0x4  }
.Ltmp18:
0x751: {  	_ = 	snop;
	(pc) =	sbr.rel @p0 .LBB2_28-.Ltmp18, $4  }
0x752: {  	s26 =	sadd.s32 s26, s4  }
0x753: {  	s25 =	sadd.s32 s25, s26  }
0x754: {  	s26 =	sadd.s32 $0x10, s25;
	[tilespmem:v3+s14+$0x0] =	vst.idx.add.f32.msk $0xffff, v1  }
0x755: {  	[hbm4b:s26+s12] =	stream.strided.scatter [tilespmem:s14], [sflag:$0x2], $0x2000, s13, s12, $0x38;
	[tilespmem:$0x18000] =	vst v63  }
0x756: {  	_ =	swait.ge [sflag:s19], $0x2000;
	s26 =	sadd.s32 $0x7800, s24;
	s28 =	sadd.s32 $0xF00, s22  }
0x757: {  	[sflag:s19] =	ssyncset.done $0x0;
	s26 =	sand.u32 $0xE000, s26;
	s28 =	sand.u32 $0x300, s28  }
0x758: {  	[sflag:s19] =	ssyncadd.s32 $0xFFFFE000;
	s26 =	sor.u32 s28, s26  }
0x759: {  	v3 =	vld [tilespmem:s26+$0x0];
	_ =	sdelay $0x7  }
0x75a: {  	[tilespmem:v3+s15+$0x0] =	vst.idx.add.f32.msk $0xffff, v2  }
0x75b: {  	v3 =	vld [tilespmem:s26+$0x10];
	_ =	sdelay $0x7  }
0x75c: {  	[tilespmem:v3+s15+$0x0] =	vst.idx.add.f32.msk $0xffff, v2  }
0x75d: {  	v3 =	vld [tilespmem:s26+$0x20];
	_ =	sdelay $0x7  }
0x75e: {  	[tilespmem:v3+s15+$0x0] =	vst.idx.add.f32.msk $0xffff, v2  }
0x75f: {  	v3 =	vld [tilespmem:s26+$0x30];
	_ =	sdelay $0x7  }
0x760: {  	[tilespmem:v3+s15+$0x0] =	vst.idx.add.f32.msk $0xffff, v2  }
0x761: {  	v3 =	vld [tilespmem:s26+$0x40];
	_ =	sdelay $0x7  }
0x762: {  	[tilespmem:v3+s15+$0x0] =	vst.idx.add.f32.msk $0xffff, v2  }
0x763: {  	v3 =	vld [tilespmem:s26+$0x50];
	_ =	sdelay $0x7  }
0x764: {  	[tilespmem:v3+s15+$0x0] =	vst.idx.add.f32.msk $0xffff, v2  }
0x765: {  	v3 =	vld [tilespmem:s26+$0x60];
	_ =	sdelay $0x7  }
0x766: {  	[tilespmem:v3+s15+$0x0] =	vst.idx.add.f32.msk $0xffff, v2  }
0x767: {  	v3 =	vld [tilespmem:s26+$0x70];
	_ =	sdelay $0x7  }
0x768: {  	[tilespmem:v3+s15+$0x0] =	vst.idx.add.f32.msk $0xffff, v2  }
0x769: {  	v3 =	vld [tilespmem:s26+$0x400];
	_ =	sdelay $0x7  }
0x76a: {  	[tilespmem:v3+s15+$0x0] =	vst.idx.add.f32.msk $0xffff, v2  }
0x76b: {  	v3 =	vld [tilespmem:s26+$0x410];
	_ =	sdelay $0x7  }
0x76c: {  	[tilespmem:v3+s15+$0x0] =	vst.idx.add.f32.msk $0xffff, v2  }
0x76d: {  	v3 =	vld [tilespmem:s26+$0x420];
	_ =	sdelay $0x7  }
0x76e: {  	[tilespmem:v3+s15+$0x0] =	vst.idx.add.f32.msk $0xffff, v2  }
0x76f: {  	v3 =	vld [tilespmem:s26+$0x430];
	_ =	sdelay $0x7  }
0x770: {  	[tilespmem:v3+s15+$0x0] =	vst.idx.add.f32.msk $0xffff, v2  }
0x771: {  	v3 =	vld [tilespmem:s26+$0x440];
	_ =	sdelay $0x7  }
0x772: {  	[tilespmem:v3+s15+$0x0] =	vst.idx.add.f32.msk $0xffff, v2  }
0x773: {  	v3 =	vld [tilespmem:s26+$0x450];
	_ =	sdelay $0x7  }
0x774: {  	[tilespmem:v3+s15+$0x0] =	vst.idx.add.f32.msk $0xffff, v2  }
0x775: {  	v3 =	vld [tilespmem:s26+$0x460];
	_ =	sdelay $0x7  }
0x776: {  	[tilespmem:v3+s15+$0x0] =	vst.idx.add.f32.msk $0xffff, v2  }
0x777: {  	v3 =	vld [tilespmem:s26+$0x470];
	_ =	sdelay $0x7  }
0x778: {  	[tilespmem:v3+s15+$0x0] =	vst.idx.add.f32.msk $0xffff, v2  }
0x779: {  	v3 =	vld [tilespmem:s26+$0x800];
	_ =	sdelay $0x7  }
0x77a: {  	[tilespmem:v3+s15+$0x0] =	vst.idx.add.f32.msk $0xffff, v2  }
0x77b: {  	v3 =	vld [tilespmem:s26+$0x810];
	_ =	sdelay $0x7  }
0x77c: {  	[tilespmem:v3+s15+$0x0] =	vst.idx.add.f32.msk $0xffff, v2  }
0x77d: {  	v3 =	vld [tilespmem:s26+$0x820];
	_ =	sdelay $0x7  }
0x77e: {  	[tilespmem:v3+s15+$0x0] =	vst.idx.add.f32.msk $0xffff, v2  }
0x77f: {  	v3 =	vld [tilespmem:s26+$0x830];
	_ =	sdelay $0x7  }
0x780: {  	[tilespmem:v3+s15+$0x0] =	vst.idx.add.f32.msk $0xffff, v2  }
0x781: {  	v3 =	vld [tilespmem:s26+$0x840];
	_ =	sdelay $0x7  }
0x782: {  	[tilespmem:v3+s15+$0x0] =	vst.idx.add.f32.msk $0xffff, v2  }
0x783: {  	v3 =	vld [tilespmem:s26+$0x850];
	_ =	sdelay $0x7  }
0x784: {  	[tilespmem:v3+s15+$0x0] =	vst.idx.add.f32.msk $0xffff, v2  }
0x785: {  	v3 =	vld [tilespmem:s26+$0x860];
	_ =	sdelay $0x7  }
0x786: {  	[tilespmem:v3+s15+$0x0] =	vst.idx.add.f32.msk $0xffff, v2  }
0x787: {  	v3 =	vld [tilespmem:s26+$0x870];
	_ =	sdelay $0x7  }
0x788: {  	[tilespmem:v3+s15+$0x0] =	vst.idx.add.f32.msk $0xffff, v2  }
0x789: {  	v3 =	vld [tilespmem:s26+$0xC00];
	_ =	sdelay $0x7  }
0x78a: {  	[tilespmem:v3+s15+$0x0] =	vst.idx.add.f32.msk $0xffff, v2  }
0x78b: {  	v3 =	vld [tilespmem:s26+$0xC10];
	_ =	sdelay $0x7  }
0x78c: {  	[tilespmem:v3+s15+$0x0] =	vst.idx.add.f32.msk $0xffff, v2  }
0x78d: {  	v3 =	vld [tilespmem:s26+$0xC20];
	_ =	sdelay $0x7  }
0x78e: {  	[tilespmem:v3+s15+$0x0] =	vst.idx.add.f32.msk $0xffff, v2  }
0x78f: {  	v3 =	vld [tilespmem:s26+$0xC30];
	_ =	sdelay $0x7  }
0x790: {  	[tilespmem:v3+s15+$0x0] =	vst.idx.add.f32.msk $0xffff, v2  }
0x791: {  	v3 =	vld [tilespmem:s26+$0xC40];
	_ =	sdelay $0x7  }
0x792: {  	[tilespmem:v3+s15+$0x0] =	vst.idx.add.f32.msk $0xffff, v2  }
0x793: {  	v3 =	vld [tilespmem:s26+$0xC50];
	_ =	sdelay $0x7  }
0x794: {  	[tilespmem:v3+s15+$0x0] =	vst.idx.add.f32.msk $0xffff, v2  }
0x795: {  	v3 =	vld [tilespmem:s26+$0xC60];
	_ =	sdelay $0x7  }
0x796: {  	[tilespmem:v3+s15+$0x0] =	vst.idx.add.f32.msk $0xffff, v2  }
0x797: {  	v3 =	vld [tilespmem:s26+$0xC70];
	_ =	sdelay $0x7  }
0x798: {  	[tilespmem:v3+s15+$0x0] =	vst.idx.add.f32.msk $0xffff, v2  }
0x799: {  	v3 =	vld [tilespmem:s26+$0x1000];
	_ =	sdelay $0x7  }
0x79a: {  	[tilespmem:v3+s15+$0x0] =	vst.idx.add.f32.msk $0xffff, v2  }
0x79b: {  	v3 =	vld [tilespmem:s26+$0x1010];
	_ =	sdelay $0x7  }
0x79c: {  	[tilespmem:v3+s15+$0x0] =	vst.idx.add.f32.msk $0xffff, v2  }
0x79d: {  	v3 =	vld [tilespmem:s26+$0x1020];
	_ =	sdelay $0x7  }
0x79e: {  	[tilespmem:v3+s15+$0x0] =	vst.idx.add.f32.msk $0xffff, v2  }
0x79f: {  	v3 =	vld [tilespmem:s26+$0x1030];
	_ =	sdelay $0x7  }
0x7a0: {  	[tilespmem:v3+s15+$0x0] =	vst.idx.add.f32.msk $0xffff, v2  }
0x7a1: {  	v3 =	vld [tilespmem:s26+$0x1040];
	_ =	sdelay $0x7  }
0x7a2: {  	[tilespmem:v3+s15+$0x0] =	vst.idx.add.f32.msk $0xffff, v2  }
0x7a3: {  	v3 =	vld [tilespmem:s26+$0x1050];
	_ =	sdelay $0x7  }
0x7a4: {  	[tilespmem:v3+s15+$0x0] =	vst.idx.add.f32.msk $0xffff, v2  }
0x7a5: {  	v3 =	vld [tilespmem:s26+$0x1060];
	_ =	sdelay $0x7  }
0x7a6: {  	[tilespmem:v3+s15+$0x0] =	vst.idx.add.f32.msk $0xffff, v2  }
0x7a7: {  	v3 =	vld [tilespmem:s26+$0x1070];
	_ =	sdelay $0x7  }
0x7a8: {  	[tilespmem:v3+s15+$0x0] =	vst.idx.add.f32.msk $0xffff, v2  }
0x7a9: {  	v3 =	vld [tilespmem:s26+$0x1400];
	_ =	sdelay $0x7  }
0x7aa: {  	[tilespmem:v3+s15+$0x0] =	vst.idx.add.f32.msk $0xffff, v2  }
0x7ab: {  	v3 =	vld [tilespmem:s26+$0x1410];
	_ =	sdelay $0x7  }
0x7ac: {  	[tilespmem:v3+s15+$0x0] =	vst.idx.add.f32.msk $0xffff, v2  }
0x7ad: {  	v3 =	vld [tilespmem:s26+$0x1420];
	_ =	sdelay $0x7  }
0x7ae: {  	[tilespmem:v3+s15+$0x0] =	vst.idx.add.f32.msk $0xffff, v2  }
0x7af: {  	v3 =	vld [tilespmem:s26+$0x1430];
	_ =	sdelay $0x7  }
0x7b0: {  	[tilespmem:v3+s15+$0x0] =	vst.idx.add.f32.msk $0xffff, v2  }
0x7b1: {  	v3 =	vld [tilespmem:s26+$0x1440];
	_ =	sdelay $0x7  }
0x7b2: {  	[tilespmem:v3+s15+$0x0] =	vst.idx.add.f32.msk $0xffff, v2  }
0x7b3: {  	v3 =	vld [tilespmem:s26+$0x1450];
	_ =	sdelay $0x7  }
0x7b4: {  	[tilespmem:v3+s15+$0x0] =	vst.idx.add.f32.msk $0xffff, v2  }
0x7b5: {  	v3 =	vld [tilespmem:s26+$0x1460];
	_ =	sdelay $0x7  }
0x7b6: {  	[tilespmem:v3+s15+$0x0] =	vst.idx.add.f32.msk $0xffff, v2  }
0x7b7: {  	v3 =	vld [tilespmem:s26+$0x1470];
	_ =	sdelay $0x7  }
0x7b8: {  	[tilespmem:v3+s15+$0x0] =	vst.idx.add.f32.msk $0xffff, v2  }
0x7b9: {  	v3 =	vld [tilespmem:s26+$0x1800];
	_ =	sdelay $0x7  }
0x7ba: {  	[tilespmem:v3+s15+$0x0] =	vst.idx.add.f32.msk $0xffff, v2  }
0x7bb: {  	v3 =	vld [tilespmem:s26+$0x1810];
	_ =	sdelay $0x7  }
0x7bc: {  	[tilespmem:v3+s15+$0x0] =	vst.idx.add.f32.msk $0xffff, v2  }
0x7bd: {  	v3 =	vld [tilespmem:s26+$0x1820];
	_ =	sdelay $0x7  }
0x7be: {  	[tilespmem:v3+s15+$0x0] =	vst.idx.add.f32.msk $0xffff, v2  }
0x7bf: {  	v3 =	vld [tilespmem:s26+$0x1830];
	_ =	sdelay $0x7  }
0x7c0: {  	[tilespmem:v3+s15+$0x0] =	vst.idx.add.f32.msk $0xffff, v2  }
0x7c1: {  	v3 =	vld [tilespmem:s26+$0x1840];
	_ =	sdelay $0x7  }
0x7c2: {  	[tilespmem:v3+s15+$0x0] =	vst.idx.add.f32.msk $0xffff, v2  }
0x7c3: {  	v3 =	vld [tilespmem:s26+$0x1850];
	_ =	sdelay $0x7  }
0x7c4: {  	[tilespmem:v3+s15+$0x0] =	vst.idx.add.f32.msk $0xffff, v2  }
0x7c5: {  	v3 =	vld [tilespmem:s26+$0x1860];
	_ =	sdelay $0x7  }
0x7c6: {  	[tilespmem:v3+s15+$0x0] =	vst.idx.add.f32.msk $0xffff, v2  }
0x7c7: {  	v3 =	vld [tilespmem:s26+$0x1870];
	_ =	sdelay $0x7  }
0x7c8: {  	[tilespmem:v3+s15+$0x0] =	vst.idx.add.f32.msk $0xffff, v2  }
0x7c9: {  	v3 =	vld [tilespmem:s26+$0x1C00];
	_ =	sdelay $0x7  }
0x7ca: {  	[tilespmem:v3+s15+$0x0] =	vst.idx.add.f32.msk $0xffff, v2  }
0x7cb: {  	v3 =	vld [tilespmem:s26+$0x1C10];
	_ =	sdelay $0x7  }
0x7cc: {  	[tilespmem:v3+s15+$0x0] =	vst.idx.add.f32.msk $0xffff, v2  }
0x7cd: {  	v3 =	vld [tilespmem:s26+$0x1C20];
	_ =	sdelay $0x7  }
0x7ce: {  	[tilespmem:v3+s15+$0x0] =	vst.idx.add.f32.msk $0xffff, v2  }
0x7cf: {  	v3 =	vld [tilespmem:s26+$0x1C30];
	_ =	sdelay $0x7  }
0x7d0: {  	[tilespmem:v3+s15+$0x0] =	vst.idx.add.f32.msk $0xffff, v2  }
0x7d1: {  	v3 =	vld [tilespmem:s26+$0x1C40];
	_ =	sdelay $0x7  }
0x7d2: {  	[tilespmem:v3+s15+$0x0] =	vst.idx.add.f32.msk $0xffff, v2  }
0x7d3: {  	v3 =	vld [tilespmem:s26+$0x1C50];
	_ =	sdelay $0x7  }
0x7d4: {  	[tilespmem:v3+s15+$0x0] =	vst.idx.add.f32.msk $0xffff, v2  }
0x7d5: {  	v3 =	vld [tilespmem:s26+$0x1C60];
	_ =	sdelay $0x7  }
0x7d6: {  	[tilespmem:v3+s15+$0x0] =	vst.idx.add.f32.msk $0xffff, v2  }
0x7d7: {  	v3 =	vld [tilespmem:s26+$0x1C70];
	_ =	sdelay $0x7  }
0x7d8: {  	[tilespmem:v3+s15+$0x0] =	vst.idx.add.f32.msk $0xffff, v2  }
.LBB2_28:
0x7d9: {  	s26 =	sadd.s32 $0x8800, s24;
	s28 =	sadd.s32 $0x1100, s22  }
0x7da: {  	s26 =	sand.u32 $0xE000, s26;
	s28 =	sand.u32 $0x300, s28  }
0x7db: {  	s26 =	sor.u32 s28, s26  }
0x7dc: {  	v3 =	vld [tilespmem:s26+$0x0];
	_ =	sdelay $0x7  }
0x7dd: {  	[tilespmem:v3+s15+$0x0] =	vst.idx.add.f32.msk $0xffff, v1  }
0x7de: {  	v3 =	vld [tilespmem:s26+$0x10];
	_ =	sdelay $0x7  }
0x7df: {  	[tilespmem:v3+s15+$0x0] =	vst.idx.add.f32.msk $0xffff, v1  }
0x7e0: {  	v3 =	vld [tilespmem:s26+$0x20];
	_ =	sdelay $0x7  }
0x7e1: {  	[tilespmem:v3+s15+$0x0] =	vst.idx.add.f32.msk $0xffff, v1  }
0x7e2: {  	v3 =	vld [tilespmem:s26+$0x30];
	_ =	sdelay $0x7  }
0x7e3: {  	[tilespmem:v3+s15+$0x0] =	vst.idx.add.f32.msk $0xffff, v1  }
0x7e4: {  	v3 =	vld [tilespmem:s26+$0x40];
	_ =	sdelay $0x7  }
0x7e5: {  	[tilespmem:v3+s15+$0x0] =	vst.idx.add.f32.msk $0xffff, v1  }
0x7e6: {  	v3 =	vld [tilespmem:s26+$0x50];
	_ =	sdelay $0x7  }
0x7e7: {  	[tilespmem:v3+s15+$0x0] =	vst.idx.add.f32.msk $0xffff, v1  }
0x7e8: {  	v3 =	vld [tilespmem:s26+$0x60];
	_ =	sdelay $0x7  }
0x7e9: {  	[tilespmem:v3+s15+$0x0] =	vst.idx.add.f32.msk $0xffff, v1  }
0x7ea: {  	v3 =	vld [tilespmem:s26+$0x70];
	_ =	sdelay $0x7  }
0x7eb: {  	[tilespmem:v3+s15+$0x0] =	vst.idx.add.f32.msk $0xffff, v1  }
0x7ec: {  	v3 =	vld [tilespmem:s26+$0x400];
	_ =	sdelay $0x7  }
0x7ed: {  	[tilespmem:v3+s15+$0x0] =	vst.idx.add.f32.msk $0xffff, v1  }
0x7ee: {  	v3 =	vld [tilespmem:s26+$0x410];
	_ =	sdelay $0x7  }
0x7ef: {  	[tilespmem:v3+s15+$0x0] =	vst.idx.add.f32.msk $0xffff, v1  }
0x7f0: {  	v3 =	vld [tilespmem:s26+$0x420];
	_ =	sdelay $0x7  }
0x7f1: {  	[tilespmem:v3+s15+$0x0] =	vst.idx.add.f32.msk $0xffff, v1  }
0x7f2: {  	v3 =	vld [tilespmem:s26+$0x430];
	_ =	sdelay $0x7  }
0x7f3: {  	[tilespmem:v3+s15+$0x0] =	vst.idx.add.f32.msk $0xffff, v1  }
0x7f4: {  	v3 =	vld [tilespmem:s26+$0x440];
	_ =	sdelay $0x7  }
0x7f5: {  	[tilespmem:v3+s15+$0x0] =	vst.idx.add.f32.msk $0xffff, v1  }
0x7f6: {  	v3 =	vld [tilespmem:s26+$0x450];
	_ =	sdelay $0x7  }
0x7f7: {  	[tilespmem:v3+s15+$0x0] =	vst.idx.add.f32.msk $0xffff, v1  }
0x7f8: {  	v3 =	vld [tilespmem:s26+$0x460];
	_ =	sdelay $0x7  }
0x7f9: {  	[tilespmem:v3+s15+$0x0] =	vst.idx.add.f32.msk $0xffff, v1  }
0x7fa: {  	v3 =	vld [tilespmem:s26+$0x470];
	_ =	sdelay $0x7  }
0x7fb: {  	[tilespmem:v3+s15+$0x0] =	vst.idx.add.f32.msk $0xffff, v1  }
0x7fc: {  	v3 =	vld [tilespmem:s26+$0x800];
	_ =	sdelay $0x7  }
0x7fd: {  	[tilespmem:v3+s15+$0x0] =	vst.idx.add.f32.msk $0xffff, v1  }
0x7fe: {  	v3 =	vld [tilespmem:s26+$0x810];
	_ =	sdelay $0x7  }
0x7ff: {  	[tilespmem:v3+s15+$0x0] =	vst.idx.add.f32.msk $0xffff, v1  }
0x800: {  	v3 =	vld [tilespmem:s26+$0x820];
	_ =	sdelay $0x7  }
0x801: {  	[tilespmem:v3+s15+$0x0] =	vst.idx.add.f32.msk $0xffff, v1  }
0x802: {  	v3 =	vld [tilespmem:s26+$0x830];
	_ =	sdelay $0x7  }
0x803: {  	[tilespmem:v3+s15+$0x0] =	vst.idx.add.f32.msk $0xffff, v1  }
0x804: {  	v3 =	vld [tilespmem:s26+$0x840];
	_ =	sdelay $0x7  }
0x805: {  	[tilespmem:v3+s15+$0x0] =	vst.idx.add.f32.msk $0xffff, v1  }
0x806: {  	v3 =	vld [tilespmem:s26+$0x850];
	_ =	sdelay $0x7  }
0x807: {  	[tilespmem:v3+s15+$0x0] =	vst.idx.add.f32.msk $0xffff, v1  }
0x808: {  	v3 =	vld [tilespmem:s26+$0x860];
	_ =	sdelay $0x7  }
0x809: {  	[tilespmem:v3+s15+$0x0] =	vst.idx.add.f32.msk $0xffff, v1  }
0x80a: {  	v3 =	vld [tilespmem:s26+$0x870];
	_ =	sdelay $0x7  }
0x80b: {  	[tilespmem:v3+s15+$0x0] =	vst.idx.add.f32.msk $0xffff, v1  }
0x80c: {  	v3 =	vld [tilespmem:s26+$0xC00];
	_ =	sdelay $0x7  }
0x80d: {  	[tilespmem:v3+s15+$0x0] =	vst.idx.add.f32.msk $0xffff, v1  }
0x80e: {  	v3 =	vld [tilespmem:s26+$0xC10];
	_ =	sdelay $0x7  }
0x80f: {  	[tilespmem:v3+s15+$0x0] =	vst.idx.add.f32.msk $0xffff, v1  }
0x810: {  	v3 =	vld [tilespmem:s26+$0xC20];
	_ =	sdelay $0x7  }
0x811: {  	[tilespmem:v3+s15+$0x0] =	vst.idx.add.f32.msk $0xffff, v1  }
0x812: {  	v3 =	vld [tilespmem:s26+$0xC30];
	_ =	sdelay $0x7  }
0x813: {  	[tilespmem:v3+s15+$0x0] =	vst.idx.add.f32.msk $0xffff, v1  }
0x814: {  	v3 =	vld [tilespmem:s26+$0xC40];
	_ =	sdelay $0x7  }
0x815: {  	[tilespmem:v3+s15+$0x0] =	vst.idx.add.f32.msk $0xffff, v1  }
0x816: {  	v3 =	vld [tilespmem:s26+$0xC50];
	_ =	sdelay $0x7  }
0x817: {  	[tilespmem:v3+s15+$0x0] =	vst.idx.add.f32.msk $0xffff, v1  }
0x818: {  	v3 =	vld [tilespmem:s26+$0xC60];
	_ =	sdelay $0x7  }
0x819: {  	[tilespmem:v3+s15+$0x0] =	vst.idx.add.f32.msk $0xffff, v1  }
0x81a: {  	v3 =	vld [tilespmem:s26+$0xC70];
	_ =	sdelay $0x7  }
0x81b: {  	[tilespmem:v3+s15+$0x0] =	vst.idx.add.f32.msk $0xffff, v1  }
0x81c: {  	v3 =	vld [tilespmem:s26+$0x1000];
	_ =	sdelay $0x7  }
0x81d: {  	[tilespmem:v3+s15+$0x0] =	vst.idx.add.f32.msk $0xffff, v1  }
0x81e: {  	v3 =	vld [tilespmem:s26+$0x1010];
	_ =	sdelay $0x7  }
0x81f: {  	[tilespmem:v3+s15+$0x0] =	vst.idx.add.f32.msk $0xffff, v1  }
0x820: {  	v3 =	vld [tilespmem:s26+$0x1020];
	_ =	sdelay $0x7  }
0x821: {  	[tilespmem:v3+s15+$0x0] =	vst.idx.add.f32.msk $0xffff, v1  }
0x822: {  	v3 =	vld [tilespmem:s26+$0x1030];
	_ =	sdelay $0x7  }
0x823: {  	[tilespmem:v3+s15+$0x0] =	vst.idx.add.f32.msk $0xffff, v1  }
0x824: {  	v3 =	vld [tilespmem:s26+$0x1040];
	_ =	sdelay $0x7  }
0x825: {  	[tilespmem:v3+s15+$0x0] =	vst.idx.add.f32.msk $0xffff, v1  }
0x826: {  	v3 =	vld [tilespmem:s26+$0x1050];
	_ =	sdelay $0x7  }
0x827: {  	[tilespmem:v3+s15+$0x0] =	vst.idx.add.f32.msk $0xffff, v1  }
0x828: {  	v3 =	vld [tilespmem:s26+$0x1060];
	_ =	sdelay $0x7  }
0x829: {  	[tilespmem:v3+s15+$0x0] =	vst.idx.add.f32.msk $0xffff, v1  }
0x82a: {  	v3 =	vld [tilespmem:s26+$0x1070];
	_ =	sdelay $0x7  }
0x82b: {  	[tilespmem:v3+s15+$0x0] =	vst.idx.add.f32.msk $0xffff, v1  }
0x82c: {  	v3 =	vld [tilespmem:s26+$0x1400];
	_ =	sdelay $0x7  }
0x82d: {  	[tilespmem:v3+s15+$0x0] =	vst.idx.add.f32.msk $0xffff, v1  }
0x82e: {  	v3 =	vld [tilespmem:s26+$0x1410];
	_ =	sdelay $0x7  }
0x82f: {  	[tilespmem:v3+s15+$0x0] =	vst.idx.add.f32.msk $0xffff, v1  }
0x830: {  	v3 =	vld [tilespmem:s26+$0x1420];
	_ =	sdelay $0x7  }
0x831: {  	[tilespmem:v3+s15+$0x0] =	vst.idx.add.f32.msk $0xffff, v1  }
0x832: {  	v3 =	vld [tilespmem:s26+$0x1430];
	_ =	sdelay $0x7  }
0x833: {  	[tilespmem:v3+s15+$0x0] =	vst.idx.add.f32.msk $0xffff, v1  }
0x834: {  	v3 =	vld [tilespmem:s26+$0x1440];
	_ =	sdelay $0x7  }
0x835: {  	[tilespmem:v3+s15+$0x0] =	vst.idx.add.f32.msk $0xffff, v1  }
0x836: {  	v3 =	vld [tilespmem:s26+$0x1450];
	_ =	sdelay $0x7  }
0x837: {  	[tilespmem:v3+s15+$0x0] =	vst.idx.add.f32.msk $0xffff, v1  }
0x838: {  	v3 =	vld [tilespmem:s26+$0x1460];
	_ =	sdelay $0x7  }
0x839: {  	[tilespmem:v3+s15+$0x0] =	vst.idx.add.f32.msk $0xffff, v1  }
0x83a: {  	v3 =	vld [tilespmem:s26+$0x1470];
	_ =	sdelay $0x7  }
0x83b: {  	[tilespmem:v3+s15+$0x0] =	vst.idx.add.f32.msk $0xffff, v1  }
0x83c: {  	v3 =	vld [tilespmem:s26+$0x1800];
	_ =	sdelay $0x7  }
0x83d: {  	[tilespmem:v3+s15+$0x0] =	vst.idx.add.f32.msk $0xffff, v1  }
0x83e: {  	v3 =	vld [tilespmem:s26+$0x1810];
	_ =	sdelay $0x7  }
0x83f: {  	[tilespmem:v3+s15+$0x0] =	vst.idx.add.f32.msk $0xffff, v1  }
0x840: {  	v3 =	vld [tilespmem:s26+$0x1820];
	_ =	sdelay $0x7  }
0x841: {  	[tilespmem:v3+s15+$0x0] =	vst.idx.add.f32.msk $0xffff, v1  }
0x842: {  	v3 =	vld [tilespmem:s26+$0x1830];
	_ =	sdelay $0x7  }
0x843: {  	[tilespmem:v3+s15+$0x0] =	vst.idx.add.f32.msk $0xffff, v1  }
0x844: {  	v3 =	vld [tilespmem:s26+$0x1840];
	_ =	sdelay $0x7  }
0x845: {  	[tilespmem:v3+s15+$0x0] =	vst.idx.add.f32.msk $0xffff, v1  }
0x846: {  	v3 =	vld [tilespmem:s26+$0x1850];
	_ =	sdelay $0x7  }
0x847: {  	[tilespmem:v3+s15+$0x0] =	vst.idx.add.f32.msk $0xffff, v1  }
0x848: {  	v3 =	vld [tilespmem:s26+$0x1860];
	_ =	sdelay $0x7  }
0x849: {  	[tilespmem:v3+s15+$0x0] =	vst.idx.add.f32.msk $0xffff, v1  }
0x84a: {  	v3 =	vld [tilespmem:s26+$0x1870];
	_ =	sdelay $0x7  }
0x84b: {  	[tilespmem:v3+s15+$0x0] =	vst.idx.add.f32.msk $0xffff, v1  }
0x84c: {  	v3 =	vld [tilespmem:s26+$0x1C00];
	_ =	sdelay $0x7  }
0x84d: {  	[tilespmem:v3+s15+$0x0] =	vst.idx.add.f32.msk $0xffff, v1  }
0x84e: {  	v3 =	vld [tilespmem:s26+$0x1C10];
	_ =	sdelay $0x7  }
0x84f: {  	[tilespmem:v3+s15+$0x0] =	vst.idx.add.f32.msk $0xffff, v1  }
0x850: {  	v3 =	vld [tilespmem:s26+$0x1C20];
	_ =	sdelay $0x7  }
0x851: {  	[tilespmem:v3+s15+$0x0] =	vst.idx.add.f32.msk $0xffff, v1  }
0x852: {  	v3 =	vld [tilespmem:s26+$0x1C30];
	_ =	sdelay $0x7  }
0x853: {  	[tilespmem:v3+s15+$0x0] =	vst.idx.add.f32.msk $0xffff, v1  }
0x854: {  	v3 =	vld [tilespmem:s26+$0x1C40];
	_ =	sdelay $0x7  }
0x855: {  	[tilespmem:v3+s15+$0x0] =	vst.idx.add.f32.msk $0xffff, v1  }
0x856: {  	v3 =	vld [tilespmem:s26+$0x1C50];
	_ =	sdelay $0x7  }
0x857: {  	[tilespmem:v3+s15+$0x0] =	vst.idx.add.f32.msk $0xffff, v1  }
0x858: {  	v3 =	vld [tilespmem:s26+$0x1C60];
	_ =	sdelay $0x7  }
0x859: {  	[tilespmem:v3+s15+$0x0] =	vst.idx.add.f32.msk $0xffff, v1  }
0x85a: {  	v3 =	vld [tilespmem:s26+$0x1C70];
	_ =	sdelay $0x4  }
.Ltmp19:
0x85b: {  	_ = 	snop;
	(pc) =	sbr.rel @p0 .LBB2_30-.Ltmp19, $3  }
0x85c: {  	_ =	sdelay $0x1  }
0x85d: {  	s31 =	sadd.s32 $0x20, s25;
	[tilespmem:v3+s15+$0x0] =	vst.idx.add.f32.msk $0xffff, v1  }
0x85e: {  	[hbm4b:s31+s12] =	stream.strided.scatter [tilespmem:s15], [sflag:$0x3], $0x2000, s13, s12, $0x38;
	[tilespmem:$0x18000] =	vst v63  }
0x85f: {  	_ =	swait.ge [sflag:s20], $0x2000;
	s26 =	sadd.s32 $0x7C00, s24;
	s28 =	sadd.s32 $0xF80, s22  }
0x860: {  	[sflag:s20] =	ssyncset.done $0x0;
	s26 =	sand.u32 $0xE000, s26;
	s28 =	sand.u32 $0x380, s28  }
0x861: {  	[sflag:s20] =	ssyncadd.s32 $0xFFFFE000;
	s26 =	sor.u32 s28, s26  }
0x862: {  	v3 =	vld [tilespmem:s26+$0x0];
	_ =	sdelay $0x7  }
0x863: {  	[tilespmem:v3+s16+$0x0] =	vst.idx.add.f32.msk $0xffff, v2  }
0x864: {  	v3 =	vld [tilespmem:s26+$0x10];
	_ =	sdelay $0x7  }
0x865: {  	[tilespmem:v3+s16+$0x0] =	vst.idx.add.f32.msk $0xffff, v2  }
0x866: {  	v3 =	vld [tilespmem:s26+$0x20];
	_ =	sdelay $0x7  }
0x867: {  	[tilespmem:v3+s16+$0x0] =	vst.idx.add.f32.msk $0xffff, v2  }
0x868: {  	v3 =	vld [tilespmem:s26+$0x30];
	_ =	sdelay $0x7  }
0x869: {  	[tilespmem:v3+s16+$0x0] =	vst.idx.add.f32.msk $0xffff, v2  }
0x86a: {  	v3 =	vld [tilespmem:s26+$0x40];
	_ =	sdelay $0x7  }
0x86b: {  	[tilespmem:v3+s16+$0x0] =	vst.idx.add.f32.msk $0xffff, v2  }
0x86c: {  	v3 =	vld [tilespmem:s26+$0x50];
	_ =	sdelay $0x7  }
0x86d: {  	[tilespmem:v3+s16+$0x0] =	vst.idx.add.f32.msk $0xffff, v2  }
0x86e: {  	v3 =	vld [tilespmem:s26+$0x60];
	_ =	sdelay $0x7  }
0x86f: {  	[tilespmem:v3+s16+$0x0] =	vst.idx.add.f32.msk $0xffff, v2  }
0x870: {  	v3 =	vld [tilespmem:s26+$0x70];
	_ =	sdelay $0x7  }
0x871: {  	[tilespmem:v3+s16+$0x0] =	vst.idx.add.f32.msk $0xffff, v2  }
0x872: {  	v3 =	vld [tilespmem:s26+$0x400];
	_ =	sdelay $0x7  }
0x873: {  	[tilespmem:v3+s16+$0x0] =	vst.idx.add.f32.msk $0xffff, v2  }
0x874: {  	v3 =	vld [tilespmem:s26+$0x410];
	_ =	sdelay $0x7  }
0x875: {  	[tilespmem:v3+s16+$0x0] =	vst.idx.add.f32.msk $0xffff, v2  }
0x876: {  	v3 =	vld [tilespmem:s26+$0x420];
	_ =	sdelay $0x7  }
0x877: {  	[tilespmem:v3+s16+$0x0] =	vst.idx.add.f32.msk $0xffff, v2  }
0x878: {  	v3 =	vld [tilespmem:s26+$0x430];
	_ =	sdelay $0x7  }
0x879: {  	[tilespmem:v3+s16+$0x0] =	vst.idx.add.f32.msk $0xffff, v2  }
0x87a: {  	v3 =	vld [tilespmem:s26+$0x440];
	_ =	sdelay $0x7  }
0x87b: {  	[tilespmem:v3+s16+$0x0] =	vst.idx.add.f32.msk $0xffff, v2  }
0x87c: {  	v3 =	vld [tilespmem:s26+$0x450];
	_ =	sdelay $0x7  }
0x87d: {  	[tilespmem:v3+s16+$0x0] =	vst.idx.add.f32.msk $0xffff, v2  }
0x87e: {  	v3 =	vld [tilespmem:s26+$0x460];
	_ =	sdelay $0x7  }
0x87f: {  	[tilespmem:v3+s16+$0x0] =	vst.idx.add.f32.msk $0xffff, v2  }
0x880: {  	v3 =	vld [tilespmem:s26+$0x470];
	_ =	sdelay $0x7  }
0x881: {  	[tilespmem:v3+s16+$0x0] =	vst.idx.add.f32.msk $0xffff, v2  }
0x882: {  	v3 =	vld [tilespmem:s26+$0x800];
	_ =	sdelay $0x7  }
0x883: {  	[tilespmem:v3+s16+$0x0] =	vst.idx.add.f32.msk $0xffff, v2  }
0x884: {  	v3 =	vld [tilespmem:s26+$0x810];
	_ =	sdelay $0x7  }
0x885: {  	[tilespmem:v3+s16+$0x0] =	vst.idx.add.f32.msk $0xffff, v2  }
0x886: {  	v3 =	vld [tilespmem:s26+$0x820];
	_ =	sdelay $0x7  }
0x887: {  	[tilespmem:v3+s16+$0x0] =	vst.idx.add.f32.msk $0xffff, v2  }
0x888: {  	v3 =	vld [tilespmem:s26+$0x830];
	_ =	sdelay $0x7  }
0x889: {  	[tilespmem:v3+s16+$0x0] =	vst.idx.add.f32.msk $0xffff, v2  }
0x88a: {  	v3 =	vld [tilespmem:s26+$0x840];
	_ =	sdelay $0x7  }
0x88b: {  	[tilespmem:v3+s16+$0x0] =	vst.idx.add.f32.msk $0xffff, v2  }
0x88c: {  	v3 =	vld [tilespmem:s26+$0x850];
	_ =	sdelay $0x7  }
0x88d: {  	[tilespmem:v3+s16+$0x0] =	vst.idx.add.f32.msk $0xffff, v2  }
0x88e: {  	v3 =	vld [tilespmem:s26+$0x860];
	_ =	sdelay $0x7  }
0x88f: {  	[tilespmem:v3+s16+$0x0] =	vst.idx.add.f32.msk $0xffff, v2  }
0x890: {  	v3 =	vld [tilespmem:s26+$0x870];
	_ =	sdelay $0x7  }
0x891: {  	[tilespmem:v3+s16+$0x0] =	vst.idx.add.f32.msk $0xffff, v2  }
0x892: {  	v3 =	vld [tilespmem:s26+$0xC00];
	_ =	sdelay $0x7  }
0x893: {  	[tilespmem:v3+s16+$0x0] =	vst.idx.add.f32.msk $0xffff, v2  }
0x894: {  	v3 =	vld [tilespmem:s26+$0xC10];
	_ =	sdelay $0x7  }
0x895: {  	[tilespmem:v3+s16+$0x0] =	vst.idx.add.f32.msk $0xffff, v2  }
0x896: {  	v3 =	vld [tilespmem:s26+$0xC20];
	_ =	sdelay $0x7  }
0x897: {  	[tilespmem:v3+s16+$0x0] =	vst.idx.add.f32.msk $0xffff, v2  }
0x898: {  	v3 =	vld [tilespmem:s26+$0xC30];
	_ =	sdelay $0x7  }
0x899: {  	[tilespmem:v3+s16+$0x0] =	vst.idx.add.f32.msk $0xffff, v2  }
0x89a: {  	v3 =	vld [tilespmem:s26+$0xC40];
	_ =	sdelay $0x7  }
0x89b: {  	[tilespmem:v3+s16+$0x0] =	vst.idx.add.f32.msk $0xffff, v2  }
0x89c: {  	v3 =	vld [tilespmem:s26+$0xC50];
	_ =	sdelay $0x7  }
0x89d: {  	[tilespmem:v3+s16+$0x0] =	vst.idx.add.f32.msk $0xffff, v2  }
0x89e: {  	v3 =	vld [tilespmem:s26+$0xC60];
	_ =	sdelay $0x7  }
0x89f: {  	[tilespmem:v3+s16+$0x0] =	vst.idx.add.f32.msk $0xffff, v2  }
0x8a0: {  	v3 =	vld [tilespmem:s26+$0xC70];
	_ =	sdelay $0x7  }
0x8a1: {  	[tilespmem:v3+s16+$0x0] =	vst.idx.add.f32.msk $0xffff, v2  }
0x8a2: {  	v3 =	vld [tilespmem:s26+$0x1000];
	_ =	sdelay $0x7  }
0x8a3: {  	[tilespmem:v3+s16+$0x0] =	vst.idx.add.f32.msk $0xffff, v2  }
0x8a4: {  	v3 =	vld [tilespmem:s26+$0x1010];
	_ =	sdelay $0x7  }
0x8a5: {  	[tilespmem:v3+s16+$0x0] =	vst.idx.add.f32.msk $0xffff, v2  }
0x8a6: {  	v3 =	vld [tilespmem:s26+$0x1020];
	_ =	sdelay $0x7  }
0x8a7: {  	[tilespmem:v3+s16+$0x0] =	vst.idx.add.f32.msk $0xffff, v2  }
0x8a8: {  	v3 =	vld [tilespmem:s26+$0x1030];
	_ =	sdelay $0x7  }
0x8a9: {  	[tilespmem:v3+s16+$0x0] =	vst.idx.add.f32.msk $0xffff, v2  }
0x8aa: {  	v3 =	vld [tilespmem:s26+$0x1040];
	_ =	sdelay $0x7  }
0x8ab: {  	[tilespmem:v3+s16+$0x0] =	vst.idx.add.f32.msk $0xffff, v2  }
0x8ac: {  	v3 =	vld [tilespmem:s26+$0x1050];
	_ =	sdelay $0x7  }
0x8ad: {  	[tilespmem:v3+s16+$0x0] =	vst.idx.add.f32.msk $0xffff, v2  }
0x8ae: {  	v3 =	vld [tilespmem:s26+$0x1060];
	_ =	sdelay $0x7  }
0x8af: {  	[tilespmem:v3+s16+$0x0] =	vst.idx.add.f32.msk $0xffff, v2  }
0x8b0: {  	v3 =	vld [tilespmem:s26+$0x1070];
	_ =	sdelay $0x7  }
0x8b1: {  	[tilespmem:v3+s16+$0x0] =	vst.idx.add.f32.msk $0xffff, v2  }
0x8b2: {  	v3 =	vld [tilespmem:s26+$0x1400];
	_ =	sdelay $0x7  }
0x8b3: {  	[tilespmem:v3+s16+$0x0] =	vst.idx.add.f32.msk $0xffff, v2  }
0x8b4: {  	v3 =	vld [tilespmem:s26+$0x1410];
	_ =	sdelay $0x7  }
0x8b5: {  	[tilespmem:v3+s16+$0x0] =	vst.idx.add.f32.msk $0xffff, v2  }
0x8b6: {  	v3 =	vld [tilespmem:s26+$0x1420];
	_ =	sdelay $0x7  }
0x8b7: {  	[tilespmem:v3+s16+$0x0] =	vst.idx.add.f32.msk $0xffff, v2  }
0x8b8: {  	v3 =	vld [tilespmem:s26+$0x1430];
	_ =	sdelay $0x7  }
0x8b9: {  	[tilespmem:v3+s16+$0x0] =	vst.idx.add.f32.msk $0xffff, v2  }
0x8ba: {  	v3 =	vld [tilespmem:s26+$0x1440];
	_ =	sdelay $0x7  }
0x8bb: {  	[tilespmem:v3+s16+$0x0] =	vst.idx.add.f32.msk $0xffff, v2  }
0x8bc: {  	v3 =	vld [tilespmem:s26+$0x1450];
	_ =	sdelay $0x7  }
0x8bd: {  	[tilespmem:v3+s16+$0x0] =	vst.idx.add.f32.msk $0xffff, v2  }
0x8be: {  	v3 =	vld [tilespmem:s26+$0x1460];
	_ =	sdelay $0x7  }
0x8bf: {  	[tilespmem:v3+s16+$0x0] =	vst.idx.add.f32.msk $0xffff, v2  }
0x8c0: {  	v3 =	vld [tilespmem:s26+$0x1470];
	_ =	sdelay $0x7  }
0x8c1: {  	[tilespmem:v3+s16+$0x0] =	vst.idx.add.f32.msk $0xffff, v2  }
0x8c2: {  	v3 =	vld [tilespmem:s26+$0x1800];
	_ =	sdelay $0x7  }
0x8c3: {  	[tilespmem:v3+s16+$0x0] =	vst.idx.add.f32.msk $0xffff, v2  }
0x8c4: {  	v3 =	vld [tilespmem:s26+$0x1810];
	_ =	sdelay $0x7  }
0x8c5: {  	[tilespmem:v3+s16+$0x0] =	vst.idx.add.f32.msk $0xffff, v2  }
0x8c6: {  	v3 =	vld [tilespmem:s26+$0x1820];
	_ =	sdelay $0x7  }
0x8c7: {  	[tilespmem:v3+s16+$0x0] =	vst.idx.add.f32.msk $0xffff, v2  }
0x8c8: {  	v3 =	vld [tilespmem:s26+$0x1830];
	_ =	sdelay $0x7  }
0x8c9: {  	[tilespmem:v3+s16+$0x0] =	vst.idx.add.f32.msk $0xffff, v2  }
0x8ca: {  	v3 =	vld [tilespmem:s26+$0x1840];
	_ =	sdelay $0x7  }
0x8cb: {  	[tilespmem:v3+s16+$0x0] =	vst.idx.add.f32.msk $0xffff, v2  }
0x8cc: {  	v3 =	vld [tilespmem:s26+$0x1850];
	_ =	sdelay $0x7  }
0x8cd: {  	[tilespmem:v3+s16+$0x0] =	vst.idx.add.f32.msk $0xffff, v2  }
0x8ce: {  	v3 =	vld [tilespmem:s26+$0x1860];
	_ =	sdelay $0x7  }
0x8cf: {  	[tilespmem:v3+s16+$0x0] =	vst.idx.add.f32.msk $0xffff, v2  }
0x8d0: {  	v3 =	vld [tilespmem:s26+$0x1870];
	_ =	sdelay $0x7  }
0x8d1: {  	[tilespmem:v3+s16+$0x0] =	vst.idx.add.f32.msk $0xffff, v2  }
0x8d2: {  	v3 =	vld [tilespmem:s26+$0x1C00];
	_ =	sdelay $0x7  }
0x8d3: {  	[tilespmem:v3+s16+$0x0] =	vst.idx.add.f32.msk $0xffff, v2  }
0x8d4: {  	v3 =	vld [tilespmem:s26+$0x1C10];
	_ =	sdelay $0x7  }
0x8d5: {  	[tilespmem:v3+s16+$0x0] =	vst.idx.add.f32.msk $0xffff, v2  }
0x8d6: {  	v3 =	vld [tilespmem:s26+$0x1C20];
	_ =	sdelay $0x7  }
0x8d7: {  	[tilespmem:v3+s16+$0x0] =	vst.idx.add.f32.msk $0xffff, v2  }
0x8d8: {  	v3 =	vld [tilespmem:s26+$0x1C30];
	_ =	sdelay $0x7  }
0x8d9: {  	[tilespmem:v3+s16+$0x0] =	vst.idx.add.f32.msk $0xffff, v2  }
0x8da: {  	v3 =	vld [tilespmem:s26+$0x1C40];
	_ =	sdelay $0x7  }
0x8db: {  	[tilespmem:v3+s16+$0x0] =	vst.idx.add.f32.msk $0xffff, v2  }
0x8dc: {  	v3 =	vld [tilespmem:s26+$0x1C50];
	_ =	sdelay $0x7  }
0x8dd: {  	[tilespmem:v3+s16+$0x0] =	vst.idx.add.f32.msk $0xffff, v2  }
0x8de: {  	v3 =	vld [tilespmem:s26+$0x1C60];
	_ =	sdelay $0x7  }
0x8df: {  	[tilespmem:v3+s16+$0x0] =	vst.idx.add.f32.msk $0xffff, v2  }
0x8e0: {  	v3 =	vld [tilespmem:s26+$0x1C70];
	_ =	sdelay $0x3  }
.Ltmp20:
0x8e1: {  	_ = 	snop;
	(pc) =	sbr.rel .LBB2_30-.Ltmp20, $2  }
0x8e2: {  	_ =	sdelay $0x2  }
0x8e3: {  	[tilespmem:v3+s16+$0x0] =	vst.idx.add.f32.msk $0xffff, v2  }
.LBB2_32:
0x8e4: {  	_ =	sfence.sel $0x180000  }
0x8e5: {  	[bflag:$0x0] =	sbarrier.arrive $0xFFFF  }
0x8e6: {  	p0 =	sne.s32 s1, $0x0;
	_ =	strace $0x90000047  }
0x8e7: {  	s0 =	sadd.s32 @!p0 $0x100000, s0;
	[bflag:$0x2] =	sbarrier.arrive $0xFFFF  }
0x8e8: {  	[sflag:s0] =	ssyncadd.tile.s32 @!p0 $0x1;
	_ =	shalt  }
.Lfunc_end2:
_tile_overlayer_lowered:
.L_overlay_start_2:
0x8e9: {  	(tag) =	ssettag $0x2  }
0x8ea: {  	s0 =	rddreg [dreg:$0x0];
	s2 =	stileid.u32  }
0x8eb: {  	s1 =	rddreg [dreg:$0x1];
	p0 =	sne.s32 s2, $0x0  }
0x8ec: {  	s3 =	rddreg [dreg:$0x2];
	[bflag:$0x3] =	sbarrier.arrive $0xFFFF;
	s2 =	simm.s32 @!p0 $0x1C05  }
0x8ed: {  	[timem:s3], [sflag:s2] =	dma.local @!p0 [hbm:s0], s1  }
0x8ee: {  	s0 =	simm.s32 @!p0 $0x5  }
0x8ef: {  	_ =	swait.ge @!p0 [sflag:s0], s1  }
0x8f0: {  	s1 =	ssub.s32 @!p0 $0x0, s1;
	[sflag:s0] =	ssyncset.done @!p0 $0x0  }
0x8f1: {  	[sflag:s0] =	ssyncadd.s32 @!p0 s1  }
0x8f2: {  	[bflag:$0x3] =	sbarrier.arrive $0xFFFF  }
0x8f3: {  	_ =	shalt  }

</sc_bundles>
